<compile_context>
chip_gen: v7x
topology: tpu7x:2x2x1
jax: 0.10.2.dev20260603
libtpu: 0.0.44.dev20260713+nightly
codegen_flags: <defaults>
</compile_context>

<pallas_src>
import jax
import jax.numpy as jnp
from jax import lax
from jax.experimental import pallas as pl
from jax.experimental.pallas import tpu as pltpu
from jax.experimental.pallas import tpu_sc as plsc

N_ATOM, N_CHG, N_RING = 100, 21, 8
RAW = 256
HID = 512
T1_ROWS = 144
NPAD = 102400
BLK = 512
GPAD = 25088
GARBAGE_GROUP = 25000
NCHUNK = 4
CCOLS = 128
NWIN = 4
WIN = 6272
ACC_ROWS = WIN + 8

_SC_MESH = dict(core_axis_name="c", subcore_axis_name="s")


def _prep_body(e_ref, w1_ref, out_ref):
    out_ref[...] = jnp.dot(e_ref[...], w1_ref[...],
                           preferred_element_type=jnp.float32)


def _make_t1(atom_emb, chg_emb, ring_emb, mrs_emb, W1):
    rows = []
    off = 0
    for tab in (atom_emb, chg_emb, ring_emb, mrs_emb):
        v, d = tab.shape
        rows.append(jnp.pad(tab, ((0, 0), (off, RAW - off - d))))
        off += d
    e = jnp.concatenate(rows, axis=0)
    e = jnp.pad(e, ((0, T1_ROWS - e.shape[0]), (0, 0)))
    return pl.pallas_call(
        _prep_body,
        out_shape=jax.ShapeDtypeStruct((T1_ROWS, HID), jnp.float32),
    )(e, W1)


def _gelu(v):
    return 0.5 * v * (1.0 + lax.erf(v * 0.7071067811865476))


def _mlp_body(jidx_ref, t1_ref, w2_ref, w3_ref, b1_ref, b2_ref, b3_ref,
              out_ref):
    j = jidx_ref[0]
    iota = lax.broadcasted_iota(jnp.int32, (BLK, T1_ROWS), 1)
    oh = ((iota == j[:, 0:1]).astype(jnp.float32)
          + (iota == j[:, 1:2]).astype(jnp.float32)
          + (iota == j[:, 2:3]).astype(jnp.float32)
          + (iota == j[:, 3:4]).astype(jnp.float32))
    h = jnp.dot(oh, t1_ref[...], preferred_element_type=jnp.float32)
    h = _gelu(h + b1_ref[0:1, :])
    h = jnp.dot(h, w2_ref[...], preferred_element_type=jnp.float32)
    h = _gelu(h + b2_ref[0:1, :])
    h = jnp.dot(h, w3_ref[...], preferred_element_type=jnp.float32)
    h = _gelu(h + b3_ref[0:1, :])
    out_ref[...] = h


def _run_mlp(jidx, t1, W2, W3, b1, b2, b3):
    nblk = NPAD // BLK
    bspec = pl.BlockSpec((8, HID), lambda i: (0, 0))
    return pl.pallas_call(
        _mlp_body,
        grid=(nblk,),
        in_specs=[
            pl.BlockSpec((1, BLK, 4), lambda i: (i, 0, 0)),
            pl.BlockSpec((T1_ROWS, HID), lambda i: (0, 0)),
            pl.BlockSpec((HID, HID), lambda i: (0, 0)),
            pl.BlockSpec((HID, HID), lambda i: (0, 0)),
            bspec, bspec, bspec,
        ],
        out_specs=pl.BlockSpec((BLK, HID), lambda i: (i, 0)),
        out_shape=jax.ShapeDtypeStruct((NPAD, HID), jnp.float32),
    )(jidx, t1, W2, W3, b1, b2, b3)


def _scatter_body(h3_hbm, seg_hbm, sums_hbm, cnt_hbm,
                  idx_v, idx2_v, buf_v, zero_v, ones_v, acc_sh):
    c = lax.axis_index("c")
    s = lax.axis_index("s")
    node_base = s * (NPAD // 16)
    zrow0 = s * (WIN // 16)

    def _z(i, _):
        for l in range(8):
            zero_v[i, pl.ds(l * 16, 16)] = jnp.zeros((16,), jnp.float32)
        return 0
    lax.fori_loop(0, 56, _z, 0)

    def _o(i, _):
        for l in range(8):
            ones_v[i, pl.ds(l * 16, 16)] = jnp.ones((16,), jnp.float32)
        return 0
    lax.fori_loop(0, 128, _o, 0)

    pltpu.sync_copy(seg_hbm.at[pl.ds(s * 56, 56)], idx_v)

    def _zero_acc():
        for z in range(7):
            pltpu.sync_copy(zero_v, acc_sh.at[pl.ds(zrow0 + z * 56, 56)])

    def _writeout(dst):
        pltpu.sync_copy(acc_sh.at[pl.ds(zrow0, WIN // 16)], dst)

    for w in range(NWIN):
        base = w * WIN

        def _xf(k, _):
            for l in range(8):
                v = idx_v[k, pl.ds(l * 16, 16)] - base
                ok = (v >= 0) & (v < WIN)
                idx2_v[k, pl.ds(l * 16, 16)] = jnp.where(ok, v, WIN)
            return 0
        lax.fori_loop(0, 50, _xf, 0)

        for q in range(2):
            _zero_acc()
            plsc.subcore_barrier()

            def _chunk(k, _):
                col0 = (c * 2 + q) * CCOLS
                pltpu.sync_copy(
                    h3_hbm.at[pl.ds(node_base + k * 128, 128),
                              pl.ds(col0, CCOLS)],
                    buf_v)
                pltpu.sync_copy(buf_v, acc_sh.at[idx2_v.at[k]], add=True)
                return 0
            lax.fori_loop(0, 50, _chunk, 0)
            plsc.subcore_barrier()

            row_out = base + zrow0

            @pl.when(c == 0)
            def _wo0():
                _writeout(sums_hbm.at[q, pl.ds(row_out, WIN // 16)])

            @pl.when(c == 1)
            def _wo1():
                _writeout(sums_hbm.at[2 + q, pl.ds(row_out, WIN // 16)])

            plsc.subcore_barrier()

        cnt_active = c == (w // 2)

        @pl.when(cnt_active)
        def _cz():
            _zero_acc()

        plsc.subcore_barrier()

        @pl.when(cnt_active)
        def _cs():
            def _cchunk(k, _):
                pltpu.sync_copy(ones_v, acc_sh.at[idx2_v.at[k]], add=True)
                return 0
            lax.fori_loop(0, 50, _cchunk, 0)

        plsc.subcore_barrier()

        @pl.when(cnt_active)
        def _cw():
            _writeout(cnt_hbm.at[pl.ds(base + zrow0, WIN // 16)])

        plsc.subcore_barrier()


def _run_scatter(h3, seg2d):
    f = pl.kernel(
        _scatter_body,
        mesh=plsc.VectorSubcoreMesh(**_SC_MESH),
        out_type=[
            jax.ShapeDtypeStruct((NCHUNK, GPAD, CCOLS), jnp.float32),
            jax.ShapeDtypeStruct((GPAD, CCOLS), jnp.float32),
        ],
        scratch_types=[
            pltpu.VMEM((56, 128), jnp.int32),
            pltpu.VMEM((56, 128), jnp.int32),
            pltpu.VMEM((128, CCOLS), jnp.float32),
            pltpu.VMEM((56, 128), jnp.float32),
            pltpu.VMEM((128, CCOLS), jnp.float32),
            pltpu.VMEM_SHARED((ACC_ROWS, 128), jnp.float32),
        ],
    )
    return f(h3, seg2d)


def _norm_body(sums_ref, cnt_ref, out_ref):
    cnt = jnp.maximum(cnt_ref[:, 0:1], 1.0)
    cat = jnp.concatenate([sums_ref[p] for p in range(NCHUNK)], axis=-1)
    out_ref[...] = cat / cnt


def _run_norm(sums, cnt):
    gblk = 128
    return pl.pallas_call(
        _norm_body,
        grid=(GPAD // gblk,),
        in_specs=[
            pl.BlockSpec((NCHUNK, gblk, CCOLS), lambda i: (0, i, 0)),
            pl.BlockSpec((gblk, CCOLS), lambda i: (i, 0)),
        ],
        out_specs=pl.BlockSpec((gblk, HID), lambda i: (i, 0)),
        out_shape=jax.ShapeDtypeStruct((GPAD, HID), jnp.float32),
    )(sums, cnt)


def _gather_body(means_hbm, seg_hbm, out_hbm, idx_v, buf_v, sem):
    c = lax.axis_index("c")
    s = lax.axis_index("s")
    w = s * 2 + c
    pltpu.sync_copy(seg_hbm.at[pl.ds(w * 32, 32)], idx_v)

    def _chunk(k, _):
        pltpu.async_copy(means_hbm.at[idx_v.at[k]], buf_v, sem).wait()
        pltpu.sync_copy(buf_v, out_hbm.at[pl.ds(w * 3200 + k * 128, 128)])
        return 0
    lax.fori_loop(0, 25, _chunk, 0)


def _run_gather(means, seg2d):
    f = pl.kernel(
        _gather_body,
        mesh=plsc.VectorSubcoreMesh(**_SC_MESH),
        out_type=jax.ShapeDtypeStruct((NPAD, HID), jnp.float32),
        scratch_types=[
            pltpu.VMEM((32, 128), jnp.int32),
            pltpu.VMEM((128, HID), jnp.float32),
            pltpu.SemaphoreType.DMA,
        ],
    )
    return f(means, seg2d)


def kernel(x, equi_index, atom_emb, chg_emb, ring_emb, mrs_emb,
           W1, b1, W2, b2, W3, b3):
    n = x.shape[0]
    xl = x.astype(jnp.int32)
    j = jnp.stack([
        xl[:, 0],
        N_ATOM + jnp.clip(xl[:, 1] + 10, 0, 20),
        N_ATOM + N_CHG + xl[:, 3],
        N_ATOM + N_CHG + N_RING + xl[:, 4],
    ], axis=1)
    pad_row = jnp.array([[0, N_ATOM, N_ATOM + N_CHG,
                          N_ATOM + N_CHG + N_RING]], jnp.int32)
    j = jnp.concatenate(
        [j, jnp.broadcast_to(pad_row, (NPAD - n, 4))], axis=0)
    jidx = j.reshape(NPAD // BLK, BLK, 4)

    seg = jnp.concatenate([
        equi_index.astype(jnp.int32),
        jnp.full((NPAD - n,), GARBAGE_GROUP, jnp.int32)])
    seg_a = jnp.pad(seg.reshape(16, 50, 128), ((0, 0), (0, 6), (0, 0)),
                    constant_values=GARBAGE_GROUP).reshape(16 * 56, 128)
    seg_c = jnp.pad(seg.reshape(32, 25, 128), ((0, 0), (0, 7), (0, 0)),
                    constant_values=GARBAGE_GROUP).reshape(32 * 32, 128)

    t1 = _make_t1(atom_emb, chg_emb, ring_emb, mrs_emb, W1)
    b1t = jnp.broadcast_to(b1[None, :], (8, HID))
    b2t = jnp.broadcast_to(b2[None, :], (8, HID))
    b3t = jnp.broadcast_to(b3[None, :], (8, HID))
    h3 = _run_mlp(jidx, t1, W2, W3, b1t, b2t, b3t)
    sums, cnt = _run_scatter(h3, seg_a)
    means = _run_norm(sums, cnt)
    out = _run_gather(means, seg_c)
    return out[:n]

# --- scband reference (transcript-rebuilt; emitter-appended) ---
"""Pipeline reference for scband-feature-layer-39762807226520 (READ-ONLY COPY).

The authoritative reference and input builder live on the scoring server;
editing this copy changes nothing except your own understanding.
"""

import jax, jax.numpy as jnp
import numpy as np

N_ATOM_TYPES = 100          # len(supported_atomic_number)
MAX_TOTAL_CHARGE = 10       # -> 2*10+1 = 21 charge buckets
MAX_RING_SIZE = 10          # -> 11 ring-size buckets
N_NODES = 100000
N_GROUPS = 25000
ATOM_DIM, CHG_DIM, RING_DIM, MRS_DIM = 128, 64, 32, 32
RAW_DIM = ATOM_DIM + CHG_DIM + RING_DIM + MRS_DIM  # 256
HID, OUT = 512, 512


def setup_inputs(seed: int = 0) -> dict:
    key = jax.random.key(seed)
    ks = jax.random.split(key, 12)
    x = jax.random.randint(ks[0], (N_NODES, 5), 0, 8, dtype=jnp.int32)
    equi_index = jax.random.randint(ks[1], (N_NODES,), 0, N_GROUPS, dtype=jnp.int32)
    atom_emb = jax.random.normal(ks[2], (N_ATOM_TYPES, ATOM_DIM), dtype=jnp.float32)
    chg_emb = jax.random.normal(ks[3], (2 * MAX_TOTAL_CHARGE + 1, CHG_DIM), dtype=jnp.float32)
    ring_emb = jax.random.normal(ks[4], (8, RING_DIM), dtype=jnp.float32)
    mrs_emb = jax.random.normal(ks[5], (MAX_RING_SIZE + 1, MRS_DIM), dtype=jnp.float32)
    s1 = 1.0 / np.sqrt(RAW_DIM)
    s2 = 1.0 / np.sqrt(HID)
    W1 = jax.random.uniform(ks[6], (RAW_DIM, HID), minval=-s1, maxval=s1, dtype=jnp.float32)
    b1 = jnp.zeros((HID,), dtype=jnp.float32)
    W2 = jax.random.uniform(ks[7], (HID, HID), minval=-s2, maxval=s2, dtype=jnp.float32)
    b2 = jnp.zeros((HID,), dtype=jnp.float32)
    W3 = jax.random.uniform(ks[8], (HID, OUT), minval=-s2, maxval=s2, dtype=jnp.float32)
    b3 = jnp.zeros((OUT,), dtype=jnp.float32)
    return {"x": x, "equi_index": equi_index, "atom_emb": atom_emb,
            "chg_emb": chg_emb, "ring_emb": ring_emb, "mrs_emb": mrs_emb,
            "W1": W1, "b1": b1, "W2": W2, "b2": b2, "W3": W3, "b3": b3}


def reference(x, equi_index, atom_emb, chg_emb, ring_emb, mrs_emb,
              W1, b1, W2, b2, W3, b3):
    xl = x.astype(jnp.int32)
    e_atom = jnp.take(atom_emb, xl[:, 0], axis=0)
    chg_idx = jnp.clip(xl[:, 1] + MAX_TOTAL_CHARGE, 0, 2 * MAX_TOTAL_CHARGE)
    e_chg = jnp.take(chg_emb, chg_idx, axis=0)
    e_ring = jnp.take(ring_emb, xl[:, 3], axis=0)
    e_mrs = jnp.take(mrs_emb, xl[:, 4], axis=0)
    h = jnp.concatenate([e_atom, e_chg, e_ring, e_mrs], axis=-1)
    # MLP, plain_last=False: act applied after every layer (norm=None)
    h = jax.nn.gelu(h @ W1 + b1, approximate=False)
    h = jax.nn.gelu(h @ W2 + b2, approximate=False)
    h = jax.nn.gelu(h @ W3 + b3, approximate=False)
    # equi_features: scatter-mean over equi_index then gather back
    seg = equi_index.astype(jnp.int32)
    sums = jax.ops.segment_sum(h, seg, num_segments=N_GROUPS)
    cnts = jax.ops.segment_sum(jnp.ones((h.shape[0],), dtype=h.dtype), seg, num_segments=N_GROUPS)
    means = sums / jnp.maximum(cnts, 1.0)[:, None]
    node_features = jnp.take(means, seg, axis=0)
    return node_features  # edge_features is None in the original forward

if __name__ == "__main__":
    import jax
    _d = setup_inputs()
    print(jax.jit(kernel)(*tuple(_d.values())))

</pallas_src>

<mosaic_0001>
#map = affine_map<(d0, d1) -> (0, 0)>
#map1 = affine_map<(d0, d1) -> (0, 0, 0)>
module attributes {stable_mosaic.version = 14 : i64} {
  func.func @_scatter_body(%arg0: i32, %arg1: i32, %arg2: memref<102400x512xf32, #tpu.memory_space<hbm>>, %arg3: memref<896x128xi32, #tpu.memory_space<hbm>>, %arg4: memref<4x25088x128xf32, #tpu.memory_space<hbm>>, %arg5: memref<25088x128xf32, #tpu.memory_space<hbm>>, %arg6: memref<56x128xi32, #tpu.memory_space<vmem>>, %arg7: memref<56x128xi32, #tpu.memory_space<vmem>>, %arg8: memref<128x128xf32, #tpu.memory_space<vmem>>, %arg9: memref<56x128xf32, #tpu.memory_space<vmem>>, %arg10: memref<128x128xf32, #tpu.memory_space<vmem>>, %arg11: memref<6280x128xf32, #tpu.memory_space<vmem_shared>>) attributes {dimension_semantics = [#tpu.dimension_semantics<core_parallel>, #tpu.dimension_semantics<subcore_parallel>], iteration_bounds = array<i64: 2, 16>, scalar_prefetch = 0 : i64, scratch_operands = 6 : i64, tpu.core_type = #tpu.core_type<sc_vector_subcore>, window_params = [{transform_indices = #map}, {transform_indices = #map}, {transform_indices = #map1}, {transform_indices = #map}]} {
    %mul3A = arith.constant 6400 : i32
    %mul3A_0 = arith.muli %arg1, %mul3A : i32
    %mul3A_1 = arith.constant 392 : i32
    %mul3A_2 = arith.muli %arg1, %mul3A_1 : i32
    %scan3A = arith.constant 0 : i32
    %scan3A_3 = arith.constant 0 : i32
    %scan3A_4 = arith.constant 56 : i32
    %scan3A_5 = arith.addi %scan3A_3, %scan3A_4 : i32
    %scan3A_6 = arith.constant 1 : i32
    %scan3A_7 = scf.for %scan3A_385 = %scan3A_3 to %scan3A_5 step %scan3A_6 iter_args(%scan3A_386 = %scan3A) -> (i32)  : i32 {
      %broadcast_in_dim3A = arith.constant 0.000000e+00 : f32
      %broadcast_in_dim3A_387 = vector.broadcast %broadcast_in_dim3A : f32 to vector<16xf32>
      %swap3A = arith.index_cast %scan3A_385 : i32 to index
      %swap3A_388 = arith.constant 0 : index
      %swap3A_389 = tpu.vector_load %arg9[%swap3A, %swap3A_388] {strides = array<i32>} : memref<56x128xf32, #tpu.memory_space<vmem>>, vector<1x16xf32>,
      %swap3A_390 = vector.shape_cast %swap3A_389 : vector<1x16xf32> to vector<16xf32>
      %swap3A_391 = vector.shape_cast %broadcast_in_dim3A_387 : vector<16xf32> to vector<1x16xf32>
      tpu.vector_store %arg9[%swap3A, %swap3A_388], %swap3A_391 {strides = array<i32>} : memref<56x128xf32, #tpu.memory_space<vmem>>, vector<1x16xf32>,
      %broadcast_in_dim3A_392 = arith.constant 0.000000e+00 : f32
      %broadcast_in_dim3A_393 = vector.broadcast %broadcast_in_dim3A_392 : f32 to vector<16xf32>
      %swap3A_394 = arith.index_cast %scan3A_385 : i32 to index
      %swap3A_395 = arith.constant 16 : index
      %swap3A_396 = tpu.vector_load %arg9[%swap3A_394, %swap3A_395] {strides = array<i32>} : memref<56x128xf32, #tpu.memory_space<vmem>>, vector<1x16xf32>,
      %swap3A_397 = vector.shape_cast %swap3A_396 : vector<1x16xf32> to vector<16xf32>
      %swap3A_398 = vector.shape_cast %broadcast_in_dim3A_393 : vector<16xf32> to vector<1x16xf32>
      tpu.vector_store %arg9[%swap3A_394, %swap3A_395], %swap3A_398 {strides = array<i32>} : memref<56x128xf32, #tpu.memory_space<vmem>>, vector<1x16xf32>,
      %broadcast_in_dim3A_399 = arith.constant 0.000000e+00 : f32
      %broadcast_in_dim3A_400 = vector.broadcast %broadcast_in_dim3A_399 : f32 to vector<16xf32>
      %swap3A_401 = arith.index_cast %scan3A_385 : i32 to index
      %swap3A_402 = arith.constant 32 : index
      %swap3A_403 = tpu.vector_load %arg9[%swap3A_401, %swap3A_402] {strides = array<i32>} : memref<56x128xf32, #tpu.memory_space<vmem>>, vector<1x16xf32>,
      %swap3A_404 = vector.shape_cast %swap3A_403 : vector<1x16xf32> to vector<16xf32>
      %swap3A_405 = vector.shape_cast %broadcast_in_dim3A_400 : vector<16xf32> to vector<1x16xf32>
      tpu.vector_store %arg9[%swap3A_401, %swap3A_402], %swap3A_405 {strides = array<i32>} : memref<56x128xf32, #tpu.memory_space<vmem>>, vector<1x16xf32>,
      %broadcast_in_dim3A_406 = arith.constant 0.000000e+00 : f32
      %broadcast_in_dim3A_407 = vector.broadcast %broadcast_in_dim3A_406 : f32 to vector<16xf32>
      %swap3A_408 = arith.index_cast %scan3A_385 : i32 to index
      %swap3A_409 = arith.constant 48 : index
      %swap3A_410 = tpu.vector_load %arg9[%swap3A_408, %swap3A_409] {strides = array<i32>} : memref<56x128xf32, #tpu.memory_space<vmem>>, vector<1x16xf32>,
      %swap3A_411 = vector.shape_cast %swap3A_410 : vector<1x16xf32> to vector<16xf32>
      %swap3A_412 = vector.shape_cast %broadcast_in_dim3A_407 : vector<16xf32> to vector<1x16xf32>
      tpu.vector_store %arg9[%swap3A_408, %swap3A_409], %swap3A_412 {strides = array<i32>} : memref<56x128xf32, #tpu.memory_space<vmem>>, vector<1x16xf32>,
      %broadcast_in_dim3A_413 = arith.constant 0.000000e+00 : f32
      %broadcast_in_dim3A_414 = vector.broadcast %broadcast_in_dim3A_413 : f32 to vector<16xf32>
      %swap3A_415 = arith.index_cast %scan3A_385 : i32 to index
      %swap3A_416 = arith.constant 64 : index
      %swap3A_417 = tpu.vector_load %arg9[%swap3A_415, %swap3A_416] {strides = array<i32>} : memref<56x128xf32, #tpu.memory_space<vmem>>, vector<1x16xf32>,
      %swap3A_418 = vector.shape_cast %swap3A_417 : vector<1x16xf32> to vector<16xf32>
      %swap3A_419 = vector.shape_cast %broadcast_in_dim3A_414 : vector<16xf32> to vector<1x16xf32>
      tpu.vector_store %arg9[%swap3A_415, %swap3A_416], %swap3A_419 {strides = array<i32>} : memref<56x128xf32, #tpu.memory_space<vmem>>, vector<1x16xf32>,
      %broadcast_in_dim3A_420 = arith.constant 0.000000e+00 : f32
      %broadcast_in_dim3A_421 = vector.broadcast %broadcast_in_dim3A_420 : f32 to vector<16xf32>
      %swap3A_422 = arith.index_cast %scan3A_385 : i32 to index
      %swap3A_423 = arith.constant 80 : index
      %swap3A_424 = tpu.vector_load %arg9[%swap3A_422, %swap3A_423] {strides = array<i32>} : memref<56x128xf32, #tpu.memory_space<vmem>>, vector<1x16xf32>,
      %swap3A_425 = vector.shape_cast %swap3A_424 : vector<1x16xf32> to vector<16xf32>
      %swap3A_426 = vector.shape_cast %broadcast_in_dim3A_421 : vector<16xf32> to vector<1x16xf32>
      tpu.vector_store %arg9[%swap3A_422, %swap3A_423], %swap3A_426 {strides = array<i32>} : memref<56x128xf32, #tpu.memory_space<vmem>>, vector<1x16xf32>,
      %broadcast_in_dim3A_427 = arith.constant 0.000000e+00 : f32
      %broadcast_in_dim3A_428 = vector.broadcast %broadcast_in_dim3A_427 : f32 to vector<16xf32>
      %swap3A_429 = arith.index_cast %scan3A_385 : i32 to index
      %swap3A_430 = arith.constant 96 : index
      %swap3A_431 = tpu.vector_load %arg9[%swap3A_429, %swap3A_430] {strides = array<i32>} : memref<56x128xf32, #tpu.memory_space<vmem>>, vector<1x16xf32>,
      %swap3A_432 = vector.shape_cast %swap3A_431 : vector<1x16xf32> to vector<16xf32>
      %swap3A_433 = vector.shape_cast %broadcast_in_dim3A_428 : vector<16xf32> to vector<1x16xf32>
      tpu.vector_store %arg9[%swap3A_429, %swap3A_430], %swap3A_433 {strides = array<i32>} : memref<56x128xf32, #tpu.memory_space<vmem>>, vector<1x16xf32>,
      %broadcast_in_dim3A_434 = arith.constant 0.000000e+00 : f32
      %broadcast_in_dim3A_435 = vector.broadcast %broadcast_in_dim3A_434 : f32 to vector<16xf32>
      %swap3A_436 = arith.index_cast %scan3A_385 : i32 to index
      %swap3A_437 = arith.constant 112 : index
      %swap3A_438 = tpu.vector_load %arg9[%swap3A_436, %swap3A_437] {strides = array<i32>} : memref<56x128xf32, #tpu.memory_space<vmem>>, vector<1x16xf32>,
      %swap3A_439 = vector.shape_cast %swap3A_438 : vector<1x16xf32> to vector<16xf32>
      %swap3A_440 = vector.shape_cast %broadcast_in_dim3A_435 : vector<16xf32> to vector<1x16xf32>
      tpu.vector_store %arg9[%swap3A_436, %swap3A_437], %swap3A_440 {strides = array<i32>} : memref<56x128xf32, #tpu.memory_space<vmem>>, vector<1x16xf32>,
      %scan3A_441 = arith.constant 0 : i32
      scf.yield %scan3A_441 : i32
    }
    %scan3A_8 = arith.constant 56 : i32
    %scan3A_9 = arith.constant 0 : i32
    %scan3A_10 = arith.constant 0 : i32
    %scan3A_11 = arith.constant 128 : i32
    %scan3A_12 = arith.addi %scan3A_10, %scan3A_11 : i32
    %scan3A_13 = arith.constant 1 : i32
    %scan3A_14 = scf.for %scan3A_385 = %scan3A_10 to %scan3A_12 step %scan3A_13 iter_args(%scan3A_386 = %scan3A_9) -> (i32)  : i32 {
      %broadcast_in_dim3A = arith.constant 1.000000e+00 : f32
      %broadcast_in_dim3A_387 = vector.broadcast %broadcast_in_dim3A : f32 to vector<16xf32>
      %swap3A = arith.index_cast %scan3A_385 : i32 to index
      %swap3A_388 = arith.constant 0 : index
      %swap3A_389 = tpu.vector_load %arg10[%swap3A, %swap3A_388] {strides = array<i32>} : memref<128x128xf32, #tpu.memory_space<vmem>>, vector<1x16xf32>,
      %swap3A_390 = vector.shape_cast %swap3A_389 : vector<1x16xf32> to vector<16xf32>
      %swap3A_391 = vector.shape_cast %broadcast_in_dim3A_387 : vector<16xf32> to vector<1x16xf32>
      tpu.vector_store %arg10[%swap3A, %swap3A_388], %swap3A_391 {strides = array<i32>} : memref<128x128xf32, #tpu.memory_space<vmem>>, vector<1x16xf32>,
      %broadcast_in_dim3A_392 = arith.constant 1.000000e+00 : f32
      %broadcast_in_dim3A_393 = vector.broadcast %broadcast_in_dim3A_392 : f32 to vector<16xf32>
      %swap3A_394 = arith.index_cast %scan3A_385 : i32 to index
      %swap3A_395 = arith.constant 16 : index
      %swap3A_396 = tpu.vector_load %arg10[%swap3A_394, %swap3A_395] {strides = array<i32>} : memref<128x128xf32, #tpu.memory_space<vmem>>, vector<1x16xf32>,
      %swap3A_397 = vector.shape_cast %swap3A_396 : vector<1x16xf32> to vector<16xf32>
      %swap3A_398 = vector.shape_cast %broadcast_in_dim3A_393 : vector<16xf32> to vector<1x16xf32>
      tpu.vector_store %arg10[%swap3A_394, %swap3A_395], %swap3A_398 {strides = array<i32>} : memref<128x128xf32, #tpu.memory_space<vmem>>, vector<1x16xf32>,
      %broadcast_in_dim3A_399 = arith.constant 1.000000e+00 : f32
      %broadcast_in_dim3A_400 = vector.broadcast %broadcast_in_dim3A_399 : f32 to vector<16xf32>
      %swap3A_401 = arith.index_cast %scan3A_385 : i32 to index
      %swap3A_402 = arith.constant 32 : index
      %swap3A_403 = tpu.vector_load %arg10[%swap3A_401, %swap3A_402] {strides = array<i32>} : memref<128x128xf32, #tpu.memory_space<vmem>>, vector<1x16xf32>,
      %swap3A_404 = vector.shape_cast %swap3A_403 : vector<1x16xf32> to vector<16xf32>
      %swap3A_405 = vector.shape_cast %broadcast_in_dim3A_400 : vector<16xf32> to vector<1x16xf32>
      tpu.vector_store %arg10[%swap3A_401, %swap3A_402], %swap3A_405 {strides = array<i32>} : memref<128x128xf32, #tpu.memory_space<vmem>>, vector<1x16xf32>,
      %broadcast_in_dim3A_406 = arith.constant 1.000000e+00 : f32
      %broadcast_in_dim3A_407 = vector.broadcast %broadcast_in_dim3A_406 : f32 to vector<16xf32>
      %swap3A_408 = arith.index_cast %scan3A_385 : i32 to index
      %swap3A_409 = arith.constant 48 : index
      %swap3A_410 = tpu.vector_load %arg10[%swap3A_408, %swap3A_409] {strides = array<i32>} : memref<128x128xf32, #tpu.memory_space<vmem>>, vector<1x16xf32>,
      %swap3A_411 = vector.shape_cast %swap3A_410 : vector<1x16xf32> to vector<16xf32>
      %swap3A_412 = vector.shape_cast %broadcast_in_dim3A_407 : vector<16xf32> to vector<1x16xf32>
      tpu.vector_store %arg10[%swap3A_408, %swap3A_409], %swap3A_412 {strides = array<i32>} : memref<128x128xf32, #tpu.memory_space<vmem>>, vector<1x16xf32>,
      %broadcast_in_dim3A_413 = arith.constant 1.000000e+00 : f32
      %broadcast_in_dim3A_414 = vector.broadcast %broadcast_in_dim3A_413 : f32 to vector<16xf32>
      %swap3A_415 = arith.index_cast %scan3A_385 : i32 to index
      %swap3A_416 = arith.constant 64 : index
      %swap3A_417 = tpu.vector_load %arg10[%swap3A_415, %swap3A_416] {strides = array<i32>} : memref<128x128xf32, #tpu.memory_space<vmem>>, vector<1x16xf32>,
      %swap3A_418 = vector.shape_cast %swap3A_417 : vector<1x16xf32> to vector<16xf32>
      %swap3A_419 = vector.shape_cast %broadcast_in_dim3A_414 : vector<16xf32> to vector<1x16xf32>
      tpu.vector_store %arg10[%swap3A_415, %swap3A_416], %swap3A_419 {strides = array<i32>} : memref<128x128xf32, #tpu.memory_space<vmem>>, vector<1x16xf32>,
      %broadcast_in_dim3A_420 = arith.constant 1.000000e+00 : f32
      %broadcast_in_dim3A_421 = vector.broadcast %broadcast_in_dim3A_420 : f32 to vector<16xf32>
      %swap3A_422 = arith.index_cast %scan3A_385 : i32 to index
      %swap3A_423 = arith.constant 80 : index
      %swap3A_424 = tpu.vector_load %arg10[%swap3A_422, %swap3A_423] {strides = array<i32>} : memref<128x128xf32, #tpu.memory_space<vmem>>, vector<1x16xf32>,
      %swap3A_425 = vector.shape_cast %swap3A_424 : vector<1x16xf32> to vector<16xf32>
      %swap3A_426 = vector.shape_cast %broadcast_in_dim3A_421 : vector<16xf32> to vector<1x16xf32>
      tpu.vector_store %arg10[%swap3A_422, %swap3A_423], %swap3A_426 {strides = array<i32>} : memref<128x128xf32, #tpu.memory_space<vmem>>, vector<1x16xf32>,
      %broadcast_in_dim3A_427 = arith.constant 1.000000e+00 : f32
      %broadcast_in_dim3A_428 = vector.broadcast %broadcast_in_dim3A_427 : f32 to vector<16xf32>
      %swap3A_429 = arith.index_cast %scan3A_385 : i32 to index
      %swap3A_430 = arith.constant 96 : index
      %swap3A_431 = tpu.vector_load %arg10[%swap3A_429, %swap3A_430] {strides = array<i32>} : memref<128x128xf32, #tpu.memory_space<vmem>>, vector<1x16xf32>,
      %swap3A_432 = vector.shape_cast %swap3A_431 : vector<1x16xf32> to vector<16xf32>
      %swap3A_433 = vector.shape_cast %broadcast_in_dim3A_428 : vector<16xf32> to vector<1x16xf32>
      tpu.vector_store %arg10[%swap3A_429, %swap3A_430], %swap3A_433 {strides = array<i32>} : memref<128x128xf32, #tpu.memory_space<vmem>>, vector<1x16xf32>,
      %broadcast_in_dim3A_434 = arith.constant 1.000000e+00 : f32
      %broadcast_in_dim3A_435 = vector.broadcast %broadcast_in_dim3A_434 : f32 to vector<16xf32>
      %swap3A_436 = arith.index_cast %scan3A_385 : i32 to index
      %swap3A_437 = arith.constant 112 : index
      %swap3A_438 = tpu.vector_load %arg10[%swap3A_436, %swap3A_437] {strides = array<i32>} : memref<128x128xf32, #tpu.memory_space<vmem>>, vector<1x16xf32>,
      %swap3A_439 = vector.shape_cast %swap3A_438 : vector<1x16xf32> to vector<16xf32>
      %swap3A_440 = vector.shape_cast %broadcast_in_dim3A_435 : vector<16xf32> to vector<1x16xf32>
      tpu.vector_store %arg10[%swap3A_436, %swap3A_437], %swap3A_440 {strides = array<i32>} : memref<128x128xf32, #tpu.memory_space<vmem>>, vector<1x16xf32>,
      %scan3A_441 = arith.constant 0 : i32
      scf.yield %scan3A_441 : i32
    }
    %scan3A_15 = arith.constant 128 : i32
    %mul3A_16 = arith.constant 56 : i32
    %mul3A_17 = arith.muli %arg1, %mul3A_16 : i32
    "tpu.region"() ({
      %run_scoped3A = tpu.sem_alloc : memref<!tpu.dma_semaphore, #tpu.memory_space<semaphore_mem>>
      %dma_start3A = arith.constant 0 : i32
      %dma_start3A_385 = tpu.memref_slice %arg3[%mul3A_17, %dma_start3A] : memref<896x128xi32, #tpu.memory_space<hbm>> -> memref<56x128xi32, #tpu.memory_space<hbm>>
      %dma_start3A_386 = arith.constant 0 : i32
      %dma_start3A_387 = tpu.memref_slice %arg3[%mul3A_17, %dma_start3A_386] : memref<896x128xi32, #tpu.memory_space<hbm>> -> memref<56x128xi32, #tpu.memory_space<hbm>>
      tpu.enqueue_dma source(%dma_start3A_387 : memref<56x128xi32, #tpu.memory_space<hbm>>) target(%arg6 : memref<56x128xi32, #tpu.memory_space<vmem>>) target_semaphore(%run_scoped3A : memref<!tpu.dma_semaphore, #tpu.memory_space<semaphore_mem>>)
      %dma_wait3A = arith.constant 0 : i32
      %dma_wait3A_388 = tpu.memref_slice %arg3[%mul3A_17, %dma_wait3A] : memref<896x128xi32, #tpu.memory_space<hbm>> -> memref<56x128xi32, #tpu.memory_space<hbm>>
      %dma_wait3A_389 = arith.constant 0 : i32
      %dma_wait3A_390 = tpu.memref_slice %arg3[%mul3A_17, %dma_wait3A_389] : memref<896x128xi32, #tpu.memory_space<hbm>> -> memref<56x128xi32, #tpu.memory_space<hbm>>
      tpu.wait_dma2 semaphore(%run_scoped3A : memref<!tpu.dma_semaphore, #tpu.memory_space<semaphore_mem>>) src(%dma_wait3A_390 : memref<56x128xi32, #tpu.memory_space<hbm>>) dst(%arg6 : memref<56x128xi32, #tpu.memory_space<vmem>>)
      tpu.yield
    }) : () -> ()
    %scan3A_18 = arith.constant 0 : i32
    %scan3A_19 = arith.constant 0 : i32
    %scan3A_20 = arith.constant 50 : i32
    %scan3A_21 = arith.addi %scan3A_19, %scan3A_20 : i32
    %scan3A_22 = arith.constant 1 : i32
    %scan3A_23 = scf.for %scan3A_385 = %scan3A_19 to %scan3A_21 step %scan3A_22 iter_args(%scan3A_386 = %scan3A_18) -> (i32)  : i32 {
      %get3A = arith.index_cast %scan3A_385 : i32 to index
      %get3A_387 = arith.constant 0 : index
      %get3A_388 = tpu.vector_load %arg6[%get3A, %get3A_387] {strides = array<i32>} : memref<56x128xi32, #tpu.memory_space<vmem>>, vector<1x16xi32>,
      %get3A_389 = vector.shape_cast %get3A_388 : vector<1x16xi32> to vector<16xi32>
      %sub3A = arith.constant 0 : i32
      %sub3A_390 = vector.broadcast %sub3A : i32 to vector<16xi32>
      %sub3A_391 = arith.subi %get3A_389, %sub3A_390 : vector<16xi32>
      %ge3A = arith.constant 0 : i32
      %ge3A_392 = vector.broadcast %ge3A : i32 to vector<16xi32>
      %ge3A_393 = arith.cmpi sge, %sub3A_391, %ge3A_392 : vector<16xi32>
      %lt3A = arith.constant 6272 : i32
      %lt3A_394 = vector.broadcast %lt3A : i32 to vector<16xi32>
      %lt3A_395 = arith.cmpi slt, %sub3A_391, %lt3A_394 : vector<16xi32>
      %and3A = arith.andi %ge3A_393, %lt3A_395 : vector<16xi1>
      %jit3A = arith.constant 6272 : i32
      %broadcast_in_dim3A = vector.broadcast %jit3A : i32 to vector<16xi32>
      %select_n3A = arith.select %and3A, %sub3A_391, %broadcast_in_dim3A : vector<16xi1>, vector<16xi32>
      %swap3A = arith.index_cast %scan3A_385 : i32 to index
      %swap3A_396 = arith.constant 0 : index
      %swap3A_397 = tpu.vector_load %arg7[%swap3A, %swap3A_396] {strides = array<i32>} : memref<56x128xi32, #tpu.memory_space<vmem>>, vector<1x16xi32>,
      %swap3A_398 = vector.shape_cast %swap3A_397 : vector<1x16xi32> to vector<16xi32>
      %swap3A_399 = vector.shape_cast %select_n3A : vector<16xi32> to vector<1x16xi32>
      tpu.vector_store %arg7[%swap3A, %swap3A_396], %swap3A_399 {strides = array<i32>} : memref<56x128xi32, #tpu.memory_space<vmem>>, vector<1x16xi32>,
      %get3A_400 = arith.index_cast %scan3A_385 : i32 to index
      %get3A_401 = arith.constant 16 : index
      %get3A_402 = tpu.vector_load %arg6[%get3A_400, %get3A_401] {strides = array<i32>} : memref<56x128xi32, #tpu.memory_space<vmem>>, vector<1x16xi32>,
      %get3A_403 = vector.shape_cast %get3A_402 : vector<1x16xi32> to vector<16xi32>
      %sub3A_404 = arith.constant 0 : i32
      %sub3A_405 = vector.broadcast %sub3A_404 : i32 to vector<16xi32>
      %sub3A_406 = arith.subi %get3A_403, %sub3A_405 : vector<16xi32>
      %ge3A_407 = arith.constant 0 : i32
      %ge3A_408 = vector.broadcast %ge3A_407 : i32 to vector<16xi32>
      %ge3A_409 = arith.cmpi sge, %sub3A_406, %ge3A_408 : vector<16xi32>
      %lt3A_410 = arith.constant 6272 : i32
      %lt3A_411 = vector.broadcast %lt3A_410 : i32 to vector<16xi32>
      %lt3A_412 = arith.cmpi slt, %sub3A_406, %lt3A_411 : vector<16xi32>
      %and3A_413 = arith.andi %ge3A_409, %lt3A_412 : vector<16xi1>
      %jit3A_414 = arith.constant 6272 : i32
      %broadcast_in_dim3A_415 = vector.broadcast %jit3A_414 : i32 to vector<16xi32>
      %select_n3A_416 = arith.select %and3A_413, %sub3A_406, %broadcast_in_dim3A_415 : vector<16xi1>, vector<16xi32>
      %swap3A_417 = arith.index_cast %scan3A_385 : i32 to index
      %swap3A_418 = arith.constant 16 : index
      %swap3A_419 = tpu.vector_load %arg7[%swap3A_417, %swap3A_418] {strides = array<i32>} : memref<56x128xi32, #tpu.memory_space<vmem>>, vector<1x16xi32>,
      %swap3A_420 = vector.shape_cast %swap3A_419 : vector<1x16xi32> to vector<16xi32>
      %swap3A_421 = vector.shape_cast %select_n3A_416 : vector<16xi32> to vector<1x16xi32>
      tpu.vector_store %arg7[%swap3A_417, %swap3A_418], %swap3A_421 {strides = array<i32>} : memref<56x128xi32, #tpu.memory_space<vmem>>, vector<1x16xi32>,
      %get3A_422 = arith.index_cast %scan3A_385 : i32 to index
      %get3A_423 = arith.constant 32 : index
      %get3A_424 = tpu.vector_load %arg6[%get3A_422, %get3A_423] {strides = array<i32>} : memref<56x128xi32, #tpu.memory_space<vmem>>, vector<1x16xi32>,
      %get3A_425 = vector.shape_cast %get3A_424 : vector<1x16xi32> to vector<16xi32>
      %sub3A_426 = arith.constant 0 : i32
      %sub3A_427 = vector.broadcast %sub3A_426 : i32 to vector<16xi32>
      %sub3A_428 = arith.subi %get3A_425, %sub3A_427 : vector<16xi32>
      %ge3A_429 = arith.constant 0 : i32
      %ge3A_430 = vector.broadcast %ge3A_429 : i32 to vector<16xi32>
      %ge3A_431 = arith.cmpi sge, %sub3A_428, %ge3A_430 : vector<16xi32>
      %lt3A_432 = arith.constant 6272 : i32
      %lt3A_433 = vector.broadcast %lt3A_432 : i32 to vector<16xi32>
      %lt3A_434 = arith.cmpi slt, %sub3A_428, %lt3A_433 : vector<16xi32>
      %and3A_435 = arith.andi %ge3A_431, %lt3A_434 : vector<16xi1>
      %jit3A_436 = arith.constant 6272 : i32
      %broadcast_in_dim3A_437 = vector.broadcast %jit3A_436 : i32 to vector<16xi32>
      %select_n3A_438 = arith.select %and3A_435, %sub3A_428, %broadcast_in_dim3A_437 : vector<16xi1>, vector<16xi32>
      %swap3A_439 = arith.index_cast %scan3A_385 : i32 to index
      %swap3A_440 = arith.constant 32 : index
      %swap3A_441 = tpu.vector_load %arg7[%swap3A_439, %swap3A_440] {strides = array<i32>} : memref<56x128xi32, #tpu.memory_space<vmem>>, vector<1x16xi32>,
      %swap3A_442 = vector.shape_cast %swap3A_441 : vector<1x16xi32> to vector<16xi32>
      %swap3A_443 = vector.shape_cast %select_n3A_438 : vector<16xi32> to vector<1x16xi32>
      tpu.vector_store %arg7[%swap3A_439, %swap3A_440], %swap3A_443 {strides = array<i32>} : memref<56x128xi32, #tpu.memory_space<vmem>>, vector<1x16xi32>,
      %get3A_444 = arith.index_cast %scan3A_385 : i32 to index
      %get3A_445 = arith.constant 48 : index
      %get3A_446 = tpu.vector_load %arg6[%get3A_444, %get3A_445] {strides = array<i32>} : memref<56x128xi32, #tpu.memory_space<vmem>>, vector<1x16xi32>,
      %get3A_447 = vector.shape_cast %get3A_446 : vector<1x16xi32> to vector<16xi32>
      %sub3A_448 = arith.constant 0 : i32
      %sub3A_449 = vector.broadcast %sub3A_448 : i32 to vector<16xi32>
      %sub3A_450 = arith.subi %get3A_447, %sub3A_449 : vector<16xi32>
      %ge3A_451 = arith.constant 0 : i32
      %ge3A_452 = vector.broadcast %ge3A_451 : i32 to vector<16xi32>
      %ge3A_453 = arith.cmpi sge, %sub3A_450, %ge3A_452 : vector<16xi32>
      %lt3A_454 = arith.constant 6272 : i32
      %lt3A_455 = vector.broadcast %lt3A_454 : i32 to vector<16xi32>
      %lt3A_456 = arith.cmpi slt, %sub3A_450, %lt3A_455 : vector<16xi32>
      %and3A_457 = arith.andi %ge3A_453, %lt3A_456 : vector<16xi1>
      %jit3A_458 = arith.constant 6272 : i32
      %broadcast_in_dim3A_459 = vector.broadcast %jit3A_458 : i32 to vector<16xi32>
      %select_n3A_460 = arith.select %and3A_457, %sub3A_450, %broadcast_in_dim3A_459 : vector<16xi1>, vector<16xi32>
      %swap3A_461 = arith.index_cast %scan3A_385 : i32 to index
      %swap3A_462 = arith.constant 48 : index
      %swap3A_463 = tpu.vector_load %arg7[%swap3A_461, %swap3A_462] {strides = array<i32>} : memref<56x128xi32, #tpu.memory_space<vmem>>, vector<1x16xi32>,
      %swap3A_464 = vector.shape_cast %swap3A_463 : vector<1x16xi32> to vector<16xi32>
      %swap3A_465 = vector.shape_cast %select_n3A_460 : vector<16xi32> to vector<1x16xi32>
      tpu.vector_store %arg7[%swap3A_461, %swap3A_462], %swap3A_465 {strides = array<i32>} : memref<56x128xi32, #tpu.memory_space<vmem>>, vector<1x16xi32>,
      %get3A_466 = arith.index_cast %scan3A_385 : i32 to index
      %get3A_467 = arith.constant 64 : index
      %get3A_468 = tpu.vector_load %arg6[%get3A_466, %get3A_467] {strides = array<i32>} : memref<56x128xi32, #tpu.memory_space<vmem>>, vector<1x16xi32>,
      %get3A_469 = vector.shape_cast %get3A_468 : vector<1x16xi32> to vector<16xi32>
      %sub3A_470 = arith.constant 0 : i32
      %sub3A_471 = vector.broadcast %sub3A_470 : i32 to vector<16xi32>
      %sub3A_472 = arith.subi %get3A_469, %sub3A_471 : vector<16xi32>
      %ge3A_473 = arith.constant 0 : i32
      %ge3A_474 = vector.broadcast %ge3A_473 : i32 to vector<16xi32>
      %ge3A_475 = arith.cmpi sge, %sub3A_472, %ge3A_474 : vector<16xi32>
      %lt3A_476 = arith.constant 6272 : i32
      %lt3A_477 = vector.broadcast %lt3A_476 : i32 to vector<16xi32>
      %lt3A_478 = arith.cmpi slt, %sub3A_472, %lt3A_477 : vector<16xi32>
      %and3A_479 = arith.andi %ge3A_475, %lt3A_478 : vector<16xi1>
      %jit3A_480 = arith.constant 6272 : i32
      %broadcast_in_dim3A_481 = vector.broadcast %jit3A_480 : i32 to vector<16xi32>
      %select_n3A_482 = arith.select %and3A_479, %sub3A_472, %broadcast_in_dim3A_481 : vector<16xi1>, vector<16xi32>
      %swap3A_483 = arith.index_cast %scan3A_385 : i32 to index
      %swap3A_484 = arith.constant 64 : index
      %swap3A_485 = tpu.vector_load %arg7[%swap3A_483, %swap3A_484] {strides = array<i32>} : memref<56x128xi32, #tpu.memory_space<vmem>>, vector<1x16xi32>,
      %swap3A_486 = vector.shape_cast %swap3A_485 : vector<1x16xi32> to vector<16xi32>
      %swap3A_487 = vector.shape_cast %select_n3A_482 : vector<16xi32> to vector<1x16xi32>
      tpu.vector_store %arg7[%swap3A_483, %swap3A_484], %swap3A_487 {strides = array<i32>} : memref<56x128xi32, #tpu.memory_space<vmem>>, vector<1x16xi32>,
      %get3A_488 = arith.index_cast %scan3A_385 : i32 to index
      %get3A_489 = arith.constant 80 : index
      %get3A_490 = tpu.vector_load %arg6[%get3A_488, %get3A_489] {strides = array<i32>} : memref<56x128xi32, #tpu.memory_space<vmem>>, vector<1x16xi32>,
      %get3A_491 = vector.shape_cast %get3A_490 : vector<1x16xi32> to vector<16xi32>
      %sub3A_492 = arith.constant 0 : i32
      %sub3A_493 = vector.broadcast %sub3A_492 : i32 to vector<16xi32>
      %sub3A_494 = arith.subi %get3A_491, %sub3A_493 : vector<16xi32>
      %ge3A_495 = arith.constant 0 : i32
      %ge3A_496 = vector.broadcast %ge3A_495 : i32 to vector<16xi32>
      %ge3A_497 = arith.cmpi sge, %sub3A_494, %ge3A_496 : vector<16xi32>
      %lt3A_498 = arith.constant 6272 : i32
      %lt3A_499 = vector.broadcast %lt3A_498 : i32 to vector<16xi32>
      %lt3A_500 = arith.cmpi slt, %sub3A_494, %lt3A_499 : vector<16xi32>
      %and3A_501 = arith.andi %ge3A_497, %lt3A_500 : vector<16xi1>
      %jit3A_502 = arith.constant 6272 : i32
      %broadcast_in_dim3A_503 = vector.broadcast %jit3A_502 : i32 to vector<16xi32>
      %select_n3A_504 = arith.select %and3A_501, %sub3A_494, %broadcast_in_dim3A_503 : vector<16xi1>, vector<16xi32>
      %swap3A_505 = arith.index_cast %scan3A_385 : i32 to index
      %swap3A_506 = arith.constant 80 : index
      %swap3A_507 = tpu.vector_load %arg7[%swap3A_505, %swap3A_506] {strides = array<i32>} : memref<56x128xi32, #tpu.memory_space<vmem>>, vector<1x16xi32>,
      %swap3A_508 = vector.shape_cast %swap3A_507 : vector<1x16xi32> to vector<16xi32>
      %swap3A_509 = vector.shape_cast %select_n3A_504 : vector<16xi32> to vector<1x16xi32>
      tpu.vector_store %arg7[%swap3A_505, %swap3A_506], %swap3A_509 {strides = array<i32>} : memref<56x128xi32, #tpu.memory_space<vmem>>, vector<1x16xi32>,
      %get3A_510 = arith.index_cast %scan3A_385 : i32 to index
      %get3A_511 = arith.constant 96 : index
      %get3A_512 = tpu.vector_load %arg6[%get3A_510, %get3A_511] {strides = array<i32>} : memref<56x128xi32, #tpu.memory_space<vmem>>, vector<1x16xi32>,
      %get3A_513 = vector.shape_cast %get3A_512 : vector<1x16xi32> to vector<16xi32>
      %sub3A_514 = arith.constant 0 : i32
      %sub3A_515 = vector.broadcast %sub3A_514 : i32 to vector<16xi32>
      %sub3A_516 = arith.subi %get3A_513, %sub3A_515 : vector<16xi32>
      %ge3A_517 = arith.constant 0 : i32
      %ge3A_518 = vector.broadcast %ge3A_517 : i32 to vector<16xi32>
      %ge3A_519 = arith.cmpi sge, %sub3A_516, %ge3A_518 : vector<16xi32>
      %lt3A_520 = arith.constant 6272 : i32
      %lt3A_521 = vector.broadcast %lt3A_520 : i32 to vector<16xi32>
      %lt3A_522 = arith.cmpi slt, %sub3A_516, %lt3A_521 : vector<16xi32>
      %and3A_523 = arith.andi %ge3A_519, %lt3A_522 : vector<16xi1>
      %jit3A_524 = arith.constant 6272 : i32
      %broadcast_in_dim3A_525 = vector.broadcast %jit3A_524 : i32 to vector<16xi32>
      %select_n3A_526 = arith.select %and3A_523, %sub3A_516, %broadcast_in_dim3A_525 : vector<16xi1>, vector<16xi32>
      %swap3A_527 = arith.index_cast %scan3A_385 : i32 to index
      %swap3A_528 = arith.constant 96 : index
      %swap3A_529 = tpu.vector_load %arg7[%swap3A_527, %swap3A_528] {strides = array<i32>} : memref<56x128xi32, #tpu.memory_space<vmem>>, vector<1x16xi32>,
      %swap3A_530 = vector.shape_cast %swap3A_529 : vector<1x16xi32> to vector<16xi32>
      %swap3A_531 = vector.shape_cast %select_n3A_526 : vector<16xi32> to vector<1x16xi32>
      tpu.vector_store %arg7[%swap3A_527, %swap3A_528], %swap3A_531 {strides = array<i32>} : memref<56x128xi32, #tpu.memory_space<vmem>>, vector<1x16xi32>,
      %get3A_532 = arith.index_cast %scan3A_385 : i32 to index
      %get3A_533 = arith.constant 112 : index
      %get3A_534 = tpu.vector_load %arg6[%get3A_532, %get3A_533] {strides = array<i32>} : memref<56x128xi32, #tpu.memory_space<vmem>>, vector<1x16xi32>,
      %get3A_535 = vector.shape_cast %get3A_534 : vector<1x16xi32> to vector<16xi32>
      %sub3A_536 = arith.constant 0 : i32
      %sub3A_537 = vector.broadcast %sub3A_536 : i32 to vector<16xi32>
      %sub3A_538 = arith.subi %get3A_535, %sub3A_537 : vector<16xi32>
      %ge3A_539 = arith.constant 0 : i32
      %ge3A_540 = vector.broadcast %ge3A_539 : i32 to vector<16xi32>
      %ge3A_541 = arith.cmpi sge, %sub3A_538, %ge3A_540 : vector<16xi32>
      %lt3A_542 = arith.constant 6272 : i32
      %lt3A_543 = vector.broadcast %lt3A_542 : i32 to vector<16xi32>
      %lt3A_544 = arith.cmpi slt, %sub3A_538, %lt3A_543 : vector<16xi32>
      %and3A_545 = arith.andi %ge3A_541, %lt3A_544 : vector<16xi1>
      %jit3A_546 = arith.constant 6272 : i32
      %broadcast_in_dim3A_547 = vector.broadcast %jit3A_546 : i32 to vector<16xi32>
      %select_n3A_548 = arith.select %and3A_545, %sub3A_538, %broadcast_in_dim3A_547 : vector<16xi1>, vector<16xi32>
      %swap3A_549 = arith.index_cast %scan3A_385 : i32 to index
      %swap3A_550 = arith.constant 112 : index
      %swap3A_551 = tpu.vector_load %arg7[%swap3A_549, %swap3A_550] {strides = array<i32>} : memref<56x128xi32, #tpu.memory_space<vmem>>, vector<1x16xi32>,
      %swap3A_552 = vector.shape_cast %swap3A_551 : vector<1x16xi32> to vector<16xi32>
      %swap3A_553 = vector.shape_cast %select_n3A_548 : vector<16xi32> to vector<1x16xi32>
      tpu.vector_store %arg7[%swap3A_549, %swap3A_550], %swap3A_553 {strides = array<i32>} : memref<56x128xi32, #tpu.memory_space<vmem>>, vector<1x16xi32>,
      %scan3A_554 = arith.constant 0 : i32
      scf.yield %scan3A_554 : i32
    }
    %scan3A_24 = arith.constant 50 : i32
    %add3A = arith.constant 0 : i32
    %add3A_25 = arith.addi %mul3A_2, %add3A : i32
    "tpu.region"() ({
      %run_scoped3A = tpu.sem_alloc : memref<!tpu.dma_semaphore, #tpu.memory_space<semaphore_mem>>
      %dma_start3A = arith.constant 0 : i32
      %dma_start3A_385 = tpu.memref_slice %arg11[%add3A_25, %dma_start3A] : memref<6280x128xf32, #tpu.memory_space<vmem_shared>> -> memref<56x128xf32, #tpu.memory_space<vmem_shared>>
      %dma_start3A_386 = arith.constant 0 : i32
      %dma_start3A_387 = tpu.memref_slice %arg11[%add3A_25, %dma_start3A_386] : memref<6280x128xf32, #tpu.memory_space<vmem_shared>> -> memref<56x128xf32, #tpu.memory_space<vmem_shared>>
      tpu.enqueue_dma source(%arg9 : memref<56x128xf32, #tpu.memory_space<vmem>>) target(%dma_start3A_387 : memref<56x128xf32, #tpu.memory_space<vmem_shared>>) target_semaphore(%run_scoped3A : memref<!tpu.dma_semaphore, #tpu.memory_space<semaphore_mem>>)
      %dma_wait3A = arith.constant 0 : i32
      %dma_wait3A_388 = tpu.memref_slice %arg11[%add3A_25, %dma_wait3A] : memref<6280x128xf32, #tpu.memory_space<vmem_shared>> -> memref<56x128xf32, #tpu.memory_space<vmem_shared>>
      %dma_wait3A_389 = arith.constant 0 : i32
      %dma_wait3A_390 = tpu.memref_slice %arg11[%add3A_25, %dma_wait3A_389] : memref<6280x128xf32, #tpu.memory_space<vmem_shared>> -> memref<56x128xf32, #tpu.memory_space<vmem_shared>>
      tpu.wait_dma2 semaphore(%run_scoped3A : memref<!tpu.dma_semaphore, #tpu.memory_space<semaphore_mem>>) src(%arg9 : memref<56x128xf32, #tpu.memory_space<vmem>>) dst(%dma_wait3A_390 : memref<56x128xf32, #tpu.memory_space<vmem_shared>>)
      tpu.yield
    }) : () -> ()
    %add3A_26 = arith.constant 56 : i32
    %add3A_27 = arith.addi %mul3A_2, %add3A_26 : i32
    "tpu.region"() ({
      %run_scoped3A = tpu.sem_alloc : memref<!tpu.dma_semaphore, #tpu.memory_space<semaphore_mem>>
      %dma_start3A = arith.constant 0 : i32
      %dma_start3A_385 = tpu.memref_slice %arg11[%add3A_27, %dma_start3A] : memref<6280x128xf32, #tpu.memory_space<vmem_shared>> -> memref<56x128xf32, #tpu.memory_space<vmem_shared>>
      %dma_start3A_386 = arith.constant 0 : i32
      %dma_start3A_387 = tpu.memref_slice %arg11[%add3A_27, %dma_start3A_386] : memref<6280x128xf32, #tpu.memory_space<vmem_shared>> -> memref<56x128xf32, #tpu.memory_space<vmem_shared>>
      tpu.enqueue_dma source(%arg9 : memref<56x128xf32, #tpu.memory_space<vmem>>) target(%dma_start3A_387 : memref<56x128xf32, #tpu.memory_space<vmem_shared>>) target_semaphore(%run_scoped3A : memref<!tpu.dma_semaphore, #tpu.memory_space<semaphore_mem>>)
      %dma_wait3A = arith.constant 0 : i32
      %dma_wait3A_388 = tpu.memref_slice %arg11[%add3A_27, %dma_wait3A] : memref<6280x128xf32, #tpu.memory_space<vmem_shared>> -> memref<56x128xf32, #tpu.memory_space<vmem_shared>>
      %dma_wait3A_389 = arith.constant 0 : i32
      %dma_wait3A_390 = tpu.memref_slice %arg11[%add3A_27, %dma_wait3A_389] : memref<6280x128xf32, #tpu.memory_space<vmem_shared>> -> memref<56x128xf32, #tpu.memory_space<vmem_shared>>
      tpu.wait_dma2 semaphore(%run_scoped3A : memref<!tpu.dma_semaphore, #tpu.memory_space<semaphore_mem>>) src(%arg9 : memref<56x128xf32, #tpu.memory_space<vmem>>) dst(%dma_wait3A_390 : memref<56x128xf32, #tpu.memory_space<vmem_shared>>)
      tpu.yield
    }) : () -> ()
    %add3A_28 = arith.constant 112 : i32
    %add3A_29 = arith.addi %mul3A_2, %add3A_28 : i32
    "tpu.region"() ({
      %run_scoped3A = tpu.sem_alloc : memref<!tpu.dma_semaphore, #tpu.memory_space<semaphore_mem>>
      %dma_start3A = arith.constant 0 : i32
      %dma_start3A_385 = tpu.memref_slice %arg11[%add3A_29, %dma_start3A] : memref<6280x128xf32, #tpu.memory_space<vmem_shared>> -> memref<56x128xf32, #tpu.memory_space<vmem_shared>>
      %dma_start3A_386 = arith.constant 0 : i32
      %dma_start3A_387 = tpu.memref_slice %arg11[%add3A_29, %dma_start3A_386] : memref<6280x128xf32, #tpu.memory_space<vmem_shared>> -> memref<56x128xf32, #tpu.memory_space<vmem_shared>>
      tpu.enqueue_dma source(%arg9 : memref<56x128xf32, #tpu.memory_space<vmem>>) target(%dma_start3A_387 : memref<56x128xf32, #tpu.memory_space<vmem_shared>>) target_semaphore(%run_scoped3A : memref<!tpu.dma_semaphore, #tpu.memory_space<semaphore_mem>>)
      %dma_wait3A = arith.constant 0 : i32
      %dma_wait3A_388 = tpu.memref_slice %arg11[%add3A_29, %dma_wait3A] : memref<6280x128xf32, #tpu.memory_space<vmem_shared>> -> memref<56x128xf32, #tpu.memory_space<vmem_shared>>
      %dma_wait3A_389 = arith.constant 0 : i32
      %dma_wait3A_390 = tpu.memref_slice %arg11[%add3A_29, %dma_wait3A_389] : memref<6280x128xf32, #tpu.memory_space<vmem_shared>> -> memref<56x128xf32, #tpu.memory_space<vmem_shared>>
      tpu.wait_dma2 semaphore(%run_scoped3A : memref<!tpu.dma_semaphore, #tpu.memory_space<semaphore_mem>>) src(%arg9 : memref<56x128xf32, #tpu.memory_space<vmem>>) dst(%dma_wait3A_390 : memref<56x128xf32, #tpu.memory_space<vmem_shared>>)
      tpu.yield
    }) : () -> ()
    %add3A_30 = arith.constant 168 : i32
    %add3A_31 = arith.addi %mul3A_2, %add3A_30 : i32
    "tpu.region"() ({
      %run_scoped3A = tpu.sem_alloc : memref<!tpu.dma_semaphore, #tpu.memory_space<semaphore_mem>>
      %dma_start3A = arith.constant 0 : i32
      %dma_start3A_385 = tpu.memref_slice %arg11[%add3A_31, %dma_start3A] : memref<6280x128xf32, #tpu.memory_space<vmem_shared>> -> memref<56x128xf32, #tpu.memory_space<vmem_shared>>
      %dma_start3A_386 = arith.constant 0 : i32
      %dma_start3A_387 = tpu.memref_slice %arg11[%add3A_31, %dma_start3A_386] : memref<6280x128xf32, #tpu.memory_space<vmem_shared>> -> memref<56x128xf32, #tpu.memory_space<vmem_shared>>
      tpu.enqueue_dma source(%arg9 : memref<56x128xf32, #tpu.memory_space<vmem>>) target(%dma_start3A_387 : memref<56x128xf32, #tpu.memory_space<vmem_shared>>) target_semaphore(%run_scoped3A : memref<!tpu.dma_semaphore, #tpu.memory_space<semaphore_mem>>)
      %dma_wait3A = arith.constant 0 : i32
      %dma_wait3A_388 = tpu.memref_slice %arg11[%add3A_31, %dma_wait3A] : memref<6280x128xf32, #tpu.memory_space<vmem_shared>> -> memref<56x128xf32, #tpu.memory_space<vmem_shared>>
      %dma_wait3A_389 = arith.constant 0 : i32
      %dma_wait3A_390 = tpu.memref_slice %arg11[%add3A_31, %dma_wait3A_389] : memref<6280x128xf32, #tpu.memory_space<vmem_shared>> -> memref<56x128xf32, #tpu.memory_space<vmem_shared>>
      tpu.wait_dma2 semaphore(%run_scoped3A : memref<!tpu.dma_semaphore, #tpu.memory_space<semaphore_mem>>) src(%arg9 : memref<56x128xf32, #tpu.memory_space<vmem>>) dst(%dma_wait3A_390 : memref<56x128xf32, #tpu.memory_space<vmem_shared>>)
      tpu.yield
    }) : () -> ()
    %add3A_32 = arith.constant 224 : i32
    %add3A_33 = arith.addi %mul3A_2, %add3A_32 : i32
    "tpu.region"() ({
      %run_scoped3A = tpu.sem_alloc : memref<!tpu.dma_semaphore, #tpu.memory_space<semaphore_mem>>
      %dma_start3A = arith.constant 0 : i32
      %dma_start3A_385 = tpu.memref_slice %arg11[%add3A_33, %dma_start3A] : memref<6280x128xf32, #tpu.memory_space<vmem_shared>> -> memref<56x128xf32, #tpu.memory_space<vmem_shared>>
      %dma_start3A_386 = arith.constant 0 : i32
      %dma_start3A_387 = tpu.memref_slice %arg11[%add3A_33, %dma_start3A_386] : memref<6280x128xf32, #tpu.memory_space<vmem_shared>> -> memref<56x128xf32, #tpu.memory_space<vmem_shared>>
      tpu.enqueue_dma source(%arg9 : memref<56x128xf32, #tpu.memory_space<vmem>>) target(%dma_start3A_387 : memref<56x128xf32, #tpu.memory_space<vmem_shared>>) target_semaphore(%run_scoped3A : memref<!tpu.dma_semaphore, #tpu.memory_space<semaphore_mem>>)
      %dma_wait3A = arith.constant 0 : i32
      %dma_wait3A_388 = tpu.memref_slice %arg11[%add3A_33, %dma_wait3A] : memref<6280x128xf32, #tpu.memory_space<vmem_shared>> -> memref<56x128xf32, #tpu.memory_space<vmem_shared>>
      %dma_wait3A_389 = arith.constant 0 : i32
      %dma_wait3A_390 = tpu.memref_slice %arg11[%add3A_33, %dma_wait3A_389] : memref<6280x128xf32, #tpu.memory_space<vmem_shared>> -> memref<56x128xf32, #tpu.memory_space<vmem_shared>>
      tpu.wait_dma2 semaphore(%run_scoped3A : memref<!tpu.dma_semaphore, #tpu.memory_space<semaphore_mem>>) src(%arg9 : memref<56x128xf32, #tpu.memory_space<vmem>>) dst(%dma_wait3A_390 : memref<56x128xf32, #tpu.memory_space<vmem_shared>>)
      tpu.yield
    }) : () -> ()
    %add3A_34 = arith.constant 280 : i32
    %add3A_35 = arith.addi %mul3A_2, %add3A_34 : i32
    "tpu.region"() ({
      %run_scoped3A = tpu.sem_alloc : memref<!tpu.dma_semaphore, #tpu.memory_space<semaphore_mem>>
      %dma_start3A = arith.constant 0 : i32
      %dma_start3A_385 = tpu.memref_slice %arg11[%add3A_35, %dma_start3A] : memref<6280x128xf32, #tpu.memory_space<vmem_shared>> -> memref<56x128xf32, #tpu.memory_space<vmem_shared>>
      %dma_start3A_386 = arith.constant 0 : i32
      %dma_start3A_387 = tpu.memref_slice %arg11[%add3A_35, %dma_start3A_386] : memref<6280x128xf32, #tpu.memory_space<vmem_shared>> -> memref<56x128xf32, #tpu.memory_space<vmem_shared>>
      tpu.enqueue_dma source(%arg9 : memref<56x128xf32, #tpu.memory_space<vmem>>) target(%dma_start3A_387 : memref<56x128xf32, #tpu.memory_space<vmem_shared>>) target_semaphore(%run_scoped3A : memref<!tpu.dma_semaphore, #tpu.memory_space<semaphore_mem>>)
      %dma_wait3A = arith.constant 0 : i32
      %dma_wait3A_388 = tpu.memref_slice %arg11[%add3A_35, %dma_wait3A] : memref<6280x128xf32, #tpu.memory_space<vmem_shared>> -> memref<56x128xf32, #tpu.memory_space<vmem_shared>>
      %dma_wait3A_389 = arith.constant 0 : i32
      %dma_wait3A_390 = tpu.memref_slice %arg11[%add3A_35, %dma_wait3A_389] : memref<6280x128xf32, #tpu.memory_space<vmem_shared>> -> memref<56x128xf32, #tpu.memory_space<vmem_shared>>
      tpu.wait_dma2 semaphore(%run_scoped3A : memref<!tpu.dma_semaphore, #tpu.memory_space<semaphore_mem>>) src(%arg9 : memref<56x128xf32, #tpu.memory_space<vmem>>) dst(%dma_wait3A_390 : memref<56x128xf32, #tpu.memory_space<vmem_shared>>)
      tpu.yield
    }) : () -> ()
    %add3A_36 = arith.constant 336 : i32
    %add3A_37 = arith.addi %mul3A_2, %add3A_36 : i32
    "tpu.region"() ({
      %run_scoped3A = tpu.sem_alloc : memref<!tpu.dma_semaphore, #tpu.memory_space<semaphore_mem>>
      %dma_start3A = arith.constant 0 : i32
      %dma_start3A_385 = tpu.memref_slice %arg11[%add3A_37, %dma_start3A] : memref<6280x128xf32, #tpu.memory_space<vmem_shared>> -> memref<56x128xf32, #tpu.memory_space<vmem_shared>>
      %dma_start3A_386 = arith.constant 0 : i32
      %dma_start3A_387 = tpu.memref_slice %arg11[%add3A_37, %dma_start3A_386] : memref<6280x128xf32, #tpu.memory_space<vmem_shared>> -> memref<56x128xf32, #tpu.memory_space<vmem_shared>>
      tpu.enqueue_dma source(%arg9 : memref<56x128xf32, #tpu.memory_space<vmem>>) target(%dma_start3A_387 : memref<56x128xf32, #tpu.memory_space<vmem_shared>>) target_semaphore(%run_scoped3A : memref<!tpu.dma_semaphore, #tpu.memory_space<semaphore_mem>>)
      %dma_wait3A = arith.constant 0 : i32
      %dma_wait3A_388 = tpu.memref_slice %arg11[%add3A_37, %dma_wait3A] : memref<6280x128xf32, #tpu.memory_space<vmem_shared>> -> memref<56x128xf32, #tpu.memory_space<vmem_shared>>
      %dma_wait3A_389 = arith.constant 0 : i32
      %dma_wait3A_390 = tpu.memref_slice %arg11[%add3A_37, %dma_wait3A_389] : memref<6280x128xf32, #tpu.memory_space<vmem_shared>> -> memref<56x128xf32, #tpu.memory_space<vmem_shared>>
      tpu.wait_dma2 semaphore(%run_scoped3A : memref<!tpu.dma_semaphore, #tpu.memory_space<semaphore_mem>>) src(%arg9 : memref<56x128xf32, #tpu.memory_space<vmem>>) dst(%dma_wait3A_390 : memref<56x128xf32, #tpu.memory_space<vmem_shared>>)
      tpu.yield
    }) : () -> ()
    %barrier3A = arith.constant 0 : index
    tpu.barrier barrier_id(%barrier3A)
    %scan3A_38 = arith.constant 0 : i32
    %scan3A_39 = arith.constant 0 : i32
    %scan3A_40 = arith.constant 50 : i32
    %scan3A_41 = arith.addi %scan3A_39, %scan3A_40 : i32
    %scan3A_42 = arith.constant 1 : i32
    %scan3A_43 = scf.for %scan3A_385 = %scan3A_39 to %scan3A_41 step %scan3A_42 iter_args(%scan3A_386 = %scan3A_38) -> (i32)  : i32 {
      %mul3A_387 = arith.constant 2 : i32
      %mul3A_388 = arith.muli %arg0, %mul3A_387 : i32
      %add3A_389 = arith.constant 0 : i32
      %add3A_390 = arith.addi %mul3A_388, %add3A_389 : i32
      %mul3A_391 = arith.constant 128 : i32
      %mul3A_392 = arith.muli %add3A_390, %mul3A_391 : i32
      %mul3A_393 = arith.constant 128 : i32
      %mul3A_394 = arith.muli %scan3A_385, %mul3A_393 : i32
      %add3A_395 = arith.addi %mul3A_0, %mul3A_394 : i32
      "tpu.region"() ({
        %run_scoped3A = tpu.sem_alloc : memref<!tpu.dma_semaphore, #tpu.memory_space<semaphore_mem>>
        %dma_start3A = tpu.memref_slice %arg2[%add3A_395, %mul3A_392] : memref<102400x512xf32, #tpu.memory_space<hbm>> -> memref<128x128xf32, #tpu.memory_space<hbm>>
        %dma_start3A_397 = tpu.memref_slice %arg2[%add3A_395, %mul3A_392] : memref<102400x512xf32, #tpu.memory_space<hbm>> -> memref<128x128xf32, #tpu.memory_space<hbm>>
        tpu.enqueue_dma source(%dma_start3A_397 : memref<128x128xf32, #tpu.memory_space<hbm>>) target(%arg8 : memref<128x128xf32, #tpu.memory_space<vmem>>) target_semaphore(%run_scoped3A : memref<!tpu.dma_semaphore, #tpu.memory_space<semaphore_mem>>)
        %dma_wait3A = tpu.memref_slice %arg2[%add3A_395, %mul3A_392] : memref<102400x512xf32, #tpu.memory_space<hbm>> -> memref<128x128xf32, #tpu.memory_space<hbm>>
        %dma_wait3A_398 = tpu.memref_slice %arg2[%add3A_395, %mul3A_392] : memref<102400x512xf32, #tpu.memory_space<hbm>> -> memref<128x128xf32, #tpu.memory_space<hbm>>
        tpu.wait_dma2 semaphore(%run_scoped3A : memref<!tpu.dma_semaphore, #tpu.memory_space<semaphore_mem>>) src(%dma_wait3A_398 : memref<128x128xf32, #tpu.memory_space<hbm>>) dst(%arg8 : memref<128x128xf32, #tpu.memory_space<vmem>>)
        tpu.yield
      }) : () -> ()
      "tpu.region"() ({
        %run_scoped3A = tpu.sem_alloc : memref<!tpu.dma_semaphore, #tpu.memory_space<semaphore_mem>>
        %dma_start3A = arith.constant 0 : i32
        %dma_start3A_397 = tpu.memref_slice %arg7[%scan3A_385, %dma_start3A] : memref<56x128xi32, #tpu.memory_space<vmem>> -> memref<1x128xi32, #tpu.memory_space<vmem>>
        %dma_start3A_398 = tpu.memref_squeeze %dma_start3A_397 : memref<1x128xi32, #tpu.memory_space<vmem>> -> memref<128xi32, #tpu.memory_space<vmem>>
        %dma_start3A_399 = arith.constant 0 : i32
        %dma_start3A_400 = arith.constant 0 : i32
        %dma_start3A_401 = tpu.memref_slice %arg11[%dma_start3A_399, %dma_start3A_400] : memref<6280x128xf32, #tpu.memory_space<vmem_shared>> -> memref<6280x128xf32, #tpu.memory_space<vmem_shared>>
        tpu.enqueue_indirect_dma source(%arg8 : memref<128x128xf32, #tpu.memory_space<vmem>>) target(%dma_start3A_401 : memref<6280x128xf32, #tpu.memory_space<vmem_shared>>) offsets(%dma_start3A_398 : memref<128xi32, #tpu.memory_space<vmem>>) semaphore(%run_scoped3A : memref<!tpu.dma_semaphore, #tpu.memory_space<semaphore_mem>>) {add = true}
        %dma_wait3A = arith.constant 0 : i32
        %dma_wait3A_402 = tpu.memref_slice %arg7[%scan3A_385, %dma_wait3A] : memref<56x128xi32, #tpu.memory_space<vmem>> -> memref<1x128xi32, #tpu.memory_space<vmem>>
        %dma_wait3A_403 = tpu.memref_squeeze %dma_wait3A_402 : memref<1x128xi32, #tpu.memory_space<vmem>> -> memref<128xi32, #tpu.memory_space<vmem>>
        %dma_wait3A_404 = arith.constant 0 : i32
        %dma_wait3A_405 = arith.constant 0 : i32
        %dma_wait3A_406 = tpu.memref_slice %arg11[%dma_wait3A_404, %dma_wait3A_405] : memref<6280x128xf32, #tpu.memory_space<vmem_shared>> -> memref<6280x128xf32, #tpu.memory_space<vmem_shared>>
        tpu.wait_indirect_dma semaphore(%run_scoped3A : memref<!tpu.dma_semaphore, #tpu.memory_space<semaphore_mem>>) src(%arg8 : memref<128x128xf32, #tpu.memory_space<vmem>>) dst(%dma_wait3A_406 : memref<6280x128xf32, #tpu.memory_space<vmem_shared>>)
        tpu.yield
      }) : () -> ()
      %scan3A_396 = arith.constant 0 : i32
      scf.yield %scan3A_396 : i32
    }
    %scan3A_44 = arith.constant 50 : i32
    %barrier3A_45 = arith.constant 0 : index
    tpu.barrier barrier_id(%barrier3A_45)
    %add3A_46 = arith.constant 0 : i32
    %add3A_47 = arith.addi %add3A_46, %mul3A_2 : i32
    %eq3A = arith.constant 0 : i32
    %eq3A_48 = arith.cmpi eq, %arg0, %eq3A : i32
    %convert_element_type3A = arith.extui %eq3A_48 : i1 to i32
    %cond3A = arith.constant 0 : i32
    %cond3A_49 = arith.cmpi ne, %convert_element_type3A, %cond3A : i32
    scf.if %cond3A_49 {
      %run_scoped3A = arith.constant 0 : i32
      "tpu.region"() ({
        %run_scoped3A_385 = tpu.sem_alloc : memref<!tpu.dma_semaphore, #tpu.memory_space<semaphore_mem>>
        %dma_start3A = arith.constant 0 : i32
        %dma_start3A_386 = tpu.memref_slice %arg4[%run_scoped3A, %add3A_47, %dma_start3A] : memref<4x25088x128xf32, #tpu.memory_space<hbm>> -> memref<1x392x128xf32, #tpu.memory_space<hbm>>
        %dma_start3A_387 = tpu.memref_squeeze %dma_start3A_386 : memref<1x392x128xf32, #tpu.memory_space<hbm>> -> memref<392x128xf32, #tpu.memory_space<hbm>>
        %dma_start3A_388 = arith.constant 0 : i32
        %dma_start3A_389 = tpu.memref_slice %arg11[%mul3A_2, %dma_start3A_388] : memref<6280x128xf32, #tpu.memory_space<vmem_shared>> -> memref<392x128xf32, #tpu.memory_space<vmem_shared>>
        tpu.enqueue_dma source(%dma_start3A_389 : memref<392x128xf32, #tpu.memory_space<vmem_shared>>) target(%dma_start3A_387 : memref<392x128xf32, #tpu.memory_space<hbm>>) target_semaphore(%run_scoped3A_385 : memref<!tpu.dma_semaphore, #tpu.memory_space<semaphore_mem>>)
        %dma_wait3A = arith.constant 0 : i32
        %dma_wait3A_390 = tpu.memref_slice %arg4[%run_scoped3A, %add3A_47, %dma_wait3A] : memref<4x25088x128xf32, #tpu.memory_space<hbm>> -> memref<1x392x128xf32, #tpu.memory_space<hbm>>
        %dma_wait3A_391 = tpu.memref_squeeze %dma_wait3A_390 : memref<1x392x128xf32, #tpu.memory_space<hbm>> -> memref<392x128xf32, #tpu.memory_space<hbm>>
        %dma_wait3A_392 = arith.constant 0 : i32
        %dma_wait3A_393 = tpu.memref_slice %arg11[%mul3A_2, %dma_wait3A_392] : memref<6280x128xf32, #tpu.memory_space<vmem_shared>> -> memref<392x128xf32, #tpu.memory_space<vmem_shared>>
        tpu.wait_dma2 semaphore(%run_scoped3A_385 : memref<!tpu.dma_semaphore, #tpu.memory_space<semaphore_mem>>) src(%dma_wait3A_393 : memref<392x128xf32, #tpu.memory_space<vmem_shared>>) dst(%dma_wait3A_391 : memref<392x128xf32, #tpu.memory_space<hbm>>)
        tpu.yield
      }) : () -> ()
    } else {
    }
    %eq3A_50 = arith.constant 1 : i32
    %eq3A_51 = arith.cmpi eq, %arg0, %eq3A_50 : i32
    %convert_element_type3A_52 = arith.extui %eq3A_51 : i1 to i32
    %cond3A_53 = arith.constant 0 : i32
    %cond3A_54 = arith.cmpi ne, %convert_element_type3A_52, %cond3A_53 : i32
    scf.if %cond3A_54 {
      %run_scoped3A = arith.constant 2 : i32
      "tpu.region"() ({
        %run_scoped3A_385 = tpu.sem_alloc : memref<!tpu.dma_semaphore, #tpu.memory_space<semaphore_mem>>
        %dma_start3A = arith.constant 0 : i32
        %dma_start3A_386 = tpu.memref_slice %arg4[%run_scoped3A, %add3A_47, %dma_start3A] : memref<4x25088x128xf32, #tpu.memory_space<hbm>> -> memref<1x392x128xf32, #tpu.memory_space<hbm>>
        %dma_start3A_387 = tpu.memref_squeeze %dma_start3A_386 : memref<1x392x128xf32, #tpu.memory_space<hbm>> -> memref<392x128xf32, #tpu.memory_space<hbm>>
        %dma_start3A_388 = arith.constant 0 : i32
        %dma_start3A_389 = tpu.memref_slice %arg11[%mul3A_2, %dma_start3A_388] : memref<6280x128xf32, #tpu.memory_space<vmem_shared>> -> memref<392x128xf32, #tpu.memory_space<vmem_shared>>
        tpu.enqueue_dma source(%dma_start3A_389 : memref<392x128xf32, #tpu.memory_space<vmem_shared>>) target(%dma_start3A_387 : memref<392x128xf32, #tpu.memory_space<hbm>>) target_semaphore(%run_scoped3A_385 : memref<!tpu.dma_semaphore, #tpu.memory_space<semaphore_mem>>)
        %dma_wait3A = arith.constant 0 : i32
        %dma_wait3A_390 = tpu.memref_slice %arg4[%run_scoped3A, %add3A_47, %dma_wait3A] : memref<4x25088x128xf32, #tpu.memory_space<hbm>> -> memref<1x392x128xf32, #tpu.memory_space<hbm>>
        %dma_wait3A_391 = tpu.memref_squeeze %dma_wait3A_390 : memref<1x392x128xf32, #tpu.memory_space<hbm>> -> memref<392x128xf32, #tpu.memory_space<hbm>>
        %dma_wait3A_392 = arith.constant 0 : i32
        %dma_wait3A_393 = tpu.memref_slice %arg11[%mul3A_2, %dma_wait3A_392] : memref<6280x128xf32, #tpu.memory_space<vmem_shared>> -> memref<392x128xf32, #tpu.memory_space<vmem_shared>>
        tpu.wait_dma2 semaphore(%run_scoped3A_385 : memref<!tpu.dma_semaphore, #tpu.memory_space<semaphore_mem>>) src(%dma_wait3A_393 : memref<392x128xf32, #tpu.memory_space<vmem_shared>>) dst(%dma_wait3A_391 : memref<392x128xf32, #tpu.memory_space<hbm>>)
        tpu.yield
      }) : () -> ()
    } else {
    }
    %barrier3A_55 = arith.constant 0 : index
    tpu.barrier barrier_id(%barrier3A_55)
    %add3A_56 = arith.constant 0 : i32
    %add3A_57 = arith.addi %mul3A_2, %add3A_56 : i32
    "tpu.region"() ({
      %run_scoped3A = tpu.sem_alloc : memref<!tpu.dma_semaphore, #tpu.memory_space<semaphore_mem>>
      %dma_start3A = arith.constant 0 : i32
      %dma_start3A_385 = tpu.memref_slice %arg11[%add3A_57, %dma_start3A] : memref<6280x128xf32, #tpu.memory_space<vmem_shared>> -> memref<56x128xf32, #tpu.memory_space<vmem_shared>>
      %dma_start3A_386 = arith.constant 0 : i32
      %dma_start3A_387 = tpu.memref_slice %arg11[%add3A_57, %dma_start3A_386] : memref<6280x128xf32, #tpu.memory_space<vmem_shared>> -> memref<56x128xf32, #tpu.memory_space<vmem_shared>>
      tpu.enqueue_dma source(%arg9 : memref<56x128xf32, #tpu.memory_space<vmem>>) target(%dma_start3A_387 : memref<56x128xf32, #tpu.memory_space<vmem_shared>>) target_semaphore(%run_scoped3A : memref<!tpu.dma_semaphore, #tpu.memory_space<semaphore_mem>>)
      %dma_wait3A = arith.constant 0 : i32
      %dma_wait3A_388 = tpu.memref_slice %arg11[%add3A_57, %dma_wait3A] : memref<6280x128xf32, #tpu.memory_space<vmem_shared>> -> memref<56x128xf32, #tpu.memory_space<vmem_shared>>
      %dma_wait3A_389 = arith.constant 0 : i32
      %dma_wait3A_390 = tpu.memref_slice %arg11[%add3A_57, %dma_wait3A_389] : memref<6280x128xf32, #tpu.memory_space<vmem_shared>> -> memref<56x128xf32, #tpu.memory_space<vmem_shared>>
      tpu.wait_dma2 semaphore(%run_scoped3A : memref<!tpu.dma_semaphore, #tpu.memory_space<semaphore_mem>>) src(%arg9 : memref<56x128xf32, #tpu.memory_space<vmem>>) dst(%dma_wait3A_390 : memref<56x128xf32, #tpu.memory_space<vmem_shared>>)
      tpu.yield
    }) : () -> ()
    %add3A_58 = arith.constant 56 : i32
    %add3A_59 = arith.addi %mul3A_2, %add3A_58 : i32
    "tpu.region"() ({
      %run_scoped3A = tpu.sem_alloc : memref<!tpu.dma_semaphore, #tpu.memory_space<semaphore_mem>>
      %dma_start3A = arith.constant 0 : i32
      %dma_start3A_385 = tpu.memref_slice %arg11[%add3A_59, %dma_start3A] : memref<6280x128xf32, #tpu.memory_space<vmem_shared>> -> memref<56x128xf32, #tpu.memory_space<vmem_shared>>
      %dma_start3A_386 = arith.constant 0 : i32
      %dma_start3A_387 = tpu.memref_slice %arg11[%add3A_59, %dma_start3A_386] : memref<6280x128xf32, #tpu.memory_space<vmem_shared>> -> memref<56x128xf32, #tpu.memory_space<vmem_shared>>
      tpu.enqueue_dma source(%arg9 : memref<56x128xf32, #tpu.memory_space<vmem>>) target(%dma_start3A_387 : memref<56x128xf32, #tpu.memory_space<vmem_shared>>) target_semaphore(%run_scoped3A : memref<!tpu.dma_semaphore, #tpu.memory_space<semaphore_mem>>)
      %dma_wait3A = arith.constant 0 : i32
      %dma_wait3A_388 = tpu.memref_slice %arg11[%add3A_59, %dma_wait3A] : memref<6280x128xf32, #tpu.memory_space<vmem_shared>> -> memref<56x128xf32, #tpu.memory_space<vmem_shared>>
      %dma_wait3A_389 = arith.constant 0 : i32
      %dma_wait3A_390 = tpu.memref_slice %arg11[%add3A_59, %dma_wait3A_389] : memref<6280x128xf32, #tpu.memory_space<vmem_shared>> -> memref<56x128xf32, #tpu.memory_space<vmem_shared>>
      tpu.wait_dma2 semaphore(%run_scoped3A : memref<!tpu.dma_semaphore, #tpu.memory_space<semaphore_mem>>) src(%arg9 : memref<56x128xf32, #tpu.memory_space<vmem>>) dst(%dma_wait3A_390 : memref<56x128xf32, #tpu.memory_space<vmem_shared>>)
      tpu.yield
    }) : () -> ()
    %add3A_60 = arith.constant 112 : i32
    %add3A_61 = arith.addi %mul3A_2, %add3A_60 : i32
    "tpu.region"() ({
      %run_scoped3A = tpu.sem_alloc : memref<!tpu.dma_semaphore, #tpu.memory_space<semaphore_mem>>
      %dma_start3A = arith.constant 0 : i32
      %dma_start3A_385 = tpu.memref_slice %arg11[%add3A_61, %dma_start3A] : memref<6280x128xf32, #tpu.memory_space<vmem_shared>> -> memref<56x128xf32, #tpu.memory_space<vmem_shared>>
      %dma_start3A_386 = arith.constant 0 : i32
      %dma_start3A_387 = tpu.memref_slice %arg11[%add3A_61, %dma_start3A_386] : memref<6280x128xf32, #tpu.memory_space<vmem_shared>> -> memref<56x128xf32, #tpu.memory_space<vmem_shared>>
      tpu.enqueue_dma source(%arg9 : memref<56x128xf32, #tpu.memory_space<vmem>>) target(%dma_start3A_387 : memref<56x128xf32, #tpu.memory_space<vmem_shared>>) target_semaphore(%run_scoped3A : memref<!tpu.dma_semaphore, #tpu.memory_space<semaphore_mem>>)
      %dma_wait3A = arith.constant 0 : i32
      %dma_wait3A_388 = tpu.memref_slice %arg11[%add3A_61, %dma_wait3A] : memref<6280x128xf32, #tpu.memory_space<vmem_shared>> -> memref<56x128xf32, #tpu.memory_space<vmem_shared>>
      %dma_wait3A_389 = arith.constant 0 : i32
      %dma_wait3A_390 = tpu.memref_slice %arg11[%add3A_61, %dma_wait3A_389] : memref<6280x128xf32, #tpu.memory_space<vmem_shared>> -> memref<56x128xf32, #tpu.memory_space<vmem_shared>>
      tpu.wait_dma2 semaphore(%run_scoped3A : memref<!tpu.dma_semaphore, #tpu.memory_space<semaphore_mem>>) src(%arg9 : memref<56x128xf32, #tpu.memory_space<vmem>>) dst(%dma_wait3A_390 : memref<56x128xf32, #tpu.memory_space<vmem_shared>>)
      tpu.yield
    }) : () -> ()
    %add3A_62 = arith.constant 168 : i32
    %add3A_63 = arith.addi %mul3A_2, %add3A_62 : i32
    "tpu.region"() ({
      %run_scoped3A = tpu.sem_alloc : memref<!tpu.dma_semaphore, #tpu.memory_space<semaphore_mem>>
      %dma_start3A = arith.constant 0 : i32
      %dma_start3A_385 = tpu.memref_slice %arg11[%add3A_63, %dma_start3A] : memref<6280x128xf32, #tpu.memory_space<vmem_shared>> -> memref<56x128xf32, #tpu.memory_space<vmem_shared>>
      %dma_start3A_386 = arith.constant 0 : i32
      %dma_start3A_387 = tpu.memref_slice %arg11[%add3A_63, %dma_start3A_386] : memref<6280x128xf32, #tpu.memory_space<vmem_shared>> -> memref<56x128xf32, #tpu.memory_space<vmem_shared>>
      tpu.enqueue_dma source(%arg9 : memref<56x128xf32, #tpu.memory_space<vmem>>) target(%dma_start3A_387 : memref<56x128xf32, #tpu.memory_space<vmem_shared>>) target_semaphore(%run_scoped3A : memref<!tpu.dma_semaphore, #tpu.memory_space<semaphore_mem>>)
      %dma_wait3A = arith.constant 0 : i32
      %dma_wait3A_388 = tpu.memref_slice %arg11[%add3A_63, %dma_wait3A] : memref<6280x128xf32, #tpu.memory_space<vmem_shared>> -> memref<56x128xf32, #tpu.memory_space<vmem_shared>>
      %dma_wait3A_389 = arith.constant 0 : i32
      %dma_wait3A_390 = tpu.memref_slice %arg11[%add3A_63, %dma_wait3A_389] : memref<6280x128xf32, #tpu.memory_space<vmem_shared>> -> memref<56x128xf32, #tpu.memory_space<vmem_shared>>
      tpu.wait_dma2 semaphore(%run_scoped3A : memref<!tpu.dma_semaphore, #tpu.memory_space<semaphore_mem>>) src(%arg9 : memref<56x128xf32, #tpu.memory_space<vmem>>) dst(%dma_wait3A_390 : memref<56x128xf32, #tpu.memory_space<vmem_shared>>)
      tpu.yield
    }) : () -> ()
    %add3A_64 = arith.constant 224 : i32
    %add3A_65 = arith.addi %mul3A_2, %add3A_64 : i32
    "tpu.region"() ({
      %run_scoped3A = tpu.sem_alloc : memref<!tpu.dma_semaphore, #tpu.memory_space<semaphore_mem>>
      %dma_start3A = arith.constant 0 : i32
      %dma_start3A_385 = tpu.memref_slice %arg11[%add3A_65, %dma_start3A] : memref<6280x128xf32, #tpu.memory_space<vmem_shared>> -> memref<56x128xf32, #tpu.memory_space<vmem_shared>>
      %dma_start3A_386 = arith.constant 0 : i32
      %dma_start3A_387 = tpu.memref_slice %arg11[%add3A_65, %dma_start3A_386] : memref<6280x128xf32, #tpu.memory_space<vmem_shared>> -> memref<56x128xf32, #tpu.memory_space<vmem_shared>>
      tpu.enqueue_dma source(%arg9 : memref<56x128xf32, #tpu.memory_space<vmem>>) target(%dma_start3A_387 : memref<56x128xf32, #tpu.memory_space<vmem_shared>>) target_semaphore(%run_scoped3A : memref<!tpu.dma_semaphore, #tpu.memory_space<semaphore_mem>>)
      %dma_wait3A = arith.constant 0 : i32
      %dma_wait3A_388 = tpu.memref_slice %arg11[%add3A_65, %dma_wait3A] : memref<6280x128xf32, #tpu.memory_space<vmem_shared>> -> memref<56x128xf32, #tpu.memory_space<vmem_shared>>
      %dma_wait3A_389 = arith.constant 0 : i32
      %dma_wait3A_390 = tpu.memref_slice %arg11[%add3A_65, %dma_wait3A_389] : memref<6280x128xf32, #tpu.memory_space<vmem_shared>> -> memref<56x128xf32, #tpu.memory_space<vmem_shared>>
      tpu.wait_dma2 semaphore(%run_scoped3A : memref<!tpu.dma_semaphore, #tpu.memory_space<semaphore_mem>>) src(%arg9 : memref<56x128xf32, #tpu.memory_space<vmem>>) dst(%dma_wait3A_390 : memref<56x128xf32, #tpu.memory_space<vmem_shared>>)
      tpu.yield
    }) : () -> ()
    %add3A_66 = arith.constant 280 : i32
    %add3A_67 = arith.addi %mul3A_2, %add3A_66 : i32
    "tpu.region"() ({
      %run_scoped3A = tpu.sem_alloc : memref<!tpu.dma_semaphore, #tpu.memory_space<semaphore_mem>>
      %dma_start3A = arith.constant 0 : i32
      %dma_start3A_385 = tpu.memref_slice %arg11[%add3A_67, %dma_start3A] : memref<6280x128xf32, #tpu.memory_space<vmem_shared>> -> memref<56x128xf32, #tpu.memory_space<vmem_shared>>
      %dma_start3A_386 = arith.constant 0 : i32
      %dma_start3A_387 = tpu.memref_slice %arg11[%add3A_67, %dma_start3A_386] : memref<6280x128xf32, #tpu.memory_space<vmem_shared>> -> memref<56x128xf32, #tpu.memory_space<vmem_shared>>
      tpu.enqueue_dma source(%arg9 : memref<56x128xf32, #tpu.memory_space<vmem>>) target(%dma_start3A_387 : memref<56x128xf32, #tpu.memory_space<vmem_shared>>) target_semaphore(%run_scoped3A : memref<!tpu.dma_semaphore, #tpu.memory_space<semaphore_mem>>)
      %dma_wait3A = arith.constant 0 : i32
      %dma_wait3A_388 = tpu.memref_slice %arg11[%add3A_67, %dma_wait3A] : memref<6280x128xf32, #tpu.memory_space<vmem_shared>> -> memref<56x128xf32, #tpu.memory_space<vmem_shared>>
      %dma_wait3A_389 = arith.constant 0 : i32
      %dma_wait3A_390 = tpu.memref_slice %arg11[%add3A_67, %dma_wait3A_389] : memref<6280x128xf32, #tpu.memory_space<vmem_shared>> -> memref<56x128xf32, #tpu.memory_space<vmem_shared>>
      tpu.wait_dma2 semaphore(%run_scoped3A : memref<!tpu.dma_semaphore, #tpu.memory_space<semaphore_mem>>) src(%arg9 : memref<56x128xf32, #tpu.memory_space<vmem>>) dst(%dma_wait3A_390 : memref<56x128xf32, #tpu.memory_space<vmem_shared>>)
      tpu.yield
    }) : () -> ()
    %add3A_68 = arith.constant 336 : i32
    %add3A_69 = arith.addi %mul3A_2, %add3A_68 : i32
    "tpu.region"() ({
      %run_scoped3A = tpu.sem_alloc : memref<!tpu.dma_semaphore, #tpu.memory_space<semaphore_mem>>
      %dma_start3A = arith.constant 0 : i32
      %dma_start3A_385 = tpu.memref_slice %arg11[%add3A_69, %dma_start3A] : memref<6280x128xf32, #tpu.memory_space<vmem_shared>> -> memref<56x128xf32, #tpu.memory_space<vmem_shared>>
      %dma_start3A_386 = arith.constant 0 : i32
      %dma_start3A_387 = tpu.memref_slice %arg11[%add3A_69, %dma_start3A_386] : memref<6280x128xf32, #tpu.memory_space<vmem_shared>> -> memref<56x128xf32, #tpu.memory_space<vmem_shared>>
      tpu.enqueue_dma source(%arg9 : memref<56x128xf32, #tpu.memory_space<vmem>>) target(%dma_start3A_387 : memref<56x128xf32, #tpu.memory_space<vmem_shared>>) target_semaphore(%run_scoped3A : memref<!tpu.dma_semaphore, #tpu.memory_space<semaphore_mem>>)
      %dma_wait3A = arith.constant 0 : i32
      %dma_wait3A_388 = tpu.memref_slice %arg11[%add3A_69, %dma_wait3A] : memref<6280x128xf32, #tpu.memory_space<vmem_shared>> -> memref<56x128xf32, #tpu.memory_space<vmem_shared>>
      %dma_wait3A_389 = arith.constant 0 : i32
      %dma_wait3A_390 = tpu.memref_slice %arg11[%add3A_69, %dma_wait3A_389] : memref<6280x128xf32, #tpu.memory_space<vmem_shared>> -> memref<56x128xf32, #tpu.memory_space<vmem_shared>>
      tpu.wait_dma2 semaphore(%run_scoped3A : memref<!tpu.dma_semaphore, #tpu.memory_space<semaphore_mem>>) src(%arg9 : memref<56x128xf32, #tpu.memory_space<vmem>>) dst(%dma_wait3A_390 : memref<56x128xf32, #tpu.memory_space<vmem_shared>>)
      tpu.yield
    }) : () -> ()
    %barrier3A_70 = arith.constant 0 : index
    tpu.barrier barrier_id(%barrier3A_70)
    %scan3A_71 = arith.constant 0 : i32
    %scan3A_72 = arith.constant 0 : i32
    %scan3A_73 = arith.constant 50 : i32
    %scan3A_74 = arith.addi %scan3A_72, %scan3A_73 : i32
    %scan3A_75 = arith.constant 1 : i32
    %scan3A_76 = scf.for %scan3A_385 = %scan3A_72 to %scan3A_74 step %scan3A_75 iter_args(%scan3A_386 = %scan3A_71) -> (i32)  : i32 {
      %mul3A_387 = arith.constant 2 : i32
      %mul3A_388 = arith.muli %arg0, %mul3A_387 : i32
      %add3A_389 = arith.constant 1 : i32
      %add3A_390 = arith.addi %mul3A_388, %add3A_389 : i32
      %mul3A_391 = arith.constant 128 : i32
      %mul3A_392 = arith.muli %add3A_390, %mul3A_391 : i32
      %mul3A_393 = arith.constant 128 : i32
      %mul3A_394 = arith.muli %scan3A_385, %mul3A_393 : i32
      %add3A_395 = arith.addi %mul3A_0, %mul3A_394 : i32
      "tpu.region"() ({
        %run_scoped3A = tpu.sem_alloc : memref<!tpu.dma_semaphore, #tpu.memory_space<semaphore_mem>>
        %dma_start3A = tpu.memref_slice %arg2[%add3A_395, %mul3A_392] : memref<102400x512xf32, #tpu.memory_space<hbm>> -> memref<128x128xf32, #tpu.memory_space<hbm>>
        %dma_start3A_397 = tpu.memref_slice %arg2[%add3A_395, %mul3A_392] : memref<102400x512xf32, #tpu.memory_space<hbm>> -> memref<128x128xf32, #tpu.memory_space<hbm>>
        tpu.enqueue_dma source(%dma_start3A_397 : memref<128x128xf32, #tpu.memory_space<hbm>>) target(%arg8 : memref<128x128xf32, #tpu.memory_space<vmem>>) target_semaphore(%run_scoped3A : memref<!tpu.dma_semaphore, #tpu.memory_space<semaphore_mem>>)
        %dma_wait3A = tpu.memref_slice %arg2[%add3A_395, %mul3A_392] : memref<102400x512xf32, #tpu.memory_space<hbm>> -> memref<128x128xf32, #tpu.memory_space<hbm>>
        %dma_wait3A_398 = tpu.memref_slice %arg2[%add3A_395, %mul3A_392] : memref<102400x512xf32, #tpu.memory_space<hbm>> -> memref<128x128xf32, #tpu.memory_space<hbm>>
        tpu.wait_dma2 semaphore(%run_scoped3A : memref<!tpu.dma_semaphore, #tpu.memory_space<semaphore_mem>>) src(%dma_wait3A_398 : memref<128x128xf32, #tpu.memory_space<hbm>>) dst(%arg8 : memref<128x128xf32, #tpu.memory_space<vmem>>)
        tpu.yield
      }) : () -> ()
      "tpu.region"() ({
        %run_scoped3A = tpu.sem_alloc : memref<!tpu.dma_semaphore, #tpu.memory_space<semaphore_mem>>
        %dma_start3A = arith.constant 0 : i32
        %dma_start3A_397 = tpu.memref_slice %arg7[%scan3A_385, %dma_start3A] : memref<56x128xi32, #tpu.memory_space<vmem>> -> memref<1x128xi32, #tpu.memory_space<vmem>>
        %dma_start3A_398 = tpu.memref_squeeze %dma_start3A_397 : memref<1x128xi32, #tpu.memory_space<vmem>> -> memref<128xi32, #tpu.memory_space<vmem>>
        %dma_start3A_399 = arith.constant 0 : i32
        %dma_start3A_400 = arith.constant 0 : i32
        %dma_start3A_401 = tpu.memref_slice %arg11[%dma_start3A_399, %dma_start3A_400] : memref<6280x128xf32, #tpu.memory_space<vmem_shared>> -> memref<6280x128xf32, #tpu.memory_space<vmem_shared>>
        tpu.enqueue_indirect_dma source(%arg8 : memref<128x128xf32, #tpu.memory_space<vmem>>) target(%dma_start3A_401 : memref<6280x128xf32, #tpu.memory_space<vmem_shared>>) offsets(%dma_start3A_398 : memref<128xi32, #tpu.memory_space<vmem>>) semaphore(%run_scoped3A : memref<!tpu.dma_semaphore, #tpu.memory_space<semaphore_mem>>) {add = true}
        %dma_wait3A = arith.constant 0 : i32
        %dma_wait3A_402 = tpu.memref_slice %arg7[%scan3A_385, %dma_wait3A] : memref<56x128xi32, #tpu.memory_space<vmem>> -> memref<1x128xi32, #tpu.memory_space<vmem>>
        %dma_wait3A_403 = tpu.memref_squeeze %dma_wait3A_402 : memref<1x128xi32, #tpu.memory_space<vmem>> -> memref<128xi32, #tpu.memory_space<vmem>>
        %dma_wait3A_404 = arith.constant 0 : i32
        %dma_wait3A_405 = arith.constant 0 : i32
        %dma_wait3A_406 = tpu.memref_slice %arg11[%dma_wait3A_404, %dma_wait3A_405] : memref<6280x128xf32, #tpu.memory_space<vmem_shared>> -> memref<6280x128xf32, #tpu.memory_space<vmem_shared>>
        tpu.wait_indirect_dma semaphore(%run_scoped3A : memref<!tpu.dma_semaphore, #tpu.memory_space<semaphore_mem>>) src(%arg8 : memref<128x128xf32, #tpu.memory_space<vmem>>) dst(%dma_wait3A_406 : memref<6280x128xf32, #tpu.memory_space<vmem_shared>>)
        tpu.yield
      }) : () -> ()
      %scan3A_396 = arith.constant 0 : i32
      scf.yield %scan3A_396 : i32
    }
    %scan3A_77 = arith.constant 50 : i32
    %barrier3A_78 = arith.constant 0 : index
    tpu.barrier barrier_id(%barrier3A_78)
    %add3A_79 = arith.constant 0 : i32
    %add3A_80 = arith.addi %add3A_79, %mul3A_2 : i32
    %eq3A_81 = arith.constant 0 : i32
    %eq3A_82 = arith.cmpi eq, %arg0, %eq3A_81 : i32
    %convert_element_type3A_83 = arith.extui %eq3A_82 : i1 to i32
    %cond3A_84 = arith.constant 0 : i32
    %cond3A_85 = arith.cmpi ne, %convert_element_type3A_83, %cond3A_84 : i32
    scf.if %cond3A_85 {
      %run_scoped3A = arith.constant 1 : i32
      "tpu.region"() ({
        %run_scoped3A_385 = tpu.sem_alloc : memref<!tpu.dma_semaphore, #tpu.memory_space<semaphore_mem>>
        %dma_start3A = arith.constant 0 : i32
        %dma_start3A_386 = tpu.memref_slice %arg4[%run_scoped3A, %add3A_80, %dma_start3A] : memref<4x25088x128xf32, #tpu.memory_space<hbm>> -> memref<1x392x128xf32, #tpu.memory_space<hbm>>
        %dma_start3A_387 = tpu.memref_squeeze %dma_start3A_386 : memref<1x392x128xf32, #tpu.memory_space<hbm>> -> memref<392x128xf32, #tpu.memory_space<hbm>>
        %dma_start3A_388 = arith.constant 0 : i32
        %dma_start3A_389 = tpu.memref_slice %arg11[%mul3A_2, %dma_start3A_388] : memref<6280x128xf32, #tpu.memory_space<vmem_shared>> -> memref<392x128xf32, #tpu.memory_space<vmem_shared>>
        tpu.enqueue_dma source(%dma_start3A_389 : memref<392x128xf32, #tpu.memory_space<vmem_shared>>) target(%dma_start3A_387 : memref<392x128xf32, #tpu.memory_space<hbm>>) target_semaphore(%run_scoped3A_385 : memref<!tpu.dma_semaphore, #tpu.memory_space<semaphore_mem>>)
        %dma_wait3A = arith.constant 0 : i32
        %dma_wait3A_390 = tpu.memref_slice %arg4[%run_scoped3A, %add3A_80, %dma_wait3A] : memref<4x25088x128xf32, #tpu.memory_space<hbm>> -> memref<1x392x128xf32, #tpu.memory_space<hbm>>
        %dma_wait3A_391 = tpu.memref_squeeze %dma_wait3A_390 : memref<1x392x128xf32, #tpu.memory_space<hbm>> -> memref<392x128xf32, #tpu.memory_space<hbm>>
        %dma_wait3A_392 = arith.constant 0 : i32
        %dma_wait3A_393 = tpu.memref_slice %arg11[%mul3A_2, %dma_wait3A_392] : memref<6280x128xf32, #tpu.memory_space<vmem_shared>> -> memref<392x128xf32, #tpu.memory_space<vmem_shared>>
        tpu.wait_dma2 semaphore(%run_scoped3A_385 : memref<!tpu.dma_semaphore, #tpu.memory_space<semaphore_mem>>) src(%dma_wait3A_393 : memref<392x128xf32, #tpu.memory_space<vmem_shared>>) dst(%dma_wait3A_391 : memref<392x128xf32, #tpu.memory_space<hbm>>)
        tpu.yield
      }) : () -> ()
    } else {
    }
    %eq3A_86 = arith.constant 1 : i32
    %eq3A_87 = arith.cmpi eq, %arg0, %eq3A_86 : i32
    %convert_element_type3A_88 = arith.extui %eq3A_87 : i1 to i32
    %cond3A_89 = arith.constant 0 : i32
    %cond3A_90 = arith.cmpi ne, %convert_element_type3A_88, %cond3A_89 : i32
    scf.if %cond3A_90 {
      %run_scoped3A = arith.constant 3 : i32
      "tpu.region"() ({
        %run_scoped3A_385 = tpu.sem_alloc : memref<!tpu.dma_semaphore, #tpu.memory_space<semaphore_mem>>
        %dma_start3A = arith.constant 0 : i32
        %dma_start3A_386 = tpu.memref_slice %arg4[%run_scoped3A, %add3A_80, %dma_start3A] : memref<4x25088x128xf32, #tpu.memory_space<hbm>> -> memref<1x392x128xf32, #tpu.memory_space<hbm>>
        %dma_start3A_387 = tpu.memref_squeeze %dma_start3A_386 : memref<1x392x128xf32, #tpu.memory_space<hbm>> -> memref<392x128xf32, #tpu.memory_space<hbm>>
        %dma_start3A_388 = arith.constant 0 : i32
        %dma_start3A_389 = tpu.memref_slice %arg11[%mul3A_2, %dma_start3A_388] : memref<6280x128xf32, #tpu.memory_space<vmem_shared>> -> memref<392x128xf32, #tpu.memory_space<vmem_shared>>
        tpu.enqueue_dma source(%dma_start3A_389 : memref<392x128xf32, #tpu.memory_space<vmem_shared>>) target(%dma_start3A_387 : memref<392x128xf32, #tpu.memory_space<hbm>>) target_semaphore(%run_scoped3A_385 : memref<!tpu.dma_semaphore, #tpu.memory_space<semaphore_mem>>)
        %dma_wait3A = arith.constant 0 : i32
        %dma_wait3A_390 = tpu.memref_slice %arg4[%run_scoped3A, %add3A_80, %dma_wait3A] : memref<4x25088x128xf32, #tpu.memory_space<hbm>> -> memref<1x392x128xf32, #tpu.memory_space<hbm>>
        %dma_wait3A_391 = tpu.memref_squeeze %dma_wait3A_390 : memref<1x392x128xf32, #tpu.memory_space<hbm>> -> memref<392x128xf32, #tpu.memory_space<hbm>>
        %dma_wait3A_392 = arith.constant 0 : i32
        %dma_wait3A_393 = tpu.memref_slice %arg11[%mul3A_2, %dma_wait3A_392] : memref<6280x128xf32, #tpu.memory_space<vmem_shared>> -> memref<392x128xf32, #tpu.memory_space<vmem_shared>>
        tpu.wait_dma2 semaphore(%run_scoped3A_385 : memref<!tpu.dma_semaphore, #tpu.memory_space<semaphore_mem>>) src(%dma_wait3A_393 : memref<392x128xf32, #tpu.memory_space<vmem_shared>>) dst(%dma_wait3A_391 : memref<392x128xf32, #tpu.memory_space<hbm>>)
        tpu.yield
      }) : () -> ()
    } else {
    }
    %barrier3A_91 = arith.constant 0 : index
    tpu.barrier barrier_id(%barrier3A_91)
    %eq3A_92 = arith.constant 0 : i32
    %eq3A_93 = arith.cmpi eq, %arg0, %eq3A_92 : i32
    %convert_element_type3A_94 = arith.extui %eq3A_93 : i1 to i32
    %cond3A_95 = arith.constant 0 : i32
    %cond3A_96 = arith.cmpi ne, %convert_element_type3A_94, %cond3A_95 : i32
    scf.if %cond3A_96 {
      %add3A_385 = arith.constant 0 : i32
      %add3A_386 = arith.addi %mul3A_2, %add3A_385 : i32
      "tpu.region"() ({
        %run_scoped3A = tpu.sem_alloc : memref<!tpu.dma_semaphore, #tpu.memory_space<semaphore_mem>>
        %dma_start3A = arith.constant 0 : i32
        %dma_start3A_399 = tpu.memref_slice %arg11[%add3A_386, %dma_start3A] : memref<6280x128xf32, #tpu.memory_space<vmem_shared>> -> memref<56x128xf32, #tpu.memory_space<vmem_shared>>
        %dma_start3A_400 = arith.constant 0 : i32
        %dma_start3A_401 = tpu.memref_slice %arg11[%add3A_386, %dma_start3A_400] : memref<6280x128xf32, #tpu.memory_space<vmem_shared>> -> memref<56x128xf32, #tpu.memory_space<vmem_shared>>
        tpu.enqueue_dma source(%arg9 : memref<56x128xf32, #tpu.memory_space<vmem>>) target(%dma_start3A_401 : memref<56x128xf32, #tpu.memory_space<vmem_shared>>) target_semaphore(%run_scoped3A : memref<!tpu.dma_semaphore, #tpu.memory_space<semaphore_mem>>)
        %dma_wait3A = arith.constant 0 : i32
        %dma_wait3A_402 = tpu.memref_slice %arg11[%add3A_386, %dma_wait3A] : memref<6280x128xf32, #tpu.memory_space<vmem_shared>> -> memref<56x128xf32, #tpu.memory_space<vmem_shared>>
        %dma_wait3A_403 = arith.constant 0 : i32
        %dma_wait3A_404 = tpu.memref_slice %arg11[%add3A_386, %dma_wait3A_403] : memref<6280x128xf32, #tpu.memory_space<vmem_shared>> -> memref<56x128xf32, #tpu.memory_space<vmem_shared>>
        tpu.wait_dma2 semaphore(%run_scoped3A : memref<!tpu.dma_semaphore, #tpu.memory_space<semaphore_mem>>) src(%arg9 : memref<56x128xf32, #tpu.memory_space<vmem>>) dst(%dma_wait3A_404 : memref<56x128xf32, #tpu.memory_space<vmem_shared>>)
        tpu.yield
      }) : () -> ()
      %add3A_387 = arith.constant 56 : i32
      %add3A_388 = arith.addi %mul3A_2, %add3A_387 : i32
      "tpu.region"() ({
        %run_scoped3A = tpu.sem_alloc : memref<!tpu.dma_semaphore, #tpu.memory_space<semaphore_mem>>
        %dma_start3A = arith.constant 0 : i32
        %dma_start3A_399 = tpu.memref_slice %arg11[%add3A_388, %dma_start3A] : memref<6280x128xf32, #tpu.memory_space<vmem_shared>> -> memref<56x128xf32, #tpu.memory_space<vmem_shared>>
        %dma_start3A_400 = arith.constant 0 : i32
        %dma_start3A_401 = tpu.memref_slice %arg11[%add3A_388, %dma_start3A_400] : memref<6280x128xf32, #tpu.memory_space<vmem_shared>> -> memref<56x128xf32, #tpu.memory_space<vmem_shared>>
        tpu.enqueue_dma source(%arg9 : memref<56x128xf32, #tpu.memory_space<vmem>>) target(%dma_start3A_401 : memref<56x128xf32, #tpu.memory_space<vmem_shared>>) target_semaphore(%run_scoped3A : memref<!tpu.dma_semaphore, #tpu.memory_space<semaphore_mem>>)
        %dma_wait3A = arith.constant 0 : i32
        %dma_wait3A_402 = tpu.memref_slice %arg11[%add3A_388, %dma_wait3A] : memref<6280x128xf32, #tpu.memory_space<vmem_shared>> -> memref<56x128xf32, #tpu.memory_space<vmem_shared>>
        %dma_wait3A_403 = arith.constant 0 : i32
        %dma_wait3A_404 = tpu.memref_slice %arg11[%add3A_388, %dma_wait3A_403] : memref<6280x128xf32, #tpu.memory_space<vmem_shared>> -> memref<56x128xf32, #tpu.memory_space<vmem_shared>>
        tpu.wait_dma2 semaphore(%run_scoped3A : memref<!tpu.dma_semaphore, #tpu.memory_space<semaphore_mem>>) src(%arg9 : memref<56x128xf32, #tpu.memory_space<vmem>>) dst(%dma_wait3A_404 : memref<56x128xf32, #tpu.memory_space<vmem_shared>>)
        tpu.yield
      }) : () -> ()
      %add3A_389 = arith.constant 112 : i32
      %add3A_390 = arith.addi %mul3A_2, %add3A_389 : i32
      "tpu.region"() ({
        %run_scoped3A = tpu.sem_alloc : memref<!tpu.dma_semaphore, #tpu.memory_space<semaphore_mem>>
        %dma_start3A = arith.constant 0 : i32
        %dma_start3A_399 = tpu.memref_slice %arg11[%add3A_390, %dma_start3A] : memref<6280x128xf32, #tpu.memory_space<vmem_shared>> -> memref<56x128xf32, #tpu.memory_space<vmem_shared>>
        %dma_start3A_400 = arith.constant 0 : i32
        %dma_start3A_401 = tpu.memref_slice %arg11[%add3A_390, %dma_start3A_400] : memref<6280x128xf32, #tpu.memory_space<vmem_shared>> -> memref<56x128xf32, #tpu.memory_space<vmem_shared>>
        tpu.enqueue_dma source(%arg9 : memref<56x128xf32, #tpu.memory_space<vmem>>) target(%dma_start3A_401 : memref<56x128xf32, #tpu.memory_space<vmem_shared>>) target_semaphore(%run_scoped3A : memref<!tpu.dma_semaphore, #tpu.memory_space<semaphore_mem>>)
        %dma_wait3A = arith.constant 0 : i32
        %dma_wait3A_402 = tpu.memref_slice %arg11[%add3A_390, %dma_wait3A] : memref<6280x128xf32, #tpu.memory_space<vmem_shared>> -> memref<56x128xf32, #tpu.memory_space<vmem_shared>>
        %dma_wait3A_403 = arith.constant 0 : i32
        %dma_wait3A_404 = tpu.memref_slice %arg11[%add3A_390, %dma_wait3A_403] : memref<6280x128xf32, #tpu.memory_space<vmem_shared>> -> memref<56x128xf32, #tpu.memory_space<vmem_shared>>
        tpu.wait_dma2 semaphore(%run_scoped3A : memref<!tpu.dma_semaphore, #tpu.memory_space<semaphore_mem>>) src(%arg9 : memref<56x128xf32, #tpu.memory_space<vmem>>) dst(%dma_wait3A_404 : memref<56x128xf32, #tpu.memory_space<vmem_shared>>)
        tpu.yield
      }) : () -> ()
      %add3A_391 = arith.constant 168 : i32
      %add3A_392 = arith.addi %mul3A_2, %add3A_391 : i32
      "tpu.region"() ({
        %run_scoped3A = tpu.sem_alloc : memref<!tpu.dma_semaphore, #tpu.memory_space<semaphore_mem>>
        %dma_start3A = arith.constant 0 : i32
        %dma_start3A_399 = tpu.memref_slice %arg11[%add3A_392, %dma_start3A] : memref<6280x128xf32, #tpu.memory_space<vmem_shared>> -> memref<56x128xf32, #tpu.memory_space<vmem_shared>>
        %dma_start3A_400 = arith.constant 0 : i32
        %dma_start3A_401 = tpu.memref_slice %arg11[%add3A_392, %dma_start3A_400] : memref<6280x128xf32, #tpu.memory_space<vmem_shared>> -> memref<56x128xf32, #tpu.memory_space<vmem_shared>>
        tpu.enqueue_dma source(%arg9 : memref<56x128xf32, #tpu.memory_space<vmem>>) target(%dma_start3A_401 : memref<56x128xf32, #tpu.memory_space<vmem_shared>>) target_semaphore(%run_scoped3A : memref<!tpu.dma_semaphore, #tpu.memory_space<semaphore_mem>>)
        %dma_wait3A = arith.constant 0 : i32
        %dma_wait3A_402 = tpu.memref_slice %arg11[%add3A_392, %dma_wait3A] : memref<6280x128xf32, #tpu.memory_space<vmem_shared>> -> memref<56x128xf32, #tpu.memory_space<vmem_shared>>
        %dma_wait3A_403 = arith.constant 0 : i32
        %dma_wait3A_404 = tpu.memref_slice %arg11[%add3A_392, %dma_wait3A_403] : memref<6280x128xf32, #tpu.memory_space<vmem_shared>> -> memref<56x128xf32, #tpu.memory_space<vmem_shared>>
        tpu.wait_dma2 semaphore(%run_scoped3A : memref<!tpu.dma_semaphore, #tpu.memory_space<semaphore_mem>>) src(%arg9 : memref<56x128xf32, #tpu.memory_space<vmem>>) dst(%dma_wait3A_404 : memref<56x128xf32, #tpu.memory_space<vmem_shared>>)
        tpu.yield
      }) : () -> ()
      %add3A_393 = arith.constant 224 : i32
      %add3A_394 = arith.addi %mul3A_2, %add3A_393 : i32
      "tpu.region"() ({
        %run_scoped3A = tpu.sem_alloc : memref<!tpu.dma_semaphore, #tpu.memory_space<semaphore_mem>>
        %dma_start3A = arith.constant 0 : i32
        %dma_start3A_399 = tpu.memref_slice %arg11[%add3A_394, %dma_start3A] : memref<6280x128xf32, #tpu.memory_space<vmem_shared>> -> memref<56x128xf32, #tpu.memory_space<vmem_shared>>
        %dma_start3A_400 = arith.constant 0 : i32
        %dma_start3A_401 = tpu.memref_slice %arg11[%add3A_394, %dma_start3A_400] : memref<6280x128xf32, #tpu.memory_space<vmem_shared>> -> memref<56x128xf32, #tpu.memory_space<vmem_shared>>
        tpu.enqueue_dma source(%arg9 : memref<56x128xf32, #tpu.memory_space<vmem>>) target(%dma_start3A_401 : memref<56x128xf32, #tpu.memory_space<vmem_shared>>) target_semaphore(%run_scoped3A : memref<!tpu.dma_semaphore, #tpu.memory_space<semaphore_mem>>)
        %dma_wait3A = arith.constant 0 : i32
        %dma_wait3A_402 = tpu.memref_slice %arg11[%add3A_394, %dma_wait3A] : memref<6280x128xf32, #tpu.memory_space<vmem_shared>> -> memref<56x128xf32, #tpu.memory_space<vmem_shared>>
        %dma_wait3A_403 = arith.constant 0 : i32
        %dma_wait3A_404 = tpu.memref_slice %arg11[%add3A_394, %dma_wait3A_403] : memref<6280x128xf32, #tpu.memory_space<vmem_shared>> -> memref<56x128xf32, #tpu.memory_space<vmem_shared>>
        tpu.wait_dma2 semaphore(%run_scoped3A : memref<!tpu.dma_semaphore, #tpu.memory_space<semaphore_mem>>) src(%arg9 : memref<56x128xf32, #tpu.memory_space<vmem>>) dst(%dma_wait3A_404 : memref<56x128xf32, #tpu.memory_space<vmem_shared>>)
        tpu.yield
      }) : () -> ()
      %add3A_395 = arith.constant 280 : i32
      %add3A_396 = arith.addi %mul3A_2, %add3A_395 : i32
      "tpu.region"() ({
        %run_scoped3A = tpu.sem_alloc : memref<!tpu.dma_semaphore, #tpu.memory_space<semaphore_mem>>
        %dma_start3A = arith.constant 0 : i32
        %dma_start3A_399 = tpu.memref_slice %arg11[%add3A_396, %dma_start3A] : memref<6280x128xf32, #tpu.memory_space<vmem_shared>> -> memref<56x128xf32, #tpu.memory_space<vmem_shared>>
        %dma_start3A_400 = arith.constant 0 : i32
        %dma_start3A_401 = tpu.memref_slice %arg11[%add3A_396, %dma_start3A_400] : memref<6280x128xf32, #tpu.memory_space<vmem_shared>> -> memref<56x128xf32, #tpu.memory_space<vmem_shared>>
        tpu.enqueue_dma source(%arg9 : memref<56x128xf32, #tpu.memory_space<vmem>>) target(%dma_start3A_401 : memref<56x128xf32, #tpu.memory_space<vmem_shared>>) target_semaphore(%run_scoped3A : memref<!tpu.dma_semaphore, #tpu.memory_space<semaphore_mem>>)
        %dma_wait3A = arith.constant 0 : i32
        %dma_wait3A_402 = tpu.memref_slice %arg11[%add3A_396, %dma_wait3A] : memref<6280x128xf32, #tpu.memory_space<vmem_shared>> -> memref<56x128xf32, #tpu.memory_space<vmem_shared>>
        %dma_wait3A_403 = arith.constant 0 : i32
        %dma_wait3A_404 = tpu.memref_slice %arg11[%add3A_396, %dma_wait3A_403] : memref<6280x128xf32, #tpu.memory_space<vmem_shared>> -> memref<56x128xf32, #tpu.memory_space<vmem_shared>>
        tpu.wait_dma2 semaphore(%run_scoped3A : memref<!tpu.dma_semaphore, #tpu.memory_space<semaphore_mem>>) src(%arg9 : memref<56x128xf32, #tpu.memory_space<vmem>>) dst(%dma_wait3A_404 : memref<56x128xf32, #tpu.memory_space<vmem_shared>>)
        tpu.yield
      }) : () -> ()
      %add3A_397 = arith.constant 336 : i32
      %add3A_398 = arith.addi %mul3A_2, %add3A_397 : i32
      "tpu.region"() ({
        %run_scoped3A = tpu.sem_alloc : memref<!tpu.dma_semaphore, #tpu.memory_space<semaphore_mem>>
        %dma_start3A = arith.constant 0 : i32
        %dma_start3A_399 = tpu.memref_slice %arg11[%add3A_398, %dma_start3A] : memref<6280x128xf32, #tpu.memory_space<vmem_shared>> -> memref<56x128xf32, #tpu.memory_space<vmem_shared>>
        %dma_start3A_400 = arith.constant 0 : i32
        %dma_start3A_401 = tpu.memref_slice %arg11[%add3A_398, %dma_start3A_400] : memref<6280x128xf32, #tpu.memory_space<vmem_shared>> -> memref<56x128xf32, #tpu.memory_space<vmem_shared>>
        tpu.enqueue_dma source(%arg9 : memref<56x128xf32, #tpu.memory_space<vmem>>) target(%dma_start3A_401 : memref<56x128xf32, #tpu.memory_space<vmem_shared>>) target_semaphore(%run_scoped3A : memref<!tpu.dma_semaphore, #tpu.memory_space<semaphore_mem>>)
        %dma_wait3A = arith.constant 0 : i32
        %dma_wait3A_402 = tpu.memref_slice %arg11[%add3A_398, %dma_wait3A] : memref<6280x128xf32, #tpu.memory_space<vmem_shared>> -> memref<56x128xf32, #tpu.memory_space<vmem_shared>>
        %dma_wait3A_403 = arith.constant 0 : i32
        %dma_wait3A_404 = tpu.memref_slice %arg11[%add3A_398, %dma_wait3A_403] : memref<6280x128xf32, #tpu.memory_space<vmem_shared>> -> memref<56x128xf32, #tpu.memory_space<vmem_shared>>
        tpu.wait_dma2 semaphore(%run_scoped3A : memref<!tpu.dma_semaphore, #tpu.memory_space<semaphore_mem>>) src(%arg9 : memref<56x128xf32, #tpu.memory_space<vmem>>) dst(%dma_wait3A_404 : memref<56x128xf32, #tpu.memory_space<vmem_shared>>)
        tpu.yield
      }) : () -> ()
    } else {
    }
    %barrier3A_97 = arith.constant 0 : index
    tpu.barrier barrier_id(%barrier3A_97)
    %convert_element_type3A_98 = arith.extui %eq3A_93 : i1 to i32
    %cond3A_99 = arith.constant 0 : i32
    %cond3A_100 = arith.cmpi ne, %convert_element_type3A_98, %cond3A_99 : i32
    scf.if %cond3A_100 {
      %scan3A_385 = arith.constant 0 : i32
      %scan3A_386 = arith.constant 0 : i32
      %scan3A_387 = arith.constant 50 : i32
      %scan3A_388 = arith.addi %scan3A_386, %scan3A_387 : i32
      %scan3A_389 = arith.constant 1 : i32
      %scan3A_390 = scf.for %scan3A_392 = %scan3A_386 to %scan3A_388 step %scan3A_389 iter_args(%scan3A_393 = %scan3A_385) -> (i32)  : i32 {
        "tpu.region"() ({
          %run_scoped3A = tpu.sem_alloc : memref<!tpu.dma_semaphore, #tpu.memory_space<semaphore_mem>>
          %dma_start3A = arith.constant 0 : i32
          %dma_start3A_395 = tpu.memref_slice %arg7[%scan3A_392, %dma_start3A] : memref<56x128xi32, #tpu.memory_space<vmem>> -> memref<1x128xi32, #tpu.memory_space<vmem>>
          %dma_start3A_396 = tpu.memref_squeeze %dma_start3A_395 : memref<1x128xi32, #tpu.memory_space<vmem>> -> memref<128xi32, #tpu.memory_space<vmem>>
          %dma_start3A_397 = arith.constant 0 : i32
          %dma_start3A_398 = arith.constant 0 : i32
          %dma_start3A_399 = tpu.memref_slice %arg11[%dma_start3A_397, %dma_start3A_398] : memref<6280x128xf32, #tpu.memory_space<vmem_shared>> -> memref<6280x128xf32, #tpu.memory_space<vmem_shared>>
          tpu.enqueue_indirect_dma source(%arg10 : memref<128x128xf32, #tpu.memory_space<vmem>>) target(%dma_start3A_399 : memref<6280x128xf32, #tpu.memory_space<vmem_shared>>) offsets(%dma_start3A_396 : memref<128xi32, #tpu.memory_space<vmem>>) semaphore(%run_scoped3A : memref<!tpu.dma_semaphore, #tpu.memory_space<semaphore_mem>>) {add = true}
          %dma_wait3A = arith.constant 0 : i32
          %dma_wait3A_400 = tpu.memref_slice %arg7[%scan3A_392, %dma_wait3A] : memref<56x128xi32, #tpu.memory_space<vmem>> -> memref<1x128xi32, #tpu.memory_space<vmem>>
          %dma_wait3A_401 = tpu.memref_squeeze %dma_wait3A_400 : memref<1x128xi32, #tpu.memory_space<vmem>> -> memref<128xi32, #tpu.memory_space<vmem>>
          %dma_wait3A_402 = arith.constant 0 : i32
          %dma_wait3A_403 = arith.constant 0 : i32
          %dma_wait3A_404 = tpu.memref_slice %arg11[%dma_wait3A_402, %dma_wait3A_403] : memref<6280x128xf32, #tpu.memory_space<vmem_shared>> -> memref<6280x128xf32, #tpu.memory_space<vmem_shared>>
          tpu.wait_indirect_dma semaphore(%run_scoped3A : memref<!tpu.dma_semaphore, #tpu.memory_space<semaphore_mem>>) src(%arg10 : memref<128x128xf32, #tpu.memory_space<vmem>>) dst(%dma_wait3A_404 : memref<6280x128xf32, #tpu.memory_space<vmem_shared>>)
          tpu.yield
        }) : () -> ()
        %scan3A_394 = arith.constant 0 : i32
        scf.yield %scan3A_394 : i32
      }
      %scan3A_391 = arith.constant 50 : i32
    } else {
    }
    %barrier3A_101 = arith.constant 0 : index
    tpu.barrier barrier_id(%barrier3A_101)
    %convert_element_type3A_102 = arith.extui %eq3A_93 : i1 to i32
    %cond3A_103 = arith.constant 0 : i32
    %cond3A_104 = arith.cmpi ne, %convert_element_type3A_102, %cond3A_103 : i32
    scf.if %cond3A_104 {
      %add3A_385 = arith.constant 0 : i32
      %add3A_386 = arith.addi %add3A_385, %mul3A_2 : i32
      "tpu.region"() ({
        %run_scoped3A = tpu.sem_alloc : memref<!tpu.dma_semaphore, #tpu.memory_space<semaphore_mem>>
        %dma_start3A = arith.constant 0 : i32
        %dma_start3A_387 = tpu.memref_slice %arg5[%add3A_386, %dma_start3A] : memref<25088x128xf32, #tpu.memory_space<hbm>> -> memref<392x128xf32, #tpu.memory_space<hbm>>
        %dma_start3A_388 = arith.constant 0 : i32
        %dma_start3A_389 = tpu.memref_slice %arg11[%mul3A_2, %dma_start3A_388] : memref<6280x128xf32, #tpu.memory_space<vmem_shared>> -> memref<392x128xf32, #tpu.memory_space<vmem_shared>>
        tpu.enqueue_dma source(%dma_start3A_389 : memref<392x128xf32, #tpu.memory_space<vmem_shared>>) target(%dma_start3A_387 : memref<392x128xf32, #tpu.memory_space<hbm>>) target_semaphore(%run_scoped3A : memref<!tpu.dma_semaphore, #tpu.memory_space<semaphore_mem>>)
        %dma_wait3A = arith.constant 0 : i32
        %dma_wait3A_390 = tpu.memref_slice %arg5[%add3A_386, %dma_wait3A] : memref<25088x128xf32, #tpu.memory_space<hbm>> -> memref<392x128xf32, #tpu.memory_space<hbm>>
        %dma_wait3A_391 = arith.constant 0 : i32
        %dma_wait3A_392 = tpu.memref_slice %arg11[%mul3A_2, %dma_wait3A_391] : memref<6280x128xf32, #tpu.memory_space<vmem_shared>> -> memref<392x128xf32, #tpu.memory_space<vmem_shared>>
        tpu.wait_dma2 semaphore(%run_scoped3A : memref<!tpu.dma_semaphore, #tpu.memory_space<semaphore_mem>>) src(%dma_wait3A_392 : memref<392x128xf32, #tpu.memory_space<vmem_shared>>) dst(%dma_wait3A_390 : memref<392x128xf32, #tpu.memory_space<hbm>>)
        tpu.yield
      }) : () -> ()
    } else {
    }
    %barrier3A_105 = arith.constant 0 : index
    tpu.barrier barrier_id(%barrier3A_105)
    %scan3A_106 = arith.constant 0 : i32
    %scan3A_107 = arith.constant 0 : i32
    %scan3A_108 = arith.constant 50 : i32
    %scan3A_109 = arith.addi %scan3A_107, %scan3A_108 : i32
    %scan3A_110 = arith.constant 1 : i32
    %scan3A_111 = scf.for %scan3A_385 = %scan3A_107 to %scan3A_109 step %scan3A_110 iter_args(%scan3A_386 = %scan3A_106) -> (i32)  : i32 {
      %get3A = arith.index_cast %scan3A_385 : i32 to index
      %get3A_387 = arith.constant 0 : index
      %get3A_388 = tpu.vector_load %arg6[%get3A, %get3A_387] {strides = array<i32>} : memref<56x128xi32, #tpu.memory_space<vmem>>, vector<1x16xi32>,
      %get3A_389 = vector.shape_cast %get3A_388 : vector<1x16xi32> to vector<16xi32>
      %sub3A = arith.constant 6272 : i32
      %sub3A_390 = vector.broadcast %sub3A : i32 to vector<16xi32>
      %sub3A_391 = arith.subi %get3A_389, %sub3A_390 : vector<16xi32>
      %ge3A = arith.constant 0 : i32
      %ge3A_392 = vector.broadcast %ge3A : i32 to vector<16xi32>
      %ge3A_393 = arith.cmpi sge, %sub3A_391, %ge3A_392 : vector<16xi32>
      %lt3A = arith.constant 6272 : i32
      %lt3A_394 = vector.broadcast %lt3A : i32 to vector<16xi32>
      %lt3A_395 = arith.cmpi slt, %sub3A_391, %lt3A_394 : vector<16xi32>
      %and3A = arith.andi %ge3A_393, %lt3A_395 : vector<16xi1>
      %jit3A = arith.constant 6272 : i32
      %broadcast_in_dim3A = vector.broadcast %jit3A : i32 to vector<16xi32>
      %select_n3A = arith.select %and3A, %sub3A_391, %broadcast_in_dim3A : vector<16xi1>, vector<16xi32>
      %swap3A = arith.index_cast %scan3A_385 : i32 to index
      %swap3A_396 = arith.constant 0 : index
      %swap3A_397 = tpu.vector_load %arg7[%swap3A, %swap3A_396] {strides = array<i32>} : memref<56x128xi32, #tpu.memory_space<vmem>>, vector<1x16xi32>,
      %swap3A_398 = vector.shape_cast %swap3A_397 : vector<1x16xi32> to vector<16xi32>
      %swap3A_399 = vector.shape_cast %select_n3A : vector<16xi32> to vector<1x16xi32>
      tpu.vector_store %arg7[%swap3A, %swap3A_396], %swap3A_399 {strides = array<i32>} : memref<56x128xi32, #tpu.memory_space<vmem>>, vector<1x16xi32>,
      %get3A_400 = arith.index_cast %scan3A_385 : i32 to index
      %get3A_401 = arith.constant 16 : index
      %get3A_402 = tpu.vector_load %arg6[%get3A_400, %get3A_401] {strides = array<i32>} : memref<56x128xi32, #tpu.memory_space<vmem>>, vector<1x16xi32>,
      %get3A_403 = vector.shape_cast %get3A_402 : vector<1x16xi32> to vector<16xi32>
      %sub3A_404 = arith.constant 6272 : i32
      %sub3A_405 = vector.broadcast %sub3A_404 : i32 to vector<16xi32>
      %sub3A_406 = arith.subi %get3A_403, %sub3A_405 : vector<16xi32>
      %ge3A_407 = arith.constant 0 : i32
      %ge3A_408 = vector.broadcast %ge3A_407 : i32 to vector<16xi32>
      %ge3A_409 = arith.cmpi sge, %sub3A_406, %ge3A_408 : vector<16xi32>
      %lt3A_410 = arith.constant 6272 : i32
      %lt3A_411 = vector.broadcast %lt3A_410 : i32 to vector<16xi32>
      %lt3A_412 = arith.cmpi slt, %sub3A_406, %lt3A_411 : vector<16xi32>
      %and3A_413 = arith.andi %ge3A_409, %lt3A_412 : vector<16xi1>
      %jit3A_414 = arith.constant 6272 : i32
      %broadcast_in_dim3A_415 = vector.broadcast %jit3A_414 : i32 to vector<16xi32>
      %select_n3A_416 = arith.select %and3A_413, %sub3A_406, %broadcast_in_dim3A_415 : vector<16xi1>, vector<16xi32>
      %swap3A_417 = arith.index_cast %scan3A_385 : i32 to index
      %swap3A_418 = arith.constant 16 : index
      %swap3A_419 = tpu.vector_load %arg7[%swap3A_417, %swap3A_418] {strides = array<i32>} : memref<56x128xi32, #tpu.memory_space<vmem>>, vector<1x16xi32>,
      %swap3A_420 = vector.shape_cast %swap3A_419 : vector<1x16xi32> to vector<16xi32>
      %swap3A_421 = vector.shape_cast %select_n3A_416 : vector<16xi32> to vector<1x16xi32>
      tpu.vector_store %arg7[%swap3A_417, %swap3A_418], %swap3A_421 {strides = array<i32>} : memref<56x128xi32, #tpu.memory_space<vmem>>, vector<1x16xi32>,
      %get3A_422 = arith.index_cast %scan3A_385 : i32 to index
      %get3A_423 = arith.constant 32 : index
      %get3A_424 = tpu.vector_load %arg6[%get3A_422, %get3A_423] {strides = array<i32>} : memref<56x128xi32, #tpu.memory_space<vmem>>, vector<1x16xi32>,
      %get3A_425 = vector.shape_cast %get3A_424 : vector<1x16xi32> to vector<16xi32>
      %sub3A_426 = arith.constant 6272 : i32
      %sub3A_427 = vector.broadcast %sub3A_426 : i32 to vector<16xi32>
      %sub3A_428 = arith.subi %get3A_425, %sub3A_427 : vector<16xi32>
      %ge3A_429 = arith.constant 0 : i32
      %ge3A_430 = vector.broadcast %ge3A_429 : i32 to vector<16xi32>
      %ge3A_431 = arith.cmpi sge, %sub3A_428, %ge3A_430 : vector<16xi32>
      %lt3A_432 = arith.constant 6272 : i32
      %lt3A_433 = vector.broadcast %lt3A_432 : i32 to vector<16xi32>
      %lt3A_434 = arith.cmpi slt, %sub3A_428, %lt3A_433 : vector<16xi32>
      %and3A_435 = arith.andi %ge3A_431, %lt3A_434 : vector<16xi1>
      %jit3A_436 = arith.constant 6272 : i32
      %broadcast_in_dim3A_437 = vector.broadcast %jit3A_436 : i32 to vector<16xi32>
      %select_n3A_438 = arith.select %and3A_435, %sub3A_428, %broadcast_in_dim3A_437 : vector<16xi1>, vector<16xi32>
      %swap3A_439 = arith.index_cast %scan3A_385 : i32 to index
      %swap3A_440 = arith.constant 32 : index
      %swap3A_441 = tpu.vector_load %arg7[%swap3A_439, %swap3A_440] {strides = array<i32>} : memref<56x128xi32, #tpu.memory_space<vmem>>, vector<1x16xi32>,
      %swap3A_442 = vector.shape_cast %swap3A_441 : vector<1x16xi32> to vector<16xi32>
      %swap3A_443 = vector.shape_cast %select_n3A_438 : vector<16xi32> to vector<1x16xi32>
      tpu.vector_store %arg7[%swap3A_439, %swap3A_440], %swap3A_443 {strides = array<i32>} : memref<56x128xi32, #tpu.memory_space<vmem>>, vector<1x16xi32>,
      %get3A_444 = arith.index_cast %scan3A_385 : i32 to index
      %get3A_445 = arith.constant 48 : index
      %get3A_446 = tpu.vector_load %arg6[%get3A_444, %get3A_445] {strides = array<i32>} : memref<56x128xi32, #tpu.memory_space<vmem>>, vector<1x16xi32>,
      %get3A_447 = vector.shape_cast %get3A_446 : vector<1x16xi32> to vector<16xi32>
      %sub3A_448 = arith.constant 6272 : i32
      %sub3A_449 = vector.broadcast %sub3A_448 : i32 to vector<16xi32>
      %sub3A_450 = arith.subi %get3A_447, %sub3A_449 : vector<16xi32>
      %ge3A_451 = arith.constant 0 : i32
      %ge3A_452 = vector.broadcast %ge3A_451 : i32 to vector<16xi32>
      %ge3A_453 = arith.cmpi sge, %sub3A_450, %ge3A_452 : vector<16xi32>
      %lt3A_454 = arith.constant 6272 : i32
      %lt3A_455 = vector.broadcast %lt3A_454 : i32 to vector<16xi32>
      %lt3A_456 = arith.cmpi slt, %sub3A_450, %lt3A_455 : vector<16xi32>
      %and3A_457 = arith.andi %ge3A_453, %lt3A_456 : vector<16xi1>
      %jit3A_458 = arith.constant 6272 : i32
      %broadcast_in_dim3A_459 = vector.broadcast %jit3A_458 : i32 to vector<16xi32>
      %select_n3A_460 = arith.select %and3A_457, %sub3A_450, %broadcast_in_dim3A_459 : vector<16xi1>, vector<16xi32>
      %swap3A_461 = arith.index_cast %scan3A_385 : i32 to index
      %swap3A_462 = arith.constant 48 : index
      %swap3A_463 = tpu.vector_load %arg7[%swap3A_461, %swap3A_462] {strides = array<i32>} : memref<56x128xi32, #tpu.memory_space<vmem>>, vector<1x16xi32>,
      %swap3A_464 = vector.shape_cast %swap3A_463 : vector<1x16xi32> to vector<16xi32>
      %swap3A_465 = vector.shape_cast %select_n3A_460 : vector<16xi32> to vector<1x16xi32>
      tpu.vector_store %arg7[%swap3A_461, %swap3A_462], %swap3A_465 {strides = array<i32>} : memref<56x128xi32, #tpu.memory_space<vmem>>, vector<1x16xi32>,
      %get3A_466 = arith.index_cast %scan3A_385 : i32 to index
      %get3A_467 = arith.constant 64 : index
      %get3A_468 = tpu.vector_load %arg6[%get3A_466, %get3A_467] {strides = array<i32>} : memref<56x128xi32, #tpu.memory_space<vmem>>, vector<1x16xi32>,
      %get3A_469 = vector.shape_cast %get3A_468 : vector<1x16xi32> to vector<16xi32>
      %sub3A_470 = arith.constant 6272 : i32
      %sub3A_471 = vector.broadcast %sub3A_470 : i32 to vector<16xi32>
      %sub3A_472 = arith.subi %get3A_469, %sub3A_471 : vector<16xi32>
      %ge3A_473 = arith.constant 0 : i32
      %ge3A_474 = vector.broadcast %ge3A_473 : i32 to vector<16xi32>
      %ge3A_475 = arith.cmpi sge, %sub3A_472, %ge3A_474 : vector<16xi32>
      %lt3A_476 = arith.constant 6272 : i32
      %lt3A_477 = vector.broadcast %lt3A_476 : i32 to vector<16xi32>
      %lt3A_478 = arith.cmpi slt, %sub3A_472, %lt3A_477 : vector<16xi32>
      %and3A_479 = arith.andi %ge3A_475, %lt3A_478 : vector<16xi1>
      %jit3A_480 = arith.constant 6272 : i32
      %broadcast_in_dim3A_481 = vector.broadcast %jit3A_480 : i32 to vector<16xi32>
      %select_n3A_482 = arith.select %and3A_479, %sub3A_472, %broadcast_in_dim3A_481 : vector<16xi1>, vector<16xi32>
      %swap3A_483 = arith.index_cast %scan3A_385 : i32 to index
      %swap3A_484 = arith.constant 64 : index
      %swap3A_485 = tpu.vector_load %arg7[%swap3A_483, %swap3A_484] {strides = array<i32>} : memref<56x128xi32, #tpu.memory_space<vmem>>, vector<1x16xi32>,
      %swap3A_486 = vector.shape_cast %swap3A_485 : vector<1x16xi32> to vector<16xi32>
      %swap3A_487 = vector.shape_cast %select_n3A_482 : vector<16xi32> to vector<1x16xi32>
      tpu.vector_store %arg7[%swap3A_483, %swap3A_484], %swap3A_487 {strides = array<i32>} : memref<56x128xi32, #tpu.memory_space<vmem>>, vector<1x16xi32>,
      %get3A_488 = arith.index_cast %scan3A_385 : i32 to index
      %get3A_489 = arith.constant 80 : index
      %get3A_490 = tpu.vector_load %arg6[%get3A_488, %get3A_489] {strides = array<i32>} : memref<56x128xi32, #tpu.memory_space<vmem>>, vector<1x16xi32>,
      %get3A_491 = vector.shape_cast %get3A_490 : vector<1x16xi32> to vector<16xi32>
      %sub3A_492 = arith.constant 6272 : i32
      %sub3A_493 = vector.broadcast %sub3A_492 : i32 to vector<16xi32>
      %sub3A_494 = arith.subi %get3A_491, %sub3A_493 : vector<16xi32>
      %ge3A_495 = arith.constant 0 : i32
      %ge3A_496 = vector.broadcast %ge3A_495 : i32 to vector<16xi32>
      %ge3A_497 = arith.cmpi sge, %sub3A_494, %ge3A_496 : vector<16xi32>
      %lt3A_498 = arith.constant 6272 : i32
      %lt3A_499 = vector.broadcast %lt3A_498 : i32 to vector<16xi32>
      %lt3A_500 = arith.cmpi slt, %sub3A_494, %lt3A_499 : vector<16xi32>
      %and3A_501 = arith.andi %ge3A_497, %lt3A_500 : vector<16xi1>
      %jit3A_502 = arith.constant 6272 : i32
      %broadcast_in_dim3A_503 = vector.broadcast %jit3A_502 : i32 to vector<16xi32>
      %select_n3A_504 = arith.select %and3A_501, %sub3A_494, %broadcast_in_dim3A_503 : vector<16xi1>, vector<16xi32>
      %swap3A_505 = arith.index_cast %scan3A_385 : i32 to index
      %swap3A_506 = arith.constant 80 : index
      %swap3A_507 = tpu.vector_load %arg7[%swap3A_505, %swap3A_506] {strides = array<i32>} : memref<56x128xi32, #tpu.memory_space<vmem>>, vector<1x16xi32>,
      %swap3A_508 = vector.shape_cast %swap3A_507 : vector<1x16xi32> to vector<16xi32>
      %swap3A_509 = vector.shape_cast %select_n3A_504 : vector<16xi32> to vector<1x16xi32>
      tpu.vector_store %arg7[%swap3A_505, %swap3A_506], %swap3A_509 {strides = array<i32>} : memref<56x128xi32, #tpu.memory_space<vmem>>, vector<1x16xi32>,
      %get3A_510 = arith.index_cast %scan3A_385 : i32 to index
      %get3A_511 = arith.constant 96 : index
      %get3A_512 = tpu.vector_load %arg6[%get3A_510, %get3A_511] {strides = array<i32>} : memref<56x128xi32, #tpu.memory_space<vmem>>, vector<1x16xi32>,
      %get3A_513 = vector.shape_cast %get3A_512 : vector<1x16xi32> to vector<16xi32>
      %sub3A_514 = arith.constant 6272 : i32
      %sub3A_515 = vector.broadcast %sub3A_514 : i32 to vector<16xi32>
      %sub3A_516 = arith.subi %get3A_513, %sub3A_515 : vector<16xi32>
      %ge3A_517 = arith.constant 0 : i32
      %ge3A_518 = vector.broadcast %ge3A_517 : i32 to vector<16xi32>
      %ge3A_519 = arith.cmpi sge, %sub3A_516, %ge3A_518 : vector<16xi32>
      %lt3A_520 = arith.constant 6272 : i32
      %lt3A_521 = vector.broadcast %lt3A_520 : i32 to vector<16xi32>
      %lt3A_522 = arith.cmpi slt, %sub3A_516, %lt3A_521 : vector<16xi32>
      %and3A_523 = arith.andi %ge3A_519, %lt3A_522 : vector<16xi1>
      %jit3A_524 = arith.constant 6272 : i32
      %broadcast_in_dim3A_525 = vector.broadcast %jit3A_524 : i32 to vector<16xi32>
      %select_n3A_526 = arith.select %and3A_523, %sub3A_516, %broadcast_in_dim3A_525 : vector<16xi1>, vector<16xi32>
      %swap3A_527 = arith.index_cast %scan3A_385 : i32 to index
      %swap3A_528 = arith.constant 96 : index
      %swap3A_529 = tpu.vector_load %arg7[%swap3A_527, %swap3A_528] {strides = array<i32>} : memref<56x128xi32, #tpu.memory_space<vmem>>, vector<1x16xi32>,
      %swap3A_530 = vector.shape_cast %swap3A_529 : vector<1x16xi32> to vector<16xi32>
      %swap3A_531 = vector.shape_cast %select_n3A_526 : vector<16xi32> to vector<1x16xi32>
      tpu.vector_store %arg7[%swap3A_527, %swap3A_528], %swap3A_531 {strides = array<i32>} : memref<56x128xi32, #tpu.memory_space<vmem>>, vector<1x16xi32>,
      %get3A_532 = arith.index_cast %scan3A_385 : i32 to index
      %get3A_533 = arith.constant 112 : index
      %get3A_534 = tpu.vector_load %arg6[%get3A_532, %get3A_533] {strides = array<i32>} : memref<56x128xi32, #tpu.memory_space<vmem>>, vector<1x16xi32>,
      %get3A_535 = vector.shape_cast %get3A_534 : vector<1x16xi32> to vector<16xi32>
      %sub3A_536 = arith.constant 6272 : i32
      %sub3A_537 = vector.broadcast %sub3A_536 : i32 to vector<16xi32>
      %sub3A_538 = arith.subi %get3A_535, %sub3A_537 : vector<16xi32>
      %ge3A_539 = arith.constant 0 : i32
      %ge3A_540 = vector.broadcast %ge3A_539 : i32 to vector<16xi32>
      %ge3A_541 = arith.cmpi sge, %sub3A_538, %ge3A_540 : vector<16xi32>
      %lt3A_542 = arith.constant 6272 : i32
      %lt3A_543 = vector.broadcast %lt3A_542 : i32 to vector<16xi32>
      %lt3A_544 = arith.cmpi slt, %sub3A_538, %lt3A_543 : vector<16xi32>
      %and3A_545 = arith.andi %ge3A_541, %lt3A_544 : vector<16xi1>
      %jit3A_546 = arith.constant 6272 : i32
      %broadcast_in_dim3A_547 = vector.broadcast %jit3A_546 : i32 to vector<16xi32>
      %select_n3A_548 = arith.select %and3A_545, %sub3A_538, %broadcast_in_dim3A_547 : vector<16xi1>, vector<16xi32>
      %swap3A_549 = arith.index_cast %scan3A_385 : i32 to index
      %swap3A_550 = arith.constant 112 : index
      %swap3A_551 = tpu.vector_load %arg7[%swap3A_549, %swap3A_550] {strides = array<i32>} : memref<56x128xi32, #tpu.memory_space<vmem>>, vector<1x16xi32>,
      %swap3A_552 = vector.shape_cast %swap3A_551 : vector<1x16xi32> to vector<16xi32>
      %swap3A_553 = vector.shape_cast %select_n3A_548 : vector<16xi32> to vector<1x16xi32>
      tpu.vector_store %arg7[%swap3A_549, %swap3A_550], %swap3A_553 {strides = array<i32>} : memref<56x128xi32, #tpu.memory_space<vmem>>, vector<1x16xi32>,
      %scan3A_554 = arith.constant 0 : i32
      scf.yield %scan3A_554 : i32
    }
    %scan3A_112 = arith.constant 50 : i32
    %add3A_113 = arith.constant 0 : i32
    %add3A_114 = arith.addi %mul3A_2, %add3A_113 : i32
    "tpu.region"() ({
      %run_scoped3A = tpu.sem_alloc : memref<!tpu.dma_semaphore, #tpu.memory_space<semaphore_mem>>
      %dma_start3A = arith.constant 0 : i32
      %dma_start3A_385 = tpu.memref_slice %arg11[%add3A_114, %dma_start3A] : memref<6280x128xf32, #tpu.memory_space<vmem_shared>> -> memref<56x128xf32, #tpu.memory_space<vmem_shared>>
      %dma_start3A_386 = arith.constant 0 : i32
      %dma_start3A_387 = tpu.memref_slice %arg11[%add3A_114, %dma_start3A_386] : memref<6280x128xf32, #tpu.memory_space<vmem_shared>> -> memref<56x128xf32, #tpu.memory_space<vmem_shared>>
      tpu.enqueue_dma source(%arg9 : memref<56x128xf32, #tpu.memory_space<vmem>>) target(%dma_start3A_387 : memref<56x128xf32, #tpu.memory_space<vmem_shared>>) target_semaphore(%run_scoped3A : memref<!tpu.dma_semaphore, #tpu.memory_space<semaphore_mem>>)
      %dma_wait3A = arith.constant 0 : i32
      %dma_wait3A_388 = tpu.memref_slice %arg11[%add3A_114, %dma_wait3A] : memref<6280x128xf32, #tpu.memory_space<vmem_shared>> -> memref<56x128xf32, #tpu.memory_space<vmem_shared>>
      %dma_wait3A_389 = arith.constant 0 : i32
      %dma_wait3A_390 = tpu.memref_slice %arg11[%add3A_114, %dma_wait3A_389] : memref<6280x128xf32, #tpu.memory_space<vmem_shared>> -> memref<56x128xf32, #tpu.memory_space<vmem_shared>>
      tpu.wait_dma2 semaphore(%run_scoped3A : memref<!tpu.dma_semaphore, #tpu.memory_space<semaphore_mem>>) src(%arg9 : memref<56x128xf32, #tpu.memory_space<vmem>>) dst(%dma_wait3A_390 : memref<56x128xf32, #tpu.memory_space<vmem_shared>>)
      tpu.yield
    }) : () -> ()
    %add3A_115 = arith.constant 56 : i32
    %add3A_116 = arith.addi %mul3A_2, %add3A_115 : i32
    "tpu.region"() ({
      %run_scoped3A = tpu.sem_alloc : memref<!tpu.dma_semaphore, #tpu.memory_space<semaphore_mem>>
      %dma_start3A = arith.constant 0 : i32
      %dma_start3A_385 = tpu.memref_slice %arg11[%add3A_116, %dma_start3A] : memref<6280x128xf32, #tpu.memory_space<vmem_shared>> -> memref<56x128xf32, #tpu.memory_space<vmem_shared>>
      %dma_start3A_386 = arith.constant 0 : i32
      %dma_start3A_387 = tpu.memref_slice %arg11[%add3A_116, %dma_start3A_386] : memref<6280x128xf32, #tpu.memory_space<vmem_shared>> -> memref<56x128xf32, #tpu.memory_space<vmem_shared>>
      tpu.enqueue_dma source(%arg9 : memref<56x128xf32, #tpu.memory_space<vmem>>) target(%dma_start3A_387 : memref<56x128xf32, #tpu.memory_space<vmem_shared>>) target_semaphore(%run_scoped3A : memref<!tpu.dma_semaphore, #tpu.memory_space<semaphore_mem>>)
      %dma_wait3A = arith.constant 0 : i32
      %dma_wait3A_388 = tpu.memref_slice %arg11[%add3A_116, %dma_wait3A] : memref<6280x128xf32, #tpu.memory_space<vmem_shared>> -> memref<56x128xf32, #tpu.memory_space<vmem_shared>>
      %dma_wait3A_389 = arith.constant 0 : i32
      %dma_wait3A_390 = tpu.memref_slice %arg11[%add3A_116, %dma_wait3A_389] : memref<6280x128xf32, #tpu.memory_space<vmem_shared>> -> memref<56x128xf32, #tpu.memory_space<vmem_shared>>
      tpu.wait_dma2 semaphore(%run_scoped3A : memref<!tpu.dma_semaphore, #tpu.memory_space<semaphore_mem>>) src(%arg9 : memref<56x128xf32, #tpu.memory_space<vmem>>) dst(%dma_wait3A_390 : memref<56x128xf32, #tpu.memory_space<vmem_shared>>)
      tpu.yield
    }) : () -> ()
    %add3A_117 = arith.constant 112 : i32
    %add3A_118 = arith.addi %mul3A_2, %add3A_117 : i32
    "tpu.region"() ({
      %run_scoped3A = tpu.sem_alloc : memref<!tpu.dma_semaphore, #tpu.memory_space<semaphore_mem>>
      %dma_start3A = arith.constant 0 : i32
      %dma_start3A_385 = tpu.memref_slice %arg11[%add3A_118, %dma_start3A] : memref<6280x128xf32, #tpu.memory_space<vmem_shared>> -> memref<56x128xf32, #tpu.memory_space<vmem_shared>>
      %dma_start3A_386 = arith.constant 0 : i32
      %dma_start3A_387 = tpu.memref_slice %arg11[%add3A_118, %dma_start3A_386] : memref<6280x128xf32, #tpu.memory_space<vmem_shared>> -> memref<56x128xf32, #tpu.memory_space<vmem_shared>>
      tpu.enqueue_dma source(%arg9 : memref<56x128xf32, #tpu.memory_space<vmem>>) target(%dma_start3A_387 : memref<56x128xf32, #tpu.memory_space<vmem_shared>>) target_semaphore(%run_scoped3A : memref<!tpu.dma_semaphore, #tpu.memory_space<semaphore_mem>>)
      %dma_wait3A = arith.constant 0 : i32
      %dma_wait3A_388 = tpu.memref_slice %arg11[%add3A_118, %dma_wait3A] : memref<6280x128xf32, #tpu.memory_space<vmem_shared>> -> memref<56x128xf32, #tpu.memory_space<vmem_shared>>
      %dma_wait3A_389 = arith.constant 0 : i32
      %dma_wait3A_390 = tpu.memref_slice %arg11[%add3A_118, %dma_wait3A_389] : memref<6280x128xf32, #tpu.memory_space<vmem_shared>> -> memref<56x128xf32, #tpu.memory_space<vmem_shared>>
      tpu.wait_dma2 semaphore(%run_scoped3A : memref<!tpu.dma_semaphore, #tpu.memory_space<semaphore_mem>>) src(%arg9 : memref<56x128xf32, #tpu.memory_space<vmem>>) dst(%dma_wait3A_390 : memref<56x128xf32, #tpu.memory_space<vmem_shared>>)
      tpu.yield
    }) : () -> ()
    %add3A_119 = arith.constant 168 : i32
    %add3A_120 = arith.addi %mul3A_2, %add3A_119 : i32
    "tpu.region"() ({
      %run_scoped3A = tpu.sem_alloc : memref<!tpu.dma_semaphore, #tpu.memory_space<semaphore_mem>>
      %dma_start3A = arith.constant 0 : i32
      %dma_start3A_385 = tpu.memref_slice %arg11[%add3A_120, %dma_start3A] : memref<6280x128xf32, #tpu.memory_space<vmem_shared>> -> memref<56x128xf32, #tpu.memory_space<vmem_shared>>
      %dma_start3A_386 = arith.constant 0 : i32
      %dma_start3A_387 = tpu.memref_slice %arg11[%add3A_120, %dma_start3A_386] : memref<6280x128xf32, #tpu.memory_space<vmem_shared>> -> memref<56x128xf32, #tpu.memory_space<vmem_shared>>
      tpu.enqueue_dma source(%arg9 : memref<56x128xf32, #tpu.memory_space<vmem>>) target(%dma_start3A_387 : memref<56x128xf32, #tpu.memory_space<vmem_shared>>) target_semaphore(%run_scoped3A : memref<!tpu.dma_semaphore, #tpu.memory_space<semaphore_mem>>)
      %dma_wait3A = arith.constant 0 : i32
      %dma_wait3A_388 = tpu.memref_slice %arg11[%add3A_120, %dma_wait3A] : memref<6280x128xf32, #tpu.memory_space<vmem_shared>> -> memref<56x128xf32, #tpu.memory_space<vmem_shared>>
      %dma_wait3A_389 = arith.constant 0 : i32
      %dma_wait3A_390 = tpu.memref_slice %arg11[%add3A_120, %dma_wait3A_389] : memref<6280x128xf32, #tpu.memory_space<vmem_shared>> -> memref<56x128xf32, #tpu.memory_space<vmem_shared>>
      tpu.wait_dma2 semaphore(%run_scoped3A : memref<!tpu.dma_semaphore, #tpu.memory_space<semaphore_mem>>) src(%arg9 : memref<56x128xf32, #tpu.memory_space<vmem>>) dst(%dma_wait3A_390 : memref<56x128xf32, #tpu.memory_space<vmem_shared>>)
      tpu.yield
    }) : () -> ()
    %add3A_121 = arith.constant 224 : i32
    %add3A_122 = arith.addi %mul3A_2, %add3A_121 : i32
    "tpu.region"() ({
      %run_scoped3A = tpu.sem_alloc : memref<!tpu.dma_semaphore, #tpu.memory_space<semaphore_mem>>
      %dma_start3A = arith.constant 0 : i32
      %dma_start3A_385 = tpu.memref_slice %arg11[%add3A_122, %dma_start3A] : memref<6280x128xf32, #tpu.memory_space<vmem_shared>> -> memref<56x128xf32, #tpu.memory_space<vmem_shared>>
      %dma_start3A_386 = arith.constant 0 : i32
      %dma_start3A_387 = tpu.memref_slice %arg11[%add3A_122, %dma_start3A_386] : memref<6280x128xf32, #tpu.memory_space<vmem_shared>> -> memref<56x128xf32, #tpu.memory_space<vmem_shared>>
      tpu.enqueue_dma source(%arg9 : memref<56x128xf32, #tpu.memory_space<vmem>>) target(%dma_start3A_387 : memref<56x128xf32, #tpu.memory_space<vmem_shared>>) target_semaphore(%run_scoped3A : memref<!tpu.dma_semaphore, #tpu.memory_space<semaphore_mem>>)
      %dma_wait3A = arith.constant 0 : i32
      %dma_wait3A_388 = tpu.memref_slice %arg11[%add3A_122, %dma_wait3A] : memref<6280x128xf32, #tpu.memory_space<vmem_shared>> -> memref<56x128xf32, #tpu.memory_space<vmem_shared>>
      %dma_wait3A_389 = arith.constant 0 : i32
      %dma_wait3A_390 = tpu.memref_slice %arg11[%add3A_122, %dma_wait3A_389] : memref<6280x128xf32, #tpu.memory_space<vmem_shared>> -> memref<56x128xf32, #tpu.memory_space<vmem_shared>>
      tpu.wait_dma2 semaphore(%run_scoped3A : memref<!tpu.dma_semaphore, #tpu.memory_space<semaphore_mem>>) src(%arg9 : memref<56x128xf32, #tpu.memory_space<vmem>>) dst(%dma_wait3A_390 : memref<56x128xf32, #tpu.memory_space<vmem_shared>>)
      tpu.yield
    }) : () -> ()
    %add3A_123 = arith.constant 280 : i32
    %add3A_124 = arith.addi %mul3A_2, %add3A_123 : i32
    "tpu.region"() ({
      %run_scoped3A = tpu.sem_alloc : memref<!tpu.dma_semaphore, #tpu.memory_space<semaphore_mem>>
      %dma_start3A = arith.constant 0 : i32
      %dma_start3A_385 = tpu.memref_slice %arg11[%add3A_124, %dma_start3A] : memref<6280x128xf32, #tpu.memory_space<vmem_shared>> -> memref<56x128xf32, #tpu.memory_space<vmem_shared>>
      %dma_start3A_386 = arith.constant 0 : i32
      %dma_start3A_387 = tpu.memref_slice %arg11[%add3A_124, %dma_start3A_386] : memref<6280x128xf32, #tpu.memory_space<vmem_shared>> -> memref<56x128xf32, #tpu.memory_space<vmem_shared>>
      tpu.enqueue_dma source(%arg9 : memref<56x128xf32, #tpu.memory_space<vmem>>) target(%dma_start3A_387 : memref<56x128xf32, #tpu.memory_space<vmem_shared>>) target_semaphore(%run_scoped3A : memref<!tpu.dma_semaphore, #tpu.memory_space<semaphore_mem>>)
      %dma_wait3A = arith.constant 0 : i32
      %dma_wait3A_388 = tpu.memref_slice %arg11[%add3A_124, %dma_wait3A] : memref<6280x128xf32, #tpu.memory_space<vmem_shared>> -> memref<56x128xf32, #tpu.memory_space<vmem_shared>>
      %dma_wait3A_389 = arith.constant 0 : i32
      %dma_wait3A_390 = tpu.memref_slice %arg11[%add3A_124, %dma_wait3A_389] : memref<6280x128xf32, #tpu.memory_space<vmem_shared>> -> memref<56x128xf32, #tpu.memory_space<vmem_shared>>
      tpu.wait_dma2 semaphore(%run_scoped3A : memref<!tpu.dma_semaphore, #tpu.memory_space<semaphore_mem>>) src(%arg9 : memref<56x128xf32, #tpu.memory_space<vmem>>) dst(%dma_wait3A_390 : memref<56x128xf32, #tpu.memory_space<vmem_shared>>)
      tpu.yield
    }) : () -> ()
    %add3A_125 = arith.constant 336 : i32
    %add3A_126 = arith.addi %mul3A_2, %add3A_125 : i32
    "tpu.region"() ({
      %run_scoped3A = tpu.sem_alloc : memref<!tpu.dma_semaphore, #tpu.memory_space<semaphore_mem>>
      %dma_start3A = arith.constant 0 : i32
      %dma_start3A_385 = tpu.memref_slice %arg11[%add3A_126, %dma_start3A] : memref<6280x128xf32, #tpu.memory_space<vmem_shared>> -> memref<56x128xf32, #tpu.memory_space<vmem_shared>>
      %dma_start3A_386 = arith.constant 0 : i32
      %dma_start3A_387 = tpu.memref_slice %arg11[%add3A_126, %dma_start3A_386] : memref<6280x128xf32, #tpu.memory_space<vmem_shared>> -> memref<56x128xf32, #tpu.memory_space<vmem_shared>>
      tpu.enqueue_dma source(%arg9 : memref<56x128xf32, #tpu.memory_space<vmem>>) target(%dma_start3A_387 : memref<56x128xf32, #tpu.memory_space<vmem_shared>>) target_semaphore(%run_scoped3A : memref<!tpu.dma_semaphore, #tpu.memory_space<semaphore_mem>>)
      %dma_wait3A = arith.constant 0 : i32
      %dma_wait3A_388 = tpu.memref_slice %arg11[%add3A_126, %dma_wait3A] : memref<6280x128xf32, #tpu.memory_space<vmem_shared>> -> memref<56x128xf32, #tpu.memory_space<vmem_shared>>
      %dma_wait3A_389 = arith.constant 0 : i32
      %dma_wait3A_390 = tpu.memref_slice %arg11[%add3A_126, %dma_wait3A_389] : memref<6280x128xf32, #tpu.memory_space<vmem_shared>> -> memref<56x128xf32, #tpu.memory_space<vmem_shared>>
      tpu.wait_dma2 semaphore(%run_scoped3A : memref<!tpu.dma_semaphore, #tpu.memory_space<semaphore_mem>>) src(%arg9 : memref<56x128xf32, #tpu.memory_space<vmem>>) dst(%dma_wait3A_390 : memref<56x128xf32, #tpu.memory_space<vmem_shared>>)
      tpu.yield
    }) : () -> ()
    %barrier3A_127 = arith.constant 0 : index
    tpu.barrier barrier_id(%barrier3A_127)
    %scan3A_128 = arith.constant 0 : i32
    %scan3A_129 = arith.constant 0 : i32
    %scan3A_130 = arith.constant 50 : i32
    %scan3A_131 = arith.addi %scan3A_129, %scan3A_130 : i32
    %scan3A_132 = arith.constant 1 : i32
    %scan3A_133 = scf.for %scan3A_385 = %scan3A_129 to %scan3A_131 step %scan3A_132 iter_args(%scan3A_386 = %scan3A_128) -> (i32)  : i32 {
      %mul3A_387 = arith.constant 2 : i32
      %mul3A_388 = arith.muli %arg0, %mul3A_387 : i32
      %add3A_389 = arith.constant 0 : i32
      %add3A_390 = arith.addi %mul3A_388, %add3A_389 : i32
      %mul3A_391 = arith.constant 128 : i32
      %mul3A_392 = arith.muli %add3A_390, %mul3A_391 : i32
      %mul3A_393 = arith.constant 128 : i32
      %mul3A_394 = arith.muli %scan3A_385, %mul3A_393 : i32
      %add3A_395 = arith.addi %mul3A_0, %mul3A_394 : i32
      "tpu.region"() ({
        %run_scoped3A = tpu.sem_alloc : memref<!tpu.dma_semaphore, #tpu.memory_space<semaphore_mem>>
        %dma_start3A = tpu.memref_slice %arg2[%add3A_395, %mul3A_392] : memref<102400x512xf32, #tpu.memory_space<hbm>> -> memref<128x128xf32, #tpu.memory_space<hbm>>
        %dma_start3A_397 = tpu.memref_slice %arg2[%add3A_395, %mul3A_392] : memref<102400x512xf32, #tpu.memory_space<hbm>> -> memref<128x128xf32, #tpu.memory_space<hbm>>
        tpu.enqueue_dma source(%dma_start3A_397 : memref<128x128xf32, #tpu.memory_space<hbm>>) target(%arg8 : memref<128x128xf32, #tpu.memory_space<vmem>>) target_semaphore(%run_scoped3A : memref<!tpu.dma_semaphore, #tpu.memory_space<semaphore_mem>>)
        %dma_wait3A = tpu.memref_slice %arg2[%add3A_395, %mul3A_392] : memref<102400x512xf32, #tpu.memory_space<hbm>> -> memref<128x128xf32, #tpu.memory_space<hbm>>
        %dma_wait3A_398 = tpu.memref_slice %arg2[%add3A_395, %mul3A_392] : memref<102400x512xf32, #tpu.memory_space<hbm>> -> memref<128x128xf32, #tpu.memory_space<hbm>>
        tpu.wait_dma2 semaphore(%run_scoped3A : memref<!tpu.dma_semaphore, #tpu.memory_space<semaphore_mem>>) src(%dma_wait3A_398 : memref<128x128xf32, #tpu.memory_space<hbm>>) dst(%arg8 : memref<128x128xf32, #tpu.memory_space<vmem>>)
        tpu.yield
      }) : () -> ()
      "tpu.region"() ({
        %run_scoped3A = tpu.sem_alloc : memref<!tpu.dma_semaphore, #tpu.memory_space<semaphore_mem>>
        %dma_start3A = arith.constant 0 : i32
        %dma_start3A_397 = tpu.memref_slice %arg7[%scan3A_385, %dma_start3A] : memref<56x128xi32, #tpu.memory_space<vmem>> -> memref<1x128xi32, #tpu.memory_space<vmem>>
        %dma_start3A_398 = tpu.memref_squeeze %dma_start3A_397 : memref<1x128xi32, #tpu.memory_space<vmem>> -> memref<128xi32, #tpu.memory_space<vmem>>
        %dma_start3A_399 = arith.constant 0 : i32
        %dma_start3A_400 = arith.constant 0 : i32
        %dma_start3A_401 = tpu.memref_slice %arg11[%dma_start3A_399, %dma_start3A_400] : memref<6280x128xf32, #tpu.memory_space<vmem_shared>> -> memref<6280x128xf32, #tpu.memory_space<vmem_shared>>
        tpu.enqueue_indirect_dma source(%arg8 : memref<128x128xf32, #tpu.memory_space<vmem>>) target(%dma_start3A_401 : memref<6280x128xf32, #tpu.memory_space<vmem_shared>>) offsets(%dma_start3A_398 : memref<128xi32, #tpu.memory_space<vmem>>) semaphore(%run_scoped3A : memref<!tpu.dma_semaphore, #tpu.memory_space<semaphore_mem>>) {add = true}
        %dma_wait3A = arith.constant 0 : i32
        %dma_wait3A_402 = tpu.memref_slice %arg7[%scan3A_385, %dma_wait3A] : memref<56x128xi32, #tpu.memory_space<vmem>> -> memref<1x128xi32, #tpu.memory_space<vmem>>
        %dma_wait3A_403 = tpu.memref_squeeze %dma_wait3A_402 : memref<1x128xi32, #tpu.memory_space<vmem>> -> memref<128xi32, #tpu.memory_space<vmem>>
        %dma_wait3A_404 = arith.constant 0 : i32
        %dma_wait3A_405 = arith.constant 0 : i32
        %dma_wait3A_406 = tpu.memref_slice %arg11[%dma_wait3A_404, %dma_wait3A_405] : memref<6280x128xf32, #tpu.memory_space<vmem_shared>> -> memref<6280x128xf32, #tpu.memory_space<vmem_shared>>
        tpu.wait_indirect_dma semaphore(%run_scoped3A : memref<!tpu.dma_semaphore, #tpu.memory_space<semaphore_mem>>) src(%arg8 : memref<128x128xf32, #tpu.memory_space<vmem>>) dst(%dma_wait3A_406 : memref<6280x128xf32, #tpu.memory_space<vmem_shared>>)
        tpu.yield
      }) : () -> ()
      %scan3A_396 = arith.constant 0 : i32
      scf.yield %scan3A_396 : i32
    }
    %scan3A_134 = arith.constant 50 : i32
    %barrier3A_135 = arith.constant 0 : index
    tpu.barrier barrier_id(%barrier3A_135)
    %add3A_136 = arith.constant 6272 : i32
    %add3A_137 = arith.addi %add3A_136, %mul3A_2 : i32
    %eq3A_138 = arith.constant 0 : i32
    %eq3A_139 = arith.cmpi eq, %arg0, %eq3A_138 : i32
    %convert_element_type3A_140 = arith.extui %eq3A_139 : i1 to i32
    %cond3A_141 = arith.constant 0 : i32
    %cond3A_142 = arith.cmpi ne, %convert_element_type3A_140, %cond3A_141 : i32
    scf.if %cond3A_142 {
      %run_scoped3A = arith.constant 0 : i32
      "tpu.region"() ({
        %run_scoped3A_385 = tpu.sem_alloc : memref<!tpu.dma_semaphore, #tpu.memory_space<semaphore_mem>>
        %dma_start3A = arith.constant 0 : i32
        %dma_start3A_386 = tpu.memref_slice %arg4[%run_scoped3A, %add3A_137, %dma_start3A] : memref<4x25088x128xf32, #tpu.memory_space<hbm>> -> memref<1x392x128xf32, #tpu.memory_space<hbm>>
        %dma_start3A_387 = tpu.memref_squeeze %dma_start3A_386 : memref<1x392x128xf32, #tpu.memory_space<hbm>> -> memref<392x128xf32, #tpu.memory_space<hbm>>
        %dma_start3A_388 = arith.constant 0 : i32
        %dma_start3A_389 = tpu.memref_slice %arg11[%mul3A_2, %dma_start3A_388] : memref<6280x128xf32, #tpu.memory_space<vmem_shared>> -> memref<392x128xf32, #tpu.memory_space<vmem_shared>>
        tpu.enqueue_dma source(%dma_start3A_389 : memref<392x128xf32, #tpu.memory_space<vmem_shared>>) target(%dma_start3A_387 : memref<392x128xf32, #tpu.memory_space<hbm>>) target_semaphore(%run_scoped3A_385 : memref<!tpu.dma_semaphore, #tpu.memory_space<semaphore_mem>>)
        %dma_wait3A = arith.constant 0 : i32
        %dma_wait3A_390 = tpu.memref_slice %arg4[%run_scoped3A, %add3A_137, %dma_wait3A] : memref<4x25088x128xf32, #tpu.memory_space<hbm>> -> memref<1x392x128xf32, #tpu.memory_space<hbm>>
        %dma_wait3A_391 = tpu.memref_squeeze %dma_wait3A_390 : memref<1x392x128xf32, #tpu.memory_space<hbm>> -> memref<392x128xf32, #tpu.memory_space<hbm>>
        %dma_wait3A_392 = arith.constant 0 : i32
        %dma_wait3A_393 = tpu.memref_slice %arg11[%mul3A_2, %dma_wait3A_392] : memref<6280x128xf32, #tpu.memory_space<vmem_shared>> -> memref<392x128xf32, #tpu.memory_space<vmem_shared>>
        tpu.wait_dma2 semaphore(%run_scoped3A_385 : memref<!tpu.dma_semaphore, #tpu.memory_space<semaphore_mem>>) src(%dma_wait3A_393 : memref<392x128xf32, #tpu.memory_space<vmem_shared>>) dst(%dma_wait3A_391 : memref<392x128xf32, #tpu.memory_space<hbm>>)
        tpu.yield
      }) : () -> ()
    } else {
    }
    %eq3A_143 = arith.constant 1 : i32
    %eq3A_144 = arith.cmpi eq, %arg0, %eq3A_143 : i32
    %convert_element_type3A_145 = arith.extui %eq3A_144 : i1 to i32
    %cond3A_146 = arith.constant 0 : i32
    %cond3A_147 = arith.cmpi ne, %convert_element_type3A_145, %cond3A_146 : i32
    scf.if %cond3A_147 {
      %run_scoped3A = arith.constant 2 : i32
      "tpu.region"() ({
        %run_scoped3A_385 = tpu.sem_alloc : memref<!tpu.dma_semaphore, #tpu.memory_space<semaphore_mem>>
        %dma_start3A = arith.constant 0 : i32
        %dma_start3A_386 = tpu.memref_slice %arg4[%run_scoped3A, %add3A_137, %dma_start3A] : memref<4x25088x128xf32, #tpu.memory_space<hbm>> -> memref<1x392x128xf32, #tpu.memory_space<hbm>>
        %dma_start3A_387 = tpu.memref_squeeze %dma_start3A_386 : memref<1x392x128xf32, #tpu.memory_space<hbm>> -> memref<392x128xf32, #tpu.memory_space<hbm>>
        %dma_start3A_388 = arith.constant 0 : i32
        %dma_start3A_389 = tpu.memref_slice %arg11[%mul3A_2, %dma_start3A_388] : memref<6280x128xf32, #tpu.memory_space<vmem_shared>> -> memref<392x128xf32, #tpu.memory_space<vmem_shared>>
        tpu.enqueue_dma source(%dma_start3A_389 : memref<392x128xf32, #tpu.memory_space<vmem_shared>>) target(%dma_start3A_387 : memref<392x128xf32, #tpu.memory_space<hbm>>) target_semaphore(%run_scoped3A_385 : memref<!tpu.dma_semaphore, #tpu.memory_space<semaphore_mem>>)
        %dma_wait3A = arith.constant 0 : i32
        %dma_wait3A_390 = tpu.memref_slice %arg4[%run_scoped3A, %add3A_137, %dma_wait3A] : memref<4x25088x128xf32, #tpu.memory_space<hbm>> -> memref<1x392x128xf32, #tpu.memory_space<hbm>>
        %dma_wait3A_391 = tpu.memref_squeeze %dma_wait3A_390 : memref<1x392x128xf32, #tpu.memory_space<hbm>> -> memref<392x128xf32, #tpu.memory_space<hbm>>
        %dma_wait3A_392 = arith.constant 0 : i32
        %dma_wait3A_393 = tpu.memref_slice %arg11[%mul3A_2, %dma_wait3A_392] : memref<6280x128xf32, #tpu.memory_space<vmem_shared>> -> memref<392x128xf32, #tpu.memory_space<vmem_shared>>
        tpu.wait_dma2 semaphore(%run_scoped3A_385 : memref<!tpu.dma_semaphore, #tpu.memory_space<semaphore_mem>>) src(%dma_wait3A_393 : memref<392x128xf32, #tpu.memory_space<vmem_shared>>) dst(%dma_wait3A_391 : memref<392x128xf32, #tpu.memory_space<hbm>>)
        tpu.yield
      }) : () -> ()
    } else {
    }
    %barrier3A_148 = arith.constant 0 : index
    tpu.barrier barrier_id(%barrier3A_148)
    %add3A_149 = arith.constant 0 : i32
    %add3A_150 = arith.addi %mul3A_2, %add3A_149 : i32
    "tpu.region"() ({
      %run_scoped3A = tpu.sem_alloc : memref<!tpu.dma_semaphore, #tpu.memory_space<semaphore_mem>>
      %dma_start3A = arith.constant 0 : i32
      %dma_start3A_385 = tpu.memref_slice %arg11[%add3A_150, %dma_start3A] : memref<6280x128xf32, #tpu.memory_space<vmem_shared>> -> memref<56x128xf32, #tpu.memory_space<vmem_shared>>
      %dma_start3A_386 = arith.constant 0 : i32
      %dma_start3A_387 = tpu.memref_slice %arg11[%add3A_150, %dma_start3A_386] : memref<6280x128xf32, #tpu.memory_space<vmem_shared>> -> memref<56x128xf32, #tpu.memory_space<vmem_shared>>
      tpu.enqueue_dma source(%arg9 : memref<56x128xf32, #tpu.memory_space<vmem>>) target(%dma_start3A_387 : memref<56x128xf32, #tpu.memory_space<vmem_shared>>) target_semaphore(%run_scoped3A : memref<!tpu.dma_semaphore, #tpu.memory_space<semaphore_mem>>)
      %dma_wait3A = arith.constant 0 : i32
      %dma_wait3A_388 = tpu.memref_slice %arg11[%add3A_150, %dma_wait3A] : memref<6280x128xf32, #tpu.memory_space<vmem_shared>> -> memref<56x128xf32, #tpu.memory_space<vmem_shared>>
      %dma_wait3A_389 = arith.constant 0 : i32
      %dma_wait3A_390 = tpu.memref_slice %arg11[%add3A_150, %dma_wait3A_389] : memref<6280x128xf32, #tpu.memory_space<vmem_shared>> -> memref<56x128xf32, #tpu.memory_space<vmem_shared>>
      tpu.wait_dma2 semaphore(%run_scoped3A : memref<!tpu.dma_semaphore, #tpu.memory_space<semaphore_mem>>) src(%arg9 : memref<56x128xf32, #tpu.memory_space<vmem>>) dst(%dma_wait3A_390 : memref<56x128xf32, #tpu.memory_space<vmem_shared>>)
      tpu.yield
    }) : () -> ()
    %add3A_151 = arith.constant 56 : i32
    %add3A_152 = arith.addi %mul3A_2, %add3A_151 : i32
    "tpu.region"() ({
      %run_scoped3A = tpu.sem_alloc : memref<!tpu.dma_semaphore, #tpu.memory_space<semaphore_mem>>
      %dma_start3A = arith.constant 0 : i32
      %dma_start3A_385 = tpu.memref_slice %arg11[%add3A_152, %dma_start3A] : memref<6280x128xf32, #tpu.memory_space<vmem_shared>> -> memref<56x128xf32, #tpu.memory_space<vmem_shared>>
      %dma_start3A_386 = arith.constant 0 : i32
      %dma_start3A_387 = tpu.memref_slice %arg11[%add3A_152, %dma_start3A_386] : memref<6280x128xf32, #tpu.memory_space<vmem_shared>> -> memref<56x128xf32, #tpu.memory_space<vmem_shared>>
      tpu.enqueue_dma source(%arg9 : memref<56x128xf32, #tpu.memory_space<vmem>>) target(%dma_start3A_387 : memref<56x128xf32, #tpu.memory_space<vmem_shared>>) target_semaphore(%run_scoped3A : memref<!tpu.dma_semaphore, #tpu.memory_space<semaphore_mem>>)
      %dma_wait3A = arith.constant 0 : i32
      %dma_wait3A_388 = tpu.memref_slice %arg11[%add3A_152, %dma_wait3A] : memref<6280x128xf32, #tpu.memory_space<vmem_shared>> -> memref<56x128xf32, #tpu.memory_space<vmem_shared>>
      %dma_wait3A_389 = arith.constant 0 : i32
      %dma_wait3A_390 = tpu.memref_slice %arg11[%add3A_152, %dma_wait3A_389] : memref<6280x128xf32, #tpu.memory_space<vmem_shared>> -> memref<56x128xf32, #tpu.memory_space<vmem_shared>>
      tpu.wait_dma2 semaphore(%run_scoped3A : memref<!tpu.dma_semaphore, #tpu.memory_space<semaphore_mem>>) src(%arg9 : memref<56x128xf32, #tpu.memory_space<vmem>>) dst(%dma_wait3A_390 : memref<56x128xf32, #tpu.memory_space<vmem_shared>>)
      tpu.yield
    }) : () -> ()
    %add3A_153 = arith.constant 112 : i32
    %add3A_154 = arith.addi %mul3A_2, %add3A_153 : i32
    "tpu.region"() ({
      %run_scoped3A = tpu.sem_alloc : memref<!tpu.dma_semaphore, #tpu.memory_space<semaphore_mem>>
      %dma_start3A = arith.constant 0 : i32
      %dma_start3A_385 = tpu.memref_slice %arg11[%add3A_154, %dma_start3A] : memref<6280x128xf32, #tpu.memory_space<vmem_shared>> -> memref<56x128xf32, #tpu.memory_space<vmem_shared>>
      %dma_start3A_386 = arith.constant 0 : i32
      %dma_start3A_387 = tpu.memref_slice %arg11[%add3A_154, %dma_start3A_386] : memref<6280x128xf32, #tpu.memory_space<vmem_shared>> -> memref<56x128xf32, #tpu.memory_space<vmem_shared>>
      tpu.enqueue_dma source(%arg9 : memref<56x128xf32, #tpu.memory_space<vmem>>) target(%dma_start3A_387 : memref<56x128xf32, #tpu.memory_space<vmem_shared>>) target_semaphore(%run_scoped3A : memref<!tpu.dma_semaphore, #tpu.memory_space<semaphore_mem>>)
      %dma_wait3A = arith.constant 0 : i32
      %dma_wait3A_388 = tpu.memref_slice %arg11[%add3A_154, %dma_wait3A] : memref<6280x128xf32, #tpu.memory_space<vmem_shared>> -> memref<56x128xf32, #tpu.memory_space<vmem_shared>>
      %dma_wait3A_389 = arith.constant 0 : i32
      %dma_wait3A_390 = tpu.memref_slice %arg11[%add3A_154, %dma_wait3A_389] : memref<6280x128xf32, #tpu.memory_space<vmem_shared>> -> memref<56x128xf32, #tpu.memory_space<vmem_shared>>
      tpu.wait_dma2 semaphore(%run_scoped3A : memref<!tpu.dma_semaphore, #tpu.memory_space<semaphore_mem>>) src(%arg9 : memref<56x128xf32, #tpu.memory_space<vmem>>) dst(%dma_wait3A_390 : memref<56x128xf32, #tpu.memory_space<vmem_shared>>)
      tpu.yield
    }) : () -> ()
    %add3A_155 = arith.constant 168 : i32
    %add3A_156 = arith.addi %mul3A_2, %add3A_155 : i32
    "tpu.region"() ({
      %run_scoped3A = tpu.sem_alloc : memref<!tpu.dma_semaphore, #tpu.memory_space<semaphore_mem>>
      %dma_start3A = arith.constant 0 : i32
      %dma_start3A_385 = tpu.memref_slice %arg11[%add3A_156, %dma_start3A] : memref<6280x128xf32, #tpu.memory_space<vmem_shared>> -> memref<56x128xf32, #tpu.memory_space<vmem_shared>>
      %dma_start3A_386 = arith.constant 0 : i32
      %dma_start3A_387 = tpu.memref_slice %arg11[%add3A_156, %dma_start3A_386] : memref<6280x128xf32, #tpu.memory_space<vmem_shared>> -> memref<56x128xf32, #tpu.memory_space<vmem_shared>>
      tpu.enqueue_dma source(%arg9 : memref<56x128xf32, #tpu.memory_space<vmem>>) target(%dma_start3A_387 : memref<56x128xf32, #tpu.memory_space<vmem_shared>>) target_semaphore(%run_scoped3A : memref<!tpu.dma_semaphore, #tpu.memory_space<semaphore_mem>>)
      %dma_wait3A = arith.constant 0 : i32
      %dma_wait3A_388 = tpu.memref_slice %arg11[%add3A_156, %dma_wait3A] : memref<6280x128xf32, #tpu.memory_space<vmem_shared>> -> memref<56x128xf32, #tpu.memory_space<vmem_shared>>
      %dma_wait3A_389 = arith.constant 0 : i32
      %dma_wait3A_390 = tpu.memref_slice %arg11[%add3A_156, %dma_wait3A_389] : memref<6280x128xf32, #tpu.memory_space<vmem_shared>> -> memref<56x128xf32, #tpu.memory_space<vmem_shared>>
      tpu.wait_dma2 semaphore(%run_scoped3A : memref<!tpu.dma_semaphore, #tpu.memory_space<semaphore_mem>>) src(%arg9 : memref<56x128xf32, #tpu.memory_space<vmem>>) dst(%dma_wait3A_390 : memref<56x128xf32, #tpu.memory_space<vmem_shared>>)
      tpu.yield
    }) : () -> ()
    %add3A_157 = arith.constant 224 : i32
    %add3A_158 = arith.addi %mul3A_2, %add3A_157 : i32
    "tpu.region"() ({
      %run_scoped3A = tpu.sem_alloc : memref<!tpu.dma_semaphore, #tpu.memory_space<semaphore_mem>>
      %dma_start3A = arith.constant 0 : i32
      %dma_start3A_385 = tpu.memref_slice %arg11[%add3A_158, %dma_start3A] : memref<6280x128xf32, #tpu.memory_space<vmem_shared>> -> memref<56x128xf32, #tpu.memory_space<vmem_shared>>
      %dma_start3A_386 = arith.constant 0 : i32
      %dma_start3A_387 = tpu.memref_slice %arg11[%add3A_158, %dma_start3A_386] : memref<6280x128xf32, #tpu.memory_space<vmem_shared>> -> memref<56x128xf32, #tpu.memory_space<vmem_shared>>
      tpu.enqueue_dma source(%arg9 : memref<56x128xf32, #tpu.memory_space<vmem>>) target(%dma_start3A_387 : memref<56x128xf32, #tpu.memory_space<vmem_shared>>) target_semaphore(%run_scoped3A : memref<!tpu.dma_semaphore, #tpu.memory_space<semaphore_mem>>)
      %dma_wait3A = arith.constant 0 : i32
      %dma_wait3A_388 = tpu.memref_slice %arg11[%add3A_158, %dma_wait3A] : memref<6280x128xf32, #tpu.memory_space<vmem_shared>> -> memref<56x128xf32, #tpu.memory_space<vmem_shared>>
      %dma_wait3A_389 = arith.constant 0 : i32
      %dma_wait3A_390 = tpu.memref_slice %arg11[%add3A_158, %dma_wait3A_389] : memref<6280x128xf32, #tpu.memory_space<vmem_shared>> -> memref<56x128xf32, #tpu.memory_space<vmem_shared>>
      tpu.wait_dma2 semaphore(%run_scoped3A : memref<!tpu.dma_semaphore, #tpu.memory_space<semaphore_mem>>) src(%arg9 : memref<56x128xf32, #tpu.memory_space<vmem>>) dst(%dma_wait3A_390 : memref<56x128xf32, #tpu.memory_space<vmem_shared>>)
      tpu.yield
    }) : () -> ()
    %add3A_159 = arith.constant 280 : i32
    %add3A_160 = arith.addi %mul3A_2, %add3A_159 : i32
    "tpu.region"() ({
      %run_scoped3A = tpu.sem_alloc : memref<!tpu.dma_semaphore, #tpu.memory_space<semaphore_mem>>
      %dma_start3A = arith.constant 0 : i32
      %dma_start3A_385 = tpu.memref_slice %arg11[%add3A_160, %dma_start3A] : memref<6280x128xf32, #tpu.memory_space<vmem_shared>> -> memref<56x128xf32, #tpu.memory_space<vmem_shared>>
      %dma_start3A_386 = arith.constant 0 : i32
      %dma_start3A_387 = tpu.memref_slice %arg11[%add3A_160, %dma_start3A_386] : memref<6280x128xf32, #tpu.memory_space<vmem_shared>> -> memref<56x128xf32, #tpu.memory_space<vmem_shared>>
      tpu.enqueue_dma source(%arg9 : memref<56x128xf32, #tpu.memory_space<vmem>>) target(%dma_start3A_387 : memref<56x128xf32, #tpu.memory_space<vmem_shared>>) target_semaphore(%run_scoped3A : memref<!tpu.dma_semaphore, #tpu.memory_space<semaphore_mem>>)
      %dma_wait3A = arith.constant 0 : i32
      %dma_wait3A_388 = tpu.memref_slice %arg11[%add3A_160, %dma_wait3A] : memref<6280x128xf32, #tpu.memory_space<vmem_shared>> -> memref<56x128xf32, #tpu.memory_space<vmem_shared>>
      %dma_wait3A_389 = arith.constant 0 : i32
      %dma_wait3A_390 = tpu.memref_slice %arg11[%add3A_160, %dma_wait3A_389] : memref<6280x128xf32, #tpu.memory_space<vmem_shared>> -> memref<56x128xf32, #tpu.memory_space<vmem_shared>>
      tpu.wait_dma2 semaphore(%run_scoped3A : memref<!tpu.dma_semaphore, #tpu.memory_space<semaphore_mem>>) src(%arg9 : memref<56x128xf32, #tpu.memory_space<vmem>>) dst(%dma_wait3A_390 : memref<56x128xf32, #tpu.memory_space<vmem_shared>>)
      tpu.yield
    }) : () -> ()
    %add3A_161 = arith.constant 336 : i32
    %add3A_162 = arith.addi %mul3A_2, %add3A_161 : i32
    "tpu.region"() ({
      %run_scoped3A = tpu.sem_alloc : memref<!tpu.dma_semaphore, #tpu.memory_space<semaphore_mem>>
      %dma_start3A = arith.constant 0 : i32
      %dma_start3A_385 = tpu.memref_slice %arg11[%add3A_162, %dma_start3A] : memref<6280x128xf32, #tpu.memory_space<vmem_shared>> -> memref<56x128xf32, #tpu.memory_space<vmem_shared>>
      %dma_start3A_386 = arith.constant 0 : i32
      %dma_start3A_387 = tpu.memref_slice %arg11[%add3A_162, %dma_start3A_386] : memref<6280x128xf32, #tpu.memory_space<vmem_shared>> -> memref<56x128xf32, #tpu.memory_space<vmem_shared>>
      tpu.enqueue_dma source(%arg9 : memref<56x128xf32, #tpu.memory_space<vmem>>) target(%dma_start3A_387 : memref<56x128xf32, #tpu.memory_space<vmem_shared>>) target_semaphore(%run_scoped3A : memref<!tpu.dma_semaphore, #tpu.memory_space<semaphore_mem>>)
      %dma_wait3A = arith.constant 0 : i32
      %dma_wait3A_388 = tpu.memref_slice %arg11[%add3A_162, %dma_wait3A] : memref<6280x128xf32, #tpu.memory_space<vmem_shared>> -> memref<56x128xf32, #tpu.memory_space<vmem_shared>>
      %dma_wait3A_389 = arith.constant 0 : i32
      %dma_wait3A_390 = tpu.memref_slice %arg11[%add3A_162, %dma_wait3A_389] : memref<6280x128xf32, #tpu.memory_space<vmem_shared>> -> memref<56x128xf32, #tpu.memory_space<vmem_shared>>
      tpu.wait_dma2 semaphore(%run_scoped3A : memref<!tpu.dma_semaphore, #tpu.memory_space<semaphore_mem>>) src(%arg9 : memref<56x128xf32, #tpu.memory_space<vmem>>) dst(%dma_wait3A_390 : memref<56x128xf32, #tpu.memory_space<vmem_shared>>)
      tpu.yield
    }) : () -> ()
    %barrier3A_163 = arith.constant 0 : index
    tpu.barrier barrier_id(%barrier3A_163)
    %scan3A_164 = arith.constant 0 : i32
    %scan3A_165 = arith.constant 0 : i32
    %scan3A_166 = arith.constant 50 : i32
    %scan3A_167 = arith.addi %scan3A_165, %scan3A_166 : i32
    %scan3A_168 = arith.constant 1 : i32
    %scan3A_169 = scf.for %scan3A_385 = %scan3A_165 to %scan3A_167 step %scan3A_168 iter_args(%scan3A_386 = %scan3A_164) -> (i32)  : i32 {
      %mul3A_387 = arith.constant 2 : i32
      %mul3A_388 = arith.muli %arg0, %mul3A_387 : i32
      %add3A_389 = arith.constant 1 : i32
      %add3A_390 = arith.addi %mul3A_388, %add3A_389 : i32
      %mul3A_391 = arith.constant 128 : i32
      %mul3A_392 = arith.muli %add3A_390, %mul3A_391 : i32
      %mul3A_393 = arith.constant 128 : i32
      %mul3A_394 = arith.muli %scan3A_385, %mul3A_393 : i32
      %add3A_395 = arith.addi %mul3A_0, %mul3A_394 : i32
      "tpu.region"() ({
        %run_scoped3A = tpu.sem_alloc : memref<!tpu.dma_semaphore, #tpu.memory_space<semaphore_mem>>
        %dma_start3A = tpu.memref_slice %arg2[%add3A_395, %mul3A_392] : memref<102400x512xf32, #tpu.memory_space<hbm>> -> memref<128x128xf32, #tpu.memory_space<hbm>>
        %dma_start3A_397 = tpu.memref_slice %arg2[%add3A_395, %mul3A_392] : memref<102400x512xf32, #tpu.memory_space<hbm>> -> memref<128x128xf32, #tpu.memory_space<hbm>>
        tpu.enqueue_dma source(%dma_start3A_397 : memref<128x128xf32, #tpu.memory_space<hbm>>) target(%arg8 : memref<128x128xf32, #tpu.memory_space<vmem>>) target_semaphore(%run_scoped3A : memref<!tpu.dma_semaphore, #tpu.memory_space<semaphore_mem>>)
        %dma_wait3A = tpu.memref_slice %arg2[%add3A_395, %mul3A_392] : memref<102400x512xf32, #tpu.memory_space<hbm>> -> memref<128x128xf32, #tpu.memory_space<hbm>>
        %dma_wait3A_398 = tpu.memref_slice %arg2[%add3A_395, %mul3A_392] : memref<102400x512xf32, #tpu.memory_space<hbm>> -> memref<128x128xf32, #tpu.memory_space<hbm>>
        tpu.wait_dma2 semaphore(%run_scoped3A : memref<!tpu.dma_semaphore, #tpu.memory_space<semaphore_mem>>) src(%dma_wait3A_398 : memref<128x128xf32, #tpu.memory_space<hbm>>) dst(%arg8 : memref<128x128xf32, #tpu.memory_space<vmem>>)
        tpu.yield
      }) : () -> ()
      "tpu.region"() ({
        %run_scoped3A = tpu.sem_alloc : memref<!tpu.dma_semaphore, #tpu.memory_space<semaphore_mem>>
        %dma_start3A = arith.constant 0 : i32
        %dma_start3A_397 = tpu.memref_slice %arg7[%scan3A_385, %dma_start3A] : memref<56x128xi32, #tpu.memory_space<vmem>> -> memref<1x128xi32, #tpu.memory_space<vmem>>
        %dma_start3A_398 = tpu.memref_squeeze %dma_start3A_397 : memref<1x128xi32, #tpu.memory_space<vmem>> -> memref<128xi32, #tpu.memory_space<vmem>>
        %dma_start3A_399 = arith.constant 0 : i32
        %dma_start3A_400 = arith.constant 0 : i32
        %dma_start3A_401 = tpu.memref_slice %arg11[%dma_start3A_399, %dma_start3A_400] : memref<6280x128xf32, #tpu.memory_space<vmem_shared>> -> memref<6280x128xf32, #tpu.memory_space<vmem_shared>>
        tpu.enqueue_indirect_dma source(%arg8 : memref<128x128xf32, #tpu.memory_space<vmem>>) target(%dma_start3A_401 : memref<6280x128xf32, #tpu.memory_space<vmem_shared>>) offsets(%dma_start3A_398 : memref<128xi32, #tpu.memory_space<vmem>>) semaphore(%run_scoped3A : memref<!tpu.dma_semaphore, #tpu.memory_space<semaphore_mem>>) {add = true}
        %dma_wait3A = arith.constant 0 : i32
        %dma_wait3A_402 = tpu.memref_slice %arg7[%scan3A_385, %dma_wait3A] : memref<56x128xi32, #tpu.memory_space<vmem>> -> memref<1x128xi32, #tpu.memory_space<vmem>>
        %dma_wait3A_403 = tpu.memref_squeeze %dma_wait3A_402 : memref<1x128xi32, #tpu.memory_space<vmem>> -> memref<128xi32, #tpu.memory_space<vmem>>
        %dma_wait3A_404 = arith.constant 0 : i32
        %dma_wait3A_405 = arith.constant 0 : i32
        %dma_wait3A_406 = tpu.memref_slice %arg11[%dma_wait3A_404, %dma_wait3A_405] : memref<6280x128xf32, #tpu.memory_space<vmem_shared>> -> memref<6280x128xf32, #tpu.memory_space<vmem_shared>>
        tpu.wait_indirect_dma semaphore(%run_scoped3A : memref<!tpu.dma_semaphore, #tpu.memory_space<semaphore_mem>>) src(%arg8 : memref<128x128xf32, #tpu.memory_space<vmem>>) dst(%dma_wait3A_406 : memref<6280x128xf32, #tpu.memory_space<vmem_shared>>)
        tpu.yield
      }) : () -> ()
      %scan3A_396 = arith.constant 0 : i32
      scf.yield %scan3A_396 : i32
    }
    %scan3A_170 = arith.constant 50 : i32
    %barrier3A_171 = arith.constant 0 : index
    tpu.barrier barrier_id(%barrier3A_171)
    %add3A_172 = arith.constant 6272 : i32
    %add3A_173 = arith.addi %add3A_172, %mul3A_2 : i32
    %eq3A_174 = arith.constant 0 : i32
    %eq3A_175 = arith.cmpi eq, %arg0, %eq3A_174 : i32
    %convert_element_type3A_176 = arith.extui %eq3A_175 : i1 to i32
    %cond3A_177 = arith.constant 0 : i32
    %cond3A_178 = arith.cmpi ne, %convert_element_type3A_176, %cond3A_177 : i32
    scf.if %cond3A_178 {
      %run_scoped3A = arith.constant 1 : i32
      "tpu.region"() ({
        %run_scoped3A_385 = tpu.sem_alloc : memref<!tpu.dma_semaphore, #tpu.memory_space<semaphore_mem>>
        %dma_start3A = arith.constant 0 : i32
        %dma_start3A_386 = tpu.memref_slice %arg4[%run_scoped3A, %add3A_173, %dma_start3A] : memref<4x25088x128xf32, #tpu.memory_space<hbm>> -> memref<1x392x128xf32, #tpu.memory_space<hbm>>
        %dma_start3A_387 = tpu.memref_squeeze %dma_start3A_386 : memref<1x392x128xf32, #tpu.memory_space<hbm>> -> memref<392x128xf32, #tpu.memory_space<hbm>>
        %dma_start3A_388 = arith.constant 0 : i32
        %dma_start3A_389 = tpu.memref_slice %arg11[%mul3A_2, %dma_start3A_388] : memref<6280x128xf32, #tpu.memory_space<vmem_shared>> -> memref<392x128xf32, #tpu.memory_space<vmem_shared>>
        tpu.enqueue_dma source(%dma_start3A_389 : memref<392x128xf32, #tpu.memory_space<vmem_shared>>) target(%dma_start3A_387 : memref<392x128xf32, #tpu.memory_space<hbm>>) target_semaphore(%run_scoped3A_385 : memref<!tpu.dma_semaphore, #tpu.memory_space<semaphore_mem>>)
        %dma_wait3A = arith.constant 0 : i32
        %dma_wait3A_390 = tpu.memref_slice %arg4[%run_scoped3A, %add3A_173, %dma_wait3A] : memref<4x25088x128xf32, #tpu.memory_space<hbm>> -> memref<1x392x128xf32, #tpu.memory_space<hbm>>
        %dma_wait3A_391 = tpu.memref_squeeze %dma_wait3A_390 : memref<1x392x128xf32, #tpu.memory_space<hbm>> -> memref<392x128xf32, #tpu.memory_space<hbm>>
        %dma_wait3A_392 = arith.constant 0 : i32
        %dma_wait3A_393 = tpu.memref_slice %arg11[%mul3A_2, %dma_wait3A_392] : memref<6280x128xf32, #tpu.memory_space<vmem_shared>> -> memref<392x128xf32, #tpu.memory_space<vmem_shared>>
        tpu.wait_dma2 semaphore(%run_scoped3A_385 : memref<!tpu.dma_semaphore, #tpu.memory_space<semaphore_mem>>) src(%dma_wait3A_393 : memref<392x128xf32, #tpu.memory_space<vmem_shared>>) dst(%dma_wait3A_391 : memref<392x128xf32, #tpu.memory_space<hbm>>)
        tpu.yield
      }) : () -> ()
    } else {
    }
    %eq3A_179 = arith.constant 1 : i32
    %eq3A_180 = arith.cmpi eq, %arg0, %eq3A_179 : i32
    %convert_element_type3A_181 = arith.extui %eq3A_180 : i1 to i32
    %cond3A_182 = arith.constant 0 : i32
    %cond3A_183 = arith.cmpi ne, %convert_element_type3A_181, %cond3A_182 : i32
    scf.if %cond3A_183 {
      %run_scoped3A = arith.constant 3 : i32
      "tpu.region"() ({
        %run_scoped3A_385 = tpu.sem_alloc : memref<!tpu.dma_semaphore, #tpu.memory_space<semaphore_mem>>
        %dma_start3A = arith.constant 0 : i32
        %dma_start3A_386 = tpu.memref_slice %arg4[%run_scoped3A, %add3A_173, %dma_start3A] : memref<4x25088x128xf32, #tpu.memory_space<hbm>> -> memref<1x392x128xf32, #tpu.memory_space<hbm>>
        %dma_start3A_387 = tpu.memref_squeeze %dma_start3A_386 : memref<1x392x128xf32, #tpu.memory_space<hbm>> -> memref<392x128xf32, #tpu.memory_space<hbm>>
        %dma_start3A_388 = arith.constant 0 : i32
        %dma_start3A_389 = tpu.memref_slice %arg11[%mul3A_2, %dma_start3A_388] : memref<6280x128xf32, #tpu.memory_space<vmem_shared>> -> memref<392x128xf32, #tpu.memory_space<vmem_shared>>
        tpu.enqueue_dma source(%dma_start3A_389 : memref<392x128xf32, #tpu.memory_space<vmem_shared>>) target(%dma_start3A_387 : memref<392x128xf32, #tpu.memory_space<hbm>>) target_semaphore(%run_scoped3A_385 : memref<!tpu.dma_semaphore, #tpu.memory_space<semaphore_mem>>)
        %dma_wait3A = arith.constant 0 : i32
        %dma_wait3A_390 = tpu.memref_slice %arg4[%run_scoped3A, %add3A_173, %dma_wait3A] : memref<4x25088x128xf32, #tpu.memory_space<hbm>> -> memref<1x392x128xf32, #tpu.memory_space<hbm>>
        %dma_wait3A_391 = tpu.memref_squeeze %dma_wait3A_390 : memref<1x392x128xf32, #tpu.memory_space<hbm>> -> memref<392x128xf32, #tpu.memory_space<hbm>>
        %dma_wait3A_392 = arith.constant 0 : i32
        %dma_wait3A_393 = tpu.memref_slice %arg11[%mul3A_2, %dma_wait3A_392] : memref<6280x128xf32, #tpu.memory_space<vmem_shared>> -> memref<392x128xf32, #tpu.memory_space<vmem_shared>>
        tpu.wait_dma2 semaphore(%run_scoped3A_385 : memref<!tpu.dma_semaphore, #tpu.memory_space<semaphore_mem>>) src(%dma_wait3A_393 : memref<392x128xf32, #tpu.memory_space<vmem_shared>>) dst(%dma_wait3A_391 : memref<392x128xf32, #tpu.memory_space<hbm>>)
        tpu.yield
      }) : () -> ()
    } else {
    }
    %barrier3A_184 = arith.constant 0 : index
    tpu.barrier barrier_id(%barrier3A_184)
    %eq3A_185 = arith.constant 0 : i32
    %eq3A_186 = arith.cmpi eq, %arg0, %eq3A_185 : i32
    %convert_element_type3A_187 = arith.extui %eq3A_186 : i1 to i32
    %cond3A_188 = arith.constant 0 : i32
    %cond3A_189 = arith.cmpi ne, %convert_element_type3A_187, %cond3A_188 : i32
    scf.if %cond3A_189 {
      %add3A_385 = arith.constant 0 : i32
      %add3A_386 = arith.addi %mul3A_2, %add3A_385 : i32
      "tpu.region"() ({
        %run_scoped3A = tpu.sem_alloc : memref<!tpu.dma_semaphore, #tpu.memory_space<semaphore_mem>>
        %dma_start3A = arith.constant 0 : i32
        %dma_start3A_399 = tpu.memref_slice %arg11[%add3A_386, %dma_start3A] : memref<6280x128xf32, #tpu.memory_space<vmem_shared>> -> memref<56x128xf32, #tpu.memory_space<vmem_shared>>
        %dma_start3A_400 = arith.constant 0 : i32
        %dma_start3A_401 = tpu.memref_slice %arg11[%add3A_386, %dma_start3A_400] : memref<6280x128xf32, #tpu.memory_space<vmem_shared>> -> memref<56x128xf32, #tpu.memory_space<vmem_shared>>
        tpu.enqueue_dma source(%arg9 : memref<56x128xf32, #tpu.memory_space<vmem>>) target(%dma_start3A_401 : memref<56x128xf32, #tpu.memory_space<vmem_shared>>) target_semaphore(%run_scoped3A : memref<!tpu.dma_semaphore, #tpu.memory_space<semaphore_mem>>)
        %dma_wait3A = arith.constant 0 : i32
        %dma_wait3A_402 = tpu.memref_slice %arg11[%add3A_386, %dma_wait3A] : memref<6280x128xf32, #tpu.memory_space<vmem_shared>> -> memref<56x128xf32, #tpu.memory_space<vmem_shared>>
        %dma_wait3A_403 = arith.constant 0 : i32
        %dma_wait3A_404 = tpu.memref_slice %arg11[%add3A_386, %dma_wait3A_403] : memref<6280x128xf32, #tpu.memory_space<vmem_shared>> -> memref<56x128xf32, #tpu.memory_space<vmem_shared>>
        tpu.wait_dma2 semaphore(%run_scoped3A : memref<!tpu.dma_semaphore, #tpu.memory_space<semaphore_mem>>) src(%arg9 : memref<56x128xf32, #tpu.memory_space<vmem>>) dst(%dma_wait3A_404 : memref<56x128xf32, #tpu.memory_space<vmem_shared>>)
        tpu.yield
      }) : () -> ()
      %add3A_387 = arith.constant 56 : i32
      %add3A_388 = arith.addi %mul3A_2, %add3A_387 : i32
      "tpu.region"() ({
        %run_scoped3A = tpu.sem_alloc : memref<!tpu.dma_semaphore, #tpu.memory_space<semaphore_mem>>
        %dma_start3A = arith.constant 0 : i32
        %dma_start3A_399 = tpu.memref_slice %arg11[%add3A_388, %dma_start3A] : memref<6280x128xf32, #tpu.memory_space<vmem_shared>> -> memref<56x128xf32, #tpu.memory_space<vmem_shared>>
        %dma_start3A_400 = arith.constant 0 : i32
        %dma_start3A_401 = tpu.memref_slice %arg11[%add3A_388, %dma_start3A_400] : memref<6280x128xf32, #tpu.memory_space<vmem_shared>> -> memref<56x128xf32, #tpu.memory_space<vmem_shared>>
        tpu.enqueue_dma source(%arg9 : memref<56x128xf32, #tpu.memory_space<vmem>>) target(%dma_start3A_401 : memref<56x128xf32, #tpu.memory_space<vmem_shared>>) target_semaphore(%run_scoped3A : memref<!tpu.dma_semaphore, #tpu.memory_space<semaphore_mem>>)
        %dma_wait3A = arith.constant 0 : i32
        %dma_wait3A_402 = tpu.memref_slice %arg11[%add3A_388, %dma_wait3A] : memref<6280x128xf32, #tpu.memory_space<vmem_shared>> -> memref<56x128xf32, #tpu.memory_space<vmem_shared>>
        %dma_wait3A_403 = arith.constant 0 : i32
        %dma_wait3A_404 = tpu.memref_slice %arg11[%add3A_388, %dma_wait3A_403] : memref<6280x128xf32, #tpu.memory_space<vmem_shared>> -> memref<56x128xf32, #tpu.memory_space<vmem_shared>>
        tpu.wait_dma2 semaphore(%run_scoped3A : memref<!tpu.dma_semaphore, #tpu.memory_space<semaphore_mem>>) src(%arg9 : memref<56x128xf32, #tpu.memory_space<vmem>>) dst(%dma_wait3A_404 : memref<56x128xf32, #tpu.memory_space<vmem_shared>>)
        tpu.yield
      }) : () -> ()
      %add3A_389 = arith.constant 112 : i32
      %add3A_390 = arith.addi %mul3A_2, %add3A_389 : i32
      "tpu.region"() ({
        %run_scoped3A = tpu.sem_alloc : memref<!tpu.dma_semaphore, #tpu.memory_space<semaphore_mem>>
        %dma_start3A = arith.constant 0 : i32
        %dma_start3A_399 = tpu.memref_slice %arg11[%add3A_390, %dma_start3A] : memref<6280x128xf32, #tpu.memory_space<vmem_shared>> -> memref<56x128xf32, #tpu.memory_space<vmem_shared>>
        %dma_start3A_400 = arith.constant 0 : i32
        %dma_start3A_401 = tpu.memref_slice %arg11[%add3A_390, %dma_start3A_400] : memref<6280x128xf32, #tpu.memory_space<vmem_shared>> -> memref<56x128xf32, #tpu.memory_space<vmem_shared>>
        tpu.enqueue_dma source(%arg9 : memref<56x128xf32, #tpu.memory_space<vmem>>) target(%dma_start3A_401 : memref<56x128xf32, #tpu.memory_space<vmem_shared>>) target_semaphore(%run_scoped3A : memref<!tpu.dma_semaphore, #tpu.memory_space<semaphore_mem>>)
        %dma_wait3A = arith.constant 0 : i32
        %dma_wait3A_402 = tpu.memref_slice %arg11[%add3A_390, %dma_wait3A] : memref<6280x128xf32, #tpu.memory_space<vmem_shared>> -> memref<56x128xf32, #tpu.memory_space<vmem_shared>>
        %dma_wait3A_403 = arith.constant 0 : i32
        %dma_wait3A_404 = tpu.memref_slice %arg11[%add3A_390, %dma_wait3A_403] : memref<6280x128xf32, #tpu.memory_space<vmem_shared>> -> memref<56x128xf32, #tpu.memory_space<vmem_shared>>
        tpu.wait_dma2 semaphore(%run_scoped3A : memref<!tpu.dma_semaphore, #tpu.memory_space<semaphore_mem>>) src(%arg9 : memref<56x128xf32, #tpu.memory_space<vmem>>) dst(%dma_wait3A_404 : memref<56x128xf32, #tpu.memory_space<vmem_shared>>)
        tpu.yield
      }) : () -> ()
      %add3A_391 = arith.constant 168 : i32
      %add3A_392 = arith.addi %mul3A_2, %add3A_391 : i32
      "tpu.region"() ({
        %run_scoped3A = tpu.sem_alloc : memref<!tpu.dma_semaphore, #tpu.memory_space<semaphore_mem>>
        %dma_start3A = arith.constant 0 : i32
        %dma_start3A_399 = tpu.memref_slice %arg11[%add3A_392, %dma_start3A] : memref<6280x128xf32, #tpu.memory_space<vmem_shared>> -> memref<56x128xf32, #tpu.memory_space<vmem_shared>>
        %dma_start3A_400 = arith.constant 0 : i32
        %dma_start3A_401 = tpu.memref_slice %arg11[%add3A_392, %dma_start3A_400] : memref<6280x128xf32, #tpu.memory_space<vmem_shared>> -> memref<56x128xf32, #tpu.memory_space<vmem_shared>>
        tpu.enqueue_dma source(%arg9 : memref<56x128xf32, #tpu.memory_space<vmem>>) target(%dma_start3A_401 : memref<56x128xf32, #tpu.memory_space<vmem_shared>>) target_semaphore(%run_scoped3A : memref<!tpu.dma_semaphore, #tpu.memory_space<semaphore_mem>>)
        %dma_wait3A = arith.constant 0 : i32
        %dma_wait3A_402 = tpu.memref_slice %arg11[%add3A_392, %dma_wait3A] : memref<6280x128xf32, #tpu.memory_space<vmem_shared>> -> memref<56x128xf32, #tpu.memory_space<vmem_shared>>
        %dma_wait3A_403 = arith.constant 0 : i32
        %dma_wait3A_404 = tpu.memref_slice %arg11[%add3A_392, %dma_wait3A_403] : memref<6280x128xf32, #tpu.memory_space<vmem_shared>> -> memref<56x128xf32, #tpu.memory_space<vmem_shared>>
        tpu.wait_dma2 semaphore(%run_scoped3A : memref<!tpu.dma_semaphore, #tpu.memory_space<semaphore_mem>>) src(%arg9 : memref<56x128xf32, #tpu.memory_space<vmem>>) dst(%dma_wait3A_404 : memref<56x128xf32, #tpu.memory_space<vmem_shared>>)
        tpu.yield
      }) : () -> ()
      %add3A_393 = arith.constant 224 : i32
      %add3A_394 = arith.addi %mul3A_2, %add3A_393 : i32
      "tpu.region"() ({
        %run_scoped3A = tpu.sem_alloc : memref<!tpu.dma_semaphore, #tpu.memory_space<semaphore_mem>>
        %dma_start3A = arith.constant 0 : i32
        %dma_start3A_399 = tpu.memref_slice %arg11[%add3A_394, %dma_start3A] : memref<6280x128xf32, #tpu.memory_space<vmem_shared>> -> memref<56x128xf32, #tpu.memory_space<vmem_shared>>
        %dma_start3A_400 = arith.constant 0 : i32
        %dma_start3A_401 = tpu.memref_slice %arg11[%add3A_394, %dma_start3A_400] : memref<6280x128xf32, #tpu.memory_space<vmem_shared>> -> memref<56x128xf32, #tpu.memory_space<vmem_shared>>
        tpu.enqueue_dma source(%arg9 : memref<56x128xf32, #tpu.memory_space<vmem>>) target(%dma_start3A_401 : memref<56x128xf32, #tpu.memory_space<vmem_shared>>) target_semaphore(%run_scoped3A : memref<!tpu.dma_semaphore, #tpu.memory_space<semaphore_mem>>)
        %dma_wait3A = arith.constant 0 : i32
        %dma_wait3A_402 = tpu.memref_slice %arg11[%add3A_394, %dma_wait3A] : memref<6280x128xf32, #tpu.memory_space<vmem_shared>> -> memref<56x128xf32, #tpu.memory_space<vmem_shared>>
        %dma_wait3A_403 = arith.constant 0 : i32
        %dma_wait3A_404 = tpu.memref_slice %arg11[%add3A_394, %dma_wait3A_403] : memref<6280x128xf32, #tpu.memory_space<vmem_shared>> -> memref<56x128xf32, #tpu.memory_space<vmem_shared>>
        tpu.wait_dma2 semaphore(%run_scoped3A : memref<!tpu.dma_semaphore, #tpu.memory_space<semaphore_mem>>) src(%arg9 : memref<56x128xf32, #tpu.memory_space<vmem>>) dst(%dma_wait3A_404 : memref<56x128xf32, #tpu.memory_space<vmem_shared>>)
        tpu.yield
      }) : () -> ()
      %add3A_395 = arith.constant 280 : i32
      %add3A_396 = arith.addi %mul3A_2, %add3A_395 : i32
      "tpu.region"() ({
        %run_scoped3A = tpu.sem_alloc : memref<!tpu.dma_semaphore, #tpu.memory_space<semaphore_mem>>
        %dma_start3A = arith.constant 0 : i32
        %dma_start3A_399 = tpu.memref_slice %arg11[%add3A_396, %dma_start3A] : memref<6280x128xf32, #tpu.memory_space<vmem_shared>> -> memref<56x128xf32, #tpu.memory_space<vmem_shared>>
        %dma_start3A_400 = arith.constant 0 : i32
        %dma_start3A_401 = tpu.memref_slice %arg11[%add3A_396, %dma_start3A_400] : memref<6280x128xf32, #tpu.memory_space<vmem_shared>> -> memref<56x128xf32, #tpu.memory_space<vmem_shared>>
        tpu.enqueue_dma source(%arg9 : memref<56x128xf32, #tpu.memory_space<vmem>>) target(%dma_start3A_401 : memref<56x128xf32, #tpu.memory_space<vmem_shared>>) target_semaphore(%run_scoped3A : memref<!tpu.dma_semaphore, #tpu.memory_space<semaphore_mem>>)
        %dma_wait3A = arith.constant 0 : i32
        %dma_wait3A_402 = tpu.memref_slice %arg11[%add3A_396, %dma_wait3A] : memref<6280x128xf32, #tpu.memory_space<vmem_shared>> -> memref<56x128xf32, #tpu.memory_space<vmem_shared>>
        %dma_wait3A_403 = arith.constant 0 : i32
        %dma_wait3A_404 = tpu.memref_slice %arg11[%add3A_396, %dma_wait3A_403] : memref<6280x128xf32, #tpu.memory_space<vmem_shared>> -> memref<56x128xf32, #tpu.memory_space<vmem_shared>>
        tpu.wait_dma2 semaphore(%run_scoped3A : memref<!tpu.dma_semaphore, #tpu.memory_space<semaphore_mem>>) src(%arg9 : memref<56x128xf32, #tpu.memory_space<vmem>>) dst(%dma_wait3A_404 : memref<56x128xf32, #tpu.memory_space<vmem_shared>>)
        tpu.yield
      }) : () -> ()
      %add3A_397 = arith.constant 336 : i32
      %add3A_398 = arith.addi %mul3A_2, %add3A_397 : i32
      "tpu.region"() ({
        %run_scoped3A = tpu.sem_alloc : memref<!tpu.dma_semaphore, #tpu.memory_space<semaphore_mem>>
        %dma_start3A = arith.constant 0 : i32
        %dma_start3A_399 = tpu.memref_slice %arg11[%add3A_398, %dma_start3A] : memref<6280x128xf32, #tpu.memory_space<vmem_shared>> -> memref<56x128xf32, #tpu.memory_space<vmem_shared>>
        %dma_start3A_400 = arith.constant 0 : i32
        %dma_start3A_401 = tpu.memref_slice %arg11[%add3A_398, %dma_start3A_400] : memref<6280x128xf32, #tpu.memory_space<vmem_shared>> -> memref<56x128xf32, #tpu.memory_space<vmem_shared>>
        tpu.enqueue_dma source(%arg9 : memref<56x128xf32, #tpu.memory_space<vmem>>) target(%dma_start3A_401 : memref<56x128xf32, #tpu.memory_space<vmem_shared>>) target_semaphore(%run_scoped3A : memref<!tpu.dma_semaphore, #tpu.memory_space<semaphore_mem>>)
        %dma_wait3A = arith.constant 0 : i32
        %dma_wait3A_402 = tpu.memref_slice %arg11[%add3A_398, %dma_wait3A] : memref<6280x128xf32, #tpu.memory_space<vmem_shared>> -> memref<56x128xf32, #tpu.memory_space<vmem_shared>>
        %dma_wait3A_403 = arith.constant 0 : i32
        %dma_wait3A_404 = tpu.memref_slice %arg11[%add3A_398, %dma_wait3A_403] : memref<6280x128xf32, #tpu.memory_space<vmem_shared>> -> memref<56x128xf32, #tpu.memory_space<vmem_shared>>
        tpu.wait_dma2 semaphore(%run_scoped3A : memref<!tpu.dma_semaphore, #tpu.memory_space<semaphore_mem>>) src(%arg9 : memref<56x128xf32, #tpu.memory_space<vmem>>) dst(%dma_wait3A_404 : memref<56x128xf32, #tpu.memory_space<vmem_shared>>)
        tpu.yield
      }) : () -> ()
    } else {
    }
    %barrier3A_190 = arith.constant 0 : index
    tpu.barrier barrier_id(%barrier3A_190)
    %convert_element_type3A_191 = arith.extui %eq3A_186 : i1 to i32
    %cond3A_192 = arith.constant 0 : i32
    %cond3A_193 = arith.cmpi ne, %convert_element_type3A_191, %cond3A_192 : i32
    scf.if %cond3A_193 {
      %scan3A_385 = arith.constant 0 : i32
      %scan3A_386 = arith.constant 0 : i32
      %scan3A_387 = arith.constant 50 : i32
      %scan3A_388 = arith.addi %scan3A_386, %scan3A_387 : i32
      %scan3A_389 = arith.constant 1 : i32
      %scan3A_390 = scf.for %scan3A_392 = %scan3A_386 to %scan3A_388 step %scan3A_389 iter_args(%scan3A_393 = %scan3A_385) -> (i32)  : i32 {
        "tpu.region"() ({
          %run_scoped3A = tpu.sem_alloc : memref<!tpu.dma_semaphore, #tpu.memory_space<semaphore_mem>>
          %dma_start3A = arith.constant 0 : i32
          %dma_start3A_395 = tpu.memref_slice %arg7[%scan3A_392, %dma_start3A] : memref<56x128xi32, #tpu.memory_space<vmem>> -> memref<1x128xi32, #tpu.memory_space<vmem>>
          %dma_start3A_396 = tpu.memref_squeeze %dma_start3A_395 : memref<1x128xi32, #tpu.memory_space<vmem>> -> memref<128xi32, #tpu.memory_space<vmem>>
          %dma_start3A_397 = arith.constant 0 : i32
          %dma_start3A_398 = arith.constant 0 : i32
          %dma_start3A_399 = tpu.memref_slice %arg11[%dma_start3A_397, %dma_start3A_398] : memref<6280x128xf32, #tpu.memory_space<vmem_shared>> -> memref<6280x128xf32, #tpu.memory_space<vmem_shared>>
          tpu.enqueue_indirect_dma source(%arg10 : memref<128x128xf32, #tpu.memory_space<vmem>>) target(%dma_start3A_399 : memref<6280x128xf32, #tpu.memory_space<vmem_shared>>) offsets(%dma_start3A_396 : memref<128xi32, #tpu.memory_space<vmem>>) semaphore(%run_scoped3A : memref<!tpu.dma_semaphore, #tpu.memory_space<semaphore_mem>>) {add = true}
          %dma_wait3A = arith.constant 0 : i32
          %dma_wait3A_400 = tpu.memref_slice %arg7[%scan3A_392, %dma_wait3A] : memref<56x128xi32, #tpu.memory_space<vmem>> -> memref<1x128xi32, #tpu.memory_space<vmem>>
          %dma_wait3A_401 = tpu.memref_squeeze %dma_wait3A_400 : memref<1x128xi32, #tpu.memory_space<vmem>> -> memref<128xi32, #tpu.memory_space<vmem>>
          %dma_wait3A_402 = arith.constant 0 : i32
          %dma_wait3A_403 = arith.constant 0 : i32
          %dma_wait3A_404 = tpu.memref_slice %arg11[%dma_wait3A_402, %dma_wait3A_403] : memref<6280x128xf32, #tpu.memory_space<vmem_shared>> -> memref<6280x128xf32, #tpu.memory_space<vmem_shared>>
          tpu.wait_indirect_dma semaphore(%run_scoped3A : memref<!tpu.dma_semaphore, #tpu.memory_space<semaphore_mem>>) src(%arg10 : memref<128x128xf32, #tpu.memory_space<vmem>>) dst(%dma_wait3A_404 : memref<6280x128xf32, #tpu.memory_space<vmem_shared>>)
          tpu.yield
        }) : () -> ()
        %scan3A_394 = arith.constant 0 : i32
        scf.yield %scan3A_394 : i32
      }
      %scan3A_391 = arith.constant 50 : i32
    } else {
    }
    %barrier3A_194 = arith.constant 0 : index
    tpu.barrier barrier_id(%barrier3A_194)
    %convert_element_type3A_195 = arith.extui %eq3A_186 : i1 to i32
    %cond3A_196 = arith.constant 0 : i32
    %cond3A_197 = arith.cmpi ne, %convert_element_type3A_195, %cond3A_196 : i32
    scf.if %cond3A_197 {
      %add3A_385 = arith.constant 6272 : i32
      %add3A_386 = arith.addi %add3A_385, %mul3A_2 : i32
      "tpu.region"() ({
        %run_scoped3A = tpu.sem_alloc : memref<!tpu.dma_semaphore, #tpu.memory_space<semaphore_mem>>
        %dma_start3A = arith.constant 0 : i32
        %dma_start3A_387 = tpu.memref_slice %arg5[%add3A_386, %dma_start3A] : memref<25088x128xf32, #tpu.memory_space<hbm>> -> memref<392x128xf32, #tpu.memory_space<hbm>>
        %dma_start3A_388 = arith.constant 0 : i32
        %dma_start3A_389 = tpu.memref_slice %arg11[%mul3A_2, %dma_start3A_388] : memref<6280x128xf32, #tpu.memory_space<vmem_shared>> -> memref<392x128xf32, #tpu.memory_space<vmem_shared>>
        tpu.enqueue_dma source(%dma_start3A_389 : memref<392x128xf32, #tpu.memory_space<vmem_shared>>) target(%dma_start3A_387 : memref<392x128xf32, #tpu.memory_space<hbm>>) target_semaphore(%run_scoped3A : memref<!tpu.dma_semaphore, #tpu.memory_space<semaphore_mem>>)
        %dma_wait3A = arith.constant 0 : i32
        %dma_wait3A_390 = tpu.memref_slice %arg5[%add3A_386, %dma_wait3A] : memref<25088x128xf32, #tpu.memory_space<hbm>> -> memref<392x128xf32, #tpu.memory_space<hbm>>
        %dma_wait3A_391 = arith.constant 0 : i32
        %dma_wait3A_392 = tpu.memref_slice %arg11[%mul3A_2, %dma_wait3A_391] : memref<6280x128xf32, #tpu.memory_space<vmem_shared>> -> memref<392x128xf32, #tpu.memory_space<vmem_shared>>
        tpu.wait_dma2 semaphore(%run_scoped3A : memref<!tpu.dma_semaphore, #tpu.memory_space<semaphore_mem>>) src(%dma_wait3A_392 : memref<392x128xf32, #tpu.memory_space<vmem_shared>>) dst(%dma_wait3A_390 : memref<392x128xf32, #tpu.memory_space<hbm>>)
        tpu.yield
      }) : () -> ()
    } else {
    }
    %barrier3A_198 = arith.constant 0 : index
    tpu.barrier barrier_id(%barrier3A_198)
    %scan3A_199 = arith.constant 0 : i32
    %scan3A_200 = arith.constant 0 : i32
    %scan3A_201 = arith.constant 50 : i32
    %scan3A_202 = arith.addi %scan3A_200, %scan3A_201 : i32
    %scan3A_203 = arith.constant 1 : i32
    %scan3A_204 = scf.for %scan3A_385 = %scan3A_200 to %scan3A_202 step %scan3A_203 iter_args(%scan3A_386 = %scan3A_199) -> (i32)  : i32 {
      %get3A = arith.index_cast %scan3A_385 : i32 to index
      %get3A_387 = arith.constant 0 : index
      %get3A_388 = tpu.vector_load %arg6[%get3A, %get3A_387] {strides = array<i32>} : memref<56x128xi32, #tpu.memory_space<vmem>>, vector<1x16xi32>,
      %get3A_389 = vector.shape_cast %get3A_388 : vector<1x16xi32> to vector<16xi32>
      %sub3A = arith.constant 12544 : i32
      %sub3A_390 = vector.broadcast %sub3A : i32 to vector<16xi32>
      %sub3A_391 = arith.subi %get3A_389, %sub3A_390 : vector<16xi32>
      %ge3A = arith.constant 0 : i32
      %ge3A_392 = vector.broadcast %ge3A : i32 to vector<16xi32>
      %ge3A_393 = arith.cmpi sge, %sub3A_391, %ge3A_392 : vector<16xi32>
      %lt3A = arith.constant 6272 : i32
      %lt3A_394 = vector.broadcast %lt3A : i32 to vector<16xi32>
      %lt3A_395 = arith.cmpi slt, %sub3A_391, %lt3A_394 : vector<16xi32>
      %and3A = arith.andi %ge3A_393, %lt3A_395 : vector<16xi1>
      %jit3A = arith.constant 6272 : i32
      %broadcast_in_dim3A = vector.broadcast %jit3A : i32 to vector<16xi32>
      %select_n3A = arith.select %and3A, %sub3A_391, %broadcast_in_dim3A : vector<16xi1>, vector<16xi32>
      %swap3A = arith.index_cast %scan3A_385 : i32 to index
      %swap3A_396 = arith.constant 0 : index
      %swap3A_397 = tpu.vector_load %arg7[%swap3A, %swap3A_396] {strides = array<i32>} : memref<56x128xi32, #tpu.memory_space<vmem>>, vector<1x16xi32>,
      %swap3A_398 = vector.shape_cast %swap3A_397 : vector<1x16xi32> to vector<16xi32>
      %swap3A_399 = vector.shape_cast %select_n3A : vector<16xi32> to vector<1x16xi32>
      tpu.vector_store %arg7[%swap3A, %swap3A_396], %swap3A_399 {strides = array<i32>} : memref<56x128xi32, #tpu.memory_space<vmem>>, vector<1x16xi32>,
      %get3A_400 = arith.index_cast %scan3A_385 : i32 to index
      %get3A_401 = arith.constant 16 : index
      %get3A_402 = tpu.vector_load %arg6[%get3A_400, %get3A_401] {strides = array<i32>} : memref<56x128xi32, #tpu.memory_space<vmem>>, vector<1x16xi32>,
      %get3A_403 = vector.shape_cast %get3A_402 : vector<1x16xi32> to vector<16xi32>
      %sub3A_404 = arith.constant 12544 : i32
      %sub3A_405 = vector.broadcast %sub3A_404 : i32 to vector<16xi32>
      %sub3A_406 = arith.subi %get3A_403, %sub3A_405 : vector<16xi32>
      %ge3A_407 = arith.constant 0 : i32
      %ge3A_408 = vector.broadcast %ge3A_407 : i32 to vector<16xi32>
      %ge3A_409 = arith.cmpi sge, %sub3A_406, %ge3A_408 : vector<16xi32>
      %lt3A_410 = arith.constant 6272 : i32
      %lt3A_411 = vector.broadcast %lt3A_410 : i32 to vector<16xi32>
      %lt3A_412 = arith.cmpi slt, %sub3A_406, %lt3A_411 : vector<16xi32>
      %and3A_413 = arith.andi %ge3A_409, %lt3A_412 : vector<16xi1>
      %jit3A_414 = arith.constant 6272 : i32
      %broadcast_in_dim3A_415 = vector.broadcast %jit3A_414 : i32 to vector<16xi32>
      %select_n3A_416 = arith.select %and3A_413, %sub3A_406, %broadcast_in_dim3A_415 : vector<16xi1>, vector<16xi32>
      %swap3A_417 = arith.index_cast %scan3A_385 : i32 to index
      %swap3A_418 = arith.constant 16 : index
      %swap3A_419 = tpu.vector_load %arg7[%swap3A_417, %swap3A_418] {strides = array<i32>} : memref<56x128xi32, #tpu.memory_space<vmem>>, vector<1x16xi32>,
      %swap3A_420 = vector.shape_cast %swap3A_419 : vector<1x16xi32> to vector<16xi32>
      %swap3A_421 = vector.shape_cast %select_n3A_416 : vector<16xi32> to vector<1x16xi32>
      tpu.vector_store %arg7[%swap3A_417, %swap3A_418], %swap3A_421 {strides = array<i32>} : memref<56x128xi32, #tpu.memory_space<vmem>>, vector<1x16xi32>,
      %get3A_422 = arith.index_cast %scan3A_385 : i32 to index
      %get3A_423 = arith.constant 32 : index
      %get3A_424 = tpu.vector_load %arg6[%get3A_422, %get3A_423] {strides = array<i32>} : memref<56x128xi32, #tpu.memory_space<vmem>>, vector<1x16xi32>,
      %get3A_425 = vector.shape_cast %get3A_424 : vector<1x16xi32> to vector<16xi32>
      %sub3A_426 = arith.constant 12544 : i32
      %sub3A_427 = vector.broadcast %sub3A_426 : i32 to vector<16xi32>
      %sub3A_428 = arith.subi %get3A_425, %sub3A_427 : vector<16xi32>
      %ge3A_429 = arith.constant 0 : i32
      %ge3A_430 = vector.broadcast %ge3A_429 : i32 to vector<16xi32>
      %ge3A_431 = arith.cmpi sge, %sub3A_428, %ge3A_430 : vector<16xi32>
      %lt3A_432 = arith.constant 6272 : i32
      %lt3A_433 = vector.broadcast %lt3A_432 : i32 to vector<16xi32>
      %lt3A_434 = arith.cmpi slt, %sub3A_428, %lt3A_433 : vector<16xi32>
      %and3A_435 = arith.andi %ge3A_431, %lt3A_434 : vector<16xi1>
      %jit3A_436 = arith.constant 6272 : i32
      %broadcast_in_dim3A_437 = vector.broadcast %jit3A_436 : i32 to vector<16xi32>
      %select_n3A_438 = arith.select %and3A_435, %sub3A_428, %broadcast_in_dim3A_437 : vector<16xi1>, vector<16xi32>
      %swap3A_439 = arith.index_cast %scan3A_385 : i32 to index
      %swap3A_440 = arith.constant 32 : index
      %swap3A_441 = tpu.vector_load %arg7[%swap3A_439, %swap3A_440] {strides = array<i32>} : memref<56x128xi32, #tpu.memory_space<vmem>>, vector<1x16xi32>,
      %swap3A_442 = vector.shape_cast %swap3A_441 : vector<1x16xi32> to vector<16xi32>
      %swap3A_443 = vector.shape_cast %select_n3A_438 : vector<16xi32> to vector<1x16xi32>
      tpu.vector_store %arg7[%swap3A_439, %swap3A_440], %swap3A_443 {strides = array<i32>} : memref<56x128xi32, #tpu.memory_space<vmem>>, vector<1x16xi32>,
      %get3A_444 = arith.index_cast %scan3A_385 : i32 to index
      %get3A_445 = arith.constant 48 : index
      %get3A_446 = tpu.vector_load %arg6[%get3A_444, %get3A_445] {strides = array<i32>} : memref<56x128xi32, #tpu.memory_space<vmem>>, vector<1x16xi32>,
      %get3A_447 = vector.shape_cast %get3A_446 : vector<1x16xi32> to vector<16xi32>
      %sub3A_448 = arith.constant 12544 : i32
      %sub3A_449 = vector.broadcast %sub3A_448 : i32 to vector<16xi32>
      %sub3A_450 = arith.subi %get3A_447, %sub3A_449 : vector<16xi32>
      %ge3A_451 = arith.constant 0 : i32
      %ge3A_452 = vector.broadcast %ge3A_451 : i32 to vector<16xi32>
      %ge3A_453 = arith.cmpi sge, %sub3A_450, %ge3A_452 : vector<16xi32>
      %lt3A_454 = arith.constant 6272 : i32
      %lt3A_455 = vector.broadcast %lt3A_454 : i32 to vector<16xi32>
      %lt3A_456 = arith.cmpi slt, %sub3A_450, %lt3A_455 : vector<16xi32>
      %and3A_457 = arith.andi %ge3A_453, %lt3A_456 : vector<16xi1>
      %jit3A_458 = arith.constant 6272 : i32
      %broadcast_in_dim3A_459 = vector.broadcast %jit3A_458 : i32 to vector<16xi32>
      %select_n3A_460 = arith.select %and3A_457, %sub3A_450, %broadcast_in_dim3A_459 : vector<16xi1>, vector<16xi32>
      %swap3A_461 = arith.index_cast %scan3A_385 : i32 to index
      %swap3A_462 = arith.constant 48 : index
      %swap3A_463 = tpu.vector_load %arg7[%swap3A_461, %swap3A_462] {strides = array<i32>} : memref<56x128xi32, #tpu.memory_space<vmem>>, vector<1x16xi32>,
      %swap3A_464 = vector.shape_cast %swap3A_463 : vector<1x16xi32> to vector<16xi32>
      %swap3A_465 = vector.shape_cast %select_n3A_460 : vector<16xi32> to vector<1x16xi32>
      tpu.vector_store %arg7[%swap3A_461, %swap3A_462], %swap3A_465 {strides = array<i32>} : memref<56x128xi32, #tpu.memory_space<vmem>>, vector<1x16xi32>,
      %get3A_466 = arith.index_cast %scan3A_385 : i32 to index
      %get3A_467 = arith.constant 64 : index
      %get3A_468 = tpu.vector_load %arg6[%get3A_466, %get3A_467] {strides = array<i32>} : memref<56x128xi32, #tpu.memory_space<vmem>>, vector<1x16xi32>,
      %get3A_469 = vector.shape_cast %get3A_468 : vector<1x16xi32> to vector<16xi32>
      %sub3A_470 = arith.constant 12544 : i32
      %sub3A_471 = vector.broadcast %sub3A_470 : i32 to vector<16xi32>
      %sub3A_472 = arith.subi %get3A_469, %sub3A_471 : vector<16xi32>
      %ge3A_473 = arith.constant 0 : i32
      %ge3A_474 = vector.broadcast %ge3A_473 : i32 to vector<16xi32>
      %ge3A_475 = arith.cmpi sge, %sub3A_472, %ge3A_474 : vector<16xi32>
      %lt3A_476 = arith.constant 6272 : i32
      %lt3A_477 = vector.broadcast %lt3A_476 : i32 to vector<16xi32>
      %lt3A_478 = arith.cmpi slt, %sub3A_472, %lt3A_477 : vector<16xi32>
      %and3A_479 = arith.andi %ge3A_475, %lt3A_478 : vector<16xi1>
      %jit3A_480 = arith.constant 6272 : i32
      %broadcast_in_dim3A_481 = vector.broadcast %jit3A_480 : i32 to vector<16xi32>
      %select_n3A_482 = arith.select %and3A_479, %sub3A_472, %broadcast_in_dim3A_481 : vector<16xi1>, vector<16xi32>
      %swap3A_483 = arith.index_cast %scan3A_385 : i32 to index
      %swap3A_484 = arith.constant 64 : index
      %swap3A_485 = tpu.vector_load %arg7[%swap3A_483, %swap3A_484] {strides = array<i32>} : memref<56x128xi32, #tpu.memory_space<vmem>>, vector<1x16xi32>,
      %swap3A_486 = vector.shape_cast %swap3A_485 : vector<1x16xi32> to vector<16xi32>
      %swap3A_487 = vector.shape_cast %select_n3A_482 : vector<16xi32> to vector<1x16xi32>
      tpu.vector_store %arg7[%swap3A_483, %swap3A_484], %swap3A_487 {strides = array<i32>} : memref<56x128xi32, #tpu.memory_space<vmem>>, vector<1x16xi32>,
      %get3A_488 = arith.index_cast %scan3A_385 : i32 to index
      %get3A_489 = arith.constant 80 : index
      %get3A_490 = tpu.vector_load %arg6[%get3A_488, %get3A_489] {strides = array<i32>} : memref<56x128xi32, #tpu.memory_space<vmem>>, vector<1x16xi32>,
      %get3A_491 = vector.shape_cast %get3A_490 : vector<1x16xi32> to vector<16xi32>
      %sub3A_492 = arith.constant 12544 : i32
      %sub3A_493 = vector.broadcast %sub3A_492 : i32 to vector<16xi32>
      %sub3A_494 = arith.subi %get3A_491, %sub3A_493 : vector<16xi32>
      %ge3A_495 = arith.constant 0 : i32
      %ge3A_496 = vector.broadcast %ge3A_495 : i32 to vector<16xi32>
      %ge3A_497 = arith.cmpi sge, %sub3A_494, %ge3A_496 : vector<16xi32>
      %lt3A_498 = arith.constant 6272 : i32
      %lt3A_499 = vector.broadcast %lt3A_498 : i32 to vector<16xi32>
      %lt3A_500 = arith.cmpi slt, %sub3A_494, %lt3A_499 : vector<16xi32>
      %and3A_501 = arith.andi %ge3A_497, %lt3A_500 : vector<16xi1>
      %jit3A_502 = arith.constant 6272 : i32
      %broadcast_in_dim3A_503 = vector.broadcast %jit3A_502 : i32 to vector<16xi32>
      %select_n3A_504 = arith.select %and3A_501, %sub3A_494, %broadcast_in_dim3A_503 : vector<16xi1>, vector<16xi32>
      %swap3A_505 = arith.index_cast %scan3A_385 : i32 to index
      %swap3A_506 = arith.constant 80 : index
      %swap3A_507 = tpu.vector_load %arg7[%swap3A_505, %swap3A_506] {strides = array<i32>} : memref<56x128xi32, #tpu.memory_space<vmem>>, vector<1x16xi32>,
      %swap3A_508 = vector.shape_cast %swap3A_507 : vector<1x16xi32> to vector<16xi32>
      %swap3A_509 = vector.shape_cast %select_n3A_504 : vector<16xi32> to vector<1x16xi32>
      tpu.vector_store %arg7[%swap3A_505, %swap3A_506], %swap3A_509 {strides = array<i32>} : memref<56x128xi32, #tpu.memory_space<vmem>>, vector<1x16xi32>,
      %get3A_510 = arith.index_cast %scan3A_385 : i32 to index
      %get3A_511 = arith.constant 96 : index
      %get3A_512 = tpu.vector_load %arg6[%get3A_510, %get3A_511] {strides = array<i32>} : memref<56x128xi32, #tpu.memory_space<vmem>>, vector<1x16xi32>,
      %get3A_513 = vector.shape_cast %get3A_512 : vector<1x16xi32> to vector<16xi32>
      %sub3A_514 = arith.constant 12544 : i32
      %sub3A_515 = vector.broadcast %sub3A_514 : i32 to vector<16xi32>
      %sub3A_516 = arith.subi %get3A_513, %sub3A_515 : vector<16xi32>
      %ge3A_517 = arith.constant 0 : i32
      %ge3A_518 = vector.broadcast %ge3A_517 : i32 to vector<16xi32>
      %ge3A_519 = arith.cmpi sge, %sub3A_516, %ge3A_518 : vector<16xi32>
      %lt3A_520 = arith.constant 6272 : i32
      %lt3A_521 = vector.broadcast %lt3A_520 : i32 to vector<16xi32>
      %lt3A_522 = arith.cmpi slt, %sub3A_516, %lt3A_521 : vector<16xi32>
      %and3A_523 = arith.andi %ge3A_519, %lt3A_522 : vector<16xi1>
      %jit3A_524 = arith.constant 6272 : i32
      %broadcast_in_dim3A_525 = vector.broadcast %jit3A_524 : i32 to vector<16xi32>
      %select_n3A_526 = arith.select %and3A_523, %sub3A_516, %broadcast_in_dim3A_525 : vector<16xi1>, vector<16xi32>
      %swap3A_527 = arith.index_cast %scan3A_385 : i32 to index
      %swap3A_528 = arith.constant 96 : index
      %swap3A_529 = tpu.vector_load %arg7[%swap3A_527, %swap3A_528] {strides = array<i32>} : memref<56x128xi32, #tpu.memory_space<vmem>>, vector<1x16xi32>,
      %swap3A_530 = vector.shape_cast %swap3A_529 : vector<1x16xi32> to vector<16xi32>
      %swap3A_531 = vector.shape_cast %select_n3A_526 : vector<16xi32> to vector<1x16xi32>
      tpu.vector_store %arg7[%swap3A_527, %swap3A_528], %swap3A_531 {strides = array<i32>} : memref<56x128xi32, #tpu.memory_space<vmem>>, vector<1x16xi32>,
      %get3A_532 = arith.index_cast %scan3A_385 : i32 to index
      %get3A_533 = arith.constant 112 : index
      %get3A_534 = tpu.vector_load %arg6[%get3A_532, %get3A_533] {strides = array<i32>} : memref<56x128xi32, #tpu.memory_space<vmem>>, vector<1x16xi32>,
      %get3A_535 = vector.shape_cast %get3A_534 : vector<1x16xi32> to vector<16xi32>
      %sub3A_536 = arith.constant 12544 : i32
      %sub3A_537 = vector.broadcast %sub3A_536 : i32 to vector<16xi32>
      %sub3A_538 = arith.subi %get3A_535, %sub3A_537 : vector<16xi32>
      %ge3A_539 = arith.constant 0 : i32
      %ge3A_540 = vector.broadcast %ge3A_539 : i32 to vector<16xi32>
      %ge3A_541 = arith.cmpi sge, %sub3A_538, %ge3A_540 : vector<16xi32>
      %lt3A_542 = arith.constant 6272 : i32
      %lt3A_543 = vector.broadcast %lt3A_542 : i32 to vector<16xi32>
      %lt3A_544 = arith.cmpi slt, %sub3A_538, %lt3A_543 : vector<16xi32>
      %and3A_545 = arith.andi %ge3A_541, %lt3A_544 : vector<16xi1>
      %jit3A_546 = arith.constant 6272 : i32
      %broadcast_in_dim3A_547 = vector.broadcast %jit3A_546 : i32 to vector<16xi32>
      %select_n3A_548 = arith.select %and3A_545, %sub3A_538, %broadcast_in_dim3A_547 : vector<16xi1>, vector<16xi32>
      %swap3A_549 = arith.index_cast %scan3A_385 : i32 to index
      %swap3A_550 = arith.constant 112 : index
      %swap3A_551 = tpu.vector_load %arg7[%swap3A_549, %swap3A_550] {strides = array<i32>} : memref<56x128xi32, #tpu.memory_space<vmem>>, vector<1x16xi32>,
      %swap3A_552 = vector.shape_cast %swap3A_551 : vector<1x16xi32> to vector<16xi32>
      %swap3A_553 = vector.shape_cast %select_n3A_548 : vector<16xi32> to vector<1x16xi32>
      tpu.vector_store %arg7[%swap3A_549, %swap3A_550], %swap3A_553 {strides = array<i32>} : memref<56x128xi32, #tpu.memory_space<vmem>>, vector<1x16xi32>,
      %scan3A_554 = arith.constant 0 : i32
      scf.yield %scan3A_554 : i32
    }
    %scan3A_205 = arith.constant 50 : i32
    %add3A_206 = arith.constant 0 : i32
    %add3A_207 = arith.addi %mul3A_2, %add3A_206 : i32
    "tpu.region"() ({
      %run_scoped3A = tpu.sem_alloc : memref<!tpu.dma_semaphore, #tpu.memory_space<semaphore_mem>>
      %dma_start3A = arith.constant 0 : i32
      %dma_start3A_385 = tpu.memref_slice %arg11[%add3A_207, %dma_start3A] : memref<6280x128xf32, #tpu.memory_space<vmem_shared>> -> memref<56x128xf32, #tpu.memory_space<vmem_shared>>
      %dma_start3A_386 = arith.constant 0 : i32
      %dma_start3A_387 = tpu.memref_slice %arg11[%add3A_207, %dma_start3A_386] : memref<6280x128xf32, #tpu.memory_space<vmem_shared>> -> memref<56x128xf32, #tpu.memory_space<vmem_shared>>
      tpu.enqueue_dma source(%arg9 : memref<56x128xf32, #tpu.memory_space<vmem>>) target(%dma_start3A_387 : memref<56x128xf32, #tpu.memory_space<vmem_shared>>) target_semaphore(%run_scoped3A : memref<!tpu.dma_semaphore, #tpu.memory_space<semaphore_mem>>)
      %dma_wait3A = arith.constant 0 : i32
      %dma_wait3A_388 = tpu.memref_slice %arg11[%add3A_207, %dma_wait3A] : memref<6280x128xf32, #tpu.memory_space<vmem_shared>> -> memref<56x128xf32, #tpu.memory_space<vmem_shared>>
      %dma_wait3A_389 = arith.constant 0 : i32
      %dma_wait3A_390 = tpu.memref_slice %arg11[%add3A_207, %dma_wait3A_389] : memref<6280x128xf32, #tpu.memory_space<vmem_shared>> -> memref<56x128xf32, #tpu.memory_space<vmem_shared>>
      tpu.wait_dma2 semaphore(%run_scoped3A : memref<!tpu.dma_semaphore, #tpu.memory_space<semaphore_mem>>) src(%arg9 : memref<56x128xf32, #tpu.memory_space<vmem>>) dst(%dma_wait3A_390 : memref<56x128xf32, #tpu.memory_space<vmem_shared>>)
      tpu.yield
    }) : () -> ()
    %add3A_208 = arith.constant 56 : i32
    %add3A_209 = arith.addi %mul3A_2, %add3A_208 : i32
    "tpu.region"() ({
      %run_scoped3A = tpu.sem_alloc : memref<!tpu.dma_semaphore, #tpu.memory_space<semaphore_mem>>
      %dma_start3A = arith.constant 0 : i32
      %dma_start3A_385 = tpu.memref_slice %arg11[%add3A_209, %dma_start3A] : memref<6280x128xf32, #tpu.memory_space<vmem_shared>> -> memref<56x128xf32, #tpu.memory_space<vmem_shared>>
      %dma_start3A_386 = arith.constant 0 : i32
      %dma_start3A_387 = tpu.memref_slice %arg11[%add3A_209, %dma_start3A_386] : memref<6280x128xf32, #tpu.memory_space<vmem_shared>> -> memref<56x128xf32, #tpu.memory_space<vmem_shared>>
      tpu.enqueue_dma source(%arg9 : memref<56x128xf32, #tpu.memory_space<vmem>>) target(%dma_start3A_387 : memref<56x128xf32, #tpu.memory_space<vmem_shared>>) target_semaphore(%run_scoped3A : memref<!tpu.dma_semaphore, #tpu.memory_space<semaphore_mem>>)
      %dma_wait3A = arith.constant 0 : i32
      %dma_wait3A_388 = tpu.memref_slice %arg11[%add3A_209, %dma_wait3A] : memref<6280x128xf32, #tpu.memory_space<vmem_shared>> -> memref<56x128xf32, #tpu.memory_space<vmem_shared>>
      %dma_wait3A_389 = arith.constant 0 : i32
      %dma_wait3A_390 = tpu.memref_slice %arg11[%add3A_209, %dma_wait3A_389] : memref<6280x128xf32, #tpu.memory_space<vmem_shared>> -> memref<56x128xf32, #tpu.memory_space<vmem_shared>>
      tpu.wait_dma2 semaphore(%run_scoped3A : memref<!tpu.dma_semaphore, #tpu.memory_space<semaphore_mem>>) src(%arg9 : memref<56x128xf32, #tpu.memory_space<vmem>>) dst(%dma_wait3A_390 : memref<56x128xf32, #tpu.memory_space<vmem_shared>>)
      tpu.yield
    }) : () -> ()
    %add3A_210 = arith.constant 112 : i32
    %add3A_211 = arith.addi %mul3A_2, %add3A_210 : i32
    "tpu.region"() ({
      %run_scoped3A = tpu.sem_alloc : memref<!tpu.dma_semaphore, #tpu.memory_space<semaphore_mem>>
      %dma_start3A = arith.constant 0 : i32
      %dma_start3A_385 = tpu.memref_slice %arg11[%add3A_211, %dma_start3A] : memref<6280x128xf32, #tpu.memory_space<vmem_shared>> -> memref<56x128xf32, #tpu.memory_space<vmem_shared>>
      %dma_start3A_386 = arith.constant 0 : i32
      %dma_start3A_387 = tpu.memref_slice %arg11[%add3A_211, %dma_start3A_386] : memref<6280x128xf32, #tpu.memory_space<vmem_shared>> -> memref<56x128xf32, #tpu.memory_space<vmem_shared>>
      tpu.enqueue_dma source(%arg9 : memref<56x128xf32, #tpu.memory_space<vmem>>) target(%dma_start3A_387 : memref<56x128xf32, #tpu.memory_space<vmem_shared>>) target_semaphore(%run_scoped3A : memref<!tpu.dma_semaphore, #tpu.memory_space<semaphore_mem>>)
      %dma_wait3A = arith.constant 0 : i32
      %dma_wait3A_388 = tpu.memref_slice %arg11[%add3A_211, %dma_wait3A] : memref<6280x128xf32, #tpu.memory_space<vmem_shared>> -> memref<56x128xf32, #tpu.memory_space<vmem_shared>>
      %dma_wait3A_389 = arith.constant 0 : i32
      %dma_wait3A_390 = tpu.memref_slice %arg11[%add3A_211, %dma_wait3A_389] : memref<6280x128xf32, #tpu.memory_space<vmem_shared>> -> memref<56x128xf32, #tpu.memory_space<vmem_shared>>
      tpu.wait_dma2 semaphore(%run_scoped3A : memref<!tpu.dma_semaphore, #tpu.memory_space<semaphore_mem>>) src(%arg9 : memref<56x128xf32, #tpu.memory_space<vmem>>) dst(%dma_wait3A_390 : memref<56x128xf32, #tpu.memory_space<vmem_shared>>)
      tpu.yield
    }) : () -> ()
    %add3A_212 = arith.constant 168 : i32
    %add3A_213 = arith.addi %mul3A_2, %add3A_212 : i32
    "tpu.region"() ({
      %run_scoped3A = tpu.sem_alloc : memref<!tpu.dma_semaphore, #tpu.memory_space<semaphore_mem>>
      %dma_start3A = arith.constant 0 : i32
      %dma_start3A_385 = tpu.memref_slice %arg11[%add3A_213, %dma_start3A] : memref<6280x128xf32, #tpu.memory_space<vmem_shared>> -> memref<56x128xf32, #tpu.memory_space<vmem_shared>>
      %dma_start3A_386 = arith.constant 0 : i32
      %dma_start3A_387 = tpu.memref_slice %arg11[%add3A_213, %dma_start3A_386] : memref<6280x128xf32, #tpu.memory_space<vmem_shared>> -> memref<56x128xf32, #tpu.memory_space<vmem_shared>>
      tpu.enqueue_dma source(%arg9 : memref<56x128xf32, #tpu.memory_space<vmem>>) target(%dma_start3A_387 : memref<56x128xf32, #tpu.memory_space<vmem_shared>>) target_semaphore(%run_scoped3A : memref<!tpu.dma_semaphore, #tpu.memory_space<semaphore_mem>>)
      %dma_wait3A = arith.constant 0 : i32
      %dma_wait3A_388 = tpu.memref_slice %arg11[%add3A_213, %dma_wait3A] : memref<6280x128xf32, #tpu.memory_space<vmem_shared>> -> memref<56x128xf32, #tpu.memory_space<vmem_shared>>
      %dma_wait3A_389 = arith.constant 0 : i32
      %dma_wait3A_390 = tpu.memref_slice %arg11[%add3A_213, %dma_wait3A_389] : memref<6280x128xf32, #tpu.memory_space<vmem_shared>> -> memref<56x128xf32, #tpu.memory_space<vmem_shared>>
      tpu.wait_dma2 semaphore(%run_scoped3A : memref<!tpu.dma_semaphore, #tpu.memory_space<semaphore_mem>>) src(%arg9 : memref<56x128xf32, #tpu.memory_space<vmem>>) dst(%dma_wait3A_390 : memref<56x128xf32, #tpu.memory_space<vmem_shared>>)
      tpu.yield
    }) : () -> ()
    %add3A_214 = arith.constant 224 : i32
    %add3A_215 = arith.addi %mul3A_2, %add3A_214 : i32
    "tpu.region"() ({
      %run_scoped3A = tpu.sem_alloc : memref<!tpu.dma_semaphore, #tpu.memory_space<semaphore_mem>>
      %dma_start3A = arith.constant 0 : i32
      %dma_start3A_385 = tpu.memref_slice %arg11[%add3A_215, %dma_start3A] : memref<6280x128xf32, #tpu.memory_space<vmem_shared>> -> memref<56x128xf32, #tpu.memory_space<vmem_shared>>
      %dma_start3A_386 = arith.constant 0 : i32
      %dma_start3A_387 = tpu.memref_slice %arg11[%add3A_215, %dma_start3A_386] : memref<6280x128xf32, #tpu.memory_space<vmem_shared>> -> memref<56x128xf32, #tpu.memory_space<vmem_shared>>
      tpu.enqueue_dma source(%arg9 : memref<56x128xf32, #tpu.memory_space<vmem>>) target(%dma_start3A_387 : memref<56x128xf32, #tpu.memory_space<vmem_shared>>) target_semaphore(%run_scoped3A : memref<!tpu.dma_semaphore, #tpu.memory_space<semaphore_mem>>)
      %dma_wait3A = arith.constant 0 : i32
      %dma_wait3A_388 = tpu.memref_slice %arg11[%add3A_215, %dma_wait3A] : memref<6280x128xf32, #tpu.memory_space<vmem_shared>> -> memref<56x128xf32, #tpu.memory_space<vmem_shared>>
      %dma_wait3A_389 = arith.constant 0 : i32
      %dma_wait3A_390 = tpu.memref_slice %arg11[%add3A_215, %dma_wait3A_389] : memref<6280x128xf32, #tpu.memory_space<vmem_shared>> -> memref<56x128xf32, #tpu.memory_space<vmem_shared>>
      tpu.wait_dma2 semaphore(%run_scoped3A : memref<!tpu.dma_semaphore, #tpu.memory_space<semaphore_mem>>) src(%arg9 : memref<56x128xf32, #tpu.memory_space<vmem>>) dst(%dma_wait3A_390 : memref<56x128xf32, #tpu.memory_space<vmem_shared>>)
      tpu.yield
    }) : () -> ()
    %add3A_216 = arith.constant 280 : i32
    %add3A_217 = arith.addi %mul3A_2, %add3A_216 : i32
    "tpu.region"() ({
      %run_scoped3A = tpu.sem_alloc : memref<!tpu.dma_semaphore, #tpu.memory_space<semaphore_mem>>
      %dma_start3A = arith.constant 0 : i32
      %dma_start3A_385 = tpu.memref_slice %arg11[%add3A_217, %dma_start3A] : memref<6280x128xf32, #tpu.memory_space<vmem_shared>> -> memref<56x128xf32, #tpu.memory_space<vmem_shared>>
      %dma_start3A_386 = arith.constant 0 : i32
      %dma_start3A_387 = tpu.memref_slice %arg11[%add3A_217, %dma_start3A_386] : memref<6280x128xf32, #tpu.memory_space<vmem_shared>> -> memref<56x128xf32, #tpu.memory_space<vmem_shared>>
      tpu.enqueue_dma source(%arg9 : memref<56x128xf32, #tpu.memory_space<vmem>>) target(%dma_start3A_387 : memref<56x128xf32, #tpu.memory_space<vmem_shared>>) target_semaphore(%run_scoped3A : memref<!tpu.dma_semaphore, #tpu.memory_space<semaphore_mem>>)
      %dma_wait3A = arith.constant 0 : i32
      %dma_wait3A_388 = tpu.memref_slice %arg11[%add3A_217, %dma_wait3A] : memref<6280x128xf32, #tpu.memory_space<vmem_shared>> -> memref<56x128xf32, #tpu.memory_space<vmem_shared>>
      %dma_wait3A_389 = arith.constant 0 : i32
      %dma_wait3A_390 = tpu.memref_slice %arg11[%add3A_217, %dma_wait3A_389] : memref<6280x128xf32, #tpu.memory_space<vmem_shared>> -> memref<56x128xf32, #tpu.memory_space<vmem_shared>>
      tpu.wait_dma2 semaphore(%run_scoped3A : memref<!tpu.dma_semaphore, #tpu.memory_space<semaphore_mem>>) src(%arg9 : memref<56x128xf32, #tpu.memory_space<vmem>>) dst(%dma_wait3A_390 : memref<56x128xf32, #tpu.memory_space<vmem_shared>>)
      tpu.yield
    }) : () -> ()
    %add3A_218 = arith.constant 336 : i32
    %add3A_219 = arith.addi %mul3A_2, %add3A_218 : i32
    "tpu.region"() ({
      %run_scoped3A = tpu.sem_alloc : memref<!tpu.dma_semaphore, #tpu.memory_space<semaphore_mem>>
      %dma_start3A = arith.constant 0 : i32
      %dma_start3A_385 = tpu.memref_slice %arg11[%add3A_219, %dma_start3A] : memref<6280x128xf32, #tpu.memory_space<vmem_shared>> -> memref<56x128xf32, #tpu.memory_space<vmem_shared>>
      %dma_start3A_386 = arith.constant 0 : i32
      %dma_start3A_387 = tpu.memref_slice %arg11[%add3A_219, %dma_start3A_386] : memref<6280x128xf32, #tpu.memory_space<vmem_shared>> -> memref<56x128xf32, #tpu.memory_space<vmem_shared>>
      tpu.enqueue_dma source(%arg9 : memref<56x128xf32, #tpu.memory_space<vmem>>) target(%dma_start3A_387 : memref<56x128xf32, #tpu.memory_space<vmem_shared>>) target_semaphore(%run_scoped3A : memref<!tpu.dma_semaphore, #tpu.memory_space<semaphore_mem>>)
      %dma_wait3A = arith.constant 0 : i32
      %dma_wait3A_388 = tpu.memref_slice %arg11[%add3A_219, %dma_wait3A] : memref<6280x128xf32, #tpu.memory_space<vmem_shared>> -> memref<56x128xf32, #tpu.memory_space<vmem_shared>>
      %dma_wait3A_389 = arith.constant 0 : i32
      %dma_wait3A_390 = tpu.memref_slice %arg11[%add3A_219, %dma_wait3A_389] : memref<6280x128xf32, #tpu.memory_space<vmem_shared>> -> memref<56x128xf32, #tpu.memory_space<vmem_shared>>
      tpu.wait_dma2 semaphore(%run_scoped3A : memref<!tpu.dma_semaphore, #tpu.memory_space<semaphore_mem>>) src(%arg9 : memref<56x128xf32, #tpu.memory_space<vmem>>) dst(%dma_wait3A_390 : memref<56x128xf32, #tpu.memory_space<vmem_shared>>)
      tpu.yield
    }) : () -> ()
    %barrier3A_220 = arith.constant 0 : index
    tpu.barrier barrier_id(%barrier3A_220)
    %scan3A_221 = arith.constant 0 : i32
    %scan3A_222 = arith.constant 0 : i32
    %scan3A_223 = arith.constant 50 : i32
    %scan3A_224 = arith.addi %scan3A_222, %scan3A_223 : i32
    %scan3A_225 = arith.constant 1 : i32
    %scan3A_226 = scf.for %scan3A_385 = %scan3A_222 to %scan3A_224 step %scan3A_225 iter_args(%scan3A_386 = %scan3A_221) -> (i32)  : i32 {
      %mul3A_387 = arith.constant 2 : i32
      %mul3A_388 = arith.muli %arg0, %mul3A_387 : i32
      %add3A_389 = arith.constant 0 : i32
      %add3A_390 = arith.addi %mul3A_388, %add3A_389 : i32
      %mul3A_391 = arith.constant 128 : i32
      %mul3A_392 = arith.muli %add3A_390, %mul3A_391 : i32
      %mul3A_393 = arith.constant 128 : i32
      %mul3A_394 = arith.muli %scan3A_385, %mul3A_393 : i32
      %add3A_395 = arith.addi %mul3A_0, %mul3A_394 : i32
      "tpu.region"() ({
        %run_scoped3A = tpu.sem_alloc : memref<!tpu.dma_semaphore, #tpu.memory_space<semaphore_mem>>
        %dma_start3A = tpu.memref_slice %arg2[%add3A_395, %mul3A_392] : memref<102400x512xf32, #tpu.memory_space<hbm>> -> memref<128x128xf32, #tpu.memory_space<hbm>>
        %dma_start3A_397 = tpu.memref_slice %arg2[%add3A_395, %mul3A_392] : memref<102400x512xf32, #tpu.memory_space<hbm>> -> memref<128x128xf32, #tpu.memory_space<hbm>>
        tpu.enqueue_dma source(%dma_start3A_397 : memref<128x128xf32, #tpu.memory_space<hbm>>) target(%arg8 : memref<128x128xf32, #tpu.memory_space<vmem>>) target_semaphore(%run_scoped3A : memref<!tpu.dma_semaphore, #tpu.memory_space<semaphore_mem>>)
        %dma_wait3A = tpu.memref_slice %arg2[%add3A_395, %mul3A_392] : memref<102400x512xf32, #tpu.memory_space<hbm>> -> memref<128x128xf32, #tpu.memory_space<hbm>>
        %dma_wait3A_398 = tpu.memref_slice %arg2[%add3A_395, %mul3A_392] : memref<102400x512xf32, #tpu.memory_space<hbm>> -> memref<128x128xf32, #tpu.memory_space<hbm>>
        tpu.wait_dma2 semaphore(%run_scoped3A : memref<!tpu.dma_semaphore, #tpu.memory_space<semaphore_mem>>) src(%dma_wait3A_398 : memref<128x128xf32, #tpu.memory_space<hbm>>) dst(%arg8 : memref<128x128xf32, #tpu.memory_space<vmem>>)
        tpu.yield
      }) : () -> ()
      "tpu.region"() ({
        %run_scoped3A = tpu.sem_alloc : memref<!tpu.dma_semaphore, #tpu.memory_space<semaphore_mem>>
        %dma_start3A = arith.constant 0 : i32
        %dma_start3A_397 = tpu.memref_slice %arg7[%scan3A_385, %dma_start3A] : memref<56x128xi32, #tpu.memory_space<vmem>> -> memref<1x128xi32, #tpu.memory_space<vmem>>
        %dma_start3A_398 = tpu.memref_squeeze %dma_start3A_397 : memref<1x128xi32, #tpu.memory_space<vmem>> -> memref<128xi32, #tpu.memory_space<vmem>>
        %dma_start3A_399 = arith.constant 0 : i32
        %dma_start3A_400 = arith.constant 0 : i32
        %dma_start3A_401 = tpu.memref_slice %arg11[%dma_start3A_399, %dma_start3A_400] : memref<6280x128xf32, #tpu.memory_space<vmem_shared>> -> memref<6280x128xf32, #tpu.memory_space<vmem_shared>>
        tpu.enqueue_indirect_dma source(%arg8 : memref<128x128xf32, #tpu.memory_space<vmem>>) target(%dma_start3A_401 : memref<6280x128xf32, #tpu.memory_space<vmem_shared>>) offsets(%dma_start3A_398 : memref<128xi32, #tpu.memory_space<vmem>>) semaphore(%run_scoped3A : memref<!tpu.dma_semaphore, #tpu.memory_space<semaphore_mem>>) {add = true}
        %dma_wait3A = arith.constant 0 : i32
        %dma_wait3A_402 = tpu.memref_slice %arg7[%scan3A_385, %dma_wait3A] : memref<56x128xi32, #tpu.memory_space<vmem>> -> memref<1x128xi32, #tpu.memory_space<vmem>>
        %dma_wait3A_403 = tpu.memref_squeeze %dma_wait3A_402 : memref<1x128xi32, #tpu.memory_space<vmem>> -> memref<128xi32, #tpu.memory_space<vmem>>
        %dma_wait3A_404 = arith.constant 0 : i32
        %dma_wait3A_405 = arith.constant 0 : i32
        %dma_wait3A_406 = tpu.memref_slice %arg11[%dma_wait3A_404, %dma_wait3A_405] : memref<6280x128xf32, #tpu.memory_space<vmem_shared>> -> memref<6280x128xf32, #tpu.memory_space<vmem_shared>>
        tpu.wait_indirect_dma semaphore(%run_scoped3A : memref<!tpu.dma_semaphore, #tpu.memory_space<semaphore_mem>>) src(%arg8 : memref<128x128xf32, #tpu.memory_space<vmem>>) dst(%dma_wait3A_406 : memref<6280x128xf32, #tpu.memory_space<vmem_shared>>)
        tpu.yield
      }) : () -> ()
      %scan3A_396 = arith.constant 0 : i32
      scf.yield %scan3A_396 : i32
    }
    %scan3A_227 = arith.constant 50 : i32
    %barrier3A_228 = arith.constant 0 : index
    tpu.barrier barrier_id(%barrier3A_228)
    %add3A_229 = arith.constant 12544 : i32
    %add3A_230 = arith.addi %add3A_229, %mul3A_2 : i32
    %eq3A_231 = arith.constant 0 : i32
    %eq3A_232 = arith.cmpi eq, %arg0, %eq3A_231 : i32
    %convert_element_type3A_233 = arith.extui %eq3A_232 : i1 to i32
    %cond3A_234 = arith.constant 0 : i32
    %cond3A_235 = arith.cmpi ne, %convert_element_type3A_233, %cond3A_234 : i32
    scf.if %cond3A_235 {
      %run_scoped3A = arith.constant 0 : i32
      "tpu.region"() ({
        %run_scoped3A_385 = tpu.sem_alloc : memref<!tpu.dma_semaphore, #tpu.memory_space<semaphore_mem>>
        %dma_start3A = arith.constant 0 : i32
        %dma_start3A_386 = tpu.memref_slice %arg4[%run_scoped3A, %add3A_230, %dma_start3A] : memref<4x25088x128xf32, #tpu.memory_space<hbm>> -> memref<1x392x128xf32, #tpu.memory_space<hbm>>
        %dma_start3A_387 = tpu.memref_squeeze %dma_start3A_386 : memref<1x392x128xf32, #tpu.memory_space<hbm>> -> memref<392x128xf32, #tpu.memory_space<hbm>>
        %dma_start3A_388 = arith.constant 0 : i32
        %dma_start3A_389 = tpu.memref_slice %arg11[%mul3A_2, %dma_start3A_388] : memref<6280x128xf32, #tpu.memory_space<vmem_shared>> -> memref<392x128xf32, #tpu.memory_space<vmem_shared>>
        tpu.enqueue_dma source(%dma_start3A_389 : memref<392x128xf32, #tpu.memory_space<vmem_shared>>) target(%dma_start3A_387 : memref<392x128xf32, #tpu.memory_space<hbm>>) target_semaphore(%run_scoped3A_385 : memref<!tpu.dma_semaphore, #tpu.memory_space<semaphore_mem>>)
        %dma_wait3A = arith.constant 0 : i32
        %dma_wait3A_390 = tpu.memref_slice %arg4[%run_scoped3A, %add3A_230, %dma_wait3A] : memref<4x25088x128xf32, #tpu.memory_space<hbm>> -> memref<1x392x128xf32, #tpu.memory_space<hbm>>
        %dma_wait3A_391 = tpu.memref_squeeze %dma_wait3A_390 : memref<1x392x128xf32, #tpu.memory_space<hbm>> -> memref<392x128xf32, #tpu.memory_space<hbm>>
        %dma_wait3A_392 = arith.constant 0 : i32
        %dma_wait3A_393 = tpu.memref_slice %arg11[%mul3A_2, %dma_wait3A_392] : memref<6280x128xf32, #tpu.memory_space<vmem_shared>> -> memref<392x128xf32, #tpu.memory_space<vmem_shared>>
        tpu.wait_dma2 semaphore(%run_scoped3A_385 : memref<!tpu.dma_semaphore, #tpu.memory_space<semaphore_mem>>) src(%dma_wait3A_393 : memref<392x128xf32, #tpu.memory_space<vmem_shared>>) dst(%dma_wait3A_391 : memref<392x128xf32, #tpu.memory_space<hbm>>)
        tpu.yield
      }) : () -> ()
    } else {
    }
    %eq3A_236 = arith.constant 1 : i32
    %eq3A_237 = arith.cmpi eq, %arg0, %eq3A_236 : i32
    %convert_element_type3A_238 = arith.extui %eq3A_237 : i1 to i32
    %cond3A_239 = arith.constant 0 : i32
    %cond3A_240 = arith.cmpi ne, %convert_element_type3A_238, %cond3A_239 : i32
    scf.if %cond3A_240 {
      %run_scoped3A = arith.constant 2 : i32
      "tpu.region"() ({
        %run_scoped3A_385 = tpu.sem_alloc : memref<!tpu.dma_semaphore, #tpu.memory_space<semaphore_mem>>
        %dma_start3A = arith.constant 0 : i32
        %dma_start3A_386 = tpu.memref_slice %arg4[%run_scoped3A, %add3A_230, %dma_start3A] : memref<4x25088x128xf32, #tpu.memory_space<hbm>> -> memref<1x392x128xf32, #tpu.memory_space<hbm>>
        %dma_start3A_387 = tpu.memref_squeeze %dma_start3A_386 : memref<1x392x128xf32, #tpu.memory_space<hbm>> -> memref<392x128xf32, #tpu.memory_space<hbm>>
        %dma_start3A_388 = arith.constant 0 : i32
        %dma_start3A_389 = tpu.memref_slice %arg11[%mul3A_2, %dma_start3A_388] : memref<6280x128xf32, #tpu.memory_space<vmem_shared>> -> memref<392x128xf32, #tpu.memory_space<vmem_shared>>
        tpu.enqueue_dma source(%dma_start3A_389 : memref<392x128xf32, #tpu.memory_space<vmem_shared>>) target(%dma_start3A_387 : memref<392x128xf32, #tpu.memory_space<hbm>>) target_semaphore(%run_scoped3A_385 : memref<!tpu.dma_semaphore, #tpu.memory_space<semaphore_mem>>)
        %dma_wait3A = arith.constant 0 : i32
        %dma_wait3A_390 = tpu.memref_slice %arg4[%run_scoped3A, %add3A_230, %dma_wait3A] : memref<4x25088x128xf32, #tpu.memory_space<hbm>> -> memref<1x392x128xf32, #tpu.memory_space<hbm>>
        %dma_wait3A_391 = tpu.memref_squeeze %dma_wait3A_390 : memref<1x392x128xf32, #tpu.memory_space<hbm>> -> memref<392x128xf32, #tpu.memory_space<hbm>>
        %dma_wait3A_392 = arith.constant 0 : i32
        %dma_wait3A_393 = tpu.memref_slice %arg11[%mul3A_2, %dma_wait3A_392] : memref<6280x128xf32, #tpu.memory_space<vmem_shared>> -> memref<392x128xf32, #tpu.memory_space<vmem_shared>>
        tpu.wait_dma2 semaphore(%run_scoped3A_385 : memref<!tpu.dma_semaphore, #tpu.memory_space<semaphore_mem>>) src(%dma_wait3A_393 : memref<392x128xf32, #tpu.memory_space<vmem_shared>>) dst(%dma_wait3A_391 : memref<392x128xf32, #tpu.memory_space<hbm>>)
        tpu.yield
      }) : () -> ()
    } else {
    }
    %barrier3A_241 = arith.constant 0 : index
    tpu.barrier barrier_id(%barrier3A_241)
    %add3A_242 = arith.constant 0 : i32
    %add3A_243 = arith.addi %mul3A_2, %add3A_242 : i32
    "tpu.region"() ({
      %run_scoped3A = tpu.sem_alloc : memref<!tpu.dma_semaphore, #tpu.memory_space<semaphore_mem>>
      %dma_start3A = arith.constant 0 : i32
      %dma_start3A_385 = tpu.memref_slice %arg11[%add3A_243, %dma_start3A] : memref<6280x128xf32, #tpu.memory_space<vmem_shared>> -> memref<56x128xf32, #tpu.memory_space<vmem_shared>>
      %dma_start3A_386 = arith.constant 0 : i32
      %dma_start3A_387 = tpu.memref_slice %arg11[%add3A_243, %dma_start3A_386] : memref<6280x128xf32, #tpu.memory_space<vmem_shared>> -> memref<56x128xf32, #tpu.memory_space<vmem_shared>>
      tpu.enqueue_dma source(%arg9 : memref<56x128xf32, #tpu.memory_space<vmem>>) target(%dma_start3A_387 : memref<56x128xf32, #tpu.memory_space<vmem_shared>>) target_semaphore(%run_scoped3A : memref<!tpu.dma_semaphore, #tpu.memory_space<semaphore_mem>>)
      %dma_wait3A = arith.constant 0 : i32
      %dma_wait3A_388 = tpu.memref_slice %arg11[%add3A_243, %dma_wait3A] : memref<6280x128xf32, #tpu.memory_space<vmem_shared>> -> memref<56x128xf32, #tpu.memory_space<vmem_shared>>
      %dma_wait3A_389 = arith.constant 0 : i32
      %dma_wait3A_390 = tpu.memref_slice %arg11[%add3A_243, %dma_wait3A_389] : memref<6280x128xf32, #tpu.memory_space<vmem_shared>> -> memref<56x128xf32, #tpu.memory_space<vmem_shared>>
      tpu.wait_dma2 semaphore(%run_scoped3A : memref<!tpu.dma_semaphore, #tpu.memory_space<semaphore_mem>>) src(%arg9 : memref<56x128xf32, #tpu.memory_space<vmem>>) dst(%dma_wait3A_390 : memref<56x128xf32, #tpu.memory_space<vmem_shared>>)
      tpu.yield
    }) : () -> ()
    %add3A_244 = arith.constant 56 : i32
    %add3A_245 = arith.addi %mul3A_2, %add3A_244 : i32
    "tpu.region"() ({
      %run_scoped3A = tpu.sem_alloc : memref<!tpu.dma_semaphore, #tpu.memory_space<semaphore_mem>>
      %dma_start3A = arith.constant 0 : i32
      %dma_start3A_385 = tpu.memref_slice %arg11[%add3A_245, %dma_start3A] : memref<6280x128xf32, #tpu.memory_space<vmem_shared>> -> memref<56x128xf32, #tpu.memory_space<vmem_shared>>
      %dma_start3A_386 = arith.constant 0 : i32
      %dma_start3A_387 = tpu.memref_slice %arg11[%add3A_245, %dma_start3A_386] : memref<6280x128xf32, #tpu.memory_space<vmem_shared>> -> memref<56x128xf32, #tpu.memory_space<vmem_shared>>
      tpu.enqueue_dma source(%arg9 : memref<56x128xf32, #tpu.memory_space<vmem>>) target(%dma_start3A_387 : memref<56x128xf32, #tpu.memory_space<vmem_shared>>) target_semaphore(%run_scoped3A : memref<!tpu.dma_semaphore, #tpu.memory_space<semaphore_mem>>)
      %dma_wait3A = arith.constant 0 : i32
      %dma_wait3A_388 = tpu.memref_slice %arg11[%add3A_245, %dma_wait3A] : memref<6280x128xf32, #tpu.memory_space<vmem_shared>> -> memref<56x128xf32, #tpu.memory_space<vmem_shared>>
      %dma_wait3A_389 = arith.constant 0 : i32
      %dma_wait3A_390 = tpu.memref_slice %arg11[%add3A_245, %dma_wait3A_389] : memref<6280x128xf32, #tpu.memory_space<vmem_shared>> -> memref<56x128xf32, #tpu.memory_space<vmem_shared>>
      tpu.wait_dma2 semaphore(%run_scoped3A : memref<!tpu.dma_semaphore, #tpu.memory_space<semaphore_mem>>) src(%arg9 : memref<56x128xf32, #tpu.memory_space<vmem>>) dst(%dma_wait3A_390 : memref<56x128xf32, #tpu.memory_space<vmem_shared>>)
      tpu.yield
    }) : () -> ()
    %add3A_246 = arith.constant 112 : i32
    %add3A_247 = arith.addi %mul3A_2, %add3A_246 : i32
    "tpu.region"() ({
      %run_scoped3A = tpu.sem_alloc : memref<!tpu.dma_semaphore, #tpu.memory_space<semaphore_mem>>
      %dma_start3A = arith.constant 0 : i32
      %dma_start3A_385 = tpu.memref_slice %arg11[%add3A_247, %dma_start3A] : memref<6280x128xf32, #tpu.memory_space<vmem_shared>> -> memref<56x128xf32, #tpu.memory_space<vmem_shared>>
      %dma_start3A_386 = arith.constant 0 : i32
      %dma_start3A_387 = tpu.memref_slice %arg11[%add3A_247, %dma_start3A_386] : memref<6280x128xf32, #tpu.memory_space<vmem_shared>> -> memref<56x128xf32, #tpu.memory_space<vmem_shared>>
      tpu.enqueue_dma source(%arg9 : memref<56x128xf32, #tpu.memory_space<vmem>>) target(%dma_start3A_387 : memref<56x128xf32, #tpu.memory_space<vmem_shared>>) target_semaphore(%run_scoped3A : memref<!tpu.dma_semaphore, #tpu.memory_space<semaphore_mem>>)
      %dma_wait3A = arith.constant 0 : i32
      %dma_wait3A_388 = tpu.memref_slice %arg11[%add3A_247, %dma_wait3A] : memref<6280x128xf32, #tpu.memory_space<vmem_shared>> -> memref<56x128xf32, #tpu.memory_space<vmem_shared>>
      %dma_wait3A_389 = arith.constant 0 : i32
      %dma_wait3A_390 = tpu.memref_slice %arg11[%add3A_247, %dma_wait3A_389] : memref<6280x128xf32, #tpu.memory_space<vmem_shared>> -> memref<56x128xf32, #tpu.memory_space<vmem_shared>>
      tpu.wait_dma2 semaphore(%run_scoped3A : memref<!tpu.dma_semaphore, #tpu.memory_space<semaphore_mem>>) src(%arg9 : memref<56x128xf32, #tpu.memory_space<vmem>>) dst(%dma_wait3A_390 : memref<56x128xf32, #tpu.memory_space<vmem_shared>>)
      tpu.yield
    }) : () -> ()
    %add3A_248 = arith.constant 168 : i32
    %add3A_249 = arith.addi %mul3A_2, %add3A_248 : i32
    "tpu.region"() ({
      %run_scoped3A = tpu.sem_alloc : memref<!tpu.dma_semaphore, #tpu.memory_space<semaphore_mem>>
      %dma_start3A = arith.constant 0 : i32
      %dma_start3A_385 = tpu.memref_slice %arg11[%add3A_249, %dma_start3A] : memref<6280x128xf32, #tpu.memory_space<vmem_shared>> -> memref<56x128xf32, #tpu.memory_space<vmem_shared>>
      %dma_start3A_386 = arith.constant 0 : i32
      %dma_start3A_387 = tpu.memref_slice %arg11[%add3A_249, %dma_start3A_386] : memref<6280x128xf32, #tpu.memory_space<vmem_shared>> -> memref<56x128xf32, #tpu.memory_space<vmem_shared>>
      tpu.enqueue_dma source(%arg9 : memref<56x128xf32, #tpu.memory_space<vmem>>) target(%dma_start3A_387 : memref<56x128xf32, #tpu.memory_space<vmem_shared>>) target_semaphore(%run_scoped3A : memref<!tpu.dma_semaphore, #tpu.memory_space<semaphore_mem>>)
      %dma_wait3A = arith.constant 0 : i32
      %dma_wait3A_388 = tpu.memref_slice %arg11[%add3A_249, %dma_wait3A] : memref<6280x128xf32, #tpu.memory_space<vmem_shared>> -> memref<56x128xf32, #tpu.memory_space<vmem_shared>>
      %dma_wait3A_389 = arith.constant 0 : i32
      %dma_wait3A_390 = tpu.memref_slice %arg11[%add3A_249, %dma_wait3A_389] : memref<6280x128xf32, #tpu.memory_space<vmem_shared>> -> memref<56x128xf32, #tpu.memory_space<vmem_shared>>
      tpu.wait_dma2 semaphore(%run_scoped3A : memref<!tpu.dma_semaphore, #tpu.memory_space<semaphore_mem>>) src(%arg9 : memref<56x128xf32, #tpu.memory_space<vmem>>) dst(%dma_wait3A_390 : memref<56x128xf32, #tpu.memory_space<vmem_shared>>)
      tpu.yield
    }) : () -> ()
    %add3A_250 = arith.constant 224 : i32
    %add3A_251 = arith.addi %mul3A_2, %add3A_250 : i32
    "tpu.region"() ({
      %run_scoped3A = tpu.sem_alloc : memref<!tpu.dma_semaphore, #tpu.memory_space<semaphore_mem>>
      %dma_start3A = arith.constant 0 : i32
      %dma_start3A_385 = tpu.memref_slice %arg11[%add3A_251, %dma_start3A] : memref<6280x128xf32, #tpu.memory_space<vmem_shared>> -> memref<56x128xf32, #tpu.memory_space<vmem_shared>>
      %dma_start3A_386 = arith.constant 0 : i32
      %dma_start3A_387 = tpu.memref_slice %arg11[%add3A_251, %dma_start3A_386] : memref<6280x128xf32, #tpu.memory_space<vmem_shared>> -> memref<56x128xf32, #tpu.memory_space<vmem_shared>>
      tpu.enqueue_dma source(%arg9 : memref<56x128xf32, #tpu.memory_space<vmem>>) target(%dma_start3A_387 : memref<56x128xf32, #tpu.memory_space<vmem_shared>>) target_semaphore(%run_scoped3A : memref<!tpu.dma_semaphore, #tpu.memory_space<semaphore_mem>>)
      %dma_wait3A = arith.constant 0 : i32
      %dma_wait3A_388 = tpu.memref_slice %arg11[%add3A_251, %dma_wait3A] : memref<6280x128xf32, #tpu.memory_space<vmem_shared>> -> memref<56x128xf32, #tpu.memory_space<vmem_shared>>
      %dma_wait3A_389 = arith.constant 0 : i32
      %dma_wait3A_390 = tpu.memref_slice %arg11[%add3A_251, %dma_wait3A_389] : memref<6280x128xf32, #tpu.memory_space<vmem_shared>> -> memref<56x128xf32, #tpu.memory_space<vmem_shared>>
      tpu.wait_dma2 semaphore(%run_scoped3A : memref<!tpu.dma_semaphore, #tpu.memory_space<semaphore_mem>>) src(%arg9 : memref<56x128xf32, #tpu.memory_space<vmem>>) dst(%dma_wait3A_390 : memref<56x128xf32, #tpu.memory_space<vmem_shared>>)
      tpu.yield
    }) : () -> ()
    %add3A_252 = arith.constant 280 : i32
    %add3A_253 = arith.addi %mul3A_2, %add3A_252 : i32
    "tpu.region"() ({
      %run_scoped3A = tpu.sem_alloc : memref<!tpu.dma_semaphore, #tpu.memory_space<semaphore_mem>>
      %dma_start3A = arith.constant 0 : i32
      %dma_start3A_385 = tpu.memref_slice %arg11[%add3A_253, %dma_start3A] : memref<6280x128xf32, #tpu.memory_space<vmem_shared>> -> memref<56x128xf32, #tpu.memory_space<vmem_shared>>
      %dma_start3A_386 = arith.constant 0 : i32
      %dma_start3A_387 = tpu.memref_slice %arg11[%add3A_253, %dma_start3A_386] : memref<6280x128xf32, #tpu.memory_space<vmem_shared>> -> memref<56x128xf32, #tpu.memory_space<vmem_shared>>
      tpu.enqueue_dma source(%arg9 : memref<56x128xf32, #tpu.memory_space<vmem>>) target(%dma_start3A_387 : memref<56x128xf32, #tpu.memory_space<vmem_shared>>) target_semaphore(%run_scoped3A : memref<!tpu.dma_semaphore, #tpu.memory_space<semaphore_mem>>)
      %dma_wait3A = arith.constant 0 : i32
      %dma_wait3A_388 = tpu.memref_slice %arg11[%add3A_253, %dma_wait3A] : memref<6280x128xf32, #tpu.memory_space<vmem_shared>> -> memref<56x128xf32, #tpu.memory_space<vmem_shared>>
      %dma_wait3A_389 = arith.constant 0 : i32
      %dma_wait3A_390 = tpu.memref_slice %arg11[%add3A_253, %dma_wait3A_389] : memref<6280x128xf32, #tpu.memory_space<vmem_shared>> -> memref<56x128xf32, #tpu.memory_space<vmem_shared>>
      tpu.wait_dma2 semaphore(%run_scoped3A : memref<!tpu.dma_semaphore, #tpu.memory_space<semaphore_mem>>) src(%arg9 : memref<56x128xf32, #tpu.memory_space<vmem>>) dst(%dma_wait3A_390 : memref<56x128xf32, #tpu.memory_space<vmem_shared>>)
      tpu.yield
    }) : () -> ()
    %add3A_254 = arith.constant 336 : i32
    %add3A_255 = arith.addi %mul3A_2, %add3A_254 : i32
    "tpu.region"() ({
      %run_scoped3A = tpu.sem_alloc : memref<!tpu.dma_semaphore, #tpu.memory_space<semaphore_mem>>
      %dma_start3A = arith.constant 0 : i32
      %dma_start3A_385 = tpu.memref_slice %arg11[%add3A_255, %dma_start3A] : memref<6280x128xf32, #tpu.memory_space<vmem_shared>> -> memref<56x128xf32, #tpu.memory_space<vmem_shared>>
      %dma_start3A_386 = arith.constant 0 : i32
      %dma_start3A_387 = tpu.memref_slice %arg11[%add3A_255, %dma_start3A_386] : memref<6280x128xf32, #tpu.memory_space<vmem_shared>> -> memref<56x128xf32, #tpu.memory_space<vmem_shared>>
      tpu.enqueue_dma source(%arg9 : memref<56x128xf32, #tpu.memory_space<vmem>>) target(%dma_start3A_387 : memref<56x128xf32, #tpu.memory_space<vmem_shared>>) target_semaphore(%run_scoped3A : memref<!tpu.dma_semaphore, #tpu.memory_space<semaphore_mem>>)
      %dma_wait3A = arith.constant 0 : i32
      %dma_wait3A_388 = tpu.memref_slice %arg11[%add3A_255, %dma_wait3A] : memref<6280x128xf32, #tpu.memory_space<vmem_shared>> -> memref<56x128xf32, #tpu.memory_space<vmem_shared>>
      %dma_wait3A_389 = arith.constant 0 : i32
      %dma_wait3A_390 = tpu.memref_slice %arg11[%add3A_255, %dma_wait3A_389] : memref<6280x128xf32, #tpu.memory_space<vmem_shared>> -> memref<56x128xf32, #tpu.memory_space<vmem_shared>>
      tpu.wait_dma2 semaphore(%run_scoped3A : memref<!tpu.dma_semaphore, #tpu.memory_space<semaphore_mem>>) src(%arg9 : memref<56x128xf32, #tpu.memory_space<vmem>>) dst(%dma_wait3A_390 : memref<56x128xf32, #tpu.memory_space<vmem_shared>>)
      tpu.yield
    }) : () -> ()
    %barrier3A_256 = arith.constant 0 : index
    tpu.barrier barrier_id(%barrier3A_256)
    %scan3A_257 = arith.constant 0 : i32
    %scan3A_258 = arith.constant 0 : i32
    %scan3A_259 = arith.constant 50 : i32
    %scan3A_260 = arith.addi %scan3A_258, %scan3A_259 : i32
    %scan3A_261 = arith.constant 1 : i32
    %scan3A_262 = scf.for %scan3A_385 = %scan3A_258 to %scan3A_260 step %scan3A_261 iter_args(%scan3A_386 = %scan3A_257) -> (i32)  : i32 {
      %mul3A_387 = arith.constant 2 : i32
      %mul3A_388 = arith.muli %arg0, %mul3A_387 : i32
      %add3A_389 = arith.constant 1 : i32
      %add3A_390 = arith.addi %mul3A_388, %add3A_389 : i32
      %mul3A_391 = arith.constant 128 : i32
      %mul3A_392 = arith.muli %add3A_390, %mul3A_391 : i32
      %mul3A_393 = arith.constant 128 : i32
      %mul3A_394 = arith.muli %scan3A_385, %mul3A_393 : i32
      %add3A_395 = arith.addi %mul3A_0, %mul3A_394 : i32
      "tpu.region"() ({
        %run_scoped3A = tpu.sem_alloc : memref<!tpu.dma_semaphore, #tpu.memory_space<semaphore_mem>>
        %dma_start3A = tpu.memref_slice %arg2[%add3A_395, %mul3A_392] : memref<102400x512xf32, #tpu.memory_space<hbm>> -> memref<128x128xf32, #tpu.memory_space<hbm>>
        %dma_start3A_397 = tpu.memref_slice %arg2[%add3A_395, %mul3A_392] : memref<102400x512xf32, #tpu.memory_space<hbm>> -> memref<128x128xf32, #tpu.memory_space<hbm>>
        tpu.enqueue_dma source(%dma_start3A_397 : memref<128x128xf32, #tpu.memory_space<hbm>>) target(%arg8 : memref<128x128xf32, #tpu.memory_space<vmem>>) target_semaphore(%run_scoped3A : memref<!tpu.dma_semaphore, #tpu.memory_space<semaphore_mem>>)
        %dma_wait3A = tpu.memref_slice %arg2[%add3A_395, %mul3A_392] : memref<102400x512xf32, #tpu.memory_space<hbm>> -> memref<128x128xf32, #tpu.memory_space<hbm>>
        %dma_wait3A_398 = tpu.memref_slice %arg2[%add3A_395, %mul3A_392] : memref<102400x512xf32, #tpu.memory_space<hbm>> -> memref<128x128xf32, #tpu.memory_space<hbm>>
        tpu.wait_dma2 semaphore(%run_scoped3A : memref<!tpu.dma_semaphore, #tpu.memory_space<semaphore_mem>>) src(%dma_wait3A_398 : memref<128x128xf32, #tpu.memory_space<hbm>>) dst(%arg8 : memref<128x128xf32, #tpu.memory_space<vmem>>)
        tpu.yield
      }) : () -> ()
      "tpu.region"() ({
        %run_scoped3A = tpu.sem_alloc : memref<!tpu.dma_semaphore, #tpu.memory_space<semaphore_mem>>
        %dma_start3A = arith.constant 0 : i32
        %dma_start3A_397 = tpu.memref_slice %arg7[%scan3A_385, %dma_start3A] : memref<56x128xi32, #tpu.memory_space<vmem>> -> memref<1x128xi32, #tpu.memory_space<vmem>>
        %dma_start3A_398 = tpu.memref_squeeze %dma_start3A_397 : memref<1x128xi32, #tpu.memory_space<vmem>> -> memref<128xi32, #tpu.memory_space<vmem>>
        %dma_start3A_399 = arith.constant 0 : i32
        %dma_start3A_400 = arith.constant 0 : i32
        %dma_start3A_401 = tpu.memref_slice %arg11[%dma_start3A_399, %dma_start3A_400] : memref<6280x128xf32, #tpu.memory_space<vmem_shared>> -> memref<6280x128xf32, #tpu.memory_space<vmem_shared>>
        tpu.enqueue_indirect_dma source(%arg8 : memref<128x128xf32, #tpu.memory_space<vmem>>) target(%dma_start3A_401 : memref<6280x128xf32, #tpu.memory_space<vmem_shared>>) offsets(%dma_start3A_398 : memref<128xi32, #tpu.memory_space<vmem>>) semaphore(%run_scoped3A : memref<!tpu.dma_semaphore, #tpu.memory_space<semaphore_mem>>) {add = true}
        %dma_wait3A = arith.constant 0 : i32
        %dma_wait3A_402 = tpu.memref_slice %arg7[%scan3A_385, %dma_wait3A] : memref<56x128xi32, #tpu.memory_space<vmem>> -> memref<1x128xi32, #tpu.memory_space<vmem>>
        %dma_wait3A_403 = tpu.memref_squeeze %dma_wait3A_402 : memref<1x128xi32, #tpu.memory_space<vmem>> -> memref<128xi32, #tpu.memory_space<vmem>>
        %dma_wait3A_404 = arith.constant 0 : i32
        %dma_wait3A_405 = arith.constant 0 : i32
        %dma_wait3A_406 = tpu.memref_slice %arg11[%dma_wait3A_404, %dma_wait3A_405] : memref<6280x128xf32, #tpu.memory_space<vmem_shared>> -> memref<6280x128xf32, #tpu.memory_space<vmem_shared>>
        tpu.wait_indirect_dma semaphore(%run_scoped3A : memref<!tpu.dma_semaphore, #tpu.memory_space<semaphore_mem>>) src(%arg8 : memref<128x128xf32, #tpu.memory_space<vmem>>) dst(%dma_wait3A_406 : memref<6280x128xf32, #tpu.memory_space<vmem_shared>>)
        tpu.yield
      }) : () -> ()
      %scan3A_396 = arith.constant 0 : i32
      scf.yield %scan3A_396 : i32
    }
    %scan3A_263 = arith.constant 50 : i32
    %barrier3A_264 = arith.constant 0 : index
    tpu.barrier barrier_id(%barrier3A_264)
    %add3A_265 = arith.constant 12544 : i32
    %add3A_266 = arith.addi %add3A_265, %mul3A_2 : i32
    %eq3A_267 = arith.constant 0 : i32
    %eq3A_268 = arith.cmpi eq, %arg0, %eq3A_267 : i32
    %convert_element_type3A_269 = arith.extui %eq3A_268 : i1 to i32
    %cond3A_270 = arith.constant 0 : i32
    %cond3A_271 = arith.cmpi ne, %convert_element_type3A_269, %cond3A_270 : i32
    scf.if %cond3A_271 {
      %run_scoped3A = arith.constant 1 : i32
      "tpu.region"() ({
        %run_scoped3A_385 = tpu.sem_alloc : memref<!tpu.dma_semaphore, #tpu.memory_space<semaphore_mem>>
        %dma_start3A = arith.constant 0 : i32
        %dma_start3A_386 = tpu.memref_slice %arg4[%run_scoped3A, %add3A_266, %dma_start3A] : memref<4x25088x128xf32, #tpu.memory_space<hbm>> -> memref<1x392x128xf32, #tpu.memory_space<hbm>>
        %dma_start3A_387 = tpu.memref_squeeze %dma_start3A_386 : memref<1x392x128xf32, #tpu.memory_space<hbm>> -> memref<392x128xf32, #tpu.memory_space<hbm>>
        %dma_start3A_388 = arith.constant 0 : i32
        %dma_start3A_389 = tpu.memref_slice %arg11[%mul3A_2, %dma_start3A_388] : memref<6280x128xf32, #tpu.memory_space<vmem_shared>> -> memref<392x128xf32, #tpu.memory_space<vmem_shared>>
        tpu.enqueue_dma source(%dma_start3A_389 : memref<392x128xf32, #tpu.memory_space<vmem_shared>>) target(%dma_start3A_387 : memref<392x128xf32, #tpu.memory_space<hbm>>) target_semaphore(%run_scoped3A_385 : memref<!tpu.dma_semaphore, #tpu.memory_space<semaphore_mem>>)
        %dma_wait3A = arith.constant 0 : i32
        %dma_wait3A_390 = tpu.memref_slice %arg4[%run_scoped3A, %add3A_266, %dma_wait3A] : memref<4x25088x128xf32, #tpu.memory_space<hbm>> -> memref<1x392x128xf32, #tpu.memory_space<hbm>>
        %dma_wait3A_391 = tpu.memref_squeeze %dma_wait3A_390 : memref<1x392x128xf32, #tpu.memory_space<hbm>> -> memref<392x128xf32, #tpu.memory_space<hbm>>
        %dma_wait3A_392 = arith.constant 0 : i32
        %dma_wait3A_393 = tpu.memref_slice %arg11[%mul3A_2, %dma_wait3A_392] : memref<6280x128xf32, #tpu.memory_space<vmem_shared>> -> memref<392x128xf32, #tpu.memory_space<vmem_shared>>
        tpu.wait_dma2 semaphore(%run_scoped3A_385 : memref<!tpu.dma_semaphore, #tpu.memory_space<semaphore_mem>>) src(%dma_wait3A_393 : memref<392x128xf32, #tpu.memory_space<vmem_shared>>) dst(%dma_wait3A_391 : memref<392x128xf32, #tpu.memory_space<hbm>>)
        tpu.yield
      }) : () -> ()
    } else {
    }
    %eq3A_272 = arith.constant 1 : i32
    %eq3A_273 = arith.cmpi eq, %arg0, %eq3A_272 : i32
    %convert_element_type3A_274 = arith.extui %eq3A_273 : i1 to i32
    %cond3A_275 = arith.constant 0 : i32
    %cond3A_276 = arith.cmpi ne, %convert_element_type3A_274, %cond3A_275 : i32
    scf.if %cond3A_276 {
      %run_scoped3A = arith.constant 3 : i32
      "tpu.region"() ({
        %run_scoped3A_385 = tpu.sem_alloc : memref<!tpu.dma_semaphore, #tpu.memory_space<semaphore_mem>>
        %dma_start3A = arith.constant 0 : i32
        %dma_start3A_386 = tpu.memref_slice %arg4[%run_scoped3A, %add3A_266, %dma_start3A] : memref<4x25088x128xf32, #tpu.memory_space<hbm>> -> memref<1x392x128xf32, #tpu.memory_space<hbm>>
        %dma_start3A_387 = tpu.memref_squeeze %dma_start3A_386 : memref<1x392x128xf32, #tpu.memory_space<hbm>> -> memref<392x128xf32, #tpu.memory_space<hbm>>
        %dma_start3A_388 = arith.constant 0 : i32
        %dma_start3A_389 = tpu.memref_slice %arg11[%mul3A_2, %dma_start3A_388] : memref<6280x128xf32, #tpu.memory_space<vmem_shared>> -> memref<392x128xf32, #tpu.memory_space<vmem_shared>>
        tpu.enqueue_dma source(%dma_start3A_389 : memref<392x128xf32, #tpu.memory_space<vmem_shared>>) target(%dma_start3A_387 : memref<392x128xf32, #tpu.memory_space<hbm>>) target_semaphore(%run_scoped3A_385 : memref<!tpu.dma_semaphore, #tpu.memory_space<semaphore_mem>>)
        %dma_wait3A = arith.constant 0 : i32
        %dma_wait3A_390 = tpu.memref_slice %arg4[%run_scoped3A, %add3A_266, %dma_wait3A] : memref<4x25088x128xf32, #tpu.memory_space<hbm>> -> memref<1x392x128xf32, #tpu.memory_space<hbm>>
        %dma_wait3A_391 = tpu.memref_squeeze %dma_wait3A_390 : memref<1x392x128xf32, #tpu.memory_space<hbm>> -> memref<392x128xf32, #tpu.memory_space<hbm>>
        %dma_wait3A_392 = arith.constant 0 : i32
        %dma_wait3A_393 = tpu.memref_slice %arg11[%mul3A_2, %dma_wait3A_392] : memref<6280x128xf32, #tpu.memory_space<vmem_shared>> -> memref<392x128xf32, #tpu.memory_space<vmem_shared>>
        tpu.wait_dma2 semaphore(%run_scoped3A_385 : memref<!tpu.dma_semaphore, #tpu.memory_space<semaphore_mem>>) src(%dma_wait3A_393 : memref<392x128xf32, #tpu.memory_space<vmem_shared>>) dst(%dma_wait3A_391 : memref<392x128xf32, #tpu.memory_space<hbm>>)
        tpu.yield
      }) : () -> ()
    } else {
    }
    %barrier3A_277 = arith.constant 0 : index
    tpu.barrier barrier_id(%barrier3A_277)
    %eq3A_278 = arith.constant 1 : i32
    %eq3A_279 = arith.cmpi eq, %arg0, %eq3A_278 : i32
    %convert_element_type3A_280 = arith.extui %eq3A_279 : i1 to i32
    %cond3A_281 = arith.constant 0 : i32
    %cond3A_282 = arith.cmpi ne, %convert_element_type3A_280, %cond3A_281 : i32
    scf.if %cond3A_282 {
      %add3A_385 = arith.constant 0 : i32
      %add3A_386 = arith.addi %mul3A_2, %add3A_385 : i32
      "tpu.region"() ({
        %run_scoped3A = tpu.sem_alloc : memref<!tpu.dma_semaphore, #tpu.memory_space<semaphore_mem>>
        %dma_start3A = arith.constant 0 : i32
        %dma_start3A_399 = tpu.memref_slice %arg11[%add3A_386, %dma_start3A] : memref<6280x128xf32, #tpu.memory_space<vmem_shared>> -> memref<56x128xf32, #tpu.memory_space<vmem_shared>>
        %dma_start3A_400 = arith.constant 0 : i32
        %dma_start3A_401 = tpu.memref_slice %arg11[%add3A_386, %dma_start3A_400] : memref<6280x128xf32, #tpu.memory_space<vmem_shared>> -> memref<56x128xf32, #tpu.memory_space<vmem_shared>>
        tpu.enqueue_dma source(%arg9 : memref<56x128xf32, #tpu.memory_space<vmem>>) target(%dma_start3A_401 : memref<56x128xf32, #tpu.memory_space<vmem_shared>>) target_semaphore(%run_scoped3A : memref<!tpu.dma_semaphore, #tpu.memory_space<semaphore_mem>>)
        %dma_wait3A = arith.constant 0 : i32
        %dma_wait3A_402 = tpu.memref_slice %arg11[%add3A_386, %dma_wait3A] : memref<6280x128xf32, #tpu.memory_space<vmem_shared>> -> memref<56x128xf32, #tpu.memory_space<vmem_shared>>
        %dma_wait3A_403 = arith.constant 0 : i32
        %dma_wait3A_404 = tpu.memref_slice %arg11[%add3A_386, %dma_wait3A_403] : memref<6280x128xf32, #tpu.memory_space<vmem_shared>> -> memref<56x128xf32, #tpu.memory_space<vmem_shared>>
        tpu.wait_dma2 semaphore(%run_scoped3A : memref<!tpu.dma_semaphore, #tpu.memory_space<semaphore_mem>>) src(%arg9 : memref<56x128xf32, #tpu.memory_space<vmem>>) dst(%dma_wait3A_404 : memref<56x128xf32, #tpu.memory_space<vmem_shared>>)
        tpu.yield
      }) : () -> ()
      %add3A_387 = arith.constant 56 : i32
      %add3A_388 = arith.addi %mul3A_2, %add3A_387 : i32
      "tpu.region"() ({
        %run_scoped3A = tpu.sem_alloc : memref<!tpu.dma_semaphore, #tpu.memory_space<semaphore_mem>>
        %dma_start3A = arith.constant 0 : i32
        %dma_start3A_399 = tpu.memref_slice %arg11[%add3A_388, %dma_start3A] : memref<6280x128xf32, #tpu.memory_space<vmem_shared>> -> memref<56x128xf32, #tpu.memory_space<vmem_shared>>
        %dma_start3A_400 = arith.constant 0 : i32
        %dma_start3A_401 = tpu.memref_slice %arg11[%add3A_388, %dma_start3A_400] : memref<6280x128xf32, #tpu.memory_space<vmem_shared>> -> memref<56x128xf32, #tpu.memory_space<vmem_shared>>
        tpu.enqueue_dma source(%arg9 : memref<56x128xf32, #tpu.memory_space<vmem>>) target(%dma_start3A_401 : memref<56x128xf32, #tpu.memory_space<vmem_shared>>) target_semaphore(%run_scoped3A : memref<!tpu.dma_semaphore, #tpu.memory_space<semaphore_mem>>)
        %dma_wait3A = arith.constant 0 : i32
        %dma_wait3A_402 = tpu.memref_slice %arg11[%add3A_388, %dma_wait3A] : memref<6280x128xf32, #tpu.memory_space<vmem_shared>> -> memref<56x128xf32, #tpu.memory_space<vmem_shared>>
        %dma_wait3A_403 = arith.constant 0 : i32
        %dma_wait3A_404 = tpu.memref_slice %arg11[%add3A_388, %dma_wait3A_403] : memref<6280x128xf32, #tpu.memory_space<vmem_shared>> -> memref<56x128xf32, #tpu.memory_space<vmem_shared>>
        tpu.wait_dma2 semaphore(%run_scoped3A : memref<!tpu.dma_semaphore, #tpu.memory_space<semaphore_mem>>) src(%arg9 : memref<56x128xf32, #tpu.memory_space<vmem>>) dst(%dma_wait3A_404 : memref<56x128xf32, #tpu.memory_space<vmem_shared>>)
        tpu.yield
      }) : () -> ()
      %add3A_389 = arith.constant 112 : i32
      %add3A_390 = arith.addi %mul3A_2, %add3A_389 : i32
      "tpu.region"() ({
        %run_scoped3A = tpu.sem_alloc : memref<!tpu.dma_semaphore, #tpu.memory_space<semaphore_mem>>
        %dma_start3A = arith.constant 0 : i32
        %dma_start3A_399 = tpu.memref_slice %arg11[%add3A_390, %dma_start3A] : memref<6280x128xf32, #tpu.memory_space<vmem_shared>> -> memref<56x128xf32, #tpu.memory_space<vmem_shared>>
        %dma_start3A_400 = arith.constant 0 : i32
        %dma_start3A_401 = tpu.memref_slice %arg11[%add3A_390, %dma_start3A_400] : memref<6280x128xf32, #tpu.memory_space<vmem_shared>> -> memref<56x128xf32, #tpu.memory_space<vmem_shared>>
        tpu.enqueue_dma source(%arg9 : memref<56x128xf32, #tpu.memory_space<vmem>>) target(%dma_start3A_401 : memref<56x128xf32, #tpu.memory_space<vmem_shared>>) target_semaphore(%run_scoped3A : memref<!tpu.dma_semaphore, #tpu.memory_space<semaphore_mem>>)
        %dma_wait3A = arith.constant 0 : i32
        %dma_wait3A_402 = tpu.memref_slice %arg11[%add3A_390, %dma_wait3A] : memref<6280x128xf32, #tpu.memory_space<vmem_shared>> -> memref<56x128xf32, #tpu.memory_space<vmem_shared>>
        %dma_wait3A_403 = arith.constant 0 : i32
        %dma_wait3A_404 = tpu.memref_slice %arg11[%add3A_390, %dma_wait3A_403] : memref<6280x128xf32, #tpu.memory_space<vmem_shared>> -> memref<56x128xf32, #tpu.memory_space<vmem_shared>>
        tpu.wait_dma2 semaphore(%run_scoped3A : memref<!tpu.dma_semaphore, #tpu.memory_space<semaphore_mem>>) src(%arg9 : memref<56x128xf32, #tpu.memory_space<vmem>>) dst(%dma_wait3A_404 : memref<56x128xf32, #tpu.memory_space<vmem_shared>>)
        tpu.yield
      }) : () -> ()
      %add3A_391 = arith.constant 168 : i32
      %add3A_392 = arith.addi %mul3A_2, %add3A_391 : i32
      "tpu.region"() ({
        %run_scoped3A = tpu.sem_alloc : memref<!tpu.dma_semaphore, #tpu.memory_space<semaphore_mem>>
        %dma_start3A = arith.constant 0 : i32
        %dma_start3A_399 = tpu.memref_slice %arg11[%add3A_392, %dma_start3A] : memref<6280x128xf32, #tpu.memory_space<vmem_shared>> -> memref<56x128xf32, #tpu.memory_space<vmem_shared>>
        %dma_start3A_400 = arith.constant 0 : i32
        %dma_start3A_401 = tpu.memref_slice %arg11[%add3A_392, %dma_start3A_400] : memref<6280x128xf32, #tpu.memory_space<vmem_shared>> -> memref<56x128xf32, #tpu.memory_space<vmem_shared>>
        tpu.enqueue_dma source(%arg9 : memref<56x128xf32, #tpu.memory_space<vmem>>) target(%dma_start3A_401 : memref<56x128xf32, #tpu.memory_space<vmem_shared>>) target_semaphore(%run_scoped3A : memref<!tpu.dma_semaphore, #tpu.memory_space<semaphore_mem>>)
        %dma_wait3A = arith.constant 0 : i32
        %dma_wait3A_402 = tpu.memref_slice %arg11[%add3A_392, %dma_wait3A] : memref<6280x128xf32, #tpu.memory_space<vmem_shared>> -> memref<56x128xf32, #tpu.memory_space<vmem_shared>>
        %dma_wait3A_403 = arith.constant 0 : i32
        %dma_wait3A_404 = tpu.memref_slice %arg11[%add3A_392, %dma_wait3A_403] : memref<6280x128xf32, #tpu.memory_space<vmem_shared>> -> memref<56x128xf32, #tpu.memory_space<vmem_shared>>
        tpu.wait_dma2 semaphore(%run_scoped3A : memref<!tpu.dma_semaphore, #tpu.memory_space<semaphore_mem>>) src(%arg9 : memref<56x128xf32, #tpu.memory_space<vmem>>) dst(%dma_wait3A_404 : memref<56x128xf32, #tpu.memory_space<vmem_shared>>)
        tpu.yield
      }) : () -> ()
      %add3A_393 = arith.constant 224 : i32
      %add3A_394 = arith.addi %mul3A_2, %add3A_393 : i32
      "tpu.region"() ({
        %run_scoped3A = tpu.sem_alloc : memref<!tpu.dma_semaphore, #tpu.memory_space<semaphore_mem>>
        %dma_start3A = arith.constant 0 : i32
        %dma_start3A_399 = tpu.memref_slice %arg11[%add3A_394, %dma_start3A] : memref<6280x128xf32, #tpu.memory_space<vmem_shared>> -> memref<56x128xf32, #tpu.memory_space<vmem_shared>>
        %dma_start3A_400 = arith.constant 0 : i32
        %dma_start3A_401 = tpu.memref_slice %arg11[%add3A_394, %dma_start3A_400] : memref<6280x128xf32, #tpu.memory_space<vmem_shared>> -> memref<56x128xf32, #tpu.memory_space<vmem_shared>>
        tpu.enqueue_dma source(%arg9 : memref<56x128xf32, #tpu.memory_space<vmem>>) target(%dma_start3A_401 : memref<56x128xf32, #tpu.memory_space<vmem_shared>>) target_semaphore(%run_scoped3A : memref<!tpu.dma_semaphore, #tpu.memory_space<semaphore_mem>>)
        %dma_wait3A = arith.constant 0 : i32
        %dma_wait3A_402 = tpu.memref_slice %arg11[%add3A_394, %dma_wait3A] : memref<6280x128xf32, #tpu.memory_space<vmem_shared>> -> memref<56x128xf32, #tpu.memory_space<vmem_shared>>
        %dma_wait3A_403 = arith.constant 0 : i32
        %dma_wait3A_404 = tpu.memref_slice %arg11[%add3A_394, %dma_wait3A_403] : memref<6280x128xf32, #tpu.memory_space<vmem_shared>> -> memref<56x128xf32, #tpu.memory_space<vmem_shared>>
        tpu.wait_dma2 semaphore(%run_scoped3A : memref<!tpu.dma_semaphore, #tpu.memory_space<semaphore_mem>>) src(%arg9 : memref<56x128xf32, #tpu.memory_space<vmem>>) dst(%dma_wait3A_404 : memref<56x128xf32, #tpu.memory_space<vmem_shared>>)
        tpu.yield
      }) : () -> ()
      %add3A_395 = arith.constant 280 : i32
      %add3A_396 = arith.addi %mul3A_2, %add3A_395 : i32
      "tpu.region"() ({
        %run_scoped3A = tpu.sem_alloc : memref<!tpu.dma_semaphore, #tpu.memory_space<semaphore_mem>>
        %dma_start3A = arith.constant 0 : i32
        %dma_start3A_399 = tpu.memref_slice %arg11[%add3A_396, %dma_start3A] : memref<6280x128xf32, #tpu.memory_space<vmem_shared>> -> memref<56x128xf32, #tpu.memory_space<vmem_shared>>
        %dma_start3A_400 = arith.constant 0 : i32
        %dma_start3A_401 = tpu.memref_slice %arg11[%add3A_396, %dma_start3A_400] : memref<6280x128xf32, #tpu.memory_space<vmem_shared>> -> memref<56x128xf32, #tpu.memory_space<vmem_shared>>
        tpu.enqueue_dma source(%arg9 : memref<56x128xf32, #tpu.memory_space<vmem>>) target(%dma_start3A_401 : memref<56x128xf32, #tpu.memory_space<vmem_shared>>) target_semaphore(%run_scoped3A : memref<!tpu.dma_semaphore, #tpu.memory_space<semaphore_mem>>)
        %dma_wait3A = arith.constant 0 : i32
        %dma_wait3A_402 = tpu.memref_slice %arg11[%add3A_396, %dma_wait3A] : memref<6280x128xf32, #tpu.memory_space<vmem_shared>> -> memref<56x128xf32, #tpu.memory_space<vmem_shared>>
        %dma_wait3A_403 = arith.constant 0 : i32
        %dma_wait3A_404 = tpu.memref_slice %arg11[%add3A_396, %dma_wait3A_403] : memref<6280x128xf32, #tpu.memory_space<vmem_shared>> -> memref<56x128xf32, #tpu.memory_space<vmem_shared>>
        tpu.wait_dma2 semaphore(%run_scoped3A : memref<!tpu.dma_semaphore, #tpu.memory_space<semaphore_mem>>) src(%arg9 : memref<56x128xf32, #tpu.memory_space<vmem>>) dst(%dma_wait3A_404 : memref<56x128xf32, #tpu.memory_space<vmem_shared>>)
        tpu.yield
      }) : () -> ()
      %add3A_397 = arith.constant 336 : i32
      %add3A_398 = arith.addi %mul3A_2, %add3A_397 : i32
      "tpu.region"() ({
        %run_scoped3A = tpu.sem_alloc : memref<!tpu.dma_semaphore, #tpu.memory_space<semaphore_mem>>
        %dma_start3A = arith.constant 0 : i32
        %dma_start3A_399 = tpu.memref_slice %arg11[%add3A_398, %dma_start3A] : memref<6280x128xf32, #tpu.memory_space<vmem_shared>> -> memref<56x128xf32, #tpu.memory_space<vmem_shared>>
        %dma_start3A_400 = arith.constant 0 : i32
        %dma_start3A_401 = tpu.memref_slice %arg11[%add3A_398, %dma_start3A_400] : memref<6280x128xf32, #tpu.memory_space<vmem_shared>> -> memref<56x128xf32, #tpu.memory_space<vmem_shared>>
        tpu.enqueue_dma source(%arg9 : memref<56x128xf32, #tpu.memory_space<vmem>>) target(%dma_start3A_401 : memref<56x128xf32, #tpu.memory_space<vmem_shared>>) target_semaphore(%run_scoped3A : memref<!tpu.dma_semaphore, #tpu.memory_space<semaphore_mem>>)
        %dma_wait3A = arith.constant 0 : i32
        %dma_wait3A_402 = tpu.memref_slice %arg11[%add3A_398, %dma_wait3A] : memref<6280x128xf32, #tpu.memory_space<vmem_shared>> -> memref<56x128xf32, #tpu.memory_space<vmem_shared>>
        %dma_wait3A_403 = arith.constant 0 : i32
        %dma_wait3A_404 = tpu.memref_slice %arg11[%add3A_398, %dma_wait3A_403] : memref<6280x128xf32, #tpu.memory_space<vmem_shared>> -> memref<56x128xf32, #tpu.memory_space<vmem_shared>>
        tpu.wait_dma2 semaphore(%run_scoped3A : memref<!tpu.dma_semaphore, #tpu.memory_space<semaphore_mem>>) src(%arg9 : memref<56x128xf32, #tpu.memory_space<vmem>>) dst(%dma_wait3A_404 : memref<56x128xf32, #tpu.memory_space<vmem_shared>>)
        tpu.yield
      }) : () -> ()
    } else {
    }
    %barrier3A_283 = arith.constant 0 : index
    tpu.barrier barrier_id(%barrier3A_283)
    %convert_element_type3A_284 = arith.extui %eq3A_279 : i1 to i32
    %cond3A_285 = arith.constant 0 : i32
    %cond3A_286 = arith.cmpi ne, %convert_element_type3A_284, %cond3A_285 : i32
    scf.if %cond3A_286 {
      %scan3A_385 = arith.constant 0 : i32
      %scan3A_386 = arith.constant 0 : i32
      %scan3A_387 = arith.constant 50 : i32
      %scan3A_388 = arith.addi %scan3A_386, %scan3A_387 : i32
      %scan3A_389 = arith.constant 1 : i32
      %scan3A_390 = scf.for %scan3A_392 = %scan3A_386 to %scan3A_388 step %scan3A_389 iter_args(%scan3A_393 = %scan3A_385) -> (i32)  : i32 {
        "tpu.region"() ({
          %run_scoped3A = tpu.sem_alloc : memref<!tpu.dma_semaphore, #tpu.memory_space<semaphore_mem>>
          %dma_start3A = arith.constant 0 : i32
          %dma_start3A_395 = tpu.memref_slice %arg7[%scan3A_392, %dma_start3A] : memref<56x128xi32, #tpu.memory_space<vmem>> -> memref<1x128xi32, #tpu.memory_space<vmem>>
          %dma_start3A_396 = tpu.memref_squeeze %dma_start3A_395 : memref<1x128xi32, #tpu.memory_space<vmem>> -> memref<128xi32, #tpu.memory_space<vmem>>
          %dma_start3A_397 = arith.constant 0 : i32
          %dma_start3A_398 = arith.constant 0 : i32
          %dma_start3A_399 = tpu.memref_slice %arg11[%dma_start3A_397, %dma_start3A_398] : memref<6280x128xf32, #tpu.memory_space<vmem_shared>> -> memref<6280x128xf32, #tpu.memory_space<vmem_shared>>
          tpu.enqueue_indirect_dma source(%arg10 : memref<128x128xf32, #tpu.memory_space<vmem>>) target(%dma_start3A_399 : memref<6280x128xf32, #tpu.memory_space<vmem_shared>>) offsets(%dma_start3A_396 : memref<128xi32, #tpu.memory_space<vmem>>) semaphore(%run_scoped3A : memref<!tpu.dma_semaphore, #tpu.memory_space<semaphore_mem>>) {add = true}
          %dma_wait3A = arith.constant 0 : i32
          %dma_wait3A_400 = tpu.memref_slice %arg7[%scan3A_392, %dma_wait3A] : memref<56x128xi32, #tpu.memory_space<vmem>> -> memref<1x128xi32, #tpu.memory_space<vmem>>
          %dma_wait3A_401 = tpu.memref_squeeze %dma_wait3A_400 : memref<1x128xi32, #tpu.memory_space<vmem>> -> memref<128xi32, #tpu.memory_space<vmem>>
          %dma_wait3A_402 = arith.constant 0 : i32
          %dma_wait3A_403 = arith.constant 0 : i32
          %dma_wait3A_404 = tpu.memref_slice %arg11[%dma_wait3A_402, %dma_wait3A_403] : memref<6280x128xf32, #tpu.memory_space<vmem_shared>> -> memref<6280x128xf32, #tpu.memory_space<vmem_shared>>
          tpu.wait_indirect_dma semaphore(%run_scoped3A : memref<!tpu.dma_semaphore, #tpu.memory_space<semaphore_mem>>) src(%arg10 : memref<128x128xf32, #tpu.memory_space<vmem>>) dst(%dma_wait3A_404 : memref<6280x128xf32, #tpu.memory_space<vmem_shared>>)
          tpu.yield
        }) : () -> ()
        %scan3A_394 = arith.constant 0 : i32
        scf.yield %scan3A_394 : i32
      }
      %scan3A_391 = arith.constant 50 : i32
    } else {
    }
    %barrier3A_287 = arith.constant 0 : index
    tpu.barrier barrier_id(%barrier3A_287)
    %convert_element_type3A_288 = arith.extui %eq3A_279 : i1 to i32
    %cond3A_289 = arith.constant 0 : i32
    %cond3A_290 = arith.cmpi ne, %convert_element_type3A_288, %cond3A_289 : i32
    scf.if %cond3A_290 {
      %add3A_385 = arith.constant 12544 : i32
      %add3A_386 = arith.addi %add3A_385, %mul3A_2 : i32
      "tpu.region"() ({
        %run_scoped3A = tpu.sem_alloc : memref<!tpu.dma_semaphore, #tpu.memory_space<semaphore_mem>>
        %dma_start3A = arith.constant 0 : i32
        %dma_start3A_387 = tpu.memref_slice %arg5[%add3A_386, %dma_start3A] : memref<25088x128xf32, #tpu.memory_space<hbm>> -> memref<392x128xf32, #tpu.memory_space<hbm>>
        %dma_start3A_388 = arith.constant 0 : i32
        %dma_start3A_389 = tpu.memref_slice %arg11[%mul3A_2, %dma_start3A_388] : memref<6280x128xf32, #tpu.memory_space<vmem_shared>> -> memref<392x128xf32, #tpu.memory_space<vmem_shared>>
        tpu.enqueue_dma source(%dma_start3A_389 : memref<392x128xf32, #tpu.memory_space<vmem_shared>>) target(%dma_start3A_387 : memref<392x128xf32, #tpu.memory_space<hbm>>) target_semaphore(%run_scoped3A : memref<!tpu.dma_semaphore, #tpu.memory_space<semaphore_mem>>)
        %dma_wait3A = arith.constant 0 : i32
        %dma_wait3A_390 = tpu.memref_slice %arg5[%add3A_386, %dma_wait3A] : memref<25088x128xf32, #tpu.memory_space<hbm>> -> memref<392x128xf32, #tpu.memory_space<hbm>>
        %dma_wait3A_391 = arith.constant 0 : i32
        %dma_wait3A_392 = tpu.memref_slice %arg11[%mul3A_2, %dma_wait3A_391] : memref<6280x128xf32, #tpu.memory_space<vmem_shared>> -> memref<392x128xf32, #tpu.memory_space<vmem_shared>>
        tpu.wait_dma2 semaphore(%run_scoped3A : memref<!tpu.dma_semaphore, #tpu.memory_space<semaphore_mem>>) src(%dma_wait3A_392 : memref<392x128xf32, #tpu.memory_space<vmem_shared>>) dst(%dma_wait3A_390 : memref<392x128xf32, #tpu.memory_space<hbm>>)
        tpu.yield
      }) : () -> ()
    } else {
    }
    %barrier3A_291 = arith.constant 0 : index
    tpu.barrier barrier_id(%barrier3A_291)
    %scan3A_292 = arith.constant 0 : i32
    %scan3A_293 = arith.constant 0 : i32
    %scan3A_294 = arith.constant 50 : i32
    %scan3A_295 = arith.addi %scan3A_293, %scan3A_294 : i32
    %scan3A_296 = arith.constant 1 : i32
    %scan3A_297 = scf.for %scan3A_385 = %scan3A_293 to %scan3A_295 step %scan3A_296 iter_args(%scan3A_386 = %scan3A_292) -> (i32)  : i32 {
      %get3A = arith.index_cast %scan3A_385 : i32 to index
      %get3A_387 = arith.constant 0 : index
      %get3A_388 = tpu.vector_load %arg6[%get3A, %get3A_387] {strides = array<i32>} : memref<56x128xi32, #tpu.memory_space<vmem>>, vector<1x16xi32>,
      %get3A_389 = vector.shape_cast %get3A_388 : vector<1x16xi32> to vector<16xi32>
      %sub3A = arith.constant 18816 : i32
      %sub3A_390 = vector.broadcast %sub3A : i32 to vector<16xi32>
      %sub3A_391 = arith.subi %get3A_389, %sub3A_390 : vector<16xi32>
      %ge3A = arith.constant 0 : i32
      %ge3A_392 = vector.broadcast %ge3A : i32 to vector<16xi32>
      %ge3A_393 = arith.cmpi sge, %sub3A_391, %ge3A_392 : vector<16xi32>
      %lt3A = arith.constant 6272 : i32
      %lt3A_394 = vector.broadcast %lt3A : i32 to vector<16xi32>
      %lt3A_395 = arith.cmpi slt, %sub3A_391, %lt3A_394 : vector<16xi32>
      %and3A = arith.andi %ge3A_393, %lt3A_395 : vector<16xi1>
      %jit3A = arith.constant 6272 : i32
      %broadcast_in_dim3A = vector.broadcast %jit3A : i32 to vector<16xi32>
      %select_n3A = arith.select %and3A, %sub3A_391, %broadcast_in_dim3A : vector<16xi1>, vector<16xi32>
      %swap3A = arith.index_cast %scan3A_385 : i32 to index
      %swap3A_396 = arith.constant 0 : index
      %swap3A_397 = tpu.vector_load %arg7[%swap3A, %swap3A_396] {strides = array<i32>} : memref<56x128xi32, #tpu.memory_space<vmem>>, vector<1x16xi32>,
      %swap3A_398 = vector.shape_cast %swap3A_397 : vector<1x16xi32> to vector<16xi32>
      %swap3A_399 = vector.shape_cast %select_n3A : vector<16xi32> to vector<1x16xi32>
      tpu.vector_store %arg7[%swap3A, %swap3A_396], %swap3A_399 {strides = array<i32>} : memref<56x128xi32, #tpu.memory_space<vmem>>, vector<1x16xi32>,
      %get3A_400 = arith.index_cast %scan3A_385 : i32 to index
      %get3A_401 = arith.constant 16 : index
      %get3A_402 = tpu.vector_load %arg6[%get3A_400, %get3A_401] {strides = array<i32>} : memref<56x128xi32, #tpu.memory_space<vmem>>, vector<1x16xi32>,
      %get3A_403 = vector.shape_cast %get3A_402 : vector<1x16xi32> to vector<16xi32>
      %sub3A_404 = arith.constant 18816 : i32
      %sub3A_405 = vector.broadcast %sub3A_404 : i32 to vector<16xi32>
      %sub3A_406 = arith.subi %get3A_403, %sub3A_405 : vector<16xi32>
      %ge3A_407 = arith.constant 0 : i32
      %ge3A_408 = vector.broadcast %ge3A_407 : i32 to vector<16xi32>
      %ge3A_409 = arith.cmpi sge, %sub3A_406, %ge3A_408 : vector<16xi32>
      %lt3A_410 = arith.constant 6272 : i32
      %lt3A_411 = vector.broadcast %lt3A_410 : i32 to vector<16xi32>
      %lt3A_412 = arith.cmpi slt, %sub3A_406, %lt3A_411 : vector<16xi32>
      %and3A_413 = arith.andi %ge3A_409, %lt3A_412 : vector<16xi1>
      %jit3A_414 = arith.constant 6272 : i32
      %broadcast_in_dim3A_415 = vector.broadcast %jit3A_414 : i32 to vector<16xi32>
      %select_n3A_416 = arith.select %and3A_413, %sub3A_406, %broadcast_in_dim3A_415 : vector<16xi1>, vector<16xi32>
      %swap3A_417 = arith.index_cast %scan3A_385 : i32 to index
      %swap3A_418 = arith.constant 16 : index
      %swap3A_419 = tpu.vector_load %arg7[%swap3A_417, %swap3A_418] {strides = array<i32>} : memref<56x128xi32, #tpu.memory_space<vmem>>, vector<1x16xi32>,
      %swap3A_420 = vector.shape_cast %swap3A_419 : vector<1x16xi32> to vector<16xi32>
      %swap3A_421 = vector.shape_cast %select_n3A_416 : vector<16xi32> to vector<1x16xi32>
      tpu.vector_store %arg7[%swap3A_417, %swap3A_418], %swap3A_421 {strides = array<i32>} : memref<56x128xi32, #tpu.memory_space<vmem>>, vector<1x16xi32>,
      %get3A_422 = arith.index_cast %scan3A_385 : i32 to index
      %get3A_423 = arith.constant 32 : index
      %get3A_424 = tpu.vector_load %arg6[%get3A_422, %get3A_423] {strides = array<i32>} : memref<56x128xi32, #tpu.memory_space<vmem>>, vector<1x16xi32>,
      %get3A_425 = vector.shape_cast %get3A_424 : vector<1x16xi32> to vector<16xi32>
      %sub3A_426 = arith.constant 18816 : i32
      %sub3A_427 = vector.broadcast %sub3A_426 : i32 to vector<16xi32>
      %sub3A_428 = arith.subi %get3A_425, %sub3A_427 : vector<16xi32>
      %ge3A_429 = arith.constant 0 : i32
      %ge3A_430 = vector.broadcast %ge3A_429 : i32 to vector<16xi32>
      %ge3A_431 = arith.cmpi sge, %sub3A_428, %ge3A_430 : vector<16xi32>
      %lt3A_432 = arith.constant 6272 : i32
      %lt3A_433 = vector.broadcast %lt3A_432 : i32 to vector<16xi32>
      %lt3A_434 = arith.cmpi slt, %sub3A_428, %lt3A_433 : vector<16xi32>
      %and3A_435 = arith.andi %ge3A_431, %lt3A_434 : vector<16xi1>
      %jit3A_436 = arith.constant 6272 : i32
      %broadcast_in_dim3A_437 = vector.broadcast %jit3A_436 : i32 to vector<16xi32>
      %select_n3A_438 = arith.select %and3A_435, %sub3A_428, %broadcast_in_dim3A_437 : vector<16xi1>, vector<16xi32>
      %swap3A_439 = arith.index_cast %scan3A_385 : i32 to index
      %swap3A_440 = arith.constant 32 : index
      %swap3A_441 = tpu.vector_load %arg7[%swap3A_439, %swap3A_440] {strides = array<i32>} : memref<56x128xi32, #tpu.memory_space<vmem>>, vector<1x16xi32>,
      %swap3A_442 = vector.shape_cast %swap3A_441 : vector<1x16xi32> to vector<16xi32>
      %swap3A_443 = vector.shape_cast %select_n3A_438 : vector<16xi32> to vector<1x16xi32>
      tpu.vector_store %arg7[%swap3A_439, %swap3A_440], %swap3A_443 {strides = array<i32>} : memref<56x128xi32, #tpu.memory_space<vmem>>, vector<1x16xi32>,
      %get3A_444 = arith.index_cast %scan3A_385 : i32 to index
      %get3A_445 = arith.constant 48 : index
      %get3A_446 = tpu.vector_load %arg6[%get3A_444, %get3A_445] {strides = array<i32>} : memref<56x128xi32, #tpu.memory_space<vmem>>, vector<1x16xi32>,
      %get3A_447 = vector.shape_cast %get3A_446 : vector<1x16xi32> to vector<16xi32>
      %sub3A_448 = arith.constant 18816 : i32
      %sub3A_449 = vector.broadcast %sub3A_448 : i32 to vector<16xi32>
      %sub3A_450 = arith.subi %get3A_447, %sub3A_449 : vector<16xi32>
      %ge3A_451 = arith.constant 0 : i32
      %ge3A_452 = vector.broadcast %ge3A_451 : i32 to vector<16xi32>
      %ge3A_453 = arith.cmpi sge, %sub3A_450, %ge3A_452 : vector<16xi32>
      %lt3A_454 = arith.constant 6272 : i32
      %lt3A_455 = vector.broadcast %lt3A_454 : i32 to vector<16xi32>
      %lt3A_456 = arith.cmpi slt, %sub3A_450, %lt3A_455 : vector<16xi32>
      %and3A_457 = arith.andi %ge3A_453, %lt3A_456 : vector<16xi1>
      %jit3A_458 = arith.constant 6272 : i32
      %broadcast_in_dim3A_459 = vector.broadcast %jit3A_458 : i32 to vector<16xi32>
      %select_n3A_460 = arith.select %and3A_457, %sub3A_450, %broadcast_in_dim3A_459 : vector<16xi1>, vector<16xi32>
      %swap3A_461 = arith.index_cast %scan3A_385 : i32 to index
      %swap3A_462 = arith.constant 48 : index
      %swap3A_463 = tpu.vector_load %arg7[%swap3A_461, %swap3A_462] {strides = array<i32>} : memref<56x128xi32, #tpu.memory_space<vmem>>, vector<1x16xi32>,
      %swap3A_464 = vector.shape_cast %swap3A_463 : vector<1x16xi32> to vector<16xi32>
      %swap3A_465 = vector.shape_cast %select_n3A_460 : vector<16xi32> to vector<1x16xi32>
      tpu.vector_store %arg7[%swap3A_461, %swap3A_462], %swap3A_465 {strides = array<i32>} : memref<56x128xi32, #tpu.memory_space<vmem>>, vector<1x16xi32>,
      %get3A_466 = arith.index_cast %scan3A_385 : i32 to index
      %get3A_467 = arith.constant 64 : index
      %get3A_468 = tpu.vector_load %arg6[%get3A_466, %get3A_467] {strides = array<i32>} : memref<56x128xi32, #tpu.memory_space<vmem>>, vector<1x16xi32>,
      %get3A_469 = vector.shape_cast %get3A_468 : vector<1x16xi32> to vector<16xi32>
      %sub3A_470 = arith.constant 18816 : i32
      %sub3A_471 = vector.broadcast %sub3A_470 : i32 to vector<16xi32>
      %sub3A_472 = arith.subi %get3A_469, %sub3A_471 : vector<16xi32>
      %ge3A_473 = arith.constant 0 : i32
      %ge3A_474 = vector.broadcast %ge3A_473 : i32 to vector<16xi32>
      %ge3A_475 = arith.cmpi sge, %sub3A_472, %ge3A_474 : vector<16xi32>
      %lt3A_476 = arith.constant 6272 : i32
      %lt3A_477 = vector.broadcast %lt3A_476 : i32 to vector<16xi32>
      %lt3A_478 = arith.cmpi slt, %sub3A_472, %lt3A_477 : vector<16xi32>
      %and3A_479 = arith.andi %ge3A_475, %lt3A_478 : vector<16xi1>
      %jit3A_480 = arith.constant 6272 : i32
      %broadcast_in_dim3A_481 = vector.broadcast %jit3A_480 : i32 to vector<16xi32>
      %select_n3A_482 = arith.select %and3A_479, %sub3A_472, %broadcast_in_dim3A_481 : vector<16xi1>, vector<16xi32>
      %swap3A_483 = arith.index_cast %scan3A_385 : i32 to index
      %swap3A_484 = arith.constant 64 : index
      %swap3A_485 = tpu.vector_load %arg7[%swap3A_483, %swap3A_484] {strides = array<i32>} : memref<56x128xi32, #tpu.memory_space<vmem>>, vector<1x16xi32>,
      %swap3A_486 = vector.shape_cast %swap3A_485 : vector<1x16xi32> to vector<16xi32>
      %swap3A_487 = vector.shape_cast %select_n3A_482 : vector<16xi32> to vector<1x16xi32>
      tpu.vector_store %arg7[%swap3A_483, %swap3A_484], %swap3A_487 {strides = array<i32>} : memref<56x128xi32, #tpu.memory_space<vmem>>, vector<1x16xi32>,
      %get3A_488 = arith.index_cast %scan3A_385 : i32 to index
      %get3A_489 = arith.constant 80 : index
      %get3A_490 = tpu.vector_load %arg6[%get3A_488, %get3A_489] {strides = array<i32>} : memref<56x128xi32, #tpu.memory_space<vmem>>, vector<1x16xi32>,
      %get3A_491 = vector.shape_cast %get3A_490 : vector<1x16xi32> to vector<16xi32>
      %sub3A_492 = arith.constant 18816 : i32
      %sub3A_493 = vector.broadcast %sub3A_492 : i32 to vector<16xi32>
      %sub3A_494 = arith.subi %get3A_491, %sub3A_493 : vector<16xi32>
      %ge3A_495 = arith.constant 0 : i32
      %ge3A_496 = vector.broadcast %ge3A_495 : i32 to vector<16xi32>
      %ge3A_497 = arith.cmpi sge, %sub3A_494, %ge3A_496 : vector<16xi32>
      %lt3A_498 = arith.constant 6272 : i32
      %lt3A_499 = vector.broadcast %lt3A_498 : i32 to vector<16xi32>
      %lt3A_500 = arith.cmpi slt, %sub3A_494, %lt3A_499 : vector<16xi32>
      %and3A_501 = arith.andi %ge3A_497, %lt3A_500 : vector<16xi1>
      %jit3A_502 = arith.constant 6272 : i32
      %broadcast_in_dim3A_503 = vector.broadcast %jit3A_502 : i32 to vector<16xi32>
      %select_n3A_504 = arith.select %and3A_501, %sub3A_494, %broadcast_in_dim3A_503 : vector<16xi1>, vector<16xi32>
      %swap3A_505 = arith.index_cast %scan3A_385 : i32 to index
      %swap3A_506 = arith.constant 80 : index
      %swap3A_507 = tpu.vector_load %arg7[%swap3A_505, %swap3A_506] {strides = array<i32>} : memref<56x128xi32, #tpu.memory_space<vmem>>, vector<1x16xi32>,
      %swap3A_508 = vector.shape_cast %swap3A_507 : vector<1x16xi32> to vector<16xi32>
      %swap3A_509 = vector.shape_cast %select_n3A_504 : vector<16xi32> to vector<1x16xi32>
      tpu.vector_store %arg7[%swap3A_505, %swap3A_506], %swap3A_509 {strides = array<i32>} : memref<56x128xi32, #tpu.memory_space<vmem>>, vector<1x16xi32>,
      %get3A_510 = arith.index_cast %scan3A_385 : i32 to index
      %get3A_511 = arith.constant 96 : index
      %get3A_512 = tpu.vector_load %arg6[%get3A_510, %get3A_511] {strides = array<i32>} : memref<56x128xi32, #tpu.memory_space<vmem>>, vector<1x16xi32>,
      %get3A_513 = vector.shape_cast %get3A_512 : vector<1x16xi32> to vector<16xi32>
      %sub3A_514 = arith.constant 18816 : i32
      %sub3A_515 = vector.broadcast %sub3A_514 : i32 to vector<16xi32>
      %sub3A_516 = arith.subi %get3A_513, %sub3A_515 : vector<16xi32>
      %ge3A_517 = arith.constant 0 : i32
      %ge3A_518 = vector.broadcast %ge3A_517 : i32 to vector<16xi32>
      %ge3A_519 = arith.cmpi sge, %sub3A_516, %ge3A_518 : vector<16xi32>
      %lt3A_520 = arith.constant 6272 : i32
      %lt3A_521 = vector.broadcast %lt3A_520 : i32 to vector<16xi32>
      %lt3A_522 = arith.cmpi slt, %sub3A_516, %lt3A_521 : vector<16xi32>
      %and3A_523 = arith.andi %ge3A_519, %lt3A_522 : vector<16xi1>
      %jit3A_524 = arith.constant 6272 : i32
      %broadcast_in_dim3A_525 = vector.broadcast %jit3A_524 : i32 to vector<16xi32>
      %select_n3A_526 = arith.select %and3A_523, %sub3A_516, %broadcast_in_dim3A_525 : vector<16xi1>, vector<16xi32>
      %swap3A_527 = arith.index_cast %scan3A_385 : i32 to index
      %swap3A_528 = arith.constant 96 : index
      %swap3A_529 = tpu.vector_load %arg7[%swap3A_527, %swap3A_528] {strides = array<i32>} : memref<56x128xi32, #tpu.memory_space<vmem>>, vector<1x16xi32>,
      %swap3A_530 = vector.shape_cast %swap3A_529 : vector<1x16xi32> to vector<16xi32>
      %swap3A_531 = vector.shape_cast %select_n3A_526 : vector<16xi32> to vector<1x16xi32>
      tpu.vector_store %arg7[%swap3A_527, %swap3A_528], %swap3A_531 {strides = array<i32>} : memref<56x128xi32, #tpu.memory_space<vmem>>, vector<1x16xi32>,
      %get3A_532 = arith.index_cast %scan3A_385 : i32 to index
      %get3A_533 = arith.constant 112 : index
      %get3A_534 = tpu.vector_load %arg6[%get3A_532, %get3A_533] {strides = array<i32>} : memref<56x128xi32, #tpu.memory_space<vmem>>, vector<1x16xi32>,
      %get3A_535 = vector.shape_cast %get3A_534 : vector<1x16xi32> to vector<16xi32>
      %sub3A_536 = arith.constant 18816 : i32
      %sub3A_537 = vector.broadcast %sub3A_536 : i32 to vector<16xi32>
      %sub3A_538 = arith.subi %get3A_535, %sub3A_537 : vector<16xi32>
      %ge3A_539 = arith.constant 0 : i32
      %ge3A_540 = vector.broadcast %ge3A_539 : i32 to vector<16xi32>
      %ge3A_541 = arith.cmpi sge, %sub3A_538, %ge3A_540 : vector<16xi32>
      %lt3A_542 = arith.constant 6272 : i32
      %lt3A_543 = vector.broadcast %lt3A_542 : i32 to vector<16xi32>
      %lt3A_544 = arith.cmpi slt, %sub3A_538, %lt3A_543 : vector<16xi32>
      %and3A_545 = arith.andi %ge3A_541, %lt3A_544 : vector<16xi1>
      %jit3A_546 = arith.constant 6272 : i32
      %broadcast_in_dim3A_547 = vector.broadcast %jit3A_546 : i32 to vector<16xi32>
      %select_n3A_548 = arith.select %and3A_545, %sub3A_538, %broadcast_in_dim3A_547 : vector<16xi1>, vector<16xi32>
      %swap3A_549 = arith.index_cast %scan3A_385 : i32 to index
      %swap3A_550 = arith.constant 112 : index
      %swap3A_551 = tpu.vector_load %arg7[%swap3A_549, %swap3A_550] {strides = array<i32>} : memref<56x128xi32, #tpu.memory_space<vmem>>, vector<1x16xi32>,
      %swap3A_552 = vector.shape_cast %swap3A_551 : vector<1x16xi32> to vector<16xi32>
      %swap3A_553 = vector.shape_cast %select_n3A_548 : vector<16xi32> to vector<1x16xi32>
      tpu.vector_store %arg7[%swap3A_549, %swap3A_550], %swap3A_553 {strides = array<i32>} : memref<56x128xi32, #tpu.memory_space<vmem>>, vector<1x16xi32>,
      %scan3A_554 = arith.constant 0 : i32
      scf.yield %scan3A_554 : i32
    }
    %scan3A_298 = arith.constant 50 : i32
    %add3A_299 = arith.constant 0 : i32
    %add3A_300 = arith.addi %mul3A_2, %add3A_299 : i32
    "tpu.region"() ({
      %run_scoped3A = tpu.sem_alloc : memref<!tpu.dma_semaphore, #tpu.memory_space<semaphore_mem>>
      %dma_start3A = arith.constant 0 : i32
      %dma_start3A_385 = tpu.memref_slice %arg11[%add3A_300, %dma_start3A] : memref<6280x128xf32, #tpu.memory_space<vmem_shared>> -> memref<56x128xf32, #tpu.memory_space<vmem_shared>>
      %dma_start3A_386 = arith.constant 0 : i32
      %dma_start3A_387 = tpu.memref_slice %arg11[%add3A_300, %dma_start3A_386] : memref<6280x128xf32, #tpu.memory_space<vmem_shared>> -> memref<56x128xf32, #tpu.memory_space<vmem_shared>>
      tpu.enqueue_dma source(%arg9 : memref<56x128xf32, #tpu.memory_space<vmem>>) target(%dma_start3A_387 : memref<56x128xf32, #tpu.memory_space<vmem_shared>>) target_semaphore(%run_scoped3A : memref<!tpu.dma_semaphore, #tpu.memory_space<semaphore_mem>>)
      %dma_wait3A = arith.constant 0 : i32
      %dma_wait3A_388 = tpu.memref_slice %arg11[%add3A_300, %dma_wait3A] : memref<6280x128xf32, #tpu.memory_space<vmem_shared>> -> memref<56x128xf32, #tpu.memory_space<vmem_shared>>
      %dma_wait3A_389 = arith.constant 0 : i32
      %dma_wait3A_390 = tpu.memref_slice %arg11[%add3A_300, %dma_wait3A_389] : memref<6280x128xf32, #tpu.memory_space<vmem_shared>> -> memref<56x128xf32, #tpu.memory_space<vmem_shared>>
      tpu.wait_dma2 semaphore(%run_scoped3A : memref<!tpu.dma_semaphore, #tpu.memory_space<semaphore_mem>>) src(%arg9 : memref<56x128xf32, #tpu.memory_space<vmem>>) dst(%dma_wait3A_390 : memref<56x128xf32, #tpu.memory_space<vmem_shared>>)
      tpu.yield
    }) : () -> ()
    %add3A_301 = arith.constant 56 : i32
    %add3A_302 = arith.addi %mul3A_2, %add3A_301 : i32
    "tpu.region"() ({
      %run_scoped3A = tpu.sem_alloc : memref<!tpu.dma_semaphore, #tpu.memory_space<semaphore_mem>>
      %dma_start3A = arith.constant 0 : i32
      %dma_start3A_385 = tpu.memref_slice %arg11[%add3A_302, %dma_start3A] : memref<6280x128xf32, #tpu.memory_space<vmem_shared>> -> memref<56x128xf32, #tpu.memory_space<vmem_shared>>
      %dma_start3A_386 = arith.constant 0 : i32
      %dma_start3A_387 = tpu.memref_slice %arg11[%add3A_302, %dma_start3A_386] : memref<6280x128xf32, #tpu.memory_space<vmem_shared>> -> memref<56x128xf32, #tpu.memory_space<vmem_shared>>
      tpu.enqueue_dma source(%arg9 : memref<56x128xf32, #tpu.memory_space<vmem>>) target(%dma_start3A_387 : memref<56x128xf32, #tpu.memory_space<vmem_shared>>) target_semaphore(%run_scoped3A : memref<!tpu.dma_semaphore, #tpu.memory_space<semaphore_mem>>)
      %dma_wait3A = arith.constant 0 : i32
      %dma_wait3A_388 = tpu.memref_slice %arg11[%add3A_302, %dma_wait3A] : memref<6280x128xf32, #tpu.memory_space<vmem_shared>> -> memref<56x128xf32, #tpu.memory_space<vmem_shared>>
      %dma_wait3A_389 = arith.constant 0 : i32
      %dma_wait3A_390 = tpu.memref_slice %arg11[%add3A_302, %dma_wait3A_389] : memref<6280x128xf32, #tpu.memory_space<vmem_shared>> -> memref<56x128xf32, #tpu.memory_space<vmem_shared>>
      tpu.wait_dma2 semaphore(%run_scoped3A : memref<!tpu.dma_semaphore, #tpu.memory_space<semaphore_mem>>) src(%arg9 : memref<56x128xf32, #tpu.memory_space<vmem>>) dst(%dma_wait3A_390 : memref<56x128xf32, #tpu.memory_space<vmem_shared>>)
      tpu.yield
    }) : () -> ()
    %add3A_303 = arith.constant 112 : i32
    %add3A_304 = arith.addi %mul3A_2, %add3A_303 : i32
    "tpu.region"() ({
      %run_scoped3A = tpu.sem_alloc : memref<!tpu.dma_semaphore, #tpu.memory_space<semaphore_mem>>
      %dma_start3A = arith.constant 0 : i32
      %dma_start3A_385 = tpu.memref_slice %arg11[%add3A_304, %dma_start3A] : memref<6280x128xf32, #tpu.memory_space<vmem_shared>> -> memref<56x128xf32, #tpu.memory_space<vmem_shared>>
      %dma_start3A_386 = arith.constant 0 : i32
      %dma_start3A_387 = tpu.memref_slice %arg11[%add3A_304, %dma_start3A_386] : memref<6280x128xf32, #tpu.memory_space<vmem_shared>> -> memref<56x128xf32, #tpu.memory_space<vmem_shared>>
      tpu.enqueue_dma source(%arg9 : memref<56x128xf32, #tpu.memory_space<vmem>>) target(%dma_start3A_387 : memref<56x128xf32, #tpu.memory_space<vmem_shared>>) target_semaphore(%run_scoped3A : memref<!tpu.dma_semaphore, #tpu.memory_space<semaphore_mem>>)
      %dma_wait3A = arith.constant 0 : i32
      %dma_wait3A_388 = tpu.memref_slice %arg11[%add3A_304, %dma_wait3A] : memref<6280x128xf32, #tpu.memory_space<vmem_shared>> -> memref<56x128xf32, #tpu.memory_space<vmem_shared>>
      %dma_wait3A_389 = arith.constant 0 : i32
      %dma_wait3A_390 = tpu.memref_slice %arg11[%add3A_304, %dma_wait3A_389] : memref<6280x128xf32, #tpu.memory_space<vmem_shared>> -> memref<56x128xf32, #tpu.memory_space<vmem_shared>>
      tpu.wait_dma2 semaphore(%run_scoped3A : memref<!tpu.dma_semaphore, #tpu.memory_space<semaphore_mem>>) src(%arg9 : memref<56x128xf32, #tpu.memory_space<vmem>>) dst(%dma_wait3A_390 : memref<56x128xf32, #tpu.memory_space<vmem_shared>>)
      tpu.yield
    }) : () -> ()
    %add3A_305 = arith.constant 168 : i32
    %add3A_306 = arith.addi %mul3A_2, %add3A_305 : i32
    "tpu.region"() ({
      %run_scoped3A = tpu.sem_alloc : memref<!tpu.dma_semaphore, #tpu.memory_space<semaphore_mem>>
      %dma_start3A = arith.constant 0 : i32
      %dma_start3A_385 = tpu.memref_slice %arg11[%add3A_306, %dma_start3A] : memref<6280x128xf32, #tpu.memory_space<vmem_shared>> -> memref<56x128xf32, #tpu.memory_space<vmem_shared>>
      %dma_start3A_386 = arith.constant 0 : i32
      %dma_start3A_387 = tpu.memref_slice %arg11[%add3A_306, %dma_start3A_386] : memref<6280x128xf32, #tpu.memory_space<vmem_shared>> -> memref<56x128xf32, #tpu.memory_space<vmem_shared>>
      tpu.enqueue_dma source(%arg9 : memref<56x128xf32, #tpu.memory_space<vmem>>) target(%dma_start3A_387 : memref<56x128xf32, #tpu.memory_space<vmem_shared>>) target_semaphore(%run_scoped3A : memref<!tpu.dma_semaphore, #tpu.memory_space<semaphore_mem>>)
      %dma_wait3A = arith.constant 0 : i32
      %dma_wait3A_388 = tpu.memref_slice %arg11[%add3A_306, %dma_wait3A] : memref<6280x128xf32, #tpu.memory_space<vmem_shared>> -> memref<56x128xf32, #tpu.memory_space<vmem_shared>>
      %dma_wait3A_389 = arith.constant 0 : i32
      %dma_wait3A_390 = tpu.memref_slice %arg11[%add3A_306, %dma_wait3A_389] : memref<6280x128xf32, #tpu.memory_space<vmem_shared>> -> memref<56x128xf32, #tpu.memory_space<vmem_shared>>
      tpu.wait_dma2 semaphore(%run_scoped3A : memref<!tpu.dma_semaphore, #tpu.memory_space<semaphore_mem>>) src(%arg9 : memref<56x128xf32, #tpu.memory_space<vmem>>) dst(%dma_wait3A_390 : memref<56x128xf32, #tpu.memory_space<vmem_shared>>)
      tpu.yield
    }) : () -> ()
    %add3A_307 = arith.constant 224 : i32
    %add3A_308 = arith.addi %mul3A_2, %add3A_307 : i32
    "tpu.region"() ({
      %run_scoped3A = tpu.sem_alloc : memref<!tpu.dma_semaphore, #tpu.memory_space<semaphore_mem>>
      %dma_start3A = arith.constant 0 : i32
      %dma_start3A_385 = tpu.memref_slice %arg11[%add3A_308, %dma_start3A] : memref<6280x128xf32, #tpu.memory_space<vmem_shared>> -> memref<56x128xf32, #tpu.memory_space<vmem_shared>>
      %dma_start3A_386 = arith.constant 0 : i32
      %dma_start3A_387 = tpu.memref_slice %arg11[%add3A_308, %dma_start3A_386] : memref<6280x128xf32, #tpu.memory_space<vmem_shared>> -> memref<56x128xf32, #tpu.memory_space<vmem_shared>>
      tpu.enqueue_dma source(%arg9 : memref<56x128xf32, #tpu.memory_space<vmem>>) target(%dma_start3A_387 : memref<56x128xf32, #tpu.memory_space<vmem_shared>>) target_semaphore(%run_scoped3A : memref<!tpu.dma_semaphore, #tpu.memory_space<semaphore_mem>>)
      %dma_wait3A = arith.constant 0 : i32
      %dma_wait3A_388 = tpu.memref_slice %arg11[%add3A_308, %dma_wait3A] : memref<6280x128xf32, #tpu.memory_space<vmem_shared>> -> memref<56x128xf32, #tpu.memory_space<vmem_shared>>
      %dma_wait3A_389 = arith.constant 0 : i32
      %dma_wait3A_390 = tpu.memref_slice %arg11[%add3A_308, %dma_wait3A_389] : memref<6280x128xf32, #tpu.memory_space<vmem_shared>> -> memref<56x128xf32, #tpu.memory_space<vmem_shared>>
      tpu.wait_dma2 semaphore(%run_scoped3A : memref<!tpu.dma_semaphore, #tpu.memory_space<semaphore_mem>>) src(%arg9 : memref<56x128xf32, #tpu.memory_space<vmem>>) dst(%dma_wait3A_390 : memref<56x128xf32, #tpu.memory_space<vmem_shared>>)
      tpu.yield
    }) : () -> ()
    %add3A_309 = arith.constant 280 : i32
    %add3A_310 = arith.addi %mul3A_2, %add3A_309 : i32
    "tpu.region"() ({
      %run_scoped3A = tpu.sem_alloc : memref<!tpu.dma_semaphore, #tpu.memory_space<semaphore_mem>>
      %dma_start3A = arith.constant 0 : i32
      %dma_start3A_385 = tpu.memref_slice %arg11[%add3A_310, %dma_start3A] : memref<6280x128xf32, #tpu.memory_space<vmem_shared>> -> memref<56x128xf32, #tpu.memory_space<vmem_shared>>
      %dma_start3A_386 = arith.constant 0 : i32
      %dma_start3A_387 = tpu.memref_slice %arg11[%add3A_310, %dma_start3A_386] : memref<6280x128xf32, #tpu.memory_space<vmem_shared>> -> memref<56x128xf32, #tpu.memory_space<vmem_shared>>
      tpu.enqueue_dma source(%arg9 : memref<56x128xf32, #tpu.memory_space<vmem>>) target(%dma_start3A_387 : memref<56x128xf32, #tpu.memory_space<vmem_shared>>) target_semaphore(%run_scoped3A : memref<!tpu.dma_semaphore, #tpu.memory_space<semaphore_mem>>)
      %dma_wait3A = arith.constant 0 : i32
      %dma_wait3A_388 = tpu.memref_slice %arg11[%add3A_310, %dma_wait3A] : memref<6280x128xf32, #tpu.memory_space<vmem_shared>> -> memref<56x128xf32, #tpu.memory_space<vmem_shared>>
      %dma_wait3A_389 = arith.constant 0 : i32
      %dma_wait3A_390 = tpu.memref_slice %arg11[%add3A_310, %dma_wait3A_389] : memref<6280x128xf32, #tpu.memory_space<vmem_shared>> -> memref<56x128xf32, #tpu.memory_space<vmem_shared>>
      tpu.wait_dma2 semaphore(%run_scoped3A : memref<!tpu.dma_semaphore, #tpu.memory_space<semaphore_mem>>) src(%arg9 : memref<56x128xf32, #tpu.memory_space<vmem>>) dst(%dma_wait3A_390 : memref<56x128xf32, #tpu.memory_space<vmem_shared>>)
      tpu.yield
    }) : () -> ()
    %add3A_311 = arith.constant 336 : i32
    %add3A_312 = arith.addi %mul3A_2, %add3A_311 : i32
    "tpu.region"() ({
      %run_scoped3A = tpu.sem_alloc : memref<!tpu.dma_semaphore, #tpu.memory_space<semaphore_mem>>
      %dma_start3A = arith.constant 0 : i32
      %dma_start3A_385 = tpu.memref_slice %arg11[%add3A_312, %dma_start3A] : memref<6280x128xf32, #tpu.memory_space<vmem_shared>> -> memref<56x128xf32, #tpu.memory_space<vmem_shared>>
      %dma_start3A_386 = arith.constant 0 : i32
      %dma_start3A_387 = tpu.memref_slice %arg11[%add3A_312, %dma_start3A_386] : memref<6280x128xf32, #tpu.memory_space<vmem_shared>> -> memref<56x128xf32, #tpu.memory_space<vmem_shared>>
      tpu.enqueue_dma source(%arg9 : memref<56x128xf32, #tpu.memory_space<vmem>>) target(%dma_start3A_387 : memref<56x128xf32, #tpu.memory_space<vmem_shared>>) target_semaphore(%run_scoped3A : memref<!tpu.dma_semaphore, #tpu.memory_space<semaphore_mem>>)
      %dma_wait3A = arith.constant 0 : i32
      %dma_wait3A_388 = tpu.memref_slice %arg11[%add3A_312, %dma_wait3A] : memref<6280x128xf32, #tpu.memory_space<vmem_shared>> -> memref<56x128xf32, #tpu.memory_space<vmem_shared>>
      %dma_wait3A_389 = arith.constant 0 : i32
      %dma_wait3A_390 = tpu.memref_slice %arg11[%add3A_312, %dma_wait3A_389] : memref<6280x128xf32, #tpu.memory_space<vmem_shared>> -> memref<56x128xf32, #tpu.memory_space<vmem_shared>>
      tpu.wait_dma2 semaphore(%run_scoped3A : memref<!tpu.dma_semaphore, #tpu.memory_space<semaphore_mem>>) src(%arg9 : memref<56x128xf32, #tpu.memory_space<vmem>>) dst(%dma_wait3A_390 : memref<56x128xf32, #tpu.memory_space<vmem_shared>>)
      tpu.yield
    }) : () -> ()
    %barrier3A_313 = arith.constant 0 : index
    tpu.barrier barrier_id(%barrier3A_313)
    %scan3A_314 = arith.constant 0 : i32
    %scan3A_315 = arith.constant 0 : i32
    %scan3A_316 = arith.constant 50 : i32
    %scan3A_317 = arith.addi %scan3A_315, %scan3A_316 : i32
    %scan3A_318 = arith.constant 1 : i32
    %scan3A_319 = scf.for %scan3A_385 = %scan3A_315 to %scan3A_317 step %scan3A_318 iter_args(%scan3A_386 = %scan3A_314) -> (i32)  : i32 {
      %mul3A_387 = arith.constant 2 : i32
      %mul3A_388 = arith.muli %arg0, %mul3A_387 : i32
      %add3A_389 = arith.constant 0 : i32
      %add3A_390 = arith.addi %mul3A_388, %add3A_389 : i32
      %mul3A_391 = arith.constant 128 : i32
      %mul3A_392 = arith.muli %add3A_390, %mul3A_391 : i32
      %mul3A_393 = arith.constant 128 : i32
      %mul3A_394 = arith.muli %scan3A_385, %mul3A_393 : i32
      %add3A_395 = arith.addi %mul3A_0, %mul3A_394 : i32
      "tpu.region"() ({
        %run_scoped3A = tpu.sem_alloc : memref<!tpu.dma_semaphore, #tpu.memory_space<semaphore_mem>>
        %dma_start3A = tpu.memref_slice %arg2[%add3A_395, %mul3A_392] : memref<102400x512xf32, #tpu.memory_space<hbm>> -> memref<128x128xf32, #tpu.memory_space<hbm>>
        %dma_start3A_397 = tpu.memref_slice %arg2[%add3A_395, %mul3A_392] : memref<102400x512xf32, #tpu.memory_space<hbm>> -> memref<128x128xf32, #tpu.memory_space<hbm>>
        tpu.enqueue_dma source(%dma_start3A_397 : memref<128x128xf32, #tpu.memory_space<hbm>>) target(%arg8 : memref<128x128xf32, #tpu.memory_space<vmem>>) target_semaphore(%run_scoped3A : memref<!tpu.dma_semaphore, #tpu.memory_space<semaphore_mem>>)
        %dma_wait3A = tpu.memref_slice %arg2[%add3A_395, %mul3A_392] : memref<102400x512xf32, #tpu.memory_space<hbm>> -> memref<128x128xf32, #tpu.memory_space<hbm>>
        %dma_wait3A_398 = tpu.memref_slice %arg2[%add3A_395, %mul3A_392] : memref<102400x512xf32, #tpu.memory_space<hbm>> -> memref<128x128xf32, #tpu.memory_space<hbm>>
        tpu.wait_dma2 semaphore(%run_scoped3A : memref<!tpu.dma_semaphore, #tpu.memory_space<semaphore_mem>>) src(%dma_wait3A_398 : memref<128x128xf32, #tpu.memory_space<hbm>>) dst(%arg8 : memref<128x128xf32, #tpu.memory_space<vmem>>)
        tpu.yield
      }) : () -> ()
      "tpu.region"() ({
        %run_scoped3A = tpu.sem_alloc : memref<!tpu.dma_semaphore, #tpu.memory_space<semaphore_mem>>
        %dma_start3A = arith.constant 0 : i32
        %dma_start3A_397 = tpu.memref_slice %arg7[%scan3A_385, %dma_start3A] : memref<56x128xi32, #tpu.memory_space<vmem>> -> memref<1x128xi32, #tpu.memory_space<vmem>>
        %dma_start3A_398 = tpu.memref_squeeze %dma_start3A_397 : memref<1x128xi32, #tpu.memory_space<vmem>> -> memref<128xi32, #tpu.memory_space<vmem>>
        %dma_start3A_399 = arith.constant 0 : i32
        %dma_start3A_400 = arith.constant 0 : i32
        %dma_start3A_401 = tpu.memref_slice %arg11[%dma_start3A_399, %dma_start3A_400] : memref<6280x128xf32, #tpu.memory_space<vmem_shared>> -> memref<6280x128xf32, #tpu.memory_space<vmem_shared>>
        tpu.enqueue_indirect_dma source(%arg8 : memref<128x128xf32, #tpu.memory_space<vmem>>) target(%dma_start3A_401 : memref<6280x128xf32, #tpu.memory_space<vmem_shared>>) offsets(%dma_start3A_398 : memref<128xi32, #tpu.memory_space<vmem>>) semaphore(%run_scoped3A : memref<!tpu.dma_semaphore, #tpu.memory_space<semaphore_mem>>) {add = true}
        %dma_wait3A = arith.constant 0 : i32
        %dma_wait3A_402 = tpu.memref_slice %arg7[%scan3A_385, %dma_wait3A] : memref<56x128xi32, #tpu.memory_space<vmem>> -> memref<1x128xi32, #tpu.memory_space<vmem>>
        %dma_wait3A_403 = tpu.memref_squeeze %dma_wait3A_402 : memref<1x128xi32, #tpu.memory_space<vmem>> -> memref<128xi32, #tpu.memory_space<vmem>>
        %dma_wait3A_404 = arith.constant 0 : i32
        %dma_wait3A_405 = arith.constant 0 : i32
        %dma_wait3A_406 = tpu.memref_slice %arg11[%dma_wait3A_404, %dma_wait3A_405] : memref<6280x128xf32, #tpu.memory_space<vmem_shared>> -> memref<6280x128xf32, #tpu.memory_space<vmem_shared>>
        tpu.wait_indirect_dma semaphore(%run_scoped3A : memref<!tpu.dma_semaphore, #tpu.memory_space<semaphore_mem>>) src(%arg8 : memref<128x128xf32, #tpu.memory_space<vmem>>) dst(%dma_wait3A_406 : memref<6280x128xf32, #tpu.memory_space<vmem_shared>>)
        tpu.yield
      }) : () -> ()
      %scan3A_396 = arith.constant 0 : i32
      scf.yield %scan3A_396 : i32
    }
    %scan3A_320 = arith.constant 50 : i32
    %barrier3A_321 = arith.constant 0 : index
    tpu.barrier barrier_id(%barrier3A_321)
    %add3A_322 = arith.constant 18816 : i32
    %add3A_323 = arith.addi %add3A_322, %mul3A_2 : i32
    %eq3A_324 = arith.constant 0 : i32
    %eq3A_325 = arith.cmpi eq, %arg0, %eq3A_324 : i32
    %convert_element_type3A_326 = arith.extui %eq3A_325 : i1 to i32
    %cond3A_327 = arith.constant 0 : i32
    %cond3A_328 = arith.cmpi ne, %convert_element_type3A_326, %cond3A_327 : i32
    scf.if %cond3A_328 {
      %run_scoped3A = arith.constant 0 : i32
      "tpu.region"() ({
        %run_scoped3A_385 = tpu.sem_alloc : memref<!tpu.dma_semaphore, #tpu.memory_space<semaphore_mem>>
        %dma_start3A = arith.constant 0 : i32
        %dma_start3A_386 = tpu.memref_slice %arg4[%run_scoped3A, %add3A_323, %dma_start3A] : memref<4x25088x128xf32, #tpu.memory_space<hbm>> -> memref<1x392x128xf32, #tpu.memory_space<hbm>>
        %dma_start3A_387 = tpu.memref_squeeze %dma_start3A_386 : memref<1x392x128xf32, #tpu.memory_space<hbm>> -> memref<392x128xf32, #tpu.memory_space<hbm>>
        %dma_start3A_388 = arith.constant 0 : i32
        %dma_start3A_389 = tpu.memref_slice %arg11[%mul3A_2, %dma_start3A_388] : memref<6280x128xf32, #tpu.memory_space<vmem_shared>> -> memref<392x128xf32, #tpu.memory_space<vmem_shared>>
        tpu.enqueue_dma source(%dma_start3A_389 : memref<392x128xf32, #tpu.memory_space<vmem_shared>>) target(%dma_start3A_387 : memref<392x128xf32, #tpu.memory_space<hbm>>) target_semaphore(%run_scoped3A_385 : memref<!tpu.dma_semaphore, #tpu.memory_space<semaphore_mem>>)
        %dma_wait3A = arith.constant 0 : i32
        %dma_wait3A_390 = tpu.memref_slice %arg4[%run_scoped3A, %add3A_323, %dma_wait3A] : memref<4x25088x128xf32, #tpu.memory_space<hbm>> -> memref<1x392x128xf32, #tpu.memory_space<hbm>>
        %dma_wait3A_391 = tpu.memref_squeeze %dma_wait3A_390 : memref<1x392x128xf32, #tpu.memory_space<hbm>> -> memref<392x128xf32, #tpu.memory_space<hbm>>
        %dma_wait3A_392 = arith.constant 0 : i32
        %dma_wait3A_393 = tpu.memref_slice %arg11[%mul3A_2, %dma_wait3A_392] : memref<6280x128xf32, #tpu.memory_space<vmem_shared>> -> memref<392x128xf32, #tpu.memory_space<vmem_shared>>
        tpu.wait_dma2 semaphore(%run_scoped3A_385 : memref<!tpu.dma_semaphore, #tpu.memory_space<semaphore_mem>>) src(%dma_wait3A_393 : memref<392x128xf32, #tpu.memory_space<vmem_shared>>) dst(%dma_wait3A_391 : memref<392x128xf32, #tpu.memory_space<hbm>>)
        tpu.yield
      }) : () -> ()
    } else {
    }
    %eq3A_329 = arith.constant 1 : i32
    %eq3A_330 = arith.cmpi eq, %arg0, %eq3A_329 : i32
    %convert_element_type3A_331 = arith.extui %eq3A_330 : i1 to i32
    %cond3A_332 = arith.constant 0 : i32
    %cond3A_333 = arith.cmpi ne, %convert_element_type3A_331, %cond3A_332 : i32
    scf.if %cond3A_333 {
      %run_scoped3A = arith.constant 2 : i32
      "tpu.region"() ({
        %run_scoped3A_385 = tpu.sem_alloc : memref<!tpu.dma_semaphore, #tpu.memory_space<semaphore_mem>>
        %dma_start3A = arith.constant 0 : i32
        %dma_start3A_386 = tpu.memref_slice %arg4[%run_scoped3A, %add3A_323, %dma_start3A] : memref<4x25088x128xf32, #tpu.memory_space<hbm>> -> memref<1x392x128xf32, #tpu.memory_space<hbm>>
        %dma_start3A_387 = tpu.memref_squeeze %dma_start3A_386 : memref<1x392x128xf32, #tpu.memory_space<hbm>> -> memref<392x128xf32, #tpu.memory_space<hbm>>
        %dma_start3A_388 = arith.constant 0 : i32
        %dma_start3A_389 = tpu.memref_slice %arg11[%mul3A_2, %dma_start3A_388] : memref<6280x128xf32, #tpu.memory_space<vmem_shared>> -> memref<392x128xf32, #tpu.memory_space<vmem_shared>>
        tpu.enqueue_dma source(%dma_start3A_389 : memref<392x128xf32, #tpu.memory_space<vmem_shared>>) target(%dma_start3A_387 : memref<392x128xf32, #tpu.memory_space<hbm>>) target_semaphore(%run_scoped3A_385 : memref<!tpu.dma_semaphore, #tpu.memory_space<semaphore_mem>>)
        %dma_wait3A = arith.constant 0 : i32
        %dma_wait3A_390 = tpu.memref_slice %arg4[%run_scoped3A, %add3A_323, %dma_wait3A] : memref<4x25088x128xf32, #tpu.memory_space<hbm>> -> memref<1x392x128xf32, #tpu.memory_space<hbm>>
        %dma_wait3A_391 = tpu.memref_squeeze %dma_wait3A_390 : memref<1x392x128xf32, #tpu.memory_space<hbm>> -> memref<392x128xf32, #tpu.memory_space<hbm>>
        %dma_wait3A_392 = arith.constant 0 : i32
        %dma_wait3A_393 = tpu.memref_slice %arg11[%mul3A_2, %dma_wait3A_392] : memref<6280x128xf32, #tpu.memory_space<vmem_shared>> -> memref<392x128xf32, #tpu.memory_space<vmem_shared>>
        tpu.wait_dma2 semaphore(%run_scoped3A_385 : memref<!tpu.dma_semaphore, #tpu.memory_space<semaphore_mem>>) src(%dma_wait3A_393 : memref<392x128xf32, #tpu.memory_space<vmem_shared>>) dst(%dma_wait3A_391 : memref<392x128xf32, #tpu.memory_space<hbm>>)
        tpu.yield
      }) : () -> ()
    } else {
    }
    %barrier3A_334 = arith.constant 0 : index
    tpu.barrier barrier_id(%barrier3A_334)
    %add3A_335 = arith.constant 0 : i32
    %add3A_336 = arith.addi %mul3A_2, %add3A_335 : i32
    "tpu.region"() ({
      %run_scoped3A = tpu.sem_alloc : memref<!tpu.dma_semaphore, #tpu.memory_space<semaphore_mem>>
      %dma_start3A = arith.constant 0 : i32
      %dma_start3A_385 = tpu.memref_slice %arg11[%add3A_336, %dma_start3A] : memref<6280x128xf32, #tpu.memory_space<vmem_shared>> -> memref<56x128xf32, #tpu.memory_space<vmem_shared>>
      %dma_start3A_386 = arith.constant 0 : i32
      %dma_start3A_387 = tpu.memref_slice %arg11[%add3A_336, %dma_start3A_386] : memref<6280x128xf32, #tpu.memory_space<vmem_shared>> -> memref<56x128xf32, #tpu.memory_space<vmem_shared>>
      tpu.enqueue_dma source(%arg9 : memref<56x128xf32, #tpu.memory_space<vmem>>) target(%dma_start3A_387 : memref<56x128xf32, #tpu.memory_space<vmem_shared>>) target_semaphore(%run_scoped3A : memref<!tpu.dma_semaphore, #tpu.memory_space<semaphore_mem>>)
      %dma_wait3A = arith.constant 0 : i32
      %dma_wait3A_388 = tpu.memref_slice %arg11[%add3A_336, %dma_wait3A] : memref<6280x128xf32, #tpu.memory_space<vmem_shared>> -> memref<56x128xf32, #tpu.memory_space<vmem_shared>>
      %dma_wait3A_389 = arith.constant 0 : i32
      %dma_wait3A_390 = tpu.memref_slice %arg11[%add3A_336, %dma_wait3A_389] : memref<6280x128xf32, #tpu.memory_space<vmem_shared>> -> memref<56x128xf32, #tpu.memory_space<vmem_shared>>
      tpu.wait_dma2 semaphore(%run_scoped3A : memref<!tpu.dma_semaphore, #tpu.memory_space<semaphore_mem>>) src(%arg9 : memref<56x128xf32, #tpu.memory_space<vmem>>) dst(%dma_wait3A_390 : memref<56x128xf32, #tpu.memory_space<vmem_shared>>)
      tpu.yield
    }) : () -> ()
    %add3A_337 = arith.constant 56 : i32
    %add3A_338 = arith.addi %mul3A_2, %add3A_337 : i32
    "tpu.region"() ({
      %run_scoped3A = tpu.sem_alloc : memref<!tpu.dma_semaphore, #tpu.memory_space<semaphore_mem>>
      %dma_start3A = arith.constant 0 : i32
      %dma_start3A_385 = tpu.memref_slice %arg11[%add3A_338, %dma_start3A] : memref<6280x128xf32, #tpu.memory_space<vmem_shared>> -> memref<56x128xf32, #tpu.memory_space<vmem_shared>>
      %dma_start3A_386 = arith.constant 0 : i32
      %dma_start3A_387 = tpu.memref_slice %arg11[%add3A_338, %dma_start3A_386] : memref<6280x128xf32, #tpu.memory_space<vmem_shared>> -> memref<56x128xf32, #tpu.memory_space<vmem_shared>>
      tpu.enqueue_dma source(%arg9 : memref<56x128xf32, #tpu.memory_space<vmem>>) target(%dma_start3A_387 : memref<56x128xf32, #tpu.memory_space<vmem_shared>>) target_semaphore(%run_scoped3A : memref<!tpu.dma_semaphore, #tpu.memory_space<semaphore_mem>>)
      %dma_wait3A = arith.constant 0 : i32
      %dma_wait3A_388 = tpu.memref_slice %arg11[%add3A_338, %dma_wait3A] : memref<6280x128xf32, #tpu.memory_space<vmem_shared>> -> memref<56x128xf32, #tpu.memory_space<vmem_shared>>
      %dma_wait3A_389 = arith.constant 0 : i32
      %dma_wait3A_390 = tpu.memref_slice %arg11[%add3A_338, %dma_wait3A_389] : memref<6280x128xf32, #tpu.memory_space<vmem_shared>> -> memref<56x128xf32, #tpu.memory_space<vmem_shared>>
      tpu.wait_dma2 semaphore(%run_scoped3A : memref<!tpu.dma_semaphore, #tpu.memory_space<semaphore_mem>>) src(%arg9 : memref<56x128xf32, #tpu.memory_space<vmem>>) dst(%dma_wait3A_390 : memref<56x128xf32, #tpu.memory_space<vmem_shared>>)
      tpu.yield
    }) : () -> ()
    %add3A_339 = arith.constant 112 : i32
    %add3A_340 = arith.addi %mul3A_2, %add3A_339 : i32
    "tpu.region"() ({
      %run_scoped3A = tpu.sem_alloc : memref<!tpu.dma_semaphore, #tpu.memory_space<semaphore_mem>>
      %dma_start3A = arith.constant 0 : i32
      %dma_start3A_385 = tpu.memref_slice %arg11[%add3A_340, %dma_start3A] : memref<6280x128xf32, #tpu.memory_space<vmem_shared>> -> memref<56x128xf32, #tpu.memory_space<vmem_shared>>
      %dma_start3A_386 = arith.constant 0 : i32
      %dma_start3A_387 = tpu.memref_slice %arg11[%add3A_340, %dma_start3A_386] : memref<6280x128xf32, #tpu.memory_space<vmem_shared>> -> memref<56x128xf32, #tpu.memory_space<vmem_shared>>
      tpu.enqueue_dma source(%arg9 : memref<56x128xf32, #tpu.memory_space<vmem>>) target(%dma_start3A_387 : memref<56x128xf32, #tpu.memory_space<vmem_shared>>) target_semaphore(%run_scoped3A : memref<!tpu.dma_semaphore, #tpu.memory_space<semaphore_mem>>)
      %dma_wait3A = arith.constant 0 : i32
      %dma_wait3A_388 = tpu.memref_slice %arg11[%add3A_340, %dma_wait3A] : memref<6280x128xf32, #tpu.memory_space<vmem_shared>> -> memref<56x128xf32, #tpu.memory_space<vmem_shared>>
      %dma_wait3A_389 = arith.constant 0 : i32
      %dma_wait3A_390 = tpu.memref_slice %arg11[%add3A_340, %dma_wait3A_389] : memref<6280x128xf32, #tpu.memory_space<vmem_shared>> -> memref<56x128xf32, #tpu.memory_space<vmem_shared>>
      tpu.wait_dma2 semaphore(%run_scoped3A : memref<!tpu.dma_semaphore, #tpu.memory_space<semaphore_mem>>) src(%arg9 : memref<56x128xf32, #tpu.memory_space<vmem>>) dst(%dma_wait3A_390 : memref<56x128xf32, #tpu.memory_space<vmem_shared>>)
      tpu.yield
    }) : () -> ()
    %add3A_341 = arith.constant 168 : i32
    %add3A_342 = arith.addi %mul3A_2, %add3A_341 : i32
    "tpu.region"() ({
      %run_scoped3A = tpu.sem_alloc : memref<!tpu.dma_semaphore, #tpu.memory_space<semaphore_mem>>
      %dma_start3A = arith.constant 0 : i32
      %dma_start3A_385 = tpu.memref_slice %arg11[%add3A_342, %dma_start3A] : memref<6280x128xf32, #tpu.memory_space<vmem_shared>> -> memref<56x128xf32, #tpu.memory_space<vmem_shared>>
      %dma_start3A_386 = arith.constant 0 : i32
      %dma_start3A_387 = tpu.memref_slice %arg11[%add3A_342, %dma_start3A_386] : memref<6280x128xf32, #tpu.memory_space<vmem_shared>> -> memref<56x128xf32, #tpu.memory_space<vmem_shared>>
      tpu.enqueue_dma source(%arg9 : memref<56x128xf32, #tpu.memory_space<vmem>>) target(%dma_start3A_387 : memref<56x128xf32, #tpu.memory_space<vmem_shared>>) target_semaphore(%run_scoped3A : memref<!tpu.dma_semaphore, #tpu.memory_space<semaphore_mem>>)
      %dma_wait3A = arith.constant 0 : i32
      %dma_wait3A_388 = tpu.memref_slice %arg11[%add3A_342, %dma_wait3A] : memref<6280x128xf32, #tpu.memory_space<vmem_shared>> -> memref<56x128xf32, #tpu.memory_space<vmem_shared>>
      %dma_wait3A_389 = arith.constant 0 : i32
      %dma_wait3A_390 = tpu.memref_slice %arg11[%add3A_342, %dma_wait3A_389] : memref<6280x128xf32, #tpu.memory_space<vmem_shared>> -> memref<56x128xf32, #tpu.memory_space<vmem_shared>>
      tpu.wait_dma2 semaphore(%run_scoped3A : memref<!tpu.dma_semaphore, #tpu.memory_space<semaphore_mem>>) src(%arg9 : memref<56x128xf32, #tpu.memory_space<vmem>>) dst(%dma_wait3A_390 : memref<56x128xf32, #tpu.memory_space<vmem_shared>>)
      tpu.yield
    }) : () -> ()
    %add3A_343 = arith.constant 224 : i32
    %add3A_344 = arith.addi %mul3A_2, %add3A_343 : i32
    "tpu.region"() ({
      %run_scoped3A = tpu.sem_alloc : memref<!tpu.dma_semaphore, #tpu.memory_space<semaphore_mem>>
      %dma_start3A = arith.constant 0 : i32
      %dma_start3A_385 = tpu.memref_slice %arg11[%add3A_344, %dma_start3A] : memref<6280x128xf32, #tpu.memory_space<vmem_shared>> -> memref<56x128xf32, #tpu.memory_space<vmem_shared>>
      %dma_start3A_386 = arith.constant 0 : i32
      %dma_start3A_387 = tpu.memref_slice %arg11[%add3A_344, %dma_start3A_386] : memref<6280x128xf32, #tpu.memory_space<vmem_shared>> -> memref<56x128xf32, #tpu.memory_space<vmem_shared>>
      tpu.enqueue_dma source(%arg9 : memref<56x128xf32, #tpu.memory_space<vmem>>) target(%dma_start3A_387 : memref<56x128xf32, #tpu.memory_space<vmem_shared>>) target_semaphore(%run_scoped3A : memref<!tpu.dma_semaphore, #tpu.memory_space<semaphore_mem>>)
      %dma_wait3A = arith.constant 0 : i32
      %dma_wait3A_388 = tpu.memref_slice %arg11[%add3A_344, %dma_wait3A] : memref<6280x128xf32, #tpu.memory_space<vmem_shared>> -> memref<56x128xf32, #tpu.memory_space<vmem_shared>>
      %dma_wait3A_389 = arith.constant 0 : i32
      %dma_wait3A_390 = tpu.memref_slice %arg11[%add3A_344, %dma_wait3A_389] : memref<6280x128xf32, #tpu.memory_space<vmem_shared>> -> memref<56x128xf32, #tpu.memory_space<vmem_shared>>
      tpu.wait_dma2 semaphore(%run_scoped3A : memref<!tpu.dma_semaphore, #tpu.memory_space<semaphore_mem>>) src(%arg9 : memref<56x128xf32, #tpu.memory_space<vmem>>) dst(%dma_wait3A_390 : memref<56x128xf32, #tpu.memory_space<vmem_shared>>)
      tpu.yield
    }) : () -> ()
    %add3A_345 = arith.constant 280 : i32
    %add3A_346 = arith.addi %mul3A_2, %add3A_345 : i32
    "tpu.region"() ({
      %run_scoped3A = tpu.sem_alloc : memref<!tpu.dma_semaphore, #tpu.memory_space<semaphore_mem>>
      %dma_start3A = arith.constant 0 : i32
      %dma_start3A_385 = tpu.memref_slice %arg11[%add3A_346, %dma_start3A] : memref<6280x128xf32, #tpu.memory_space<vmem_shared>> -> memref<56x128xf32, #tpu.memory_space<vmem_shared>>
      %dma_start3A_386 = arith.constant 0 : i32
      %dma_start3A_387 = tpu.memref_slice %arg11[%add3A_346, %dma_start3A_386] : memref<6280x128xf32, #tpu.memory_space<vmem_shared>> -> memref<56x128xf32, #tpu.memory_space<vmem_shared>>
      tpu.enqueue_dma source(%arg9 : memref<56x128xf32, #tpu.memory_space<vmem>>) target(%dma_start3A_387 : memref<56x128xf32, #tpu.memory_space<vmem_shared>>) target_semaphore(%run_scoped3A : memref<!tpu.dma_semaphore, #tpu.memory_space<semaphore_mem>>)
      %dma_wait3A = arith.constant 0 : i32
      %dma_wait3A_388 = tpu.memref_slice %arg11[%add3A_346, %dma_wait3A] : memref<6280x128xf32, #tpu.memory_space<vmem_shared>> -> memref<56x128xf32, #tpu.memory_space<vmem_shared>>
      %dma_wait3A_389 = arith.constant 0 : i32
      %dma_wait3A_390 = tpu.memref_slice %arg11[%add3A_346, %dma_wait3A_389] : memref<6280x128xf32, #tpu.memory_space<vmem_shared>> -> memref<56x128xf32, #tpu.memory_space<vmem_shared>>
      tpu.wait_dma2 semaphore(%run_scoped3A : memref<!tpu.dma_semaphore, #tpu.memory_space<semaphore_mem>>) src(%arg9 : memref<56x128xf32, #tpu.memory_space<vmem>>) dst(%dma_wait3A_390 : memref<56x128xf32, #tpu.memory_space<vmem_shared>>)
      tpu.yield
    }) : () -> ()
    %add3A_347 = arith.constant 336 : i32
    %add3A_348 = arith.addi %mul3A_2, %add3A_347 : i32
    "tpu.region"() ({
      %run_scoped3A = tpu.sem_alloc : memref<!tpu.dma_semaphore, #tpu.memory_space<semaphore_mem>>
      %dma_start3A = arith.constant 0 : i32
      %dma_start3A_385 = tpu.memref_slice %arg11[%add3A_348, %dma_start3A] : memref<6280x128xf32, #tpu.memory_space<vmem_shared>> -> memref<56x128xf32, #tpu.memory_space<vmem_shared>>
      %dma_start3A_386 = arith.constant 0 : i32
      %dma_start3A_387 = tpu.memref_slice %arg11[%add3A_348, %dma_start3A_386] : memref<6280x128xf32, #tpu.memory_space<vmem_shared>> -> memref<56x128xf32, #tpu.memory_space<vmem_shared>>
      tpu.enqueue_dma source(%arg9 : memref<56x128xf32, #tpu.memory_space<vmem>>) target(%dma_start3A_387 : memref<56x128xf32, #tpu.memory_space<vmem_shared>>) target_semaphore(%run_scoped3A : memref<!tpu.dma_semaphore, #tpu.memory_space<semaphore_mem>>)
      %dma_wait3A = arith.constant 0 : i32
      %dma_wait3A_388 = tpu.memref_slice %arg11[%add3A_348, %dma_wait3A] : memref<6280x128xf32, #tpu.memory_space<vmem_shared>> -> memref<56x128xf32, #tpu.memory_space<vmem_shared>>
      %dma_wait3A_389 = arith.constant 0 : i32
      %dma_wait3A_390 = tpu.memref_slice %arg11[%add3A_348, %dma_wait3A_389] : memref<6280x128xf32, #tpu.memory_space<vmem_shared>> -> memref<56x128xf32, #tpu.memory_space<vmem_shared>>
      tpu.wait_dma2 semaphore(%run_scoped3A : memref<!tpu.dma_semaphore, #tpu.memory_space<semaphore_mem>>) src(%arg9 : memref<56x128xf32, #tpu.memory_space<vmem>>) dst(%dma_wait3A_390 : memref<56x128xf32, #tpu.memory_space<vmem_shared>>)
      tpu.yield
    }) : () -> ()
    %barrier3A_349 = arith.constant 0 : index
    tpu.barrier barrier_id(%barrier3A_349)
    %scan3A_350 = arith.constant 0 : i32
    %scan3A_351 = arith.constant 0 : i32
    %scan3A_352 = arith.constant 50 : i32
    %scan3A_353 = arith.addi %scan3A_351, %scan3A_352 : i32
    %scan3A_354 = arith.constant 1 : i32
    %scan3A_355 = scf.for %scan3A_385 = %scan3A_351 to %scan3A_353 step %scan3A_354 iter_args(%scan3A_386 = %scan3A_350) -> (i32)  : i32 {
      %mul3A_387 = arith.constant 2 : i32
      %mul3A_388 = arith.muli %arg0, %mul3A_387 : i32
      %add3A_389 = arith.constant 1 : i32
      %add3A_390 = arith.addi %mul3A_388, %add3A_389 : i32
      %mul3A_391 = arith.constant 128 : i32
      %mul3A_392 = arith.muli %add3A_390, %mul3A_391 : i32
      %mul3A_393 = arith.constant 128 : i32
      %mul3A_394 = arith.muli %scan3A_385, %mul3A_393 : i32
      %add3A_395 = arith.addi %mul3A_0, %mul3A_394 : i32
      "tpu.region"() ({
        %run_scoped3A = tpu.sem_alloc : memref<!tpu.dma_semaphore, #tpu.memory_space<semaphore_mem>>
        %dma_start3A = tpu.memref_slice %arg2[%add3A_395, %mul3A_392] : memref<102400x512xf32, #tpu.memory_space<hbm>> -> memref<128x128xf32, #tpu.memory_space<hbm>>
        %dma_start3A_397 = tpu.memref_slice %arg2[%add3A_395, %mul3A_392] : memref<102400x512xf32, #tpu.memory_space<hbm>> -> memref<128x128xf32, #tpu.memory_space<hbm>>
        tpu.enqueue_dma source(%dma_start3A_397 : memref<128x128xf32, #tpu.memory_space<hbm>>) target(%arg8 : memref<128x128xf32, #tpu.memory_space<vmem>>) target_semaphore(%run_scoped3A : memref<!tpu.dma_semaphore, #tpu.memory_space<semaphore_mem>>)
        %dma_wait3A = tpu.memref_slice %arg2[%add3A_395, %mul3A_392] : memref<102400x512xf32, #tpu.memory_space<hbm>> -> memref<128x128xf32, #tpu.memory_space<hbm>>
        %dma_wait3A_398 = tpu.memref_slice %arg2[%add3A_395, %mul3A_392] : memref<102400x512xf32, #tpu.memory_space<hbm>> -> memref<128x128xf32, #tpu.memory_space<hbm>>
        tpu.wait_dma2 semaphore(%run_scoped3A : memref<!tpu.dma_semaphore, #tpu.memory_space<semaphore_mem>>) src(%dma_wait3A_398 : memref<128x128xf32, #tpu.memory_space<hbm>>) dst(%arg8 : memref<128x128xf32, #tpu.memory_space<vmem>>)
        tpu.yield
      }) : () -> ()
      "tpu.region"() ({
        %run_scoped3A = tpu.sem_alloc : memref<!tpu.dma_semaphore, #tpu.memory_space<semaphore_mem>>
        %dma_start3A = arith.constant 0 : i32
        %dma_start3A_397 = tpu.memref_slice %arg7[%scan3A_385, %dma_start3A] : memref<56x128xi32, #tpu.memory_space<vmem>> -> memref<1x128xi32, #tpu.memory_space<vmem>>
        %dma_start3A_398 = tpu.memref_squeeze %dma_start3A_397 : memref<1x128xi32, #tpu.memory_space<vmem>> -> memref<128xi32, #tpu.memory_space<vmem>>
        %dma_start3A_399 = arith.constant 0 : i32
        %dma_start3A_400 = arith.constant 0 : i32
        %dma_start3A_401 = tpu.memref_slice %arg11[%dma_start3A_399, %dma_start3A_400] : memref<6280x128xf32, #tpu.memory_space<vmem_shared>> -> memref<6280x128xf32, #tpu.memory_space<vmem_shared>>
        tpu.enqueue_indirect_dma source(%arg8 : memref<128x128xf32, #tpu.memory_space<vmem>>) target(%dma_start3A_401 : memref<6280x128xf32, #tpu.memory_space<vmem_shared>>) offsets(%dma_start3A_398 : memref<128xi32, #tpu.memory_space<vmem>>) semaphore(%run_scoped3A : memref<!tpu.dma_semaphore, #tpu.memory_space<semaphore_mem>>) {add = true}
        %dma_wait3A = arith.constant 0 : i32
        %dma_wait3A_402 = tpu.memref_slice %arg7[%scan3A_385, %dma_wait3A] : memref<56x128xi32, #tpu.memory_space<vmem>> -> memref<1x128xi32, #tpu.memory_space<vmem>>
        %dma_wait3A_403 = tpu.memref_squeeze %dma_wait3A_402 : memref<1x128xi32, #tpu.memory_space<vmem>> -> memref<128xi32, #tpu.memory_space<vmem>>
        %dma_wait3A_404 = arith.constant 0 : i32
        %dma_wait3A_405 = arith.constant 0 : i32
        %dma_wait3A_406 = tpu.memref_slice %arg11[%dma_wait3A_404, %dma_wait3A_405] : memref<6280x128xf32, #tpu.memory_space<vmem_shared>> -> memref<6280x128xf32, #tpu.memory_space<vmem_shared>>
        tpu.wait_indirect_dma semaphore(%run_scoped3A : memref<!tpu.dma_semaphore, #tpu.memory_space<semaphore_mem>>) src(%arg8 : memref<128x128xf32, #tpu.memory_space<vmem>>) dst(%dma_wait3A_406 : memref<6280x128xf32, #tpu.memory_space<vmem_shared>>)
        tpu.yield
      }) : () -> ()
      %scan3A_396 = arith.constant 0 : i32
      scf.yield %scan3A_396 : i32
    }
    %scan3A_356 = arith.constant 50 : i32
    %barrier3A_357 = arith.constant 0 : index
    tpu.barrier barrier_id(%barrier3A_357)
    %add3A_358 = arith.constant 18816 : i32
    %add3A_359 = arith.addi %add3A_358, %mul3A_2 : i32
    %eq3A_360 = arith.constant 0 : i32
    %eq3A_361 = arith.cmpi eq, %arg0, %eq3A_360 : i32
    %convert_element_type3A_362 = arith.extui %eq3A_361 : i1 to i32
    %cond3A_363 = arith.constant 0 : i32
    %cond3A_364 = arith.cmpi ne, %convert_element_type3A_362, %cond3A_363 : i32
    scf.if %cond3A_364 {
      %run_scoped3A = arith.constant 1 : i32
      "tpu.region"() ({
        %run_scoped3A_385 = tpu.sem_alloc : memref<!tpu.dma_semaphore, #tpu.memory_space<semaphore_mem>>
        %dma_start3A = arith.constant 0 : i32
        %dma_start3A_386 = tpu.memref_slice %arg4[%run_scoped3A, %add3A_359, %dma_start3A] : memref<4x25088x128xf32, #tpu.memory_space<hbm>> -> memref<1x392x128xf32, #tpu.memory_space<hbm>>
        %dma_start3A_387 = tpu.memref_squeeze %dma_start3A_386 : memref<1x392x128xf32, #tpu.memory_space<hbm>> -> memref<392x128xf32, #tpu.memory_space<hbm>>
        %dma_start3A_388 = arith.constant 0 : i32
        %dma_start3A_389 = tpu.memref_slice %arg11[%mul3A_2, %dma_start3A_388] : memref<6280x128xf32, #tpu.memory_space<vmem_shared>> -> memref<392x128xf32, #tpu.memory_space<vmem_shared>>
        tpu.enqueue_dma source(%dma_start3A_389 : memref<392x128xf32, #tpu.memory_space<vmem_shared>>) target(%dma_start3A_387 : memref<392x128xf32, #tpu.memory_space<hbm>>) target_semaphore(%run_scoped3A_385 : memref<!tpu.dma_semaphore, #tpu.memory_space<semaphore_mem>>)
        %dma_wait3A = arith.constant 0 : i32
        %dma_wait3A_390 = tpu.memref_slice %arg4[%run_scoped3A, %add3A_359, %dma_wait3A] : memref<4x25088x128xf32, #tpu.memory_space<hbm>> -> memref<1x392x128xf32, #tpu.memory_space<hbm>>
        %dma_wait3A_391 = tpu.memref_squeeze %dma_wait3A_390 : memref<1x392x128xf32, #tpu.memory_space<hbm>> -> memref<392x128xf32, #tpu.memory_space<hbm>>
        %dma_wait3A_392 = arith.constant 0 : i32
        %dma_wait3A_393 = tpu.memref_slice %arg11[%mul3A_2, %dma_wait3A_392] : memref<6280x128xf32, #tpu.memory_space<vmem_shared>> -> memref<392x128xf32, #tpu.memory_space<vmem_shared>>
        tpu.wait_dma2 semaphore(%run_scoped3A_385 : memref<!tpu.dma_semaphore, #tpu.memory_space<semaphore_mem>>) src(%dma_wait3A_393 : memref<392x128xf32, #tpu.memory_space<vmem_shared>>) dst(%dma_wait3A_391 : memref<392x128xf32, #tpu.memory_space<hbm>>)
        tpu.yield
      }) : () -> ()
    } else {
    }
    %eq3A_365 = arith.constant 1 : i32
    %eq3A_366 = arith.cmpi eq, %arg0, %eq3A_365 : i32
    %convert_element_type3A_367 = arith.extui %eq3A_366 : i1 to i32
    %cond3A_368 = arith.constant 0 : i32
    %cond3A_369 = arith.cmpi ne, %convert_element_type3A_367, %cond3A_368 : i32
    scf.if %cond3A_369 {
      %run_scoped3A = arith.constant 3 : i32
      "tpu.region"() ({
        %run_scoped3A_385 = tpu.sem_alloc : memref<!tpu.dma_semaphore, #tpu.memory_space<semaphore_mem>>
        %dma_start3A = arith.constant 0 : i32
        %dma_start3A_386 = tpu.memref_slice %arg4[%run_scoped3A, %add3A_359, %dma_start3A] : memref<4x25088x128xf32, #tpu.memory_space<hbm>> -> memref<1x392x128xf32, #tpu.memory_space<hbm>>
        %dma_start3A_387 = tpu.memref_squeeze %dma_start3A_386 : memref<1x392x128xf32, #tpu.memory_space<hbm>> -> memref<392x128xf32, #tpu.memory_space<hbm>>
        %dma_start3A_388 = arith.constant 0 : i32
        %dma_start3A_389 = tpu.memref_slice %arg11[%mul3A_2, %dma_start3A_388] : memref<6280x128xf32, #tpu.memory_space<vmem_shared>> -> memref<392x128xf32, #tpu.memory_space<vmem_shared>>
        tpu.enqueue_dma source(%dma_start3A_389 : memref<392x128xf32, #tpu.memory_space<vmem_shared>>) target(%dma_start3A_387 : memref<392x128xf32, #tpu.memory_space<hbm>>) target_semaphore(%run_scoped3A_385 : memref<!tpu.dma_semaphore, #tpu.memory_space<semaphore_mem>>)
        %dma_wait3A = arith.constant 0 : i32
        %dma_wait3A_390 = tpu.memref_slice %arg4[%run_scoped3A, %add3A_359, %dma_wait3A] : memref<4x25088x128xf32, #tpu.memory_space<hbm>> -> memref<1x392x128xf32, #tpu.memory_space<hbm>>
        %dma_wait3A_391 = tpu.memref_squeeze %dma_wait3A_390 : memref<1x392x128xf32, #tpu.memory_space<hbm>> -> memref<392x128xf32, #tpu.memory_space<hbm>>
        %dma_wait3A_392 = arith.constant 0 : i32
        %dma_wait3A_393 = tpu.memref_slice %arg11[%mul3A_2, %dma_wait3A_392] : memref<6280x128xf32, #tpu.memory_space<vmem_shared>> -> memref<392x128xf32, #tpu.memory_space<vmem_shared>>
        tpu.wait_dma2 semaphore(%run_scoped3A_385 : memref<!tpu.dma_semaphore, #tpu.memory_space<semaphore_mem>>) src(%dma_wait3A_393 : memref<392x128xf32, #tpu.memory_space<vmem_shared>>) dst(%dma_wait3A_391 : memref<392x128xf32, #tpu.memory_space<hbm>>)
        tpu.yield
      }) : () -> ()
    } else {
    }
    %barrier3A_370 = arith.constant 0 : index
    tpu.barrier barrier_id(%barrier3A_370)
    %eq3A_371 = arith.constant 1 : i32
    %eq3A_372 = arith.cmpi eq, %arg0, %eq3A_371 : i32
    %convert_element_type3A_373 = arith.extui %eq3A_372 : i1 to i32
    %cond3A_374 = arith.constant 0 : i32
    %cond3A_375 = arith.cmpi ne, %convert_element_type3A_373, %cond3A_374 : i32
    scf.if %cond3A_375 {
      %add3A_385 = arith.constant 0 : i32
      %add3A_386 = arith.addi %mul3A_2, %add3A_385 : i32
      "tpu.region"() ({
        %run_scoped3A = tpu.sem_alloc : memref<!tpu.dma_semaphore, #tpu.memory_space<semaphore_mem>>
        %dma_start3A = arith.constant 0 : i32
        %dma_start3A_399 = tpu.memref_slice %arg11[%add3A_386, %dma_start3A] : memref<6280x128xf32, #tpu.memory_space<vmem_shared>> -> memref<56x128xf32, #tpu.memory_space<vmem_shared>>
        %dma_start3A_400 = arith.constant 0 : i32
        %dma_start3A_401 = tpu.memref_slice %arg11[%add3A_386, %dma_start3A_400] : memref<6280x128xf32, #tpu.memory_space<vmem_shared>> -> memref<56x128xf32, #tpu.memory_space<vmem_shared>>
        tpu.enqueue_dma source(%arg9 : memref<56x128xf32, #tpu.memory_space<vmem>>) target(%dma_start3A_401 : memref<56x128xf32, #tpu.memory_space<vmem_shared>>) target_semaphore(%run_scoped3A : memref<!tpu.dma_semaphore, #tpu.memory_space<semaphore_mem>>)
        %dma_wait3A = arith.constant 0 : i32
        %dma_wait3A_402 = tpu.memref_slice %arg11[%add3A_386, %dma_wait3A] : memref<6280x128xf32, #tpu.memory_space<vmem_shared>> -> memref<56x128xf32, #tpu.memory_space<vmem_shared>>
        %dma_wait3A_403 = arith.constant 0 : i32
        %dma_wait3A_404 = tpu.memref_slice %arg11[%add3A_386, %dma_wait3A_403] : memref<6280x128xf32, #tpu.memory_space<vmem_shared>> -> memref<56x128xf32, #tpu.memory_space<vmem_shared>>
        tpu.wait_dma2 semaphore(%run_scoped3A : memref<!tpu.dma_semaphore, #tpu.memory_space<semaphore_mem>>) src(%arg9 : memref<56x128xf32, #tpu.memory_space<vmem>>) dst(%dma_wait3A_404 : memref<56x128xf32, #tpu.memory_space<vmem_shared>>)
        tpu.yield
      }) : () -> ()
      %add3A_387 = arith.constant 56 : i32
      %add3A_388 = arith.addi %mul3A_2, %add3A_387 : i32
      "tpu.region"() ({
        %run_scoped3A = tpu.sem_alloc : memref<!tpu.dma_semaphore, #tpu.memory_space<semaphore_mem>>
        %dma_start3A = arith.constant 0 : i32
        %dma_start3A_399 = tpu.memref_slice %arg11[%add3A_388, %dma_start3A] : memref<6280x128xf32, #tpu.memory_space<vmem_shared>> -> memref<56x128xf32, #tpu.memory_space<vmem_shared>>
        %dma_start3A_400 = arith.constant 0 : i32
        %dma_start3A_401 = tpu.memref_slice %arg11[%add3A_388, %dma_start3A_400] : memref<6280x128xf32, #tpu.memory_space<vmem_shared>> -> memref<56x128xf32, #tpu.memory_space<vmem_shared>>
        tpu.enqueue_dma source(%arg9 : memref<56x128xf32, #tpu.memory_space<vmem>>) target(%dma_start3A_401 : memref<56x128xf32, #tpu.memory_space<vmem_shared>>) target_semaphore(%run_scoped3A : memref<!tpu.dma_semaphore, #tpu.memory_space<semaphore_mem>>)
        %dma_wait3A = arith.constant 0 : i32
        %dma_wait3A_402 = tpu.memref_slice %arg11[%add3A_388, %dma_wait3A] : memref<6280x128xf32, #tpu.memory_space<vmem_shared>> -> memref<56x128xf32, #tpu.memory_space<vmem_shared>>
        %dma_wait3A_403 = arith.constant 0 : i32
        %dma_wait3A_404 = tpu.memref_slice %arg11[%add3A_388, %dma_wait3A_403] : memref<6280x128xf32, #tpu.memory_space<vmem_shared>> -> memref<56x128xf32, #tpu.memory_space<vmem_shared>>
        tpu.wait_dma2 semaphore(%run_scoped3A : memref<!tpu.dma_semaphore, #tpu.memory_space<semaphore_mem>>) src(%arg9 : memref<56x128xf32, #tpu.memory_space<vmem>>) dst(%dma_wait3A_404 : memref<56x128xf32, #tpu.memory_space<vmem_shared>>)
        tpu.yield
      }) : () -> ()
      %add3A_389 = arith.constant 112 : i32
      %add3A_390 = arith.addi %mul3A_2, %add3A_389 : i32
      "tpu.region"() ({
        %run_scoped3A = tpu.sem_alloc : memref<!tpu.dma_semaphore, #tpu.memory_space<semaphore_mem>>
        %dma_start3A = arith.constant 0 : i32
        %dma_start3A_399 = tpu.memref_slice %arg11[%add3A_390, %dma_start3A] : memref<6280x128xf32, #tpu.memory_space<vmem_shared>> -> memref<56x128xf32, #tpu.memory_space<vmem_shared>>
        %dma_start3A_400 = arith.constant 0 : i32
        %dma_start3A_401 = tpu.memref_slice %arg11[%add3A_390, %dma_start3A_400] : memref<6280x128xf32, #tpu.memory_space<vmem_shared>> -> memref<56x128xf32, #tpu.memory_space<vmem_shared>>
        tpu.enqueue_dma source(%arg9 : memref<56x128xf32, #tpu.memory_space<vmem>>) target(%dma_start3A_401 : memref<56x128xf32, #tpu.memory_space<vmem_shared>>) target_semaphore(%run_scoped3A : memref<!tpu.dma_semaphore, #tpu.memory_space<semaphore_mem>>)
        %dma_wait3A = arith.constant 0 : i32
        %dma_wait3A_402 = tpu.memref_slice %arg11[%add3A_390, %dma_wait3A] : memref<6280x128xf32, #tpu.memory_space<vmem_shared>> -> memref<56x128xf32, #tpu.memory_space<vmem_shared>>
        %dma_wait3A_403 = arith.constant 0 : i32
        %dma_wait3A_404 = tpu.memref_slice %arg11[%add3A_390, %dma_wait3A_403] : memref<6280x128xf32, #tpu.memory_space<vmem_shared>> -> memref<56x128xf32, #tpu.memory_space<vmem_shared>>
        tpu.wait_dma2 semaphore(%run_scoped3A : memref<!tpu.dma_semaphore, #tpu.memory_space<semaphore_mem>>) src(%arg9 : memref<56x128xf32, #tpu.memory_space<vmem>>) dst(%dma_wait3A_404 : memref<56x128xf32, #tpu.memory_space<vmem_shared>>)
        tpu.yield
      }) : () -> ()
      %add3A_391 = arith.constant 168 : i32
      %add3A_392 = arith.addi %mul3A_2, %add3A_391 : i32
      "tpu.region"() ({
        %run_scoped3A = tpu.sem_alloc : memref<!tpu.dma_semaphore, #tpu.memory_space<semaphore_mem>>
        %dma_start3A = arith.constant 0 : i32
        %dma_start3A_399 = tpu.memref_slice %arg11[%add3A_392, %dma_start3A] : memref<6280x128xf32, #tpu.memory_space<vmem_shared>> -> memref<56x128xf32, #tpu.memory_space<vmem_shared>>
        %dma_start3A_400 = arith.constant 0 : i32
        %dma_start3A_401 = tpu.memref_slice %arg11[%add3A_392, %dma_start3A_400] : memref<6280x128xf32, #tpu.memory_space<vmem_shared>> -> memref<56x128xf32, #tpu.memory_space<vmem_shared>>
        tpu.enqueue_dma source(%arg9 : memref<56x128xf32, #tpu.memory_space<vmem>>) target(%dma_start3A_401 : memref<56x128xf32, #tpu.memory_space<vmem_shared>>) target_semaphore(%run_scoped3A : memref<!tpu.dma_semaphore, #tpu.memory_space<semaphore_mem>>)
        %dma_wait3A = arith.constant 0 : i32
        %dma_wait3A_402 = tpu.memref_slice %arg11[%add3A_392, %dma_wait3A] : memref<6280x128xf32, #tpu.memory_space<vmem_shared>> -> memref<56x128xf32, #tpu.memory_space<vmem_shared>>
        %dma_wait3A_403 = arith.constant 0 : i32
        %dma_wait3A_404 = tpu.memref_slice %arg11[%add3A_392, %dma_wait3A_403] : memref<6280x128xf32, #tpu.memory_space<vmem_shared>> -> memref<56x128xf32, #tpu.memory_space<vmem_shared>>
        tpu.wait_dma2 semaphore(%run_scoped3A : memref<!tpu.dma_semaphore, #tpu.memory_space<semaphore_mem>>) src(%arg9 : memref<56x128xf32, #tpu.memory_space<vmem>>) dst(%dma_wait3A_404 : memref<56x128xf32, #tpu.memory_space<vmem_shared>>)
        tpu.yield
      }) : () -> ()
      %add3A_393 = arith.constant 224 : i32
      %add3A_394 = arith.addi %mul3A_2, %add3A_393 : i32
      "tpu.region"() ({
        %run_scoped3A = tpu.sem_alloc : memref<!tpu.dma_semaphore, #tpu.memory_space<semaphore_mem>>
        %dma_start3A = arith.constant 0 : i32
        %dma_start3A_399 = tpu.memref_slice %arg11[%add3A_394, %dma_start3A] : memref<6280x128xf32, #tpu.memory_space<vmem_shared>> -> memref<56x128xf32, #tpu.memory_space<vmem_shared>>
        %dma_start3A_400 = arith.constant 0 : i32
        %dma_start3A_401 = tpu.memref_slice %arg11[%add3A_394, %dma_start3A_400] : memref<6280x128xf32, #tpu.memory_space<vmem_shared>> -> memref<56x128xf32, #tpu.memory_space<vmem_shared>>
        tpu.enqueue_dma source(%arg9 : memref<56x128xf32, #tpu.memory_space<vmem>>) target(%dma_start3A_401 : memref<56x128xf32, #tpu.memory_space<vmem_shared>>) target_semaphore(%run_scoped3A : memref<!tpu.dma_semaphore, #tpu.memory_space<semaphore_mem>>)
        %dma_wait3A = arith.constant 0 : i32
        %dma_wait3A_402 = tpu.memref_slice %arg11[%add3A_394, %dma_wait3A] : memref<6280x128xf32, #tpu.memory_space<vmem_shared>> -> memref<56x128xf32, #tpu.memory_space<vmem_shared>>
        %dma_wait3A_403 = arith.constant 0 : i32
        %dma_wait3A_404 = tpu.memref_slice %arg11[%add3A_394, %dma_wait3A_403] : memref<6280x128xf32, #tpu.memory_space<vmem_shared>> -> memref<56x128xf32, #tpu.memory_space<vmem_shared>>
        tpu.wait_dma2 semaphore(%run_scoped3A : memref<!tpu.dma_semaphore, #tpu.memory_space<semaphore_mem>>) src(%arg9 : memref<56x128xf32, #tpu.memory_space<vmem>>) dst(%dma_wait3A_404 : memref<56x128xf32, #tpu.memory_space<vmem_shared>>)
        tpu.yield
      }) : () -> ()
      %add3A_395 = arith.constant 280 : i32
      %add3A_396 = arith.addi %mul3A_2, %add3A_395 : i32
      "tpu.region"() ({
        %run_scoped3A = tpu.sem_alloc : memref<!tpu.dma_semaphore, #tpu.memory_space<semaphore_mem>>
        %dma_start3A = arith.constant 0 : i32
        %dma_start3A_399 = tpu.memref_slice %arg11[%add3A_396, %dma_start3A] : memref<6280x128xf32, #tpu.memory_space<vmem_shared>> -> memref<56x128xf32, #tpu.memory_space<vmem_shared>>
        %dma_start3A_400 = arith.constant 0 : i32
        %dma_start3A_401 = tpu.memref_slice %arg11[%add3A_396, %dma_start3A_400] : memref<6280x128xf32, #tpu.memory_space<vmem_shared>> -> memref<56x128xf32, #tpu.memory_space<vmem_shared>>
        tpu.enqueue_dma source(%arg9 : memref<56x128xf32, #tpu.memory_space<vmem>>) target(%dma_start3A_401 : memref<56x128xf32, #tpu.memory_space<vmem_shared>>) target_semaphore(%run_scoped3A : memref<!tpu.dma_semaphore, #tpu.memory_space<semaphore_mem>>)
        %dma_wait3A = arith.constant 0 : i32
        %dma_wait3A_402 = tpu.memref_slice %arg11[%add3A_396, %dma_wait3A] : memref<6280x128xf32, #tpu.memory_space<vmem_shared>> -> memref<56x128xf32, #tpu.memory_space<vmem_shared>>
        %dma_wait3A_403 = arith.constant 0 : i32
        %dma_wait3A_404 = tpu.memref_slice %arg11[%add3A_396, %dma_wait3A_403] : memref<6280x128xf32, #tpu.memory_space<vmem_shared>> -> memref<56x128xf32, #tpu.memory_space<vmem_shared>>
        tpu.wait_dma2 semaphore(%run_scoped3A : memref<!tpu.dma_semaphore, #tpu.memory_space<semaphore_mem>>) src(%arg9 : memref<56x128xf32, #tpu.memory_space<vmem>>) dst(%dma_wait3A_404 : memref<56x128xf32, #tpu.memory_space<vmem_shared>>)
        tpu.yield
      }) : () -> ()
      %add3A_397 = arith.constant 336 : i32
      %add3A_398 = arith.addi %mul3A_2, %add3A_397 : i32
      "tpu.region"() ({
        %run_scoped3A = tpu.sem_alloc : memref<!tpu.dma_semaphore, #tpu.memory_space<semaphore_mem>>
        %dma_start3A = arith.constant 0 : i32
        %dma_start3A_399 = tpu.memref_slice %arg11[%add3A_398, %dma_start3A] : memref<6280x128xf32, #tpu.memory_space<vmem_shared>> -> memref<56x128xf32, #tpu.memory_space<vmem_shared>>
        %dma_start3A_400 = arith.constant 0 : i32
        %dma_start3A_401 = tpu.memref_slice %arg11[%add3A_398, %dma_start3A_400] : memref<6280x128xf32, #tpu.memory_space<vmem_shared>> -> memref<56x128xf32, #tpu.memory_space<vmem_shared>>
        tpu.enqueue_dma source(%arg9 : memref<56x128xf32, #tpu.memory_space<vmem>>) target(%dma_start3A_401 : memref<56x128xf32, #tpu.memory_space<vmem_shared>>) target_semaphore(%run_scoped3A : memref<!tpu.dma_semaphore, #tpu.memory_space<semaphore_mem>>)
        %dma_wait3A = arith.constant 0 : i32
        %dma_wait3A_402 = tpu.memref_slice %arg11[%add3A_398, %dma_wait3A] : memref<6280x128xf32, #tpu.memory_space<vmem_shared>> -> memref<56x128xf32, #tpu.memory_space<vmem_shared>>
        %dma_wait3A_403 = arith.constant 0 : i32
        %dma_wait3A_404 = tpu.memref_slice %arg11[%add3A_398, %dma_wait3A_403] : memref<6280x128xf32, #tpu.memory_space<vmem_shared>> -> memref<56x128xf32, #tpu.memory_space<vmem_shared>>
        tpu.wait_dma2 semaphore(%run_scoped3A : memref<!tpu.dma_semaphore, #tpu.memory_space<semaphore_mem>>) src(%arg9 : memref<56x128xf32, #tpu.memory_space<vmem>>) dst(%dma_wait3A_404 : memref<56x128xf32, #tpu.memory_space<vmem_shared>>)
        tpu.yield
      }) : () -> ()
    } else {
    }
    %barrier3A_376 = arith.constant 0 : index
    tpu.barrier barrier_id(%barrier3A_376)
    %convert_element_type3A_377 = arith.extui %eq3A_372 : i1 to i32
    %cond3A_378 = arith.constant 0 : i32
    %cond3A_379 = arith.cmpi ne, %convert_element_type3A_377, %cond3A_378 : i32
    scf.if %cond3A_379 {
      %scan3A_385 = arith.constant 0 : i32
      %scan3A_386 = arith.constant 0 : i32
      %scan3A_387 = arith.constant 50 : i32
      %scan3A_388 = arith.addi %scan3A_386, %scan3A_387 : i32
      %scan3A_389 = arith.constant 1 : i32
      %scan3A_390 = scf.for %scan3A_392 = %scan3A_386 to %scan3A_388 step %scan3A_389 iter_args(%scan3A_393 = %scan3A_385) -> (i32)  : i32 {
        "tpu.region"() ({
          %run_scoped3A = tpu.sem_alloc : memref<!tpu.dma_semaphore, #tpu.memory_space<semaphore_mem>>
          %dma_start3A = arith.constant 0 : i32
          %dma_start3A_395 = tpu.memref_slice %arg7[%scan3A_392, %dma_start3A] : memref<56x128xi32, #tpu.memory_space<vmem>> -> memref<1x128xi32, #tpu.memory_space<vmem>>
          %dma_start3A_396 = tpu.memref_squeeze %dma_start3A_395 : memref<1x128xi32, #tpu.memory_space<vmem>> -> memref<128xi32, #tpu.memory_space<vmem>>
          %dma_start3A_397 = arith.constant 0 : i32
          %dma_start3A_398 = arith.constant 0 : i32
          %dma_start3A_399 = tpu.memref_slice %arg11[%dma_start3A_397, %dma_start3A_398] : memref<6280x128xf32, #tpu.memory_space<vmem_shared>> -> memref<6280x128xf32, #tpu.memory_space<vmem_shared>>
          tpu.enqueue_indirect_dma source(%arg10 : memref<128x128xf32, #tpu.memory_space<vmem>>) target(%dma_start3A_399 : memref<6280x128xf32, #tpu.memory_space<vmem_shared>>) offsets(%dma_start3A_396 : memref<128xi32, #tpu.memory_space<vmem>>) semaphore(%run_scoped3A : memref<!tpu.dma_semaphore, #tpu.memory_space<semaphore_mem>>) {add = true}
          %dma_wait3A = arith.constant 0 : i32
          %dma_wait3A_400 = tpu.memref_slice %arg7[%scan3A_392, %dma_wait3A] : memref<56x128xi32, #tpu.memory_space<vmem>> -> memref<1x128xi32, #tpu.memory_space<vmem>>
          %dma_wait3A_401 = tpu.memref_squeeze %dma_wait3A_400 : memref<1x128xi32, #tpu.memory_space<vmem>> -> memref<128xi32, #tpu.memory_space<vmem>>
          %dma_wait3A_402 = arith.constant 0 : i32
          %dma_wait3A_403 = arith.constant 0 : i32
          %dma_wait3A_404 = tpu.memref_slice %arg11[%dma_wait3A_402, %dma_wait3A_403] : memref<6280x128xf32, #tpu.memory_space<vmem_shared>> -> memref<6280x128xf32, #tpu.memory_space<vmem_shared>>
          tpu.wait_indirect_dma semaphore(%run_scoped3A : memref<!tpu.dma_semaphore, #tpu.memory_space<semaphore_mem>>) src(%arg10 : memref<128x128xf32, #tpu.memory_space<vmem>>) dst(%dma_wait3A_404 : memref<6280x128xf32, #tpu.memory_space<vmem_shared>>)
          tpu.yield
        }) : () -> ()
        %scan3A_394 = arith.constant 0 : i32
        scf.yield %scan3A_394 : i32
      }
      %scan3A_391 = arith.constant 50 : i32
    } else {
    }
    %barrier3A_380 = arith.constant 0 : index
    tpu.barrier barrier_id(%barrier3A_380)
    %convert_element_type3A_381 = arith.extui %eq3A_372 : i1 to i32
    %cond3A_382 = arith.constant 0 : i32
    %cond3A_383 = arith.cmpi ne, %convert_element_type3A_381, %cond3A_382 : i32
    scf.if %cond3A_383 {
      %add3A_385 = arith.constant 18816 : i32
      %add3A_386 = arith.addi %add3A_385, %mul3A_2 : i32
      "tpu.region"() ({
        %run_scoped3A = tpu.sem_alloc : memref<!tpu.dma_semaphore, #tpu.memory_space<semaphore_mem>>
        %dma_start3A = arith.constant 0 : i32
        %dma_start3A_387 = tpu.memref_slice %arg5[%add3A_386, %dma_start3A] : memref<25088x128xf32, #tpu.memory_space<hbm>> -> memref<392x128xf32, #tpu.memory_space<hbm>>
        %dma_start3A_388 = arith.constant 0 : i32
        %dma_start3A_389 = tpu.memref_slice %arg11[%mul3A_2, %dma_start3A_388] : memref<6280x128xf32, #tpu.memory_space<vmem_shared>> -> memref<392x128xf32, #tpu.memory_space<vmem_shared>>
        tpu.enqueue_dma source(%dma_start3A_389 : memref<392x128xf32, #tpu.memory_space<vmem_shared>>) target(%dma_start3A_387 : memref<392x128xf32, #tpu.memory_space<hbm>>) target_semaphore(%run_scoped3A : memref<!tpu.dma_semaphore, #tpu.memory_space<semaphore_mem>>)
        %dma_wait3A = arith.constant 0 : i32
        %dma_wait3A_390 = tpu.memref_slice %arg5[%add3A_386, %dma_wait3A] : memref<25088x128xf32, #tpu.memory_space<hbm>> -> memref<392x128xf32, #tpu.memory_space<hbm>>
        %dma_wait3A_391 = arith.constant 0 : i32
        %dma_wait3A_392 = tpu.memref_slice %arg11[%mul3A_2, %dma_wait3A_391] : memref<6280x128xf32, #tpu.memory_space<vmem_shared>> -> memref<392x128xf32, #tpu.memory_space<vmem_shared>>
        tpu.wait_dma2 semaphore(%run_scoped3A : memref<!tpu.dma_semaphore, #tpu.memory_space<semaphore_mem>>) src(%dma_wait3A_392 : memref<392x128xf32, #tpu.memory_space<vmem_shared>>) dst(%dma_wait3A_390 : memref<392x128xf32, #tpu.memory_space<hbm>>)
        tpu.yield
      }) : () -> ()
    } else {
    }
    %barrier3A_384 = arith.constant 0 : index
    tpu.barrier barrier_id(%barrier3A_384)
    return
  }
}

#map = affine_map<(d0, d1) -> (0, 0)>
module attributes {stable_mosaic.version = 14 : i64} {
  func.func @_gather_body(%arg0: i32, %arg1: i32, %arg2: memref<25088x512xf32, #tpu.memory_space<hbm>>, %arg3: memref<1024x128xi32, #tpu.memory_space<hbm>>, %arg4: memref<102400x512xf32, #tpu.memory_space<hbm>>, %arg5: memref<32x128xi32, #tpu.memory_space<vmem>>, %arg6: memref<128x512xf32, #tpu.memory_space<vmem>>, %arg7: memref<!tpu.dma_semaphore, #tpu.memory_space<semaphore_mem>>) attributes {dimension_semantics = [#tpu.dimension_semantics<core_parallel>, #tpu.dimension_semantics<subcore_parallel>], iteration_bounds = array<i64: 2, 16>, scalar_prefetch = 0 : i64, scratch_operands = 3 : i64, tpu.core_type = #tpu.core_type<sc_vector_subcore>, window_params = [{transform_indices = #map}, {transform_indices = #map}, {transform_indices = #map}]} {
    %mul3A = arith.constant 2 : i32
    %mul3A_0 = arith.muli %arg1, %mul3A : i32
    %add3A = arith.addi %mul3A_0, %arg0 : i32
    %mul3A_1 = arith.constant 32 : i32
    %mul3A_2 = arith.muli %add3A, %mul3A_1 : i32
    "tpu.region"() ({
      %run_scoped3A = tpu.sem_alloc : memref<!tpu.dma_semaphore, #tpu.memory_space<semaphore_mem>>
      %dma_start3A = arith.constant 0 : i32
      %dma_start3A_9 = tpu.memref_slice %arg3[%mul3A_2, %dma_start3A] : memref<1024x128xi32, #tpu.memory_space<hbm>> -> memref<32x128xi32, #tpu.memory_space<hbm>>
      %dma_start3A_10 = arith.constant 0 : i32
      %dma_start3A_11 = tpu.memref_slice %arg3[%mul3A_2, %dma_start3A_10] : memref<1024x128xi32, #tpu.memory_space<hbm>> -> memref<32x128xi32, #tpu.memory_space<hbm>>
      tpu.enqueue_dma source(%dma_start3A_11 : memref<32x128xi32, #tpu.memory_space<hbm>>) target(%arg5 : memref<32x128xi32, #tpu.memory_space<vmem>>) target_semaphore(%run_scoped3A : memref<!tpu.dma_semaphore, #tpu.memory_space<semaphore_mem>>)
      %dma_wait3A = arith.constant 0 : i32
      %dma_wait3A_12 = tpu.memref_slice %arg3[%mul3A_2, %dma_wait3A] : memref<1024x128xi32, #tpu.memory_space<hbm>> -> memref<32x128xi32, #tpu.memory_space<hbm>>
      %dma_wait3A_13 = arith.constant 0 : i32
      %dma_wait3A_14 = tpu.memref_slice %arg3[%mul3A_2, %dma_wait3A_13] : memref<1024x128xi32, #tpu.memory_space<hbm>> -> memref<32x128xi32, #tpu.memory_space<hbm>>
      tpu.wait_dma2 semaphore(%run_scoped3A : memref<!tpu.dma_semaphore, #tpu.memory_space<semaphore_mem>>) src(%dma_wait3A_14 : memref<32x128xi32, #tpu.memory_space<hbm>>) dst(%arg5 : memref<32x128xi32, #tpu.memory_space<vmem>>)
      tpu.yield
    }) : () -> ()
    %scan3A = arith.constant 0 : i32
    %scan3A_3 = arith.constant 0 : i32
    %scan3A_4 = arith.constant 25 : i32
    %scan3A_5 = arith.addi %scan3A_3, %scan3A_4 : i32
    %scan3A_6 = arith.constant 1 : i32
    %scan3A_7 = scf.for %scan3A_9 = %scan3A_3 to %scan3A_5 step %scan3A_6 iter_args(%scan3A_10 = %scan3A) -> (i32)  : i32 {
      %dma_start3A = arith.constant 0 : i32
      %dma_start3A_11 = tpu.memref_slice %arg5[%scan3A_9, %dma_start3A] : memref<32x128xi32, #tpu.memory_space<vmem>> -> memref<1x128xi32, #tpu.memory_space<vmem>>
      %dma_start3A_12 = tpu.memref_squeeze %dma_start3A_11 : memref<1x128xi32, #tpu.memory_space<vmem>> -> memref<128xi32, #tpu.memory_space<vmem>>
      %dma_start3A_13 = arith.constant 0 : i32
      %dma_start3A_14 = arith.constant 0 : i32
      %dma_start3A_15 = tpu.memref_slice %arg2[%dma_start3A_13, %dma_start3A_14] : memref<25088x512xf32, #tpu.memory_space<hbm>> -> memref<25088x512xf32, #tpu.memory_space<hbm>>
      tpu.enqueue_indirect_dma source(%dma_start3A_15 : memref<25088x512xf32, #tpu.memory_space<hbm>>) target(%arg6 : memref<128x512xf32, #tpu.memory_space<vmem>>) offsets(%dma_start3A_12 : memref<128xi32, #tpu.memory_space<vmem>>) semaphore(%arg7 : memref<!tpu.dma_semaphore, #tpu.memory_space<semaphore_mem>>)
      %dma_wait3A = arith.constant 0 : i32
      %dma_wait3A_16 = tpu.memref_slice %arg5[%scan3A_9, %dma_wait3A] : memref<32x128xi32, #tpu.memory_space<vmem>> -> memref<1x128xi32, #tpu.memory_space<vmem>>
      %dma_wait3A_17 = tpu.memref_squeeze %dma_wait3A_16 : memref<1x128xi32, #tpu.memory_space<vmem>> -> memref<128xi32, #tpu.memory_space<vmem>>
      %dma_wait3A_18 = arith.constant 0 : i32
      %dma_wait3A_19 = arith.constant 0 : i32
      %dma_wait3A_20 = tpu.memref_slice %arg2[%dma_wait3A_18, %dma_wait3A_19] : memref<25088x512xf32, #tpu.memory_space<hbm>> -> memref<25088x512xf32, #tpu.memory_space<hbm>>
      tpu.wait_indirect_dma semaphore(%arg7 : memref<!tpu.dma_semaphore, #tpu.memory_space<semaphore_mem>>) src(%dma_wait3A_20 : memref<25088x512xf32, #tpu.memory_space<hbm>>) dst(%arg6 : memref<128x512xf32, #tpu.memory_space<vmem>>)
      %mul3A_21 = arith.constant 3200 : i32
      %mul3A_22 = arith.muli %add3A, %mul3A_21 : i32
      %mul3A_23 = arith.constant 128 : i32
      %mul3A_24 = arith.muli %scan3A_9, %mul3A_23 : i32
      %add3A_25 = arith.addi %mul3A_22, %mul3A_24 : i32
      "tpu.region"() ({
        %run_scoped3A = tpu.sem_alloc : memref<!tpu.dma_semaphore, #tpu.memory_space<semaphore_mem>>
        %dma_start3A_27 = arith.constant 0 : i32
        %dma_start3A_28 = tpu.memref_slice %arg4[%add3A_25, %dma_start3A_27] : memref<102400x512xf32, #tpu.memory_space<hbm>> -> memref<128x512xf32, #tpu.memory_space<hbm>>
        %dma_start3A_29 = arith.constant 0 : i32
        %dma_start3A_30 = tpu.memref_slice %arg4[%add3A_25, %dma_start3A_29] : memref<102400x512xf32, #tpu.memory_space<hbm>> -> memref<128x512xf32, #tpu.memory_space<hbm>>
        tpu.enqueue_dma source(%arg6 : memref<128x512xf32, #tpu.memory_space<vmem>>) target(%dma_start3A_30 : memref<128x512xf32, #tpu.memory_space<hbm>>) target_semaphore(%run_scoped3A : memref<!tpu.dma_semaphore, #tpu.memory_space<semaphore_mem>>)
        %dma_wait3A_31 = arith.constant 0 : i32
        %dma_wait3A_32 = tpu.memref_slice %arg4[%add3A_25, %dma_wait3A_31] : memref<102400x512xf32, #tpu.memory_space<hbm>> -> memref<128x512xf32, #tpu.memory_space<hbm>>
        %dma_wait3A_33 = arith.constant 0 : i32
        %dma_wait3A_34 = tpu.memref_slice %arg4[%add3A_25, %dma_wait3A_33] : memref<102400x512xf32, #tpu.memory_space<hbm>> -> memref<128x512xf32, #tpu.memory_space<hbm>>
        tpu.wait_dma2 semaphore(%run_scoped3A : memref<!tpu.dma_semaphore, #tpu.memory_space<semaphore_mem>>) src(%arg6 : memref<128x512xf32, #tpu.memory_space<vmem>>) dst(%dma_wait3A_34 : memref<128x512xf32, #tpu.memory_space<hbm>>)
        tpu.yield
      }) : () -> ()
      %scan3A_26 = arith.constant 0 : i32
      scf.yield %scan3A_26 : i32
    }
    %scan3A_8 = arith.constant 25 : i32
    return
  }
}

module attributes {stable_mosaic.version = 14 : i64} {
  func.func @_prep_body(%arg0: memref<144x256xf32, #tpu.memory_space<vmem>>, %arg1: memref<256x512xf32, #tpu.memory_space<vmem>>, %arg2: memref<144x512xf32, #tpu.memory_space<vmem>>) attributes {dimension_semantics = [], scalar_prefetch = 0 : i64, scratch_operands = 0 : i64, tpu.core_type = #tpu.core_type<tc>} {
    %get3A = arith.constant 0 : index
    %get3A_0 = arith.constant 0 : index
    %get3A_1 = vector.load %arg0[%get3A, %get3A_0] : memref<144x256xf32, #tpu.memory_space<vmem>>, vector<144x256xf32>
    %get3A_2 = arith.constant 0 : index
    %get3A_3 = arith.constant 0 : index
    %get3A_4 = vector.load %arg1[%get3A_2, %get3A_3] : memref<256x512xf32, #tpu.memory_space<vmem>>, vector<256x512xf32>
    %dot_general3A = arith.constant dense<0.000000e+00> : vector<144x512xf32>
    %dot_general3A_5 = tpu.matmul %get3A_1, %get3A_4, %dot_general3A {dimension_numbers = #tpu.dot_dimension_numbers<[1], [0], [0], [1], [0, 0, 1, 1], [], []>, transpose_lhs_hint = false} : vector<144x256xf32>, vector<256x512xf32>, vector<144x512xf32> -> vector<144x512xf32>
    %swap3A = arith.constant 0 : index
    %swap3A_6 = arith.constant 0 : index
    %swap3A_7 = vector.load %arg2[%swap3A, %swap3A_6] : memref<144x512xf32, #tpu.memory_space<vmem>>, vector<144x512xf32>
    tpu.vector_store %arg2[%swap3A, %swap3A_6], %dot_general3A_5 {strides = array<i32>} : memref<144x512xf32, #tpu.memory_space<vmem>>, vector<144x512xf32>,
    return
  }
}

module attributes {stable_mosaic.version = 14 : i64} {
  func.func @_mlp_body(%arg0: i32, %arg1: memref<1x512x4xi32, #tpu.memory_space<vmem>>, %arg2: memref<144x512xf32, #tpu.memory_space<vmem>>, %arg3: memref<512x512xf32, #tpu.memory_space<vmem>>, %arg4: memref<512x512xf32, #tpu.memory_space<vmem>>, %arg5: memref<8x512xf32, #tpu.memory_space<vmem>>, %arg6: memref<8x512xf32, #tpu.memory_space<vmem>>, %arg7: memref<8x512xf32, #tpu.memory_space<vmem>>, %arg8: memref<512x512xf32, #tpu.memory_space<vmem>>) attributes {dimension_semantics = [#tpu.dimension_semantics<arbitrary>], iteration_bounds = array<i64: 200>, scalar_prefetch = 0 : i64, scratch_operands = 0 : i64, tpu.core_type = #tpu.core_type<tc>, window_params = [{transform_indices = @transform_0, window_bounds = array<i64: 1, 512, 4>}, {pipeline_mode = #tpu.pipeline_mode<synchronous>, transform_indices = @transform_1, window_bounds = array<i64: 144, 512>}, {pipeline_mode = #tpu.pipeline_mode<synchronous>, transform_indices = @transform_2, window_bounds = array<i64: 512, 512>}, {pipeline_mode = #tpu.pipeline_mode<synchronous>, transform_indices = @transform_3, window_bounds = array<i64: 512, 512>}, {pipeline_mode = #tpu.pipeline_mode<synchronous>, transform_indices = @transform_4, window_bounds = array<i64: 8, 512>}, {pipeline_mode = #tpu.pipeline_mode<synchronous>, transform_indices = @transform_5, window_bounds = array<i64: 8, 512>}, {pipeline_mode = #tpu.pipeline_mode<synchronous>, transform_indices = @transform_6, window_bounds = array<i64: 8, 512>}, {transform_indices = @transform_7, window_bounds = array<i64: 512, 512>}]} {
    %get3A = arith.constant 0 : index
    %get3A_0 = arith.constant 0 : index
    %get3A_1 = arith.constant 0 : index
    %get3A_2 = vector.load %arg1[%get3A, %get3A_0, %get3A_1] : memref<1x512x4xi32, #tpu.memory_space<vmem>>, vector<1x512x4xi32>
    %get3A_3 = vector.shape_cast %get3A_2 : vector<1x512x4xi32> to vector<512x4xi32>
    %iota3A = tpu.iota {dimensions = array<i32: 1>} : vector<512x144xi32>
    %slice3A = vector.extract_strided_slice %get3A_3 {offsets = [0, 0], sizes = [512, 1], strides = [1, 1]} : vector<512x4xi32> to vector<512x1xi32>
    %eq3A = vector.broadcast %slice3A : vector<512x1xi32> to vector<512x144xi32>
    %eq3A_4 = arith.cmpi eq, %iota3A, %eq3A : vector<512x144xi32>
    %convert_element_type3A = arith.extui %eq3A_4 : vector<512x144xi1> to vector<512x144xi32>
    %convert_element_type3A_5 = arith.sitofp %convert_element_type3A : vector<512x144xi32> to vector<512x144xf32>
    %slice3A_6 = vector.extract_strided_slice %get3A_3 {offsets = [0, 1], sizes = [512, 1], strides = [1, 1]} : vector<512x4xi32> to vector<512x1xi32>
    %eq3A_7 = vector.broadcast %slice3A_6 : vector<512x1xi32> to vector<512x144xi32>
    %eq3A_8 = arith.cmpi eq, %iota3A, %eq3A_7 : vector<512x144xi32>
    %convert_element_type3A_9 = arith.extui %eq3A_8 : vector<512x144xi1> to vector<512x144xi32>
    %convert_element_type3A_10 = arith.sitofp %convert_element_type3A_9 : vector<512x144xi32> to vector<512x144xf32>
    %add3A = arith.addf %convert_element_type3A_5, %convert_element_type3A_10 : vector<512x144xf32>
    %slice3A_11 = vector.extract_strided_slice %get3A_3 {offsets = [0, 2], sizes = [512, 1], strides = [1, 1]} : vector<512x4xi32> to vector<512x1xi32>
    %eq3A_12 = vector.broadcast %slice3A_11 : vector<512x1xi32> to vector<512x144xi32>
    %eq3A_13 = arith.cmpi eq, %iota3A, %eq3A_12 : vector<512x144xi32>
    %convert_element_type3A_14 = arith.extui %eq3A_13 : vector<512x144xi1> to vector<512x144xi32>
    %convert_element_type3A_15 = arith.sitofp %convert_element_type3A_14 : vector<512x144xi32> to vector<512x144xf32>
    %add3A_16 = arith.addf %add3A, %convert_element_type3A_15 : vector<512x144xf32>
    %slice3A_17 = vector.extract_strided_slice %get3A_3 {offsets = [0, 3], sizes = [512, 1], strides = [1, 1]} : vector<512x4xi32> to vector<512x1xi32>
    %eq3A_18 = vector.broadcast %slice3A_17 : vector<512x1xi32> to vector<512x144xi32>
    %eq3A_19 = arith.cmpi eq, %iota3A, %eq3A_18 : vector<512x144xi32>
    %convert_element_type3A_20 = arith.extui %eq3A_19 : vector<512x144xi1> to vector<512x144xi32>
    %convert_element_type3A_21 = arith.sitofp %convert_element_type3A_20 : vector<512x144xi32> to vector<512x144xf32>
    %add3A_22 = arith.addf %add3A_16, %convert_element_type3A_21 : vector<512x144xf32>
    %get3A_23 = arith.constant 0 : index
    %get3A_24 = arith.constant 0 : index
    %get3A_25 = vector.load %arg2[%get3A_23, %get3A_24] : memref<144x512xf32, #tpu.memory_space<vmem>>, vector<144x512xf32>
    %dot_general3A = arith.constant dense<0.000000e+00> : vector<512x512xf32>
    %dot_general3A_26 = tpu.matmul %add3A_22, %get3A_25, %dot_general3A {dimension_numbers = #tpu.dot_dimension_numbers<[1], [0], [0], [1], [0, 0, 1, 1], [], []>, transpose_lhs_hint = false} : vector<512x144xf32>, vector<144x512xf32>, vector<512x512xf32> -> vector<512x512xf32>
    %get3A_27 = arith.constant 0 : index
    %get3A_28 = arith.constant 0 : index
    %get3A_29 = vector.load %arg5[%get3A_27, %get3A_28] : memref<8x512xf32, #tpu.memory_space<vmem>>, vector<1x512xf32>
    %add3A_30 = vector.broadcast %get3A_29 : vector<1x512xf32> to vector<512x512xf32>
    %add3A_31 = arith.addf %dot_general3A_26, %add3A_30 : vector<512x512xf32>
    %mul3A = arith.constant 5.000000e-01 : f32
    %mul3A_32 = vector.broadcast %mul3A : f32 to vector<512x512xf32>
    %mul3A_33 = arith.mulf %mul3A_32, %add3A_31 : vector<512x512xf32>
    %mul3A_34 = arith.constant 0.707106769 : f32
    %mul3A_35 = vector.broadcast %mul3A_34 : f32 to vector<512x512xf32>
    %mul3A_36 = arith.mulf %add3A_31, %mul3A_35 : vector<512x512xf32>
    %erf3A = math.erf %mul3A_36 : vector<512x512xf32>
    %add3A_37 = arith.constant 1.000000e+00 : f32
    %add3A_38 = vector.broadcast %add3A_37 : f32 to vector<512x512xf32>
    %add3A_39 = arith.addf %add3A_38, %erf3A : vector<512x512xf32>
    %mul3A_40 = arith.mulf %mul3A_33, %add3A_39 : vector<512x512xf32>
    %get3A_41 = arith.constant 0 : index
    %get3A_42 = arith.constant 0 : index
    %get3A_43 = vector.load %arg3[%get3A_41, %get3A_42] : memref<512x512xf32, #tpu.memory_space<vmem>>, vector<512x512xf32>
    %dot_general3A_44 = arith.constant dense<0.000000e+00> : vector<512x512xf32>
    %dot_general3A_45 = tpu.matmul %mul3A_40, %get3A_43, %dot_general3A_44 {dimension_numbers = #tpu.dot_dimension_numbers<[1], [0], [0], [1], [0, 0, 1, 1], [], []>, transpose_lhs_hint = false} : vector<512x512xf32>, vector<512x512xf32>, vector<512x512xf32> -> vector<512x512xf32>
    %get3A_46 = arith.constant 0 : index
    %get3A_47 = arith.constant 0 : index
    %get3A_48 = vector.load %arg6[%get3A_46, %get3A_47] : memref<8x512xf32, #tpu.memory_space<vmem>>, vector<1x512xf32>
    %add3A_49 = vector.broadcast %get3A_48 : vector<1x512xf32> to vector<512x512xf32>
    %add3A_50 = arith.addf %dot_general3A_45, %add3A_49 : vector<512x512xf32>
    %mul3A_51 = arith.constant 5.000000e-01 : f32
    %mul3A_52 = vector.broadcast %mul3A_51 : f32 to vector<512x512xf32>
    %mul3A_53 = arith.mulf %mul3A_52, %add3A_50 : vector<512x512xf32>
    %mul3A_54 = arith.constant 0.707106769 : f32
    %mul3A_55 = vector.broadcast %mul3A_54 : f32 to vector<512x512xf32>
    %mul3A_56 = arith.mulf %add3A_50, %mul3A_55 : vector<512x512xf32>
    %erf3A_57 = math.erf %mul3A_56 : vector<512x512xf32>
    %add3A_58 = arith.constant 1.000000e+00 : f32
    %add3A_59 = vector.broadcast %add3A_58 : f32 to vector<512x512xf32>
    %add3A_60 = arith.addf %add3A_59, %erf3A_57 : vector<512x512xf32>
    %mul3A_61 = arith.mulf %mul3A_53, %add3A_60 : vector<512x512xf32>
    %get3A_62 = arith.constant 0 : index
    %get3A_63 = arith.constant 0 : index
    %get3A_64 = vector.load %arg4[%get3A_62, %get3A_63] : memref<512x512xf32, #tpu.memory_space<vmem>>, vector<512x512xf32>
    %dot_general3A_65 = arith.constant dense<0.000000e+00> : vector<512x512xf32>
    %dot_general3A_66 = tpu.matmul %mul3A_61, %get3A_64, %dot_general3A_65 {dimension_numbers = #tpu.dot_dimension_numbers<[1], [0], [0], [1], [0, 0, 1, 1], [], []>, transpose_lhs_hint = false} : vector<512x512xf32>, vector<512x512xf32>, vector<512x512xf32> -> vector<512x512xf32>
    %get3A_67 = arith.constant 0 : index
    %get3A_68 = arith.constant 0 : index
    %get3A_69 = vector.load %arg7[%get3A_67, %get3A_68] : memref<8x512xf32, #tpu.memory_space<vmem>>, vector<1x512xf32>
    %add3A_70 = vector.broadcast %get3A_69 : vector<1x512xf32> to vector<512x512xf32>
    %add3A_71 = arith.addf %dot_general3A_66, %add3A_70 : vector<512x512xf32>
    %mul3A_72 = arith.constant 5.000000e-01 : f32
    %mul3A_73 = vector.broadcast %mul3A_72 : f32 to vector<512x512xf32>
    %mul3A_74 = arith.mulf %mul3A_73, %add3A_71 : vector<512x512xf32>
    %mul3A_75 = arith.constant 0.707106769 : f32
    %mul3A_76 = vector.broadcast %mul3A_75 : f32 to vector<512x512xf32>
    %mul3A_77 = arith.mulf %add3A_71, %mul3A_76 : vector<512x512xf32>
    %erf3A_78 = math.erf %mul3A_77 : vector<512x512xf32>
    %add3A_79 = arith.constant 1.000000e+00 : f32
    %add3A_80 = vector.broadcast %add3A_79 : f32 to vector<512x512xf32>
    %add3A_81 = arith.addf %add3A_80, %erf3A_78 : vector<512x512xf32>
    %mul3A_82 = arith.mulf %mul3A_74, %add3A_81 : vector<512x512xf32>
    %swap3A = arith.constant 0 : index
    %swap3A_83 = arith.constant 0 : index
    %swap3A_84 = vector.load %arg8[%swap3A, %swap3A_83] : memref<512x512xf32, #tpu.memory_space<vmem>>, vector<512x512xf32>
    tpu.vector_store %arg8[%swap3A, %swap3A_83], %mul3A_82 {strides = array<i32>} : memref<512x512xf32, #tpu.memory_space<vmem>>, vector<512x512xf32>,
    return
  }
  func.func @transform_0(%arg0: i32) -> (i32, i32, i32) {
    %c0_i32 = arith.constant 0 : i32
    %c0_i32_0 = arith.constant 0 : i32
    %c0_i32_1 = arith.constant 0 : i32
    return %arg0, %c0_i32, %c0_i32_0 : i32, i32, i32
  }
  func.func @transform_1(%arg0: i32) -> (i32, i32) {
    %c0_i32 = arith.constant 0 : i32
    %c0_i32_0 = arith.constant 0 : i32
    %c0_i32_1 = arith.constant 0 : i32
    return %c0_i32, %c0_i32_0 : i32, i32
  }
  func.func @transform_2(%arg0: i32) -> (i32, i32) {
    %c0_i32 = arith.constant 0 : i32
    %c0_i32_0 = arith.constant 0 : i32
    %c0_i32_1 = arith.constant 0 : i32
    return %c0_i32, %c0_i32_0 : i32, i32
  }
  func.func @transform_3(%arg0: i32) -> (i32, i32) {
    %c0_i32 = arith.constant 0 : i32
    %c0_i32_0 = arith.constant 0 : i32
    %c0_i32_1 = arith.constant 0 : i32
    return %c0_i32, %c0_i32_0 : i32, i32
  }
  func.func @transform_4(%arg0: i32) -> (i32, i32) {
    %c0_i32 = arith.constant 0 : i32
    %c0_i32_0 = arith.constant 0 : i32
    %c0_i32_1 = arith.constant 0 : i32
    return %c0_i32, %c0_i32_0 : i32, i32
  }
  func.func @transform_5(%arg0: i32) -> (i32, i32) {
    %c0_i32 = arith.constant 0 : i32
    %c0_i32_0 = arith.constant 0 : i32
    %c0_i32_1 = arith.constant 0 : i32
    return %c0_i32, %c0_i32_0 : i32, i32
  }
  func.func @transform_6(%arg0: i32) -> (i32, i32) {
    %c0_i32 = arith.constant 0 : i32
    %c0_i32_0 = arith.constant 0 : i32
    %c0_i32_1 = arith.constant 0 : i32
    return %c0_i32, %c0_i32_0 : i32, i32
  }
  func.func @transform_7(%arg0: i32) -> (i32, i32) {
    %c0_i32 = arith.constant 0 : i32
    %c0_i32_0 = arith.constant 0 : i32
    return %arg0, %c0_i32 : i32, i32
  }
}

module attributes {stable_mosaic.version = 14 : i64} {
  func.func @_norm_body(%arg0: i32, %arg1: memref<4x128x128xf32, #tpu.memory_space<vmem>>, %arg2: memref<128x128xf32, #tpu.memory_space<vmem>>, %arg3: memref<128x512xf32, #tpu.memory_space<vmem>>) attributes {dimension_semantics = [#tpu.dimension_semantics<arbitrary>], iteration_bounds = array<i64: 196>, scalar_prefetch = 0 : i64, scratch_operands = 0 : i64, tpu.core_type = #tpu.core_type<tc>, window_params = [{transform_indices = @transform_0, window_bounds = array<i64: 4, 128, 128>}, {transform_indices = @transform_1, window_bounds = array<i64: 128, 128>}, {transform_indices = @transform_2, window_bounds = array<i64: 128, 512>}]} {
    %get3A = arith.constant 0 : index
    %get3A_0 = arith.constant 0 : index
    %get3A_1 = vector.load %arg2[%get3A, %get3A_0] : memref<128x128xf32, #tpu.memory_space<vmem>>, vector<128x1xf32>
    %max3A = arith.constant 1.000000e+00 : f32
    %max3A_2 = vector.broadcast %max3A : f32 to vector<128x1xf32>
    %max3A_3 = arith.maximumf %get3A_1, %max3A_2 : vector<128x1xf32>
    %get3A_4 = arith.constant 0 : index
    %get3A_5 = arith.constant 0 : index
    %get3A_6 = arith.constant 0 : index
    %get3A_7 = vector.load %arg1[%get3A_4, %get3A_5, %get3A_6] : memref<4x128x128xf32, #tpu.memory_space<vmem>>, vector<1x128x128xf32>
    %get3A_8 = vector.shape_cast %get3A_7 : vector<1x128x128xf32> to vector<128x128xf32>
    %get3A_9 = arith.constant 1 : index
    %get3A_10 = arith.constant 0 : index
    %get3A_11 = arith.constant 0 : index
    %get3A_12 = vector.load %arg1[%get3A_9, %get3A_10, %get3A_11] : memref<4x128x128xf32, #tpu.memory_space<vmem>>, vector<1x128x128xf32>
    %get3A_13 = vector.shape_cast %get3A_12 : vector<1x128x128xf32> to vector<128x128xf32>
    %get3A_14 = arith.constant 2 : index
    %get3A_15 = arith.constant 0 : index
    %get3A_16 = arith.constant 0 : index
    %get3A_17 = vector.load %arg1[%get3A_14, %get3A_15, %get3A_16] : memref<4x128x128xf32, #tpu.memory_space<vmem>>, vector<1x128x128xf32>
    %get3A_18 = vector.shape_cast %get3A_17 : vector<1x128x128xf32> to vector<128x128xf32>
    %get3A_19 = arith.constant 3 : index
    %get3A_20 = arith.constant 0 : index
    %get3A_21 = arith.constant 0 : index
    %get3A_22 = vector.load %arg1[%get3A_19, %get3A_20, %get3A_21] : memref<4x128x128xf32, #tpu.memory_space<vmem>>, vector<1x128x128xf32>
    %get3A_23 = vector.shape_cast %get3A_22 : vector<1x128x128xf32> to vector<128x128xf32>
    %concatenate3A = tpu.concatenate %get3A_8, %get3A_13, %get3A_18, %get3A_23 in 1 : vector<128x128xf32>, vector<128x128xf32>, vector<128x128xf32>, vector<128x128xf32> -> vector<128x512xf32>
    %div3A = vector.broadcast %max3A_3 : vector<128x1xf32> to vector<128x512xf32>
    %div3A_24 = arith.divf %concatenate3A, %div3A : vector<128x512xf32>
    %swap3A = arith.constant 0 : index
    %swap3A_25 = arith.constant 0 : index
    %swap3A_26 = vector.load %arg3[%swap3A, %swap3A_25] : memref<128x512xf32, #tpu.memory_space<vmem>>, vector<128x512xf32>
    tpu.vector_store %arg3[%swap3A, %swap3A_25], %div3A_24 {strides = array<i32>} : memref<128x512xf32, #tpu.memory_space<vmem>>, vector<128x512xf32>,
    return
  }
  func.func @transform_0(%arg0: i32) -> (i32, i32, i32) {
    %c0_i32 = arith.constant 0 : i32
    %c0_i32_0 = arith.constant 0 : i32
    %c0_i32_1 = arith.constant 0 : i32
    return %c0_i32, %arg0, %c0_i32_0 : i32, i32, i32
  }
  func.func @transform_1(%arg0: i32) -> (i32, i32) {
    %c0_i32 = arith.constant 0 : i32
    %c0_i32_0 = arith.constant 0 : i32
    return %arg0, %c0_i32 : i32, i32
  }
  func.func @transform_2(%arg0: i32) -> (i32, i32) {
    %c0_i32 = arith.constant 0 : i32
    %c0_i32_0 = arith.constant 0 : i32
    return %arg0, %c0_i32 : i32, i32
  }
}

</mosaic_0001>

<sc_bundles>
// kernel: kernel.10.cloned.1.call-start
scs
__scs_entry_jumppad:
0x0: {  	(pc) =	sbr.rel $0x88, $3  }
0x1: {  	(tag) =	ssettag $0x0;
	lr =	simm.s32 $0x1  }
0x2: {  	[smem:$0x3F95] =	sst lr;
	_ =	strace $0xD0000000  }
0x3: {  	_ = 	snop  }
0x4: {  	_ = 	snop  }
0x5: {  	_ = 	snop  }
0x6: {  	_ = 	snop  }
0x7: {  	_ = 	snop  }
__scs_overlays_trampoline_lowered:
0x8: {  	[smem:$0x3FA4] =	sst s0  }
0x9: {  	[smem:$0x3FA5] =	sst s1  }
0xa: {  	[smem:$0x3FA6] =	sst s2  }
0xb: {  	[smem:$0x3FA7] =	sst s3  }
0xc: {  	[smem:$0x3FA8] =	sst s4  }
0xd: {  	[smem:$0x3FA9] =	sst s5  }
0xe: {  	[smem:$0x3FAA] =	sst s6  }
0xf: {  	[smem:$0x3FAB] =	sst s7  }
0x10: {  	[smem:$0x3FAC] =	sst s8  }
0x11: {  	[smem:$0x3FAD] =	sst s9;
	s0 =	simm.s32 @!p0 $0x0  }
0x12: {  	s1 =	sld [smem:$0x3F93];
	s0 =	simm.s32 @p0 $0x1  }
0x13: {  	[smem:$0x3FAE] =	sst s0;
	s0 =	simm.s32 @!p1 $0x0  }
0x14: {  	s2 =	sld [smem:$0x3F92];
	s0 =	simm.s32 @p1 $0x1  }
0x15: {  	[smem:$0x3FAF] =	sst s0;
	s0 =	simm.s32 @!p2 $0x0  }
0x16: {  	s3 =	sld [smem:$0x3FDB];
	s0 =	simm.s32 @p2 $0x1  }
0x17: {  	s4 =	simm.s32 $0x1BF5;
	[smem:$0x3FB1] =	sst s0  }
0x18: {  	s0 =	sld [smem:$0x3F94];
	_ =	swait.ge [sflag:s4], $0x0  }
0x19: {  	s7 =	sld [smem:$0x3F95]  }
0x1a: {  	s8 =	sadd.s32 $0xFFFFE003, lr  }
0x1b: {  	s9 =	sadd.s32 $0xFFFFFEF7, lr;
	s5 =	simm.s32 $0xFFFFFFFF;
	p2 =	slt.u32 s8, $0xFFFFF086  }
0x1c: {  	p1 =	slt.u32 s9, $0xF7A;
	s5 =	simm.s32 @!p2 $0x0  }
0x1d: {  	s5 =	simm.s32 @p1 $0x1;
	p0 =	seq.s32 s7, s2  }
0x1e: {  	s7 =	smul.u32 @!p0 $0xF7A, s2;
	p2 =	seq.s32 @!p0 s5, $0x0  }
0x1f: {  	s9 =	smul.u32 $0xF7A, s1;
	s8 =	simm.s32 @!p0 $0x1BF5;
	p2 =	por !p2, p0  }
0x20: {  	[sflag:s8] =	ssyncset.s32 @!p0 $0xFFFFF086;
	s6 =	sadd.s32 @!p0 s3, s7;
	s7 =	simm.s32 @!p0 $0x108  }
0x21: {  	s3 =	sadd.s32 s3, s9;
	s6 =	sadd.s32 @!p0 $0x88, s6;
	s7 =	simm.s32 @p2 $0x1082  }
0x22: {  	[simem:s7], [sflag:s8] =	dma.local @!p0 [hbm:s6], $0xF7A  }
0x23: {  	s9 =	sor.u32 $0xD0000000, s2;
	s6 =	simm.s32 $0x108;
	_ =	swait.ge @!p0 [sflag:s8], $0x0  }
0x24: {  	s3 =	sadd.s32 $0x88, s3;
	s6 =	simm.s32 @!p1 $0x1082;
	[sflag:s4] =	ssyncset.s32 $0xFFFFF086  }
0x25: {  	[simem:s6], [sflag:s4] =	dma.local [hbm:s3], $0xF7A  }
0x26: {  	[smem:$0x3F95] =	sst s1;
	(tag) =	ssettag s2;
	_ =	strace s9  }
0x27: {  	s1 =	sld [smem:$0x3FA5]  }
0x28: {  	s2 =	sld [smem:$0x3FA6]  }
0x29: {  	s4 =	sld [smem:$0x3FA8]  }
0x2a: {  	p0 =	seq.s32 s5, $0x0;
	s5 =	sld [smem:$0x3FA9]  }
0x2b: {  	s6 =	sld [smem:$0x3FAA]  }
0x2c: {  	s7 =	sld [smem:$0x3FAB]  }
0x2d: {  	s3 =	simm.s32 $0x108;
	s8 =	sld [smem:$0x3FAC]  }
0x2e: {  	s3 =	simm.s32 @!p0 $0x1082;
	s9 =	sld [smem:$0x3FAD]  }
0x2f: {  	lr =	sadd.s32 s0, s3;
	s0 =	sld [smem:$0x3FA4]  }
0x30: {  	s3 =	sld [smem:$0x3FA7]  }
0x31: {  	[smem:$0x3FB0] =	sst s10  }
0x32: {  	s10 =	sld [smem:$0x3FAE];
	_ =	sdelay $0x3  }
0x33: {  	p0 =	seq.s32 s10, $0x1;
	s10 =	sld [smem:$0x3FB0];
	_ =	sdelay $0x3  }
0x34: {  	[smem:$0x3FB0] =	sst s10  }
0x35: {  	s10 =	sld [smem:$0x3FAF];
	_ =	sdelay $0x3  }
0x36: {  	p1 =	seq.s32 s10, $0x1;
	s10 =	sld [smem:$0x3FB0];
	_ =	sdelay $0x3  }
0x37: {  	[smem:$0x3FB0] =	sst s10  }
0x38: {  	s10 =	sld [smem:$0x3FB1]  }
0x39: {  	_ = 	snop;
	(pc) =	sbr.ind lr, $3  }
0x3a: {  	_ = 	snop  }
0x3b: {  	_ = 	snop  }
0x3c: {  	p2 =	seq.s32 s10, $0x1;
	s10 =	sld [smem:$0x3FB0]  }
0x3d: {  	_ =	shalt  }
0x3e: {  	_ =	shalt  }
0x3f: {  	_ =	shalt  }
0x40: {  	_ =	shalt  }
0x41: {  	_ =	shalt  }
0x42: {  	_ =	shalt  }
0x43: {  	_ =	shalt  }
0x44: {  	_ =	shalt  }
0x45: {  	_ =	shalt  }
0x46: {  	_ =	shalt  }
0x47: {  	_ =	shalt  }
0x48: {  	_ =	shalt  }
0x49: {  	_ =	shalt  }
0x4a: {  	_ =	shalt  }
0x4b: {  	_ =	shalt  }
0x4c: {  	_ =	shalt  }
0x4d: {  	_ =	shalt  }
0x4e: {  	_ =	shalt  }
0x4f: {  	_ =	shalt  }
0x50: {  	_ =	shalt  }
0x51: {  	_ =	shalt  }
0x52: {  	_ =	shalt  }
0x53: {  	_ =	shalt  }
0x54: {  	_ =	shalt  }
0x55: {  	_ =	shalt  }
0x56: {  	_ =	shalt  }
0x57: {  	_ =	shalt  }
0x58: {  	_ =	shalt  }
0x59: {  	_ =	shalt  }
0x5a: {  	_ =	shalt  }
0x5b: {  	_ =	shalt  }
0x5c: {  	_ =	shalt  }
0x5d: {  	_ =	shalt  }
0x5e: {  	_ =	shalt  }
0x5f: {  	_ =	shalt  }
0x60: {  	_ =	shalt  }
0x61: {  	_ =	shalt  }
0x62: {  	_ =	shalt  }
0x63: {  	_ =	shalt  }
0x64: {  	_ =	shalt  }
0x65: {  	_ =	shalt  }
0x66: {  	_ =	shalt  }
0x67: {  	_ =	shalt  }
0x68: {  	_ =	shalt  }
0x69: {  	_ =	shalt  }
0x6a: {  	_ =	shalt  }
0x6b: {  	_ =	shalt  }
0x6c: {  	_ =	shalt  }
0x6d: {  	_ =	shalt  }
0x6e: {  	_ =	shalt  }
0x6f: {  	_ =	shalt  }
0x70: {  	_ =	shalt  }
0x71: {  	_ =	shalt  }
0x72: {  	_ =	shalt  }
0x73: {  	_ =	shalt  }
0x74: {  	_ =	shalt  }
0x75: {  	_ =	shalt  }
0x76: {  	_ =	shalt  }
0x77: {  	_ =	shalt  }
0x78: {  	_ =	shalt  }
0x79: {  	_ =	shalt  }
0x7a: {  	_ =	shalt  }
0x7b: {  	_ =	shalt  }
0x7c: {  	_ =	shalt  }
0x7d: {  	_ =	shalt  }
0x7e: {  	_ =	shalt  }
0x7f: {  	_ =	shalt  }
0x80: {  	_ =	shalt  }
0x81: {  	_ =	shalt  }
0x82: {  	_ =	shalt  }
0x83: {  	_ =	shalt  }
0x84: {  	_ =	shalt  }
0x85: {  	_ =	shalt  }
0x86: {  	_ =	shalt  }
0x87: {  	_ =	shalt  }
.Lfunc_end0:
.L_simem_size_0:
called_computation.1_lowered:
.L_overlay_start_0:
0x88: {  	s2 =	sld [smem:$0x3FD9]  }
0x89: {  	s3 =	sld [smem:$0x3FFE];
	_ =	sdelay $0x1  }
0x8a: {  	s1 =	srdreg.scid  }
0x8b: {  	s0 =	sand.u32 $0x1, s1  }
0x8c: {  	s17 =	sshll.u32 s0, $0xA;
	s2 =	sadd.s32 s3, s2  }
0x8d: {  	s2 =	sadd.s32 s2, s17  }
0x8e: {  	[smem:$0x3FBC] =	sst s2  }
0x8f: {  	_ = 	snop  }
0x90: {  	s2 =	sld [smem:$0x3FD0];
	(tm) =	ssettm $0x1  }
0x91: {  	s18 =	sld [smem:$0x3FFB];
	_ =	sdelay $0x3  }
0x92: {  	_ =	strace s18  }
0x93: {  	s3 =	sld [smem:$0x3FFC];
	_ =	sdelay $0x3  }
0x94: {  	_ =	strace s3  }
0x95: {  	s3 =	sld [smem:$0x3FFD];
	_ =	sdelay $0x3  }
0x96: {  	_ =	strace s3  }
0x97: {  	_ =	strace $0x8FFFFFFF  }
0x98: {  	s19 =	sld [smem:$0x3FDB];
	_ =	sdelay $0x1  }
0x99: {  	s4 =	simm.s32 $_scs_section_size  }
0x9a: {  	s5 =	simm.s32 $_size__tile_overlayer_lowered;
	s6 =	simm.s32 $_tile_overlayer_lowered  }
0x9b: {  	s22 =	simm.s32 $0x1BFF;
	s21 =	sshll.u32 s6, $0x1;
	s3 =	sadd.s32 s4, s19  }
0x9c: {  	s7 =	simm.s32 $0x0;
	s20 =	sshll.u32 s5, $0x1;
	s5 =	sadd.s32 s21, s3  }
0x9d: {  	[timem:s7], [sflag:s22] =	dma.local [hbm:s5], s20  }
0x9e: {  	_ =	swait.ge [sflag:s22], s20  }
0x9f: {  	s4 =	ssub.s32 $0x0, s20;
	[sflag:s22] =	ssyncset.done $0x0  }
0xa0: {  	[sflag:s22] =	ssyncadd.s32 s4;
	_ =	sdelay $0x1  }
0xa1: {  	s23 =	simm.s32 $0x1B8B  }
0xa2: {  	_ =	swait.ge [sflag:s23], $0x1  }
0xa3: {  	[sflag:s23] =	ssyncset.done $0x0  }
0xa4: {  	s25 =	simm.s32 $0x1B8E;
	s24 =	sld [smem:$0x3FFE];
	[sflag:s23] =	ssyncadd.s32 $0xFFFFFFFF  }
0xa5: {  	s26 =	simm.s32 $execute0_lowered;
	[smem:$0x3FD2] =	sst s25  }
0xa6: {  	s5 =	sshll.u32 s26, $0x1;
	_ =	strace $0x80000049;
	[dreg:$0x1] =	wrdreg $0xFFFFFFFF  }
0xa7: {  	s28 =	simm.s32 $_size_execute0_lowered;
	s3 =	sadd.s32 s3, s5;
	[dreg:$0x0] =	wrdreg $0x0  }
0xa8: {  	s5 =	sshll.u32 s28, $0x1;
	[dreg:$0x2] =	wrdreg s3  }
0xa9: {  	[dreg:$0x3] =	wrdreg s5  }
0xaa: {  	[dreg:$0x4] =	wrdreg $0xC0  }
0xab: {  	_ =	task [dreg:s7], $0x5FFFF  }
0xac: {  	[dreg:$0x1] =	wrdreg $0xFFFFFFFF  }
0xad: {  	[dreg:$0x0] =	wrdreg $0x60  }
0xae: {  	[dreg:$0x2] =	wrdreg s2  }
0xaf: {  	[dreg:$0x3] =	wrdreg s24  }
0xb0: {  	[dreg:$0x4] =	wrdreg $0x9  }
0xb1: {  	_ =	task.clear_ibuf [dreg:s7], $0x5FFFF;
	_ =	strace $0x90000049  }
0xb2: {  	s29 =	simm.s32 $0x9;
	_ =	strace $0x8000004B  }
0xb3: {  	_ =	swait.ge [sflag:s29], $0x1  }
0xb4: {  	[sflag:s29] =	ssyncadd.s32 $0xFFFFFFFF  }
0xb5: {  	_ =	strace $0x9000004B  }
0xb6: {  	_ =	sfence  }
0xb7: {  	s30 =	sld [smem:$0x0];
	_ =	sdelay $0x2  }
0xb8: {  	s31 =	sshll.u32 s1, $0xD;
	s1 =	sshrl.u32 s1, $0x2  }
0xb9: {  	s3 =	sand.u32 $0x4000, s31;
	s1 =	sadd.s32 s1, s30  }
0xba: {  	s0 =	sor.u32 s3, s0;
	s1 =	sshll.u32 s1, $0x11  }
0xbb: {  	s0 =	sor.u32 s1, s0  }
0xbc: {  	s0 =	sadd.s32 $0x8F2B, s0  }
0xbd: {  	[sflag:s0] =	ssyncadd.remote.s32 $0x1  }
0xbe: {  	_ =	sfence.sel $0xFFFF  }
0xbf: {  	[dreg:$0x0] =	wrdreg $0xFFFFFFFF;
	(pc) =	sbr.abs _section_cstart, $3  }
0xc0: {  	[dreg:$0x1] =	wrdreg $0xFFFFFFFF  }
0xc1: {  	_ =	task.clear_ibuf [dreg:s7], $0x2FFFF;
	_ =	strace $0x9FFFFFFF  }
0xc2: {  	(tm) =	ssettm $0x7FFFFFFF  }
0xc3: {  	_ =	shalt  }
tec
execute0_lowered:
.L_overlay_start_1:
0x0: {  	(tag) =	ssettag $0x1  }
0x1: {  	s0 =	srdreg.scid  }
0x2: {  	s6 =	stileid.u32;
	s2 =	rddreg [dreg:$0x0]  }
0x3: {  	s4 =	rddreg [dreg:$0x1];
	s3 =	simm.s32 $0x0;
	s14 =	simm.s32 $0x1800  }
0x4: {  	s16 =	simm.s32 $0x2000;
	s17 =	simm.s32 $0x2800;
	s18 =	simm.s32 $0x3000  }
0x5: {  	s19 =	simm.s32 $0x3800;
	s21 =	simm.s32 $0x4000;
	[smem:$0x7FF] =	sst s3  }
0x6: {  	s22 =	simm.s32 $0x4800;
	_ =	strace $0x8000004A;
	[dreg:$0x4] =	wrdreg s14  }
0x7: {  	s23 =	simm.s32 $0x5000;
	s24 =	simm.s32 $0x5800;
	[dreg:$0x5] =	wrdreg s16  }
0x8: {  	s25 =	simm.s32 $0x6000;
	s7 =	simm.s32 $0x2;
	[dreg:$0x6] =	wrdreg s17  }
0x9: {  	s26 =	simm.s32 $0x6800;
	s8 =	simm.s32 $0x1000;
	[dreg:$0x7] =	wrdreg s18  }
0xa: {  	s9 =	simm.s32 $0x7000;
	s10 =	simm.s32 $0x7800;
	[dreg:$0x8] =	wrdreg s19  }
0xb: {  	s11 =	simm.s32 $0x8000;
	s12 =	simm.s32 $0x8800;
	[dreg:$0x9] =	wrdreg s21  }
0xc: {  	s28 =	simm.s32 $0x10000;
	s29 =	simm.s32 $0x10800;
	[dreg:$0xa] =	wrdreg s22  }
0xd: {  	s30 =	simm.s32 $0x1;
	s31 =	simm.s32 $0x0;
	[dreg:$0xb] =	wrdreg s23  }
0xe: {  	s0 =	sand.u32 $0x1, s0;
	s1 =	smul.u32 $0x64000, s6;
	[dreg:$0xc] =	wrdreg s24  }
0xf: {  	s13 =	sshll.u32 s6, $0xA;
	s5 =	smul.u32 $0x32000, s0;
	[dreg:$0xd] =	wrdreg s25  }
0x10: {  	s15 =	sshll.u32 s0, $0x9;
	s0 =	ssub.s32 $0x2, s0;
	[dreg:$0xe] =	wrdreg s26  }
0x11: {  	s14 =	simm.s32 $0x9800;
	s16 =	simm.s32 $0xA800;
	s17 =	simm.s32 $0xB000  }
0x12: {  	s18 =	simm.s32 $0xB800;
	s19 =	simm.s32 $0xC000;
	s21 =	simm.s32 $0xD000  }
0x13: {  	s22 =	simm.s32 $0xD800;
	s23 =	simm.s32 $0xE000;
	s24 =	simm.s32 $0xE800  }
0x14: {  	s25 =	simm.s32 $0xF000;
	s26 =	simm.s32 $0xF800;
	s1 =	sadd.s32 s1, s4  }
0x15: {  	s20 =	sshrl.u32 s0, $0x1;
	s1 =	sadd.s32 s5, s1;
	s5 =	sor.u32 s15, s13  }
0x16: {  	s0 =	ssub.s32 s0, s20;
	s13 =	simm.s32 $0x9000;
	s1 =	sadd.s32 $0x2A00, s1  }
0x17: {  	v2 =	vlaneseq.u32;
	s4 =	sadd.s32 s5, s4;
	s0 =	smax.u32 s0, $0x1;
	[dreg:$0x3] =	wrdreg s1  }
0x18: {  	vm0 =	vmmov $0xffff;
	v1 =	vshrl.u32 v2, $0x3;
	s15 =	simm.s32 $0xA000;
	s4 =	sadd.s32 $0x7D1400, s4;
	[dreg:$0x10] =	wrdreg s0  }
0x19: {  	v0 =	vand.u32 $0x7, v2;
	v2 =	vor.u32 $0x8, v2;
	v1 =	vmul.u32 $0x8, v1;
	s20 =	simm.s32 $0xC800;
	s5 =	sadd.s32 $0x100, s2;
	[dreg:$0xf] =	wrdreg s4  }
.LBB2_1:
0x1a: {  	s0 =	rddreg [dreg:$0xf]  }
0x1b: {  	[tilespmem:s3], [sflag:$0x2] =	stream.linear.gather [hbm4b:s0+s3], $0x1000, $0x38;
	[tilespmem:$0x11000] =	vst v63  }
0x1c: {  	_ =	swait.ge [sflag:s7], $0x1000  }
0x1d: {  	[sflag:s7] =	ssyncset.done $0x0  }
0x1e: {  	s1 =	simm.s32 $0x40;
	s0 =	simm.s32 $0x0;
	[sflag:s7] =	ssyncadd.s32 $0xFFFFF000  }
.LBB2_2:
0x1f: {  	v3 =	vld [tilespmem:s1+$0xFFFFFFC0];
	_ =	sdelay $0x4  }
0x20: {  	v4 =	vshll.u32 v3, $0x2  }
0x21: {  	v3 =	vand.u32 $0x7, v3;
	v4 =	vand.u32 $0xFFFFFFE0, v4  }
0x22: {  	v3 =	vor.u32 v3, v4  }
0x23: {  	v4 =	vperm.xlane v3, v0;
	_ =	sdelay $0x1  }
0x24: {  	v4 =	vadd.s32 v1, v4;
	_ =	sdelay $0x1  }
0x25: {  	v3 =	vperm.xlane v3, v2;
	_ =	sdelay $0x1  }
0x26: {  	v3 =	vadd.s32 v1, v3  }
0x27: {  	[tilespmem:s8], [sflag:$0x1] =	stream.indirect_vreg.gather [hbm4b:s2+s3], $0x80, v4, vm0, $0xb8;
	[tilespmem:$0x11000] =	vst v63  }
0x28: {  	s4 =	rddreg [dreg:$0x4]  }
0x29: {  	[tilespmem:s4], [sflag:$0x1] =	stream.indirect_vreg.gather [hbm4b:s5+s3], $0x80, v4, vm0, $0xb8;
	[tilespmem:$0x11000] =	vst v63  }
0x2a: {  	s6 =	rddreg [dreg:$0x5]  }
0x2b: {  	[tilespmem:s6], [sflag:$0x1] =	stream.indirect_vreg.gather [hbm4b:s2+s3], $0x80, v3, vm0, $0xb8;
	[tilespmem:$0x11000] =	vst v63  }
0x2c: {  	s4 =	rddreg [dreg:$0x6]  }
0x2d: {  	[tilespmem:s4], [sflag:$0x1] =	stream.indirect_vreg.gather [hbm4b:s5+s3], $0x80, v3, vm0, $0xb8;
	[tilespmem:$0x11000] =	vst v63  }
0x2e: {  	v3 =	vld [tilespmem:s1+$0xFFFFFFD0];
	_ =	sdelay $0x4  }
0x2f: {  	v57 =	vshll.u32 v3, $0x2  }
0x30: {  	v3 =	vand.u32 $0x7, v3;
	v4 =	vand.u32 $0xFFFFFFE0, v57  }
0x31: {  	v3 =	vor.u32 v3, v4  }
0x32: {  	v4 =	vperm.xlane v3, v0;
	_ =	sdelay $0x1  }
0x33: {  	v4 =	vadd.s32 v1, v4;
	_ =	sdelay $0x1  }
0x34: {  	v3 =	vperm.xlane v3, v2;
	_ =	sdelay $0x1  }
0x35: {  	s4 =	rddreg [dreg:$0x7];
	v3 =	vadd.s32 v1, v3  }
0x36: {  	[tilespmem:s4], [sflag:$0x1] =	stream.indirect_vreg.gather [hbm4b:s2+s3], $0x80, v4, vm0, $0xb8;
	[tilespmem:$0x11000] =	vst v63  }
0x37: {  	s6 =	rddreg [dreg:$0x8]  }
0x38: {  	[tilespmem:s6], [sflag:$0x1] =	stream.indirect_vreg.gather [hbm4b:s5+s3], $0x80, v4, vm0, $0xb8;
	[tilespmem:$0x11000] =	vst v63  }
0x39: {  	s4 =	rddreg [dreg:$0x9]  }
0x3a: {  	[tilespmem:s4], [sflag:$0x1] =	stream.indirect_vreg.gather [hbm4b:s2+s3], $0x80, v3, vm0, $0xb8;
	[tilespmem:$0x11000] =	vst v63  }
0x3b: {  	s6 =	rddreg [dreg:$0xa]  }
0x3c: {  	[tilespmem:s6], [sflag:$0x1] =	stream.indirect_vreg.gather [hbm4b:s5+s3], $0x80, v3, vm0, $0xb8;
	[tilespmem:$0x11000] =	vst v63  }
0x3d: {  	v3 =	vld [tilespmem:s1+$0xFFFFFFE0];
	_ =	sdelay $0x4  }
0x3e: {  	v58 =	vshll.u32 v3, $0x2  }
0x3f: {  	v3 =	vand.u32 $0x7, v3;
	v4 =	vand.u32 $0xFFFFFFE0, v58  }
0x40: {  	v3 =	vor.u32 v3, v4  }
0x41: {  	v4 =	vperm.xlane v3, v0;
	_ =	sdelay $0x1  }
0x42: {  	v4 =	vadd.s32 v1, v4;
	_ =	sdelay $0x1  }
0x43: {  	v3 =	vperm.xlane v3, v2;
	_ =	sdelay $0x1  }
0x44: {  	s4 =	rddreg [dreg:$0xb];
	v3 =	vadd.s32 v1, v3  }
0x45: {  	[tilespmem:s4], [sflag:$0x1] =	stream.indirect_vreg.gather [hbm4b:s2+s3], $0x80, v4, vm0, $0xb8;
	[tilespmem:$0x11000] =	vst v63  }
0x46: {  	s6 =	rddreg [dreg:$0xc]  }
0x47: {  	[tilespmem:s6], [sflag:$0x1] =	stream.indirect_vreg.gather [hbm4b:s5+s3], $0x80, v4, vm0, $0xb8;
	[tilespmem:$0x11000] =	vst v63  }
0x48: {  	s4 =	rddreg [dreg:$0xd]  }
0x49: {  	[tilespmem:s4], [sflag:$0x1] =	stream.indirect_vreg.gather [hbm4b:s2+s3], $0x80, v3, vm0, $0xb8;
	[tilespmem:$0x11000] =	vst v63  }
0x4a: {  	s6 =	rddreg [dreg:$0xe]  }
0x4b: {  	[tilespmem:s6], [sflag:$0x1] =	stream.indirect_vreg.gather [hbm4b:s5+s3], $0x80, v3, vm0, $0xb8;
	[tilespmem:$0x11000] =	vst v63  }
0x4c: {  	v3 =	vld [tilespmem:s1+$0xFFFFFFF0];
	_ =	sdelay $0x4  }
0x4d: {  	v59 =	vshll.u32 v3, $0x2  }
0x4e: {  	v3 =	vand.u32 $0x7, v3;
	v4 =	vand.u32 $0xFFFFFFE0, v59  }
0x4f: {  	v3 =	vor.u32 v3, v4  }
0x50: {  	v4 =	vperm.xlane v3, v0;
	_ =	sdelay $0x1  }
0x51: {  	v4 =	vadd.s32 v1, v4;
	_ =	sdelay $0x1  }
0x52: {  	v3 =	vperm.xlane v3, v2;
	_ =	sdelay $0x1  }
0x53: {  	v3 =	vadd.s32 v1, v3  }
0x54: {  	[tilespmem:s9], [sflag:$0x1] =	stream.indirect_vreg.gather [hbm4b:s2+s3], $0x80, v4, vm0, $0xb8;
	[tilespmem:$0x11000] =	vst v63  }
0x55: {  	_ = 	snop  }
0x56: {  	[tilespmem:s10], [sflag:$0x1] =	stream.indirect_vreg.gather [hbm4b:s5+s3], $0x80, v4, vm0, $0xb8;
	[tilespmem:$0x11000] =	vst v63  }
0x57: {  	_ = 	snop  }
0x58: {  	[tilespmem:s11], [sflag:$0x1] =	stream.indirect_vreg.gather [hbm4b:s2+s3], $0x80, v3, vm0, $0xb8;
	[tilespmem:$0x11000] =	vst v63  }
0x59: {  	_ = 	snop  }
0x5a: {  	[tilespmem:s12], [sflag:$0x1] =	stream.indirect_vreg.gather [hbm4b:s5+s3], $0x80, v3, vm0, $0xb8;
	[tilespmem:$0x11000] =	vst v63  }
0x5b: {  	v3 =	vld [tilespmem:s1+$0x0];
	_ =	sdelay $0x4  }
0x5c: {  	v60 =	vshll.u32 v3, $0x2  }
0x5d: {  	v3 =	vand.u32 $0x7, v3;
	v4 =	vand.u32 $0xFFFFFFE0, v60  }
0x5e: {  	v3 =	vor.u32 v3, v4  }
0x5f: {  	v4 =	vperm.xlane v3, v0;
	_ =	sdelay $0x1  }
0x60: {  	v4 =	vadd.s32 v1, v4;
	_ =	sdelay $0x1  }
0x61: {  	v3 =	vperm.xlane v3, v2;
	_ =	sdelay $0x1  }
0x62: {  	v3 =	vadd.s32 v1, v3  }
0x63: {  	[tilespmem:s13], [sflag:$0x1] =	stream.indirect_vreg.gather [hbm4b:s2+s3], $0x80, v4, vm0, $0xb8;
	[tilespmem:$0x11000] =	vst v63  }
0x64: {  	_ = 	snop  }
0x65: {  	[tilespmem:s14], [sflag:$0x1] =	stream.indirect_vreg.gather [hbm4b:s5+s3], $0x80, v4, vm0, $0xb8;
	[tilespmem:$0x11000] =	vst v63  }
0x66: {  	_ = 	snop  }
0x67: {  	[tilespmem:s15], [sflag:$0x1] =	stream.indirect_vreg.gather [hbm4b:s2+s3], $0x80, v3, vm0, $0xb8;
	[tilespmem:$0x11000] =	vst v63  }
0x68: {  	_ = 	snop  }
0x69: {  	[tilespmem:s16], [sflag:$0x1] =	stream.indirect_vreg.gather [hbm4b:s5+s3], $0x80, v3, vm0, $0xb8;
	[tilespmem:$0x11000] =	vst v63  }
0x6a: {  	v3 =	vld [tilespmem:s1+$0x10];
	_ =	sdelay $0x4  }
0x6b: {  	v61 =	vshll.u32 v3, $0x2  }
0x6c: {  	v3 =	vand.u32 $0x7, v3;
	v4 =	vand.u32 $0xFFFFFFE0, v61  }
0x6d: {  	v3 =	vor.u32 v3, v4  }
0x6e: {  	v4 =	vperm.xlane v3, v0;
	_ =	sdelay $0x1  }
0x6f: {  	v4 =	vadd.s32 v1, v4;
	_ =	sdelay $0x1  }
0x70: {  	v3 =	vperm.xlane v3, v2;
	_ =	sdelay $0x1  }
0x71: {  	v3 =	vadd.s32 v1, v3  }
0x72: {  	[tilespmem:s17], [sflag:$0x1] =	stream.indirect_vreg.gather [hbm4b:s2+s3], $0x80, v4, vm0, $0xb8;
	[tilespmem:$0x11000] =	vst v63  }
0x73: {  	_ = 	snop  }
0x74: {  	[tilespmem:s18], [sflag:$0x1] =	stream.indirect_vreg.gather [hbm4b:s5+s3], $0x80, v4, vm0, $0xb8;
	[tilespmem:$0x11000] =	vst v63  }
0x75: {  	_ = 	snop  }
0x76: {  	[tilespmem:s19], [sflag:$0x1] =	stream.indirect_vreg.gather [hbm4b:s2+s3], $0x80, v3, vm0, $0xb8;
	[tilespmem:$0x11000] =	vst v63  }
0x77: {  	_ = 	snop  }
0x78: {  	[tilespmem:s20], [sflag:$0x1] =	stream.indirect_vreg.gather [hbm4b:s5+s3], $0x80, v3, vm0, $0xb8;
	[tilespmem:$0x11000] =	vst v63  }
0x79: {  	v3 =	vld [tilespmem:s1+$0x20];
	_ =	sdelay $0x4  }
0x7a: {  	v62 =	vshll.u32 v3, $0x2  }
0x7b: {  	v3 =	vand.u32 $0x7, v3;
	v4 =	vand.u32 $0xFFFFFFE0, v62  }
0x7c: {  	v3 =	vor.u32 v3, v4  }
0x7d: {  	v4 =	vperm.xlane v3, v0;
	_ =	sdelay $0x1  }
0x7e: {  	v4 =	vadd.s32 v1, v4;
	_ =	sdelay $0x1  }
0x7f: {  	v3 =	vperm.xlane v3, v2;
	_ =	sdelay $0x1  }
0x80: {  	v3 =	vadd.s32 v1, v3  }
0x81: {  	[tilespmem:s21], [sflag:$0x1] =	stream.indirect_vreg.gather [hbm4b:s2+s3], $0x80, v4, vm0, $0xb8;
	[tilespmem:$0x11000] =	vst v63  }
0x82: {  	_ = 	snop  }
0x83: {  	[tilespmem:s22], [sflag:$0x1] =	stream.indirect_vreg.gather [hbm4b:s5+s3], $0x80, v4, vm0, $0xb8;
	[tilespmem:$0x11000] =	vst v63  }
0x84: {  	_ = 	snop  }
0x85: {  	[tilespmem:s23], [sflag:$0x1] =	stream.indirect_vreg.gather [hbm4b:s2+s3], $0x80, v3, vm0, $0xb8;
	[tilespmem:$0x11000] =	vst v63  }
0x86: {  	_ = 	snop  }
0x87: {  	[tilespmem:s24], [sflag:$0x1] =	stream.indirect_vreg.gather [hbm4b:s5+s3], $0x80, v3, vm0, $0xb8;
	[tilespmem:$0x11000] =	vst v63  }
0x88: {  	v3 =	vld [tilespmem:s1+$0x30];
	_ =	sdelay $0x4  }
0x89: {  	v63 =	vshll.u32 v3, $0x2  }
0x8a: {  	v3 =	vand.u32 $0x7, v3;
	v4 =	vand.u32 $0xFFFFFFE0, v63  }
0x8b: {  	v3 =	vor.u32 v3, v4  }
0x8c: {  	v4 =	vperm.xlane v3, v0;
	_ =	sdelay $0x1  }
0x8d: {  	v4 =	vadd.s32 v1, v4;
	_ =	sdelay $0x1  }
0x8e: {  	v3 =	vperm.xlane v3, v2;
	_ =	sdelay $0x1  }
0x8f: {  	v3 =	vadd.s32 v1, v3  }
0x90: {  	[tilespmem:s25], [sflag:$0x1] =	stream.indirect_vreg.gather [hbm4b:s2+s3], $0x80, v4, vm0, $0xb8;
	[tilespmem:$0x11000] =	vst v63  }
0x91: {  	_ = 	snop  }
0x92: {  	[tilespmem:s26], [sflag:$0x1] =	stream.indirect_vreg.gather [hbm4b:s5+s3], $0x80, v4, vm0, $0xb8;
	[tilespmem:$0x11000] =	vst v63  }
0x93: {  	_ = 	snop  }
0x94: {  	[tilespmem:s28], [sflag:$0x1] =	stream.indirect_vreg.gather [hbm4b:s2+s3], $0x80, v3, vm0, $0xb8;
	[tilespmem:$0x11000] =	vst v63  }
0x95: {  	_ = 	snop  }
0x96: {  	[tilespmem:s29], [sflag:$0x1] =	stream.indirect_vreg.gather [hbm4b:s5+s3], $0x80, v3, vm0, $0xb8;
	[tilespmem:$0x11000] =	vst v63  }
0x97: {  	_ =	swait.ge [sflag:s30], $0x10000  }
0x98: {  	p0 =	sne.s32 s0, $0x30000;
	s6 =	rddreg [dreg:$0x3];
	[sflag:s30] =	ssyncset.done $0x0  }
.Ltmp0:
0x99: {  	[sflag:s30] =	ssyncadd.s32 $0xFFFF0000;
	s4 =	sadd.s32 s0, s6;
	(pc) =	sbr.rel @p0 .LBB2_2-.Ltmp0, $4  }
0x9a: {  	[hbm4b:s4+s3] =	stream.linear.scatter [tilespmem:s8], [sflag:$0x2], $0x10000, $0x38;
	[tilespmem:$0x11000] =	vst v63  }
0x9b: {  	_ =	swait.ge [sflag:s7], $0x10000  }
0x9c: {  	[sflag:s7] =	ssyncset.done $0x0  }
0x9d: {  	s1 =	sadd.s32 $0x80, s1;
	s0 =	sadd.s32 $0x2000, s0;
	[sflag:s7] =	ssyncadd.s32 $0xFFFF0000  }
0x9e: {  	s31 =	sadd.s32 $0x1, s31;
	s0 =	rddreg [dreg:$0x10]  }
0x9f: {  	p0 =	sne.s32 s31, s0  }
.Ltmp1:
0xa0: {  	_ = 	snop;
	(pc) =	sbr.rel @p0 .LBB2_1-.Ltmp1, $1  }
0xa1: {  	_ =	sdelay $0x3  }
0xa2: {  	_ =	sfence.sel $0x180000  }
0xa3: {  	[bflag:$0x0] =	sbarrier.arrive $0xFFFF  }
0xa4: {  	_ =	strace $0x9000004A  }
0xa5: {  	s0 =	stileid.u32;
	[bflag:$0x2] =	sbarrier.arrive $0xFFFF  }
0xa6: {  	p0 =	sne.s32 s0, $0x0;
	s0 =	rddreg [dreg:$0x2]  }
0xa7: {  	s0 =	sadd.s32 @!p0 $0x100000, s0  }
0xa8: {  	[sflag:s0] =	ssyncadd.tile.s32 @!p0 $0x1;
	_ =	shalt  }
.Lfunc_end2:
_tile_overlayer_lowered:
.L_overlay_start_2:
0xa9: {  	(tag) =	ssettag $0x2  }
0xaa: {  	s0 =	rddreg [dreg:$0x0];
	s2 =	stileid.u32  }
0xab: {  	s1 =	rddreg [dreg:$0x1];
	p0 =	sne.s32 s2, $0x0  }
0xac: {  	s3 =	rddreg [dreg:$0x2];
	[bflag:$0x3] =	sbarrier.arrive $0xFFFF;
	s2 =	simm.s32 @!p0 $0x1C02  }
0xad: {  	[timem:s3], [sflag:s2] =	dma.local @!p0 [hbm:s0], s1  }
0xae: {  	s0 =	simm.s32 @!p0 $0x2  }
0xaf: {  	_ =	swait.ge @!p0 [sflag:s0], s1  }
0xb0: {  	s1 =	ssub.s32 @!p0 $0x0, s1;
	[sflag:s0] =	ssyncset.done @!p0 $0x0  }
0xb1: {  	[sflag:s0] =	ssyncadd.s32 @!p0 s1  }
0xb2: {  	[bflag:$0x3] =	sbarrier.arrive $0xFFFF  }
0xb3: {  	_ =	shalt  }

// kernel: kernel.7.cloned.1.call-start
scs
__scs_entry_jumppad:
0x0: {  	(pc) =	sbr.rel $0x88, $3  }
0x1: {  	(tag) =	ssettag $0x0;
	lr =	simm.s32 $0x1  }
0x2: {  	[smem:$0x3F95] =	sst lr;
	_ =	strace $0xD0000000  }
0x3: {  	_ = 	snop  }
0x4: {  	_ = 	snop  }
0x5: {  	_ = 	snop  }
0x6: {  	_ = 	snop  }
0x7: {  	_ = 	snop  }
__scs_overlays_trampoline_lowered:
0x8: {  	[smem:$0x3FA4] =	sst s0  }
0x9: {  	[smem:$0x3FA5] =	sst s1  }
0xa: {  	[smem:$0x3FA6] =	sst s2  }
0xb: {  	[smem:$0x3FA7] =	sst s3  }
0xc: {  	[smem:$0x3FA8] =	sst s4  }
0xd: {  	[smem:$0x3FA9] =	sst s5  }
0xe: {  	[smem:$0x3FAA] =	sst s6  }
0xf: {  	[smem:$0x3FAB] =	sst s7  }
0x10: {  	[smem:$0x3FAC] =	sst s8  }
0x11: {  	[smem:$0x3FAD] =	sst s9;
	s0 =	simm.s32 @!p0 $0x0  }
0x12: {  	s1 =	sld [smem:$0x3F93];
	s0 =	simm.s32 @p0 $0x1  }
0x13: {  	[smem:$0x3FAE] =	sst s0;
	s0 =	simm.s32 @!p1 $0x0  }
0x14: {  	s2 =	sld [smem:$0x3F92];
	s0 =	simm.s32 @p1 $0x1  }
0x15: {  	[smem:$0x3FAF] =	sst s0;
	s0 =	simm.s32 @!p2 $0x0  }
0x16: {  	s3 =	sld [smem:$0x3FDB];
	s0 =	simm.s32 @p2 $0x1  }
0x17: {  	s4 =	simm.s32 $0x1BF5;
	[smem:$0x3FB1] =	sst s0  }
0x18: {  	s0 =	sld [smem:$0x3F94];
	_ =	swait.ge [sflag:s4], $0x0  }
0x19: {  	s7 =	sld [smem:$0x3F95]  }
0x1a: {  	s8 =	sadd.s32 $0xFFFFE003, lr  }
0x1b: {  	s9 =	sadd.s32 $0xFFFFFEF7, lr;
	s5 =	simm.s32 $0xFFFFFFFF;
	p2 =	slt.u32 s8, $0xFFFFF086  }
0x1c: {  	p1 =	slt.u32 s9, $0xF7A;
	s5 =	simm.s32 @!p2 $0x0  }
0x1d: {  	s5 =	simm.s32 @p1 $0x1;
	p0 =	seq.s32 s7, s2  }
0x1e: {  	s7 =	smul.u32 @!p0 $0xF7A, s2;
	p2 =	seq.s32 @!p0 s5, $0x0  }
0x1f: {  	s9 =	smul.u32 $0xF7A, s1;
	s8 =	simm.s32 @!p0 $0x1BF5;
	p2 =	por !p2, p0  }
0x20: {  	[sflag:s8] =	ssyncset.s32 @!p0 $0xFFFFF086;
	s6 =	sadd.s32 @!p0 s3, s7;
	s7 =	simm.s32 @!p0 $0x108  }
0x21: {  	s3 =	sadd.s32 s3, s9;
	s6 =	sadd.s32 @!p0 $0x88, s6;
	s7 =	simm.s32 @p2 $0x1082  }
0x22: {  	[simem:s7], [sflag:s8] =	dma.local @!p0 [hbm:s6], $0xF7A  }
0x23: {  	s9 =	sor.u32 $0xD0000000, s2;
	s6 =	simm.s32 $0x108;
	_ =	swait.ge @!p0 [sflag:s8], $0x0  }
0x24: {  	s3 =	sadd.s32 $0x88, s3;
	s6 =	simm.s32 @!p1 $0x1082;
	[sflag:s4] =	ssyncset.s32 $0xFFFFF086  }
0x25: {  	[simem:s6], [sflag:s4] =	dma.local [hbm:s3], $0xF7A  }
0x26: {  	[smem:$0x3F95] =	sst s1;
	(tag) =	ssettag s2;
	_ =	strace s9  }
0x27: {  	s1 =	sld [smem:$0x3FA5]  }
0x28: {  	s2 =	sld [smem:$0x3FA6]  }
0x29: {  	s4 =	sld [smem:$0x3FA8]  }
0x2a: {  	p0 =	seq.s32 s5, $0x0;
	s5 =	sld [smem:$0x3FA9]  }
0x2b: {  	s6 =	sld [smem:$0x3FAA]  }
0x2c: {  	s7 =	sld [smem:$0x3FAB]  }
0x2d: {  	s3 =	simm.s32 $0x108;
	s8 =	sld [smem:$0x3FAC]  }
0x2e: {  	s3 =	simm.s32 @!p0 $0x1082;
	s9 =	sld [smem:$0x3FAD]  }
0x2f: {  	lr =	sadd.s32 s0, s3;
	s0 =	sld [smem:$0x3FA4]  }
0x30: {  	s3 =	sld [smem:$0x3FA7]  }
0x31: {  	[smem:$0x3FB0] =	sst s10  }
0x32: {  	s10 =	sld [smem:$0x3FAE];
	_ =	sdelay $0x3  }
0x33: {  	p0 =	seq.s32 s10, $0x1;
	s10 =	sld [smem:$0x3FB0];
	_ =	sdelay $0x3  }
0x34: {  	[smem:$0x3FB0] =	sst s10  }
0x35: {  	s10 =	sld [smem:$0x3FAF];
	_ =	sdelay $0x3  }
0x36: {  	p1 =	seq.s32 s10, $0x1;
	s10 =	sld [smem:$0x3FB0];
	_ =	sdelay $0x3  }
0x37: {  	[smem:$0x3FB0] =	sst s10  }
0x38: {  	s10 =	sld [smem:$0x3FB1]  }
0x39: {  	_ = 	snop;
	(pc) =	sbr.ind lr, $3  }
0x3a: {  	_ = 	snop  }
0x3b: {  	_ = 	snop  }
0x3c: {  	p2 =	seq.s32 s10, $0x1;
	s10 =	sld [smem:$0x3FB0]  }
0x3d: {  	_ =	shalt  }
0x3e: {  	_ =	shalt  }
0x3f: {  	_ =	shalt  }
0x40: {  	_ =	shalt  }
0x41: {  	_ =	shalt  }
0x42: {  	_ =	shalt  }
0x43: {  	_ =	shalt  }
0x44: {  	_ =	shalt  }
0x45: {  	_ =	shalt  }
0x46: {  	_ =	shalt  }
0x47: {  	_ =	shalt  }
0x48: {  	_ =	shalt  }
0x49: {  	_ =	shalt  }
0x4a: {  	_ =	shalt  }
0x4b: {  	_ =	shalt  }
0x4c: {  	_ =	shalt  }
0x4d: {  	_ =	shalt  }
0x4e: {  	_ =	shalt  }
0x4f: {  	_ =	shalt  }
0x50: {  	_ =	shalt  }
0x51: {  	_ =	shalt  }
0x52: {  	_ =	shalt  }
0x53: {  	_ =	shalt  }
0x54: {  	_ =	shalt  }
0x55: {  	_ =	shalt  }
0x56: {  	_ =	shalt  }
0x57: {  	_ =	shalt  }
0x58: {  	_ =	shalt  }
0x59: {  	_ =	shalt  }
0x5a: {  	_ =	shalt  }
0x5b: {  	_ =	shalt  }
0x5c: {  	_ =	shalt  }
0x5d: {  	_ =	shalt  }
0x5e: {  	_ =	shalt  }
0x5f: {  	_ =	shalt  }
0x60: {  	_ =	shalt  }
0x61: {  	_ =	shalt  }
0x62: {  	_ =	shalt  }
0x63: {  	_ =	shalt  }
0x64: {  	_ =	shalt  }
0x65: {  	_ =	shalt  }
0x66: {  	_ =	shalt  }
0x67: {  	_ =	shalt  }
0x68: {  	_ =	shalt  }
0x69: {  	_ =	shalt  }
0x6a: {  	_ =	shalt  }
0x6b: {  	_ =	shalt  }
0x6c: {  	_ =	shalt  }
0x6d: {  	_ =	shalt  }
0x6e: {  	_ =	shalt  }
0x6f: {  	_ =	shalt  }
0x70: {  	_ =	shalt  }
0x71: {  	_ =	shalt  }
0x72: {  	_ =	shalt  }
0x73: {  	_ =	shalt  }
0x74: {  	_ =	shalt  }
0x75: {  	_ =	shalt  }
0x76: {  	_ =	shalt  }
0x77: {  	_ =	shalt  }
0x78: {  	_ =	shalt  }
0x79: {  	_ =	shalt  }
0x7a: {  	_ =	shalt  }
0x7b: {  	_ =	shalt  }
0x7c: {  	_ =	shalt  }
0x7d: {  	_ =	shalt  }
0x7e: {  	_ =	shalt  }
0x7f: {  	_ =	shalt  }
0x80: {  	_ =	shalt  }
0x81: {  	_ =	shalt  }
0x82: {  	_ =	shalt  }
0x83: {  	_ =	shalt  }
0x84: {  	_ =	shalt  }
0x85: {  	_ =	shalt  }
0x86: {  	_ =	shalt  }
0x87: {  	_ =	shalt  }
.Lfunc_end0:
.L_simem_size_0:
called_computation_lowered:
.L_overlay_start_0:
0x88: {  	s2 =	sld [smem:$0x3FD9]  }
0x89: {  	s3 =	sld [smem:$0x3FFE];
	_ =	sdelay $0x1  }
0x8a: {  	s1 =	srdreg.scid  }
0x8b: {  	s0 =	sand.u32 $0x1, s1  }
0x8c: {  	s17 =	sshll.u32 s0, $0xA;
	s2 =	sadd.s32 s3, s2  }
0x8d: {  	s2 =	sadd.s32 s2, s17  }
0x8e: {  	[smem:$0x3FBC] =	sst s2  }
0x8f: {  	_ = 	snop  }
0x90: {  	s2 =	sld [smem:$0x3FD0];
	(tm) =	ssettm $0x1  }
0x91: {  	s18 =	sld [smem:$0x3FFB];
	_ =	sdelay $0x3  }
0x92: {  	_ =	strace s18  }
0x93: {  	s3 =	sld [smem:$0x3FFC];
	_ =	sdelay $0x3  }
0x94: {  	_ =	strace s3  }
0x95: {  	s3 =	sld [smem:$0x3FFD];
	_ =	sdelay $0x3  }
0x96: {  	_ =	strace s3  }
0x97: {  	_ =	strace $0x8FFFFFFF  }
0x98: {  	s19 =	sld [smem:$0x3FDB];
	_ =	sdelay $0x1  }
0x99: {  	s4 =	simm.s32 $_scs_section_size  }
0x9a: {  	s5 =	simm.s32 $_size__tile_overlayer_lowered;
	s6 =	simm.s32 $_tile_overlayer_lowered  }
0x9b: {  	s22 =	simm.s32 $0x1BFF;
	s21 =	sshll.u32 s6, $0x1;
	s3 =	sadd.s32 s4, s19  }
0x9c: {  	s7 =	simm.s32 $0x0;
	s20 =	sshll.u32 s5, $0x1;
	s5 =	sadd.s32 s21, s3  }
0x9d: {  	[timem:s7], [sflag:s22] =	dma.local [hbm:s5], s20  }
0x9e: {  	_ =	swait.ge [sflag:s22], s20  }
0x9f: {  	s4 =	ssub.s32 $0x0, s20;
	[sflag:s22] =	ssyncset.done $0x0  }
0xa0: {  	[sflag:s22] =	ssyncadd.s32 s4;
	_ =	sdelay $0x1  }
0xa1: {  	s23 =	simm.s32 $0x1B8B  }
0xa2: {  	_ =	swait.ge [sflag:s23], $0x1  }
0xa3: {  	[sflag:s23] =	ssyncset.done $0x0  }
0xa4: {  	s25 =	simm.s32 $0x1B8E;
	s24 =	sld [smem:$0x3FFE];
	[sflag:s23] =	ssyncadd.s32 $0xFFFFFFFF  }
0xa5: {  	s26 =	simm.s32 $execute0_lowered;
	[smem:$0x3FD2] =	sst s25  }
0xa6: {  	s5 =	sshll.u32 s26, $0x1;
	_ =	strace $0x80000046;
	[dreg:$0x1] =	wrdreg $0xFFFFFFFF  }
0xa7: {  	s28 =	simm.s32 $_size_execute0_lowered;
	s3 =	sadd.s32 s3, s5;
	[dreg:$0x0] =	wrdreg $0x0  }
0xa8: {  	s5 =	sshll.u32 s28, $0x1;
	[dreg:$0x2] =	wrdreg s3  }
0xa9: {  	[dreg:$0x3] =	wrdreg s5  }
0xaa: {  	[dreg:$0x4] =	wrdreg $0xC0  }
0xab: {  	_ =	task [dreg:s7], $0x5FFFF  }
0xac: {  	[dreg:$0x1] =	wrdreg $0xFFFFFFFF  }
0xad: {  	[dreg:$0x0] =	wrdreg $0x60  }
0xae: {  	[dreg:$0x2] =	wrdreg s24  }
0xaf: {  	[dreg:$0x3] =	wrdreg s2  }
0xb0: {  	[dreg:$0x4] =	wrdreg $0xD4000  }
0xb1: {  	[dreg:$0x5] =	wrdreg $0x9  }
0xb2: {  	_ =	task.clear_ibuf [dreg:s7], $0x6FFFF;
	_ =	strace $0x90000046  }
0xb3: {  	s29 =	simm.s32 $0x9;
	_ =	strace $0x80000048  }
0xb4: {  	_ =	swait.ge [sflag:s29], $0x1  }
0xb5: {  	[sflag:s29] =	ssyncadd.s32 $0xFFFFFFFF  }
0xb6: {  	_ =	strace $0x90000048  }
0xb7: {  	_ =	sfence  }
0xb8: {  	s30 =	sld [smem:$0x0];
	_ =	sdelay $0x2  }
0xb9: {  	s31 =	sshll.u32 s1, $0xD;
	s1 =	sshrl.u32 s1, $0x2  }
0xba: {  	s3 =	sand.u32 $0x4000, s31;
	s1 =	sadd.s32 s1, s30  }
0xbb: {  	s0 =	sor.u32 s3, s0;
	s1 =	sshll.u32 s1, $0x11  }
0xbc: {  	s0 =	sor.u32 s1, s0  }
0xbd: {  	s0 =	sadd.s32 $0x8F2B, s0  }
0xbe: {  	[sflag:s0] =	ssyncadd.remote.s32 $0x1  }
0xbf: {  	_ =	sfence.sel $0xFFFF  }
0xc0: {  	[dreg:$0x0] =	wrdreg $0xFFFFFFFF;
	(pc) =	sbr.abs _section_cstart, $3  }
0xc1: {  	[dreg:$0x1] =	wrdreg $0xFFFFFFFF  }
0xc2: {  	_ =	task.clear_ibuf [dreg:s7], $0x2FFFF;
	_ =	strace $0x9FFFFFFF  }
0xc3: {  	(tm) =	ssettm $0x7FFFFFFF  }
tec
execute0_lowered:
.L_overlay_start_1:
0x0: {  	(tag) =	ssettag $0x1  }
0x1: {  	s0 =	rddreg [dreg:$0x0];
	s1 =	stileid.u32  }
0x2: {  	s6 =	rddreg [dreg:$0x1];
	s4 =	smul.u32 $0x64000, s1  }
0x3: {  	s2 =	rddreg [dreg:$0x2];
	s3 =	simm.s32 $0x0;
	s5 =	smul.u32 $0x380, s1  }
0x4: {  	s7 =	srdreg.scid;
	s23 =	smul.u32 $0x31000, s1;
	s9 =	sadd.s32 $0x649400, s0  }
0x5: {  	[smem:$0x7FF] =	sst s3;
	s13 =	smul.u32 $0xC400, s1;
	s17 =	sadd.s32 $0x76F400, s0  }
0x6: {  	s7 =	sand.u32 $0x1, s7;
	s19 =	sadd.s32 $0x70D400, s0;
	_ =	strace $0x80000047  }
0x7: {  	s10 =	ssub.s32 $0x2, s7;
	p0 =	seq.s32 s7, $0x0;
	p1 =	sne.s32 s7, $0x0  }
0x8: {  	s8 =	sadd.s32 s4, s0;
	s5 =	sadd.s32 s5, s0;
	s11 =	sshrl.u32 s10, $0x1  }
0x9: {  	s12 =	sshrl.u32 s23, $0x2;
	s24 =	sshrl.u32 s13, $0x3;
	s13 =	smul.u32 $0x1880, s1  }
0xa: {  	s0 =	sadd.s32 $0x6AB400, s0;
	s19 =	smov.u32 @p0 s9;
	s10 =	ssub.s32 s10, s11  }
0xb: {  	s4 =	sadd.s32 $0x5C00, s5;
	s5 =	sadd.s32 s12, s2;
	s11 =	sshll.u32 s7, $0x8  }
0xc: {  	s14 =	sadd.s32 $0xC4000, s24;
	s15 =	sadd.s32 s9, s24;
	s7 =	simm.s32 $0x400  }
0xd: {  	s25 =	sadd.s32 s6, s13;
	s16 =	sadd.s32 $0x18800, s13;
	s14 =	smov.u32 @p0 s13  }
0xe: {  	s28 =	sadd.s32 $0x5400, s5;
	s29 =	sadd.s32 $0x7000, s5;
	s30 =	sadd.s32 $0x8C00, s5  }
0xf: {  	s31 =	sadd.s32 $0xA800, s5;
	[dreg:$0x4] =	wrdreg s25;
	s26 =	sadd.s32 s16, s17  }
0x10: {  	s18 =	sadd.s32 s16, s0;
	s20 =	sadd.s32 s6, s16;
	s12 =	sadd.s32 s9, s14  }
0x11: {  	s25 =	sadd.s32 s11, s8;
	s8 =	simm.s32 $0x1000;
	[dreg:$0x5] =	wrdreg s26  }
0x12: {  	s9 =	simm.s32 $0x3800;
	s11 =	simm.s32 $0x9400;
	[dreg:$0x6] =	wrdreg s18  }
0x13: {  	[dreg:$0x7] =	wrdreg s20;
	s18 =	sadd.s32 $0x31000, s13;
	s26 =	sadd.s32 $0x126000, s15  }
0x14: {  	s13 =	sadd.s32 $0x49800, s13;
	s21 =	sadd.s32 s18, s17;
	[dreg:$0xe] =	wrdreg s26  }
0x15: {  	s20 =	sadd.s32 $0x1C00, s5;
	s22 =	sadd.s32 s6, s18;
	[dreg:$0x8] =	wrdreg s21  }
0x16: {  	s23 =	sadd.s32 s18, s0;
	s24 =	sadd.s32 s13, s17;
	[dreg:$0x9] =	wrdreg s22  }
0x17: {  	s6 =	sadd.s32 s6, s13;
	s0 =	sadd.s32 s13, s0;
	[dreg:$0xa] =	wrdreg s23  }
.Ltmp0:
0x18: {  	s17 =	sadd.s32 s19, s16;
	[dreg:$0xb] =	wrdreg s24;
	(pc) =	sbr.rel .LBB2_1-.Ltmp0, $4  }
0x19: {  	s18 =	sadd.s32 s19, s18;
	s19 =	sadd.s32 s19, s13;
	[dreg:$0xc] =	wrdreg s6  }
0x1a: {  	s26 =	sadd.s32 $0x3800, s5;
	[dreg:$0xd] =	wrdreg s0;
	s22 =	sadd.s32 $0x62000, s15  }
0x1b: {  	s23 =	smax.u32 s10, $0x1;
	s24 =	sadd.s32 $0x9400, s25;
	s25 =	sadd.s32 $0x9480, s25  }
0x1c: {  	v0 =	vimm.f32 $0.0e+00;
	v1 =	vimm.f32 $1.000000000e+00;
	s0 =	simm.s32 $0x1;
	s6 =	simm.s32 $0x7800;
	s10 =	simm.s32 $0x80  }
.LBB2_46:
0x1d: {  	s15 =	rddreg [dreg:$0xd]  }
0x1e: {  	[hbm:s15], [sflag:s13] =	dma.local [spmem:s14], $0x1880  }
0x1f: {  	_ =	swait.ge [sflag:s0], $0x1880  }
0x20: {  	[sflag:s0] =	ssyncset.done $0x0  }
0x21: {  	[sflag:s0] =	ssyncadd.s32 $0xFFFFE780  }
0x22: {  	[bflag:$0x0] =	sbarrier.arrive $0xFFFF  }
0x23: {  	[bflag:$0x0] =	sbarrier.arrive $0xFFFF  }
0x24: {  	[bflag:$0x0] =	sbarrier.arrive $0xFFFF  }
.LBB2_47:
0x25: {  	s3 =	sadd.s32 $0x1, s3  }
0x26: {  	p2 =	sne.s32 s3, s23  }
.Ltmp1:
0x27: {  	_ = 	snop;
	(pc) =	sbr.rel @!p2 .LBB2_48-.Ltmp1, $2  }
0x28: {  	_ =	sdelay $0x1  }
0x29: {  	[bflag:$0x0] =	sbarrier.arrive $0xFFFF;
	_ =	sdelay $0x1  }
.LBB2_1:
0x2a: {  	s13 =	simm.s32 $0x0;
	s14 =	simm.s32 $0x200  }
.LBB2_2:
0x2b: {  	p2 =	sne.s32 s14, $0x6E00;
	[tilespmem:s13+$0x7870] =	vst v0  }
0x2c: {  	[tilespmem:s13+$0x7800] =	vst v0  }
0x2d: {  	[tilespmem:s13+$0x7810] =	vst v0  }
.Ltmp2:
0x2e: {  	[tilespmem:s13+$0x7820] =	vst v0;
	(pc) =	sbr.rel @p2 .LBB2_2-.Ltmp2, $4  }
0x2f: {  	[tilespmem:s13+$0x7830] =	vst v0  }
0x30: {  	[tilespmem:s13+$0x7840] =	vst v0  }
0x31: {  	[tilespmem:s13+$0x7850] =	vst v0  }
0x32: {  	[tilespmem:s13+$0x7860] =	vst v0;
	s13 =	sshra.s32 s14, $0x2;
	s14 =	sadd.s32 $0x200, s14  }
0x33: {  	[tilespmem:s13+$0x7870] =	vst v0  }
0x34: {  	[tilespmem:s13+$0x7800] =	vst v0  }
0x35: {  	[tilespmem:s13+$0x7810] =	vst v0  }
0x36: {  	[tilespmem:s13+$0x7820] =	vst v0  }
0x37: {  	[tilespmem:s13+$0x7830] =	vst v0  }
0x38: {  	[tilespmem:s13+$0x7840] =	vst v0  }
0x39: {  	[tilespmem:s13+$0x7850] =	vst v0  }
0x3a: {  	[tilespmem:s13+$0x7860] =	vst v0;
	s13 =	simm.s32 $0x0;
	s14 =	simm.s32 $0x200  }
.LBB2_4:
0x3b: {  	p2 =	sne.s32 s14, $0xFE00;
	[tilespmem:s13+$0x9470] =	vst v1  }
0x3c: {  	[tilespmem:s13+$0x9400] =	vst v1  }
0x3d: {  	[tilespmem:s13+$0x9410] =	vst v1  }
.Ltmp3:
0x3e: {  	[tilespmem:s13+$0x9420] =	vst v1;
	(pc) =	sbr.rel @p2 .LBB2_4-.Ltmp3, $4  }
0x3f: {  	[tilespmem:s13+$0x9430] =	vst v1  }
0x40: {  	[tilespmem:s13+$0x9440] =	vst v1  }
0x41: {  	[tilespmem:s13+$0x9450] =	vst v1  }
0x42: {  	[tilespmem:s13+$0x9460] =	vst v1;
	s13 =	sshra.s32 s14, $0x2;
	s14 =	sadd.s32 $0x200, s14  }
0x43: {  	[tilespmem:s13+$0x9470] =	vst v1  }
0x44: {  	[tilespmem:s13+$0x9400] =	vst v1  }
0x45: {  	[tilespmem:s13+$0x9410] =	vst v1  }
0x46: {  	[tilespmem:s13+$0x9420] =	vst v1  }
0x47: {  	[tilespmem:s13+$0x9430] =	vst v1  }
0x48: {  	[tilespmem:s13+$0x9440] =	vst v1  }
0x49: {  	[tilespmem:s13+$0x9450] =	vst v1  }
0x4a: {  	[tilespmem:s13+$0x9460] =	vst v1;
	s21 =	simm.s32 $0x0  }
0x4b: {  	[tilespmem:s21], [sflag:$0x1] =	stream.linear.gather [hbm4b:s4+s21], $0x1C00, $0x38;
	[tilespmem:$0x19840] =	vst v63  }
0x4c: {  	_ =	swait.ge [sflag:s0], $0x1C00  }
0x4d: {  	[sflag:s0] =	ssyncset.done $0x0  }
0x4e: {  	s14 =	simm.s32 $0x0;
	[sflag:s0] =	ssyncadd.s32 $0xFFFFE400  }
0x4f: {  	v3 =	vld [tilespmem:s14+$0x70]  }
0x50: {  	v6 =	vld [tilespmem:s14+$0x0]  }
0x51: {  	v7 =	vld [tilespmem:s14+$0x10]  }
0x52: {  	v5 =	vld [tilespmem:s14+$0x20]  }
0x53: {  	v4 =	vld [tilespmem:s14+$0x30]  }
0x54: {  	v2 =	vld [tilespmem:s14+$0x40];
	v8 =	vmin.u32 v3, $0x1880  }
0x55: {  	v3 =	vld [tilespmem:s14+$0x50];
	v6 =	vmin.u32 v6, $0x1880;
	[tilespmem:s14+$0x1C70] =	vst v8  }
0x56: {  	s13 =	simm.s32 $0x80;
	s15 =	simm.s32 $0x400;
	v7 =	vmin.u32 v7, $0x1880;
	[tilespmem:s14+$0x1C00] =	vst v6;
	v6 =	vld [tilespmem:s14+$0x60]  }
.LBB2_6:
0x57: {  	p2 =	sne.s32 s15, $0x6200;
	v8 =	vld [tilespmem:s13+$0x70];
	[tilespmem:s14+$0x1C10] =	vst v7;
	v5 =	vmin.u32 v5, $0x1880  }
0x58: {  	v7 =	vld [tilespmem:s13+$0x0];
	[tilespmem:s14+$0x1C20] =	vst v5;
	v4 =	vmin.u32 v4, $0x1880  }
0x59: {  	v9 =	vld [tilespmem:s13+$0x10];
	[tilespmem:s14+$0x1C30] =	vst v4;
	v2 =	vmin.u32 v2, $0x1880  }
.Ltmp4:
0x5a: {  	v5 =	vld [tilespmem:s13+$0x20];
	[tilespmem:s14+$0x1C40] =	vst v2;
	v2 =	vmin.u32 v3, $0x1880;
	(pc) =	sbr.rel @p2 .LBB2_6-.Ltmp4, $4  }
0x5b: {  	v4 =	vld [tilespmem:s13+$0x30];
	[tilespmem:s14+$0x1C50] =	vst v2;
	v3 =	vmin.u32 v6, $0x1880  }
0x5c: {  	v2 =	vld [tilespmem:s13+$0x40];
	v6 =	vmin.u32 v8, $0x1880;
	[tilespmem:s14+$0x1C60] =	vst v3;
	s14 =	smov.u32 s13  }
0x5d: {  	v7 =	vmin.u32 v7, $0x1880;
	v3 =	vld [tilespmem:s14+$0x50];
	[tilespmem:s14+$0x1C70] =	vst v6  }
0x5e: {  	s13 =	sshra.s32 s15, $0x2;
	s15 =	sadd.s32 $0x200, s15;
	[tilespmem:s14+$0x1C00] =	vst v7;
	v7 =	vmin.u32 v9, $0x1880;
	v6 =	vld [tilespmem:s14+$0x60]  }
0x5f: {  	v8 =	vld [tilespmem:s13+$0x70];
	[tilespmem:s14+$0x1C10] =	vst v7;
	v5 =	vmin.u32 v5, $0x1880  }
0x60: {  	v7 =	vld [tilespmem:s13+$0x0];
	[tilespmem:s14+$0x1C20] =	vst v5;
	v4 =	vmin.u32 v4, $0x1880  }
0x61: {  	v5 =	vld [tilespmem:s13+$0x10];
	[tilespmem:s14+$0x1C30] =	vst v4;
	v2 =	vmin.u32 v2, $0x1880  }
0x62: {  	v4 =	vld [tilespmem:s13+$0x20];
	[tilespmem:s14+$0x1C40] =	vst v2;
	v2 =	vmin.u32 v3, $0x1880  }
0x63: {  	v3 =	vld [tilespmem:s13+$0x30];
	[tilespmem:s14+$0x1C50] =	vst v2;
	v2 =	vmin.u32 v6, $0x1880  }
0x64: {  	v61 =	vld [tilespmem:s13+$0x40];
	[tilespmem:s14+$0x1C60] =	vst v2;
	v2 =	vmin.u32 v8, $0x1880  }
0x65: {  	v62 =	vld [tilespmem:s13+$0x50];
	v7 =	vmin.u32 v7, $0x1880;
	[tilespmem:s13+$0x1C70] =	vst v2  }
0x66: {  	v63 =	vld [tilespmem:s13+$0x60];
	[tilespmem:s13+$0x1C00] =	vst v7;
	v2 =	vmin.u32 v5, $0x1880  }
0x67: {  	[tilespmem:s13+$0x1C10] =	vst v2;
	v2 =	vmin.u32 v4, $0x1880  }
0x68: {  	[tilespmem:s13+$0x1C20] =	vst v2;
	v2 =	vmin.u32 v3, $0x1880  }
0x69: {  	[tilespmem:s13+$0x1C30] =	vst v2;
	v2 =	vmin.u32 v61, $0x1880  }
0x6a: {  	[tilespmem:s13+$0x1C40] =	vst v2;
	v2 =	vmin.u32 v62, $0x1880  }
0x6b: {  	[tilespmem:s13+$0x1C50] =	vst v2;
	v2 =	vmin.u32 v63, $0x1880  }
0x6c: {  	[tilespmem:s13+$0x1C60] =	vst v2  }
0x6d: {  	[spmem:s5] =	stream.linear.scatter [tilespmem:s6], [sflag:$0x1], $0x1C00, $0x38;
	[tilespmem:$0x19840] =	vst v63  }
0x6e: {  	_ =	swait.ge [sflag:s0], $0x1C00  }
0x6f: {  	[sflag:s0] =	ssyncset.done $0x0  }
0x70: {  	[sflag:s0] =	ssyncadd.s32 $0xFFFFE400  }
0x71: {  	[spmem:s20] =	stream.linear.scatter [tilespmem:s6], [sflag:$0x1], $0x1C00, $0x38;
	[tilespmem:$0x19840] =	vst v63  }
0x72: {  	_ =	swait.ge [sflag:s0], $0x1C00  }
0x73: {  	[sflag:s0] =	ssyncset.done $0x0  }
0x74: {  	[sflag:s0] =	ssyncadd.s32 $0xFFFFE400  }
0x75: {  	[spmem:s26] =	stream.linear.scatter [tilespmem:s6], [sflag:$0x1], $0x1C00, $0x38;
	[tilespmem:$0x19840] =	vst v63  }
0x76: {  	_ =	swait.ge [sflag:s0], $0x1C00  }
0x77: {  	[sflag:s0] =	ssyncset.done $0x0  }
0x78: {  	[sflag:s0] =	ssyncadd.s32 $0xFFFFE400  }
0x79: {  	[spmem:s28] =	stream.linear.scatter [tilespmem:s6], [sflag:$0x1], $0x1C00, $0x38;
	[tilespmem:$0x19840] =	vst v63  }
0x7a: {  	_ =	swait.ge [sflag:s0], $0x1C00  }
0x7b: {  	[sflag:s0] =	ssyncset.done $0x0  }
0x7c: {  	[sflag:s0] =	ssyncadd.s32 $0xFFFFE400  }
0x7d: {  	[spmem:s29] =	stream.linear.scatter [tilespmem:s6], [sflag:$0x1], $0x1C00, $0x38;
	[tilespmem:$0x19840] =	vst v63  }
0x7e: {  	_ =	swait.ge [sflag:s0], $0x1C00  }
0x7f: {  	[sflag:s0] =	ssyncset.done $0x0  }
0x80: {  	[sflag:s0] =	ssyncadd.s32 $0xFFFFE400  }
0x81: {  	[spmem:s30] =	stream.linear.scatter [tilespmem:s6], [sflag:$0x1], $0x1C00, $0x38;
	[tilespmem:$0x19840] =	vst v63  }
0x82: {  	_ =	swait.ge [sflag:s0], $0x1C00  }
0x83: {  	[sflag:s0] =	ssyncset.done $0x0  }
0x84: {  	[sflag:s0] =	ssyncadd.s32 $0xFFFFE400  }
0x85: {  	[spmem:s31] =	stream.linear.scatter [tilespmem:s6], [sflag:$0x1], $0x1C00, $0x38;
	[tilespmem:$0x19840] =	vst v63  }
0x86: {  	_ =	swait.ge [sflag:s0], $0x1C00  }
0x87: {  	[sflag:s0] =	ssyncset.done $0x0  }
0x88: {  	[sflag:s0] =	ssyncadd.s32 $0xFFFFE400  }
0x89: {  	[bflag:$0x0] =	sbarrier.arrive $0xFFFF  }
0x8a: {  	[tilespmem:s9], [sflag:$0x1] =	stream.strided.gather [hbm4b:s24+s7], $0x4000, s8, s7, $0x38;
	[tilespmem:$0x19840] =	vst v63  }
0x8b: {  	_ =	swait.ge [sflag:s0], $0x4000  }
0x8c: {  	[sflag:s0] =	ssyncset.done $0x0  }
0x8d: {  	s21 =	simm.s32 $0x1C00;
	[sflag:s0] =	ssyncadd.s32 $0xFFFFC000  }
0x8e: {  	[spmem:s2] =	stream.indirect.scatter.add.f32 [tilespmem:s9], [sflag:$0x1], $0x80, s21, s10, $0xb8;
	[tilespmem:$0x19840] =	vst v63  }
0x8f: {  	_ =	swait.ge [sflag:s0], $0x4000  }
0x90: {  	s14 =	smov.u32 s24;
	s13 =	simm.s32 $0x200;
	[sflag:s0] =	ssyncset.done $0x0  }
.LBB2_8:
0x91: {  	p2 =	sne.s32 s13, $0x6200;
	[sflag:s0] =	ssyncadd.s32 $0xFFFFC000;
	s14 =	sadd.s32 $0x2000, s14  }
0x92: {  	[tilespmem:s9], [sflag:$0x1] =	stream.strided.gather [hbm4b:s14+s7], $0x4000, s8, s7, $0x38;
	[tilespmem:$0x19840] =	vst v63  }
0x93: {  	s15 =	smov.u32 s13;
	s13 =	sadd.s32 $0x200, s13;
	_ =	swait.ge [sflag:s0], $0x4000  }
.Ltmp5:
0x94: {  	s15 =	sshra.s32 s15, $0x2;
	[sflag:s0] =	ssyncset.done $0x0;
	(pc) =	sbr.rel @p2 .LBB2_8-.Ltmp5, $4  }
0x95: {  	s15 =	sadd.s32 $0x1C00, s15;
	[sflag:s0] =	ssyncadd.s32 $0xFFFFC000  }
0x96: {  	[spmem:s2] =	stream.indirect.scatter.add.f32 [tilespmem:s9], [sflag:$0x1], $0x80, s15, s10, $0xb8;
	[tilespmem:$0x19840] =	vst v63  }
0x97: {  	_ =	swait.ge [sflag:s0], $0x4000  }
0x98: {  	[sflag:s0] =	ssyncset.done $0x0  }
0x99: {  	[sflag:s0] =	ssyncadd.s32 $0xFFFFC000;
	s13 =	sshll.u32 s1, $0x6  }
0x9a: {  	s14 =	sshrl.u32 s5, $0x3;
	[bflag:$0x0] =	sbarrier.arrive $0xFFFF;
	s13 =	sor.u32 $0x1C01, s13  }
0x9b: {  	[hbm:s12], [sflag:s13] =	dma.local [spmem:s14], $0x1880  }
0x9c: {  	_ =	swait.ge [sflag:s0], $0x1880  }
0x9d: {  	[sflag:s0] =	ssyncset.done $0x0  }
0x9e: {  	[sflag:s0] =	ssyncadd.s32 $0xFFFFE780  }
0x9f: {  	[bflag:$0x0] =	sbarrier.arrive $0xFFFF  }
0xa0: {  	[spmem:s5] =	stream.linear.scatter [tilespmem:s6], [sflag:$0x1], $0x1C00, $0x38;
	[tilespmem:$0x19840] =	vst v63  }
0xa1: {  	_ =	swait.ge [sflag:s0], $0x1C00  }
0xa2: {  	[sflag:s0] =	ssyncset.done $0x0  }
0xa3: {  	[sflag:s0] =	ssyncadd.s32 $0xFFFFE400  }
0xa4: {  	[spmem:s20] =	stream.linear.scatter [tilespmem:s6], [sflag:$0x1], $0x1C00, $0x38;
	[tilespmem:$0x19840] =	vst v63  }
0xa5: {  	_ =	swait.ge [sflag:s0], $0x1C00  }
0xa6: {  	[sflag:s0] =	ssyncset.done $0x0  }
0xa7: {  	[sflag:s0] =	ssyncadd.s32 $0xFFFFE400  }
0xa8: {  	[spmem:s26] =	stream.linear.scatter [tilespmem:s6], [sflag:$0x1], $0x1C00, $0x38;
	[tilespmem:$0x19840] =	vst v63  }
0xa9: {  	_ =	swait.ge [sflag:s0], $0x1C00  }
0xaa: {  	[sflag:s0] =	ssyncset.done $0x0  }
0xab: {  	[sflag:s0] =	ssyncadd.s32 $0xFFFFE400  }
0xac: {  	[spmem:s28] =	stream.linear.scatter [tilespmem:s6], [sflag:$0x1], $0x1C00, $0x38;
	[tilespmem:$0x19840] =	vst v63  }
0xad: {  	_ =	swait.ge [sflag:s0], $0x1C00  }
0xae: {  	[sflag:s0] =	ssyncset.done $0x0  }
0xaf: {  	[sflag:s0] =	ssyncadd.s32 $0xFFFFE400  }
0xb0: {  	[spmem:s29] =	stream.linear.scatter [tilespmem:s6], [sflag:$0x1], $0x1C00, $0x38;
	[tilespmem:$0x19840] =	vst v63  }
0xb1: {  	_ =	swait.ge [sflag:s0], $0x1C00  }
0xb2: {  	[sflag:s0] =	ssyncset.done $0x0  }
0xb3: {  	[sflag:s0] =	ssyncadd.s32 $0xFFFFE400  }
0xb4: {  	[spmem:s30] =	stream.linear.scatter [tilespmem:s6], [sflag:$0x1], $0x1C00, $0x38;
	[tilespmem:$0x19840] =	vst v63  }
0xb5: {  	_ =	swait.ge [sflag:s0], $0x1C00  }
0xb6: {  	[sflag:s0] =	ssyncset.done $0x0  }
0xb7: {  	[sflag:s0] =	ssyncadd.s32 $0xFFFFE400  }
0xb8: {  	[spmem:s31] =	stream.linear.scatter [tilespmem:s6], [sflag:$0x1], $0x1C00, $0x38;
	[tilespmem:$0x19840] =	vst v63  }
0xb9: {  	_ =	swait.ge [sflag:s0], $0x1C00  }
0xba: {  	[sflag:s0] =	ssyncset.done $0x0  }
0xbb: {  	[sflag:s0] =	ssyncadd.s32 $0xFFFFE400  }
0xbc: {  	[bflag:$0x0] =	sbarrier.arrive $0xFFFF  }
0xbd: {  	[tilespmem:s9], [sflag:$0x1] =	stream.strided.gather [hbm4b:s25+s7], $0x4000, s8, s7, $0x38;
	[tilespmem:$0x19840] =	vst v63  }
0xbe: {  	_ =	swait.ge [sflag:s0], $0x4000  }
0xbf: {  	[sflag:s0] =	ssyncset.done $0x0  }
0xc0: {  	s15 =	simm.s32 $0x1C00;
	[sflag:s0] =	ssyncadd.s32 $0xFFFFC000  }
0xc1: {  	[spmem:s2] =	stream.indirect.scatter.add.f32 [tilespmem:s9], [sflag:$0x1], $0x80, s15, s10, $0xb8;
	[tilespmem:$0x19840] =	vst v63  }
0xc2: {  	_ =	swait.ge [sflag:s0], $0x4000  }
0xc3: {  	s16 =	smov.u32 s25;
	s15 =	simm.s32 $0x200;
	[sflag:s0] =	ssyncset.done $0x0  }
.LBB2_10:
0xc4: {  	p2 =	sne.s32 s15, $0x6200;
	[sflag:s0] =	ssyncadd.s32 $0xFFFFC000;
	s16 =	sadd.s32 $0x2000, s16  }
0xc5: {  	[tilespmem:s9], [sflag:$0x1] =	stream.strided.gather [hbm4b:s16+s7], $0x4000, s8, s7, $0x38;
	[tilespmem:$0x19840] =	vst v63  }
0xc6: {  	s21 =	smov.u32 s15;
	s15 =	sadd.s32 $0x200, s15;
	_ =	swait.ge [sflag:s0], $0x4000  }
.Ltmp6:
0xc7: {  	s21 =	sshra.s32 s21, $0x2;
	[sflag:s0] =	ssyncset.done $0x0;
	(pc) =	sbr.rel @p2 .LBB2_10-.Ltmp6, $4  }
0xc8: {  	s21 =	sadd.s32 $0x1C00, s21;
	[sflag:s0] =	ssyncadd.s32 $0xFFFFC000  }
0xc9: {  	[spmem:s2] =	stream.indirect.scatter.add.f32 [tilespmem:s9], [sflag:$0x1], $0x80, s21, s10, $0xb8;
	[tilespmem:$0x19840] =	vst v63  }
0xca: {  	_ =	swait.ge [sflag:s0], $0x4000  }
0xcb: {  	[sflag:s0] =	ssyncset.done $0x0  }
.Ltmp7:
0xcc: {  	(pc) =	sbr.rel @p1 .LBB2_49-.Ltmp7, $3  }
0xcd: {  	_ = 	snop  }
0xce: {  	[sflag:s0] =	ssyncadd.s32 $0xFFFFC000  }
0xcf: {  	[bflag:$0x0] =	sbarrier.arrive $0xFFFF;
	_ =	sdelay $0x1  }
0xd0: {  	[hbm:s22], [sflag:s13] =	dma.local [spmem:s14], $0x1880  }
0xd1: {  	_ =	swait.ge [sflag:s0], $0x1880  }
0xd2: {  	[sflag:s0] =	ssyncset.done $0x0  }
0xd3: {  	[sflag:s0] =	ssyncadd.s32 $0xFFFFE780  }
0xd4: {  	[bflag:$0x0] =	sbarrier.arrive $0xFFFF  }
0xd5: {  	[spmem:s5] =	stream.linear.scatter [tilespmem:s6], [sflag:$0x1], $0x1C00, $0x38;
	[tilespmem:$0x19840] =	vst v63  }
0xd6: {  	_ =	swait.ge [sflag:s0], $0x1C00  }
0xd7: {  	[sflag:s0] =	ssyncset.done $0x0  }
0xd8: {  	[sflag:s0] =	ssyncadd.s32 $0xFFFFE400  }
0xd9: {  	[spmem:s20] =	stream.linear.scatter [tilespmem:s6], [sflag:$0x1], $0x1C00, $0x38;
	[tilespmem:$0x19840] =	vst v63  }
0xda: {  	_ =	swait.ge [sflag:s0], $0x1C00  }
0xdb: {  	[sflag:s0] =	ssyncset.done $0x0  }
0xdc: {  	[sflag:s0] =	ssyncadd.s32 $0xFFFFE400  }
0xdd: {  	[spmem:s26] =	stream.linear.scatter [tilespmem:s6], [sflag:$0x1], $0x1C00, $0x38;
	[tilespmem:$0x19840] =	vst v63  }
0xde: {  	_ =	swait.ge [sflag:s0], $0x1C00  }
0xdf: {  	[sflag:s0] =	ssyncset.done $0x0  }
0xe0: {  	[sflag:s0] =	ssyncadd.s32 $0xFFFFE400  }
0xe1: {  	[spmem:s28] =	stream.linear.scatter [tilespmem:s6], [sflag:$0x1], $0x1C00, $0x38;
	[tilespmem:$0x19840] =	vst v63  }
0xe2: {  	_ =	swait.ge [sflag:s0], $0x1C00  }
0xe3: {  	[sflag:s0] =	ssyncset.done $0x0  }
0xe4: {  	[sflag:s0] =	ssyncadd.s32 $0xFFFFE400  }
0xe5: {  	[spmem:s29] =	stream.linear.scatter [tilespmem:s6], [sflag:$0x1], $0x1C00, $0x38;
	[tilespmem:$0x19840] =	vst v63  }
0xe6: {  	_ =	swait.ge [sflag:s0], $0x1C00  }
0xe7: {  	[sflag:s0] =	ssyncset.done $0x0  }
0xe8: {  	[sflag:s0] =	ssyncadd.s32 $0xFFFFE400  }
0xe9: {  	[spmem:s30] =	stream.linear.scatter [tilespmem:s6], [sflag:$0x1], $0x1C00, $0x38;
	[tilespmem:$0x19840] =	vst v63  }
0xea: {  	_ =	swait.ge [sflag:s0], $0x1C00  }
0xeb: {  	[sflag:s0] =	ssyncset.done $0x0  }
0xec: {  	[sflag:s0] =	ssyncadd.s32 $0xFFFFE400  }
0xed: {  	[spmem:s31] =	stream.linear.scatter [tilespmem:s6], [sflag:$0x1], $0x1C00, $0x38;
	[tilespmem:$0x19840] =	vst v63  }
0xee: {  	_ =	swait.ge [sflag:s0], $0x1C00  }
0xef: {  	[sflag:s0] =	ssyncset.done $0x0  }
0xf0: {  	[sflag:s0] =	ssyncadd.s32 $0xFFFFE400  }
0xf1: {  	s15 =	simm.s32 $0x1C00;
	[bflag:$0x0] =	sbarrier.arrive $0xFFFF  }
0xf2: {  	[spmem:s2] =	stream.indirect.scatter.add.f32 [tilespmem:s11], [sflag:$0x1], $0x80, s15, s10, $0xb8;
	[tilespmem:$0x19840] =	vst v63  }
0xf3: {  	s15 =	simm.s32 $0x200;
	_ =	swait.ge [sflag:s0], $0x4000  }
.LBB2_13:
0xf4: {  	s16 =	sshra.s32 s15, $0x2;
	[sflag:s0] =	ssyncset.done $0x0;
	p2 =	seq.s32 s15, $0x6200  }
.Ltmp8:
0xf5: {  	s16 =	sadd.s32 $0x1C00, s16;
	[sflag:s0] =	ssyncadd.s32 $0xFFFFC000;
	(pc) =	sbr.rel @!p2 .LBB2_13-.Ltmp8, $3  }
0xf6: {  	[spmem:s2] =	stream.indirect.scatter.add.f32 [tilespmem:s11], [sflag:$0x1], $0x80, s16, s10, $0xb8;
	[tilespmem:$0x19840] =	vst v63  }
0xf7: {  	s15 =	sadd.s32 $0x200, s15;
	_ =	sdelay $0x1  }
0xf8: {  	_ =	swait.ge [sflag:s0], $0x4000  }
0xf9: {  	[sflag:s0] =	ssyncset.done $0x0  }
0xfa: {  	[sflag:s0] =	ssyncadd.s32 $0xFFFFC000  }
0xfb: {  	[bflag:$0x0] =	sbarrier.arrive $0xFFFF  }
.Ltmp9:
0xfc: {  	s15 =	rddreg [dreg:$0x4];
	(pc) =	sbr.rel .LBB2_15-.Ltmp9, $4  }
0xfd: {  	[hbm:s15], [sflag:s13] =	dma.local [spmem:s14], $0x1880  }
0xfe: {  	_ =	swait.ge [sflag:s0], $0x1880  }
0xff: {  	[sflag:s0] =	ssyncset.done $0x0  }
0x100: {  	[sflag:s0] =	ssyncadd.s32 $0xFFFFE780  }
.LBB2_49:
0x101: {  	s15 =	rddreg [dreg:$0xe]  }
0x102: {  	[hbm:s15], [sflag:s13] =	dma.local [spmem:s14], $0x1880  }
0x103: {  	_ =	swait.ge [sflag:s0], $0x1880  }
0x104: {  	[sflag:s0] =	ssyncset.done $0x0  }
0x105: {  	[sflag:s0] =	ssyncadd.s32 $0xFFFFE780  }
0x106: {  	[bflag:$0x0] =	sbarrier.arrive $0xFFFF  }
0x107: {  	[bflag:$0x0] =	sbarrier.arrive $0xFFFF  }
0x108: {  	[bflag:$0x0] =	sbarrier.arrive $0xFFFF  }
.LBB2_15:
0x109: {  	[bflag:$0x0] =	sbarrier.arrive $0xFFFF;
	s16 =	simm.s32 $0x0  }
0x10a: {  	v2 =	vld [tilespmem:s16+$0x70]  }
0x10b: {  	v4 =	vld [tilespmem:s16+$0x0]  }
0x10c: {  	v8 =	vld [tilespmem:s16+$0x10]  }
0x10d: {  	v6 =	vld [tilespmem:s16+$0x20]  }
0x10e: {  	v5 =	vld [tilespmem:s16+$0x30]  }
0x10f: {  	v3 =	vld [tilespmem:s16+$0x40];
	v7 =	vadd.s32 $0xFFFFE780, v2  }
0x110: {  	v2 =	vld [tilespmem:s16+$0x50];
	v9 =	vadd.s32 $0xFFFFE780, v4;
	v10 =	vmin.u32 v7, $0x1880  }
0x111: {  	s15 =	simm.s32 $0x80;
	s21 =	simm.s32 $0x400;
	v4 =	vld [tilespmem:s16+$0x60];
	v8 =	vadd.s32 $0xFFFFE780, v8;
	v7 =	vmin.u32 v9, $0x1880;
	[tilespmem:s16+$0x1C70] =	vst v10  }
.LBB2_16:
0x112: {  	p2 =	sne.s32 s21, $0x6200;
	v9 =	vld [tilespmem:s15+$0x70];
	[tilespmem:s16+$0x1C00] =	vst v7;
	v7 =	vmin.u32 v8, $0x1880;
	v6 =	vadd.s32 $0xFFFFE780, v6  }
0x113: {  	v8 =	vld [tilespmem:s15+$0x0];
	[tilespmem:s16+$0x1C10] =	vst v7;
	v6 =	vmin.u32 v6, $0x1880;
	v5 =	vadd.s32 $0xFFFFE780, v5  }
0x114: {  	v10 =	vld [tilespmem:s15+$0x10];
	[tilespmem:s16+$0x1C20] =	vst v6;
	v5 =	vmin.u32 v5, $0x1880;
	v3 =	vadd.s32 $0xFFFFE780, v3  }
.Ltmp10:
0x115: {  	v6 =	vld [tilespmem:s15+$0x20];
	[tilespmem:s16+$0x1C30] =	vst v5;
	v3 =	vmin.u32 v3, $0x1880;
	v2 =	vadd.s32 $0xFFFFE780, v2;
	(pc) =	sbr.rel @p2 .LBB2_16-.Ltmp10, $4  }
0x116: {  	v5 =	vld [tilespmem:s15+$0x30];
	[tilespmem:s16+$0x1C40] =	vst v3;
	v2 =	vmin.u32 v2, $0x1880;
	v4 =	vadd.s32 $0xFFFFE780, v4  }
0x117: {  	v3 =	vld [tilespmem:s15+$0x40];
	v7 =	vadd.s32 $0xFFFFE780, v9;
	[tilespmem:s16+$0x1C50] =	vst v2;
	v4 =	vmin.u32 v4, $0x1880  }
0x118: {  	v8 =	vadd.s32 $0xFFFFE780, v8;
	v2 =	vld [tilespmem:s15+$0x50];
	v9 =	vmin.u32 v7, $0x1880;
	[tilespmem:s16+$0x1C60] =	vst v4;
	s16 =	smov.u32 s15  }
0x119: {  	s15 =	sshra.s32 s21, $0x2;
	s21 =	sadd.s32 $0x200, s21;
	v7 =	vmin.u32 v8, $0x1880;
	v8 =	vadd.s32 $0xFFFFE780, v10;
	v4 =	vld [tilespmem:s16+$0x60];
	[tilespmem:s16+$0x1C70] =	vst v9  }
0x11a: {  	v9 =	vld [tilespmem:s15+$0x70];
	[tilespmem:s16+$0x1C00] =	vst v7;
	v59 =	vmin.u32 v8, $0x1880;
	v6 =	vadd.s32 $0xFFFFE780, v6  }
0x11b: {  	v60 =	vld [tilespmem:s15+$0x0];
	[tilespmem:s16+$0x1C10] =	vst v59;
	v6 =	vmin.u32 v6, $0x1880;
	v5 =	vadd.s32 $0xFFFFE780, v5  }
0x11c: {  	v7 =	vld [tilespmem:s15+$0x10];
	[tilespmem:s16+$0x1C20] =	vst v6;
	v5 =	vmin.u32 v5, $0x1880;
	v3 =	vadd.s32 $0xFFFFE780, v3  }
0x11d: {  	v6 =	vld [tilespmem:s15+$0x20];
	[tilespmem:s16+$0x1C30] =	vst v5;
	v3 =	vmin.u32 v3, $0x1880;
	v2 =	vadd.s32 $0xFFFFE780, v2  }
0x11e: {  	v5 =	vld [tilespmem:s15+$0x30];
	[tilespmem:s16+$0x1C40] =	vst v3;
	v2 =	vmin.u32 v2, $0x1880;
	v4 =	vadd.s32 $0xFFFFE780, v4  }
0x11f: {  	v3 =	vld [tilespmem:s15+$0x40];
	[tilespmem:s16+$0x1C50] =	vst v2;
	v2 =	vmin.u32 v4, $0x1880;
	v9 =	vadd.s32 $0xFFFFE780, v9  }
0x120: {  	v61 =	vld [tilespmem:s15+$0x50];
	[tilespmem:s16+$0x1C60] =	vst v2;
	v2 =	vadd.s32 $0xFFFFE780, v60;
	v62 =	vmin.u32 v9, $0x1880  }
0x121: {  	v63 =	vld [tilespmem:s15+$0x60];
	v2 =	vmin.u32 v2, $0x1880;
	v7 =	vadd.s32 $0xFFFFE780, v7;
	[tilespmem:s15+$0x1C70] =	vst v62  }
0x122: {  	[tilespmem:s15+$0x1C00] =	vst v2;
	v2 =	vmin.u32 v7, $0x1880;
	v6 =	vadd.s32 $0xFFFFE780, v6  }
0x123: {  	[tilespmem:s15+$0x1C10] =	vst v2;
	v2 =	vmin.u32 v6, $0x1880;
	v5 =	vadd.s32 $0xFFFFE780, v5  }
0x124: {  	[tilespmem:s15+$0x1C20] =	vst v2;
	v2 =	vmin.u32 v5, $0x1880;
	v3 =	vadd.s32 $0xFFFFE780, v3  }
0x125: {  	[tilespmem:s15+$0x1C30] =	vst v2;
	v2 =	vmin.u32 v3, $0x1880;
	v3 =	vadd.s32 $0xFFFFE780, v61  }
0x126: {  	[tilespmem:s15+$0x1C40] =	vst v2;
	v2 =	vmin.u32 v3, $0x1880;
	v3 =	vadd.s32 $0xFFFFE780, v63  }
0x127: {  	[tilespmem:s15+$0x1C50] =	vst v2;
	v2 =	vmin.u32 v3, $0x1880  }
0x128: {  	[tilespmem:s15+$0x1C60] =	vst v2  }
0x129: {  	[spmem:s5] =	stream.linear.scatter [tilespmem:s6], [sflag:$0x1], $0x1C00, $0x38;
	[tilespmem:$0x19840] =	vst v63  }
0x12a: {  	_ =	swait.ge [sflag:s0], $0x1C00  }
0x12b: {  	[sflag:s0] =	ssyncset.done $0x0  }
0x12c: {  	[sflag:s0] =	ssyncadd.s32 $0xFFFFE400  }
0x12d: {  	[spmem:s20] =	stream.linear.scatter [tilespmem:s6], [sflag:$0x1], $0x1C00, $0x38;
	[tilespmem:$0x19840] =	vst v63  }
0x12e: {  	_ =	swait.ge [sflag:s0], $0x1C00  }
0x12f: {  	[sflag:s0] =	ssyncset.done $0x0  }
0x130: {  	[sflag:s0] =	ssyncadd.s32 $0xFFFFE400  }
0x131: {  	[spmem:s26] =	stream.linear.scatter [tilespmem:s6], [sflag:$0x1], $0x1C00, $0x38;
	[tilespmem:$0x19840] =	vst v63  }
0x132: {  	_ =	swait.ge [sflag:s0], $0x1C00  }
0x133: {  	[sflag:s0] =	ssyncset.done $0x0  }
0x134: {  	[sflag:s0] =	ssyncadd.s32 $0xFFFFE400  }
0x135: {  	[spmem:s28] =	stream.linear.scatter [tilespmem:s6], [sflag:$0x1], $0x1C00, $0x38;
	[tilespmem:$0x19840] =	vst v63  }
0x136: {  	_ =	swait.ge [sflag:s0], $0x1C00  }
0x137: {  	[sflag:s0] =	ssyncset.done $0x0  }
0x138: {  	[sflag:s0] =	ssyncadd.s32 $0xFFFFE400  }
0x139: {  	[spmem:s29] =	stream.linear.scatter [tilespmem:s6], [sflag:$0x1], $0x1C00, $0x38;
	[tilespmem:$0x19840] =	vst v63  }
0x13a: {  	_ =	swait.ge [sflag:s0], $0x1C00  }
0x13b: {  	[sflag:s0] =	ssyncset.done $0x0  }
0x13c: {  	[sflag:s0] =	ssyncadd.s32 $0xFFFFE400  }
0x13d: {  	[spmem:s30] =	stream.linear.scatter [tilespmem:s6], [sflag:$0x1], $0x1C00, $0x38;
	[tilespmem:$0x19840] =	vst v63  }
0x13e: {  	_ =	swait.ge [sflag:s0], $0x1C00  }
0x13f: {  	[sflag:s0] =	ssyncset.done $0x0  }
0x140: {  	[sflag:s0] =	ssyncadd.s32 $0xFFFFE400  }
0x141: {  	[spmem:s31] =	stream.linear.scatter [tilespmem:s6], [sflag:$0x1], $0x1C00, $0x38;
	[tilespmem:$0x19840] =	vst v63  }
0x142: {  	_ =	swait.ge [sflag:s0], $0x1C00  }
0x143: {  	[sflag:s0] =	ssyncset.done $0x0  }
0x144: {  	[sflag:s0] =	ssyncadd.s32 $0xFFFFE400  }
0x145: {  	[bflag:$0x0] =	sbarrier.arrive $0xFFFF  }
0x146: {  	[tilespmem:s9], [sflag:$0x1] =	stream.strided.gather [hbm4b:s24+s7], $0x4000, s8, s7, $0x38;
	[tilespmem:$0x19840] =	vst v63  }
0x147: {  	_ =	swait.ge [sflag:s0], $0x4000  }
0x148: {  	[sflag:s0] =	ssyncset.done $0x0  }
0x149: {  	s21 =	simm.s32 $0x1C00;
	[sflag:s0] =	ssyncadd.s32 $0xFFFFC000  }
0x14a: {  	[spmem:s2] =	stream.indirect.scatter.add.f32 [tilespmem:s9], [sflag:$0x1], $0x80, s21, s10, $0xb8;
	[tilespmem:$0x19840] =	vst v63  }
0x14b: {  	_ =	swait.ge [sflag:s0], $0x4000  }
0x14c: {  	s16 =	smov.u32 s24;
	s15 =	simm.s32 $0x200;
	[sflag:s0] =	ssyncset.done $0x0  }
.LBB2_18:
0x14d: {  	p2 =	sne.s32 s15, $0x6200;
	[sflag:s0] =	ssyncadd.s32 $0xFFFFC000;
	s16 =	sadd.s32 $0x2000, s16  }
0x14e: {  	[tilespmem:s9], [sflag:$0x1] =	stream.strided.gather [hbm4b:s16+s7], $0x4000, s8, s7, $0x38;
	[tilespmem:$0x19840] =	vst v63  }
0x14f: {  	s21 =	smov.u32 s15;
	s15 =	sadd.s32 $0x200, s15;
	_ =	swait.ge [sflag:s0], $0x4000  }
.Ltmp11:
0x150: {  	s21 =	sshra.s32 s21, $0x2;
	[sflag:s0] =	ssyncset.done $0x0;
	(pc) =	sbr.rel @p2 .LBB2_18-.Ltmp11, $4  }
0x151: {  	s21 =	sadd.s32 $0x1C00, s21;
	[sflag:s0] =	ssyncadd.s32 $0xFFFFC000  }
0x152: {  	[spmem:s2] =	stream.indirect.scatter.add.f32 [tilespmem:s9], [sflag:$0x1], $0x80, s21, s10, $0xb8;
	[tilespmem:$0x19840] =	vst v63  }
0x153: {  	_ =	swait.ge [sflag:s0], $0x4000  }
0x154: {  	[sflag:s0] =	ssyncset.done $0x0  }
0x155: {  	[sflag:s0] =	ssyncadd.s32 $0xFFFFC000  }
0x156: {  	[bflag:$0x0] =	sbarrier.arrive $0xFFFF  }
0x157: {  	[hbm:s17], [sflag:s13] =	dma.local [spmem:s14], $0x1880  }
0x158: {  	_ =	swait.ge [sflag:s0], $0x1880  }
0x159: {  	[sflag:s0] =	ssyncset.done $0x0  }
0x15a: {  	[sflag:s0] =	ssyncadd.s32 $0xFFFFE780  }
0x15b: {  	[bflag:$0x0] =	sbarrier.arrive $0xFFFF  }
0x15c: {  	[spmem:s5] =	stream.linear.scatter [tilespmem:s6], [sflag:$0x1], $0x1C00, $0x38;
	[tilespmem:$0x19840] =	vst v63  }
0x15d: {  	_ =	swait.ge [sflag:s0], $0x1C00  }
0x15e: {  	[sflag:s0] =	ssyncset.done $0x0  }
0x15f: {  	[sflag:s0] =	ssyncadd.s32 $0xFFFFE400  }
0x160: {  	[spmem:s20] =	stream.linear.scatter [tilespmem:s6], [sflag:$0x1], $0x1C00, $0x38;
	[tilespmem:$0x19840] =	vst v63  }
0x161: {  	_ =	swait.ge [sflag:s0], $0x1C00  }
0x162: {  	[sflag:s0] =	ssyncset.done $0x0  }
0x163: {  	[sflag:s0] =	ssyncadd.s32 $0xFFFFE400  }
0x164: {  	[spmem:s26] =	stream.linear.scatter [tilespmem:s6], [sflag:$0x1], $0x1C00, $0x38;
	[tilespmem:$0x19840] =	vst v63  }
0x165: {  	_ =	swait.ge [sflag:s0], $0x1C00  }
0x166: {  	[sflag:s0] =	ssyncset.done $0x0  }
0x167: {  	[sflag:s0] =	ssyncadd.s32 $0xFFFFE400  }
0x168: {  	[spmem:s28] =	stream.linear.scatter [tilespmem:s6], [sflag:$0x1], $0x1C00, $0x38;
	[tilespmem:$0x19840] =	vst v63  }
0x169: {  	_ =	swait.ge [sflag:s0], $0x1C00  }
0x16a: {  	[sflag:s0] =	ssyncset.done $0x0  }
0x16b: {  	[sflag:s0] =	ssyncadd.s32 $0xFFFFE400  }
0x16c: {  	[spmem:s29] =	stream.linear.scatter [tilespmem:s6], [sflag:$0x1], $0x1C00, $0x38;
	[tilespmem:$0x19840] =	vst v63  }
0x16d: {  	_ =	swait.ge [sflag:s0], $0x1C00  }
0x16e: {  	[sflag:s0] =	ssyncset.done $0x0  }
0x16f: {  	[sflag:s0] =	ssyncadd.s32 $0xFFFFE400  }
0x170: {  	[spmem:s30] =	stream.linear.scatter [tilespmem:s6], [sflag:$0x1], $0x1C00, $0x38;
	[tilespmem:$0x19840] =	vst v63  }
0x171: {  	_ =	swait.ge [sflag:s0], $0x1C00  }
0x172: {  	[sflag:s0] =	ssyncset.done $0x0  }
0x173: {  	[sflag:s0] =	ssyncadd.s32 $0xFFFFE400  }
0x174: {  	[spmem:s31] =	stream.linear.scatter [tilespmem:s6], [sflag:$0x1], $0x1C00, $0x38;
	[tilespmem:$0x19840] =	vst v63  }
0x175: {  	_ =	swait.ge [sflag:s0], $0x1C00  }
0x176: {  	[sflag:s0] =	ssyncset.done $0x0  }
0x177: {  	[sflag:s0] =	ssyncadd.s32 $0xFFFFE400  }
0x178: {  	[bflag:$0x0] =	sbarrier.arrive $0xFFFF  }
0x179: {  	[tilespmem:s9], [sflag:$0x1] =	stream.strided.gather [hbm4b:s25+s7], $0x4000, s8, s7, $0x38;
	[tilespmem:$0x19840] =	vst v63  }
0x17a: {  	_ =	swait.ge [sflag:s0], $0x4000  }
0x17b: {  	[sflag:s0] =	ssyncset.done $0x0  }
0x17c: {  	s15 =	simm.s32 $0x1C00;
	[sflag:s0] =	ssyncadd.s32 $0xFFFFC000  }
0x17d: {  	[spmem:s2] =	stream.indirect.scatter.add.f32 [tilespmem:s9], [sflag:$0x1], $0x80, s15, s10, $0xb8;
	[tilespmem:$0x19840] =	vst v63  }
0x17e: {  	_ =	swait.ge [sflag:s0], $0x4000  }
0x17f: {  	s16 =	smov.u32 s25;
	s15 =	simm.s32 $0x200;
	[sflag:s0] =	ssyncset.done $0x0  }
.LBB2_20:
0x180: {  	p2 =	sne.s32 s15, $0x6200;
	[sflag:s0] =	ssyncadd.s32 $0xFFFFC000;
	s16 =	sadd.s32 $0x2000, s16  }
0x181: {  	[tilespmem:s9], [sflag:$0x1] =	stream.strided.gather [hbm4b:s16+s7], $0x4000, s8, s7, $0x38;
	[tilespmem:$0x19840] =	vst v63  }
0x182: {  	s21 =	smov.u32 s15;
	s15 =	sadd.s32 $0x200, s15;
	_ =	swait.ge [sflag:s0], $0x4000  }
.Ltmp12:
0x183: {  	s21 =	sshra.s32 s21, $0x2;
	[sflag:s0] =	ssyncset.done $0x0;
	(pc) =	sbr.rel @p2 .LBB2_20-.Ltmp12, $4  }
0x184: {  	s21 =	sadd.s32 $0x1C00, s21;
	[sflag:s0] =	ssyncadd.s32 $0xFFFFC000  }
0x185: {  	[spmem:s2] =	stream.indirect.scatter.add.f32 [tilespmem:s9], [sflag:$0x1], $0x80, s21, s10, $0xb8;
	[tilespmem:$0x19840] =	vst v63  }
0x186: {  	_ =	swait.ge [sflag:s0], $0x4000  }
0x187: {  	[sflag:s0] =	ssyncset.done $0x0  }
.Ltmp13:
0x188: {  	(pc) =	sbr.rel @p1 .LBB2_50-.Ltmp13, $3  }
0x189: {  	_ = 	snop  }
0x18a: {  	[sflag:s0] =	ssyncadd.s32 $0xFFFFC000  }
0x18b: {  	[bflag:$0x0] =	sbarrier.arrive $0xFFFF;
	_ =	sdelay $0x1  }
0x18c: {  	s15 =	rddreg [dreg:$0x6]  }
0x18d: {  	[hbm:s15], [sflag:s13] =	dma.local [spmem:s14], $0x1880  }
0x18e: {  	_ =	swait.ge [sflag:s0], $0x1880  }
0x18f: {  	[sflag:s0] =	ssyncset.done $0x0  }
0x190: {  	[sflag:s0] =	ssyncadd.s32 $0xFFFFE780  }
0x191: {  	[bflag:$0x0] =	sbarrier.arrive $0xFFFF  }
0x192: {  	[spmem:s5] =	stream.linear.scatter [tilespmem:s6], [sflag:$0x1], $0x1C00, $0x38;
	[tilespmem:$0x19840] =	vst v63  }
0x193: {  	_ =	swait.ge [sflag:s0], $0x1C00  }
0x194: {  	[sflag:s0] =	ssyncset.done $0x0  }
0x195: {  	[sflag:s0] =	ssyncadd.s32 $0xFFFFE400  }
0x196: {  	[spmem:s20] =	stream.linear.scatter [tilespmem:s6], [sflag:$0x1], $0x1C00, $0x38;
	[tilespmem:$0x19840] =	vst v63  }
0x197: {  	_ =	swait.ge [sflag:s0], $0x1C00  }
0x198: {  	[sflag:s0] =	ssyncset.done $0x0  }
0x199: {  	[sflag:s0] =	ssyncadd.s32 $0xFFFFE400  }
0x19a: {  	[spmem:s26] =	stream.linear.scatter [tilespmem:s6], [sflag:$0x1], $0x1C00, $0x38;
	[tilespmem:$0x19840] =	vst v63  }
0x19b: {  	_ =	swait.ge [sflag:s0], $0x1C00  }
0x19c: {  	[sflag:s0] =	ssyncset.done $0x0  }
0x19d: {  	[sflag:s0] =	ssyncadd.s32 $0xFFFFE400  }
0x19e: {  	[spmem:s28] =	stream.linear.scatter [tilespmem:s6], [sflag:$0x1], $0x1C00, $0x38;
	[tilespmem:$0x19840] =	vst v63  }
0x19f: {  	_ =	swait.ge [sflag:s0], $0x1C00  }
0x1a0: {  	[sflag:s0] =	ssyncset.done $0x0  }
0x1a1: {  	[sflag:s0] =	ssyncadd.s32 $0xFFFFE400  }
0x1a2: {  	[spmem:s29] =	stream.linear.scatter [tilespmem:s6], [sflag:$0x1], $0x1C00, $0x38;
	[tilespmem:$0x19840] =	vst v63  }
0x1a3: {  	_ =	swait.ge [sflag:s0], $0x1C00  }
0x1a4: {  	[sflag:s0] =	ssyncset.done $0x0  }
0x1a5: {  	[sflag:s0] =	ssyncadd.s32 $0xFFFFE400  }
0x1a6: {  	[spmem:s30] =	stream.linear.scatter [tilespmem:s6], [sflag:$0x1], $0x1C00, $0x38;
	[tilespmem:$0x19840] =	vst v63  }
0x1a7: {  	_ =	swait.ge [sflag:s0], $0x1C00  }
0x1a8: {  	[sflag:s0] =	ssyncset.done $0x0  }
0x1a9: {  	[sflag:s0] =	ssyncadd.s32 $0xFFFFE400  }
0x1aa: {  	[spmem:s31] =	stream.linear.scatter [tilespmem:s6], [sflag:$0x1], $0x1C00, $0x38;
	[tilespmem:$0x19840] =	vst v63  }
0x1ab: {  	_ =	swait.ge [sflag:s0], $0x1C00  }
0x1ac: {  	[sflag:s0] =	ssyncset.done $0x0  }
0x1ad: {  	[sflag:s0] =	ssyncadd.s32 $0xFFFFE400  }
0x1ae: {  	s21 =	simm.s32 $0x1C00;
	[bflag:$0x0] =	sbarrier.arrive $0xFFFF  }
0x1af: {  	[spmem:s2] =	stream.indirect.scatter.add.f32 [tilespmem:s11], [sflag:$0x1], $0x80, s21, s10, $0xb8;
	[tilespmem:$0x19840] =	vst v63  }
0x1b0: {  	s15 =	simm.s32 $0x200;
	_ =	swait.ge [sflag:s0], $0x4000  }
.LBB2_23:
0x1b1: {  	s16 =	sshra.s32 s15, $0x2;
	[sflag:s0] =	ssyncset.done $0x0;
	p2 =	seq.s32 s15, $0x6200  }
.Ltmp14:
0x1b2: {  	s16 =	sadd.s32 $0x1C00, s16;
	[sflag:s0] =	ssyncadd.s32 $0xFFFFC000;
	(pc) =	sbr.rel @!p2 .LBB2_23-.Ltmp14, $3  }
0x1b3: {  	[spmem:s2] =	stream.indirect.scatter.add.f32 [tilespmem:s11], [sflag:$0x1], $0x80, s16, s10, $0xb8;
	[tilespmem:$0x19840] =	vst v63  }
0x1b4: {  	s15 =	sadd.s32 $0x200, s15;
	_ =	sdelay $0x1  }
0x1b5: {  	_ =	swait.ge [sflag:s0], $0x4000  }
0x1b6: {  	[sflag:s0] =	ssyncset.done $0x0  }
0x1b7: {  	[sflag:s0] =	ssyncadd.s32 $0xFFFFC000  }
0x1b8: {  	[bflag:$0x0] =	sbarrier.arrive $0xFFFF  }
.Ltmp15:
0x1b9: {  	s15 =	rddreg [dreg:$0x7];
	(pc) =	sbr.rel .LBB2_25-.Ltmp15, $4  }
0x1ba: {  	[hbm:s15], [sflag:s13] =	dma.local [spmem:s14], $0x1880  }
0x1bb: {  	_ =	swait.ge [sflag:s0], $0x1880  }
0x1bc: {  	[sflag:s0] =	ssyncset.done $0x0  }
0x1bd: {  	[sflag:s0] =	ssyncadd.s32 $0xFFFFE780  }
.LBB2_50:
0x1be: {  	s15 =	rddreg [dreg:$0x5]  }
0x1bf: {  	[hbm:s15], [sflag:s13] =	dma.local [spmem:s14], $0x1880  }
0x1c0: {  	_ =	swait.ge [sflag:s0], $0x1880  }
0x1c1: {  	[sflag:s0] =	ssyncset.done $0x0  }
0x1c2: {  	[sflag:s0] =	ssyncadd.s32 $0xFFFFE780  }
0x1c3: {  	[bflag:$0x0] =	sbarrier.arrive $0xFFFF  }
0x1c4: {  	[bflag:$0x0] =	sbarrier.arrive $0xFFFF  }
0x1c5: {  	[bflag:$0x0] =	sbarrier.arrive $0xFFFF  }
.LBB2_25:
0x1c6: {  	[bflag:$0x0] =	sbarrier.arrive $0xFFFF;
	s16 =	simm.s32 $0x0  }
0x1c7: {  	v2 =	vld [tilespmem:s16+$0x70]  }
0x1c8: {  	v4 =	vld [tilespmem:s16+$0x0]  }
0x1c9: {  	v8 =	vld [tilespmem:s16+$0x10]  }
0x1ca: {  	v6 =	vld [tilespmem:s16+$0x20]  }
0x1cb: {  	v5 =	vld [tilespmem:s16+$0x30]  }
0x1cc: {  	v3 =	vld [tilespmem:s16+$0x40];
	v7 =	vadd.s32 $0xFFFFCF00, v2  }
0x1cd: {  	v2 =	vld [tilespmem:s16+$0x50];
	v9 =	vadd.s32 $0xFFFFCF00, v4;
	v10 =	vmin.u32 v7, $0x1880  }
0x1ce: {  	s15 =	simm.s32 $0x80;
	s21 =	simm.s32 $0x400;
	v4 =	vld [tilespmem:s16+$0x60];
	v8 =	vadd.s32 $0xFFFFCF00, v8;
	v7 =	vmin.u32 v9, $0x1880;
	[tilespmem:s16+$0x1C70] =	vst v10  }
.LBB2_26:
0x1cf: {  	p2 =	sne.s32 s21, $0x6200;
	v9 =	vld [tilespmem:s15+$0x70];
	[tilespmem:s16+$0x1C00] =	vst v7;
	v7 =	vmin.u32 v8, $0x1880;
	v6 =	vadd.s32 $0xFFFFCF00, v6  }
0x1d0: {  	v8 =	vld [tilespmem:s15+$0x0];
	[tilespmem:s16+$0x1C10] =	vst v7;
	v6 =	vmin.u32 v6, $0x1880;
	v5 =	vadd.s32 $0xFFFFCF00, v5  }
0x1d1: {  	v10 =	vld [tilespmem:s15+$0x10];
	[tilespmem:s16+$0x1C20] =	vst v6;
	v5 =	vmin.u32 v5, $0x1880;
	v3 =	vadd.s32 $0xFFFFCF00, v3  }
.Ltmp16:
0x1d2: {  	v6 =	vld [tilespmem:s15+$0x20];
	[tilespmem:s16+$0x1C30] =	vst v5;
	v3 =	vmin.u32 v3, $0x1880;
	v2 =	vadd.s32 $0xFFFFCF00, v2;
	(pc) =	sbr.rel @p2 .LBB2_26-.Ltmp16, $4  }
0x1d3: {  	v5 =	vld [tilespmem:s15+$0x30];
	[tilespmem:s16+$0x1C40] =	vst v3;
	v2 =	vmin.u32 v2, $0x1880;
	v4 =	vadd.s32 $0xFFFFCF00, v4  }
0x1d4: {  	v3 =	vld [tilespmem:s15+$0x40];
	v7 =	vadd.s32 $0xFFFFCF00, v9;
	[tilespmem:s16+$0x1C50] =	vst v2;
	v4 =	vmin.u32 v4, $0x1880  }
0x1d5: {  	v8 =	vadd.s32 $0xFFFFCF00, v8;
	v2 =	vld [tilespmem:s15+$0x50];
	v9 =	vmin.u32 v7, $0x1880;
	[tilespmem:s16+$0x1C60] =	vst v4;
	s16 =	smov.u32 s15  }
0x1d6: {  	s15 =	sshra.s32 s21, $0x2;
	s21 =	sadd.s32 $0x200, s21;
	v7 =	vmin.u32 v8, $0x1880;
	v8 =	vadd.s32 $0xFFFFCF00, v10;
	v4 =	vld [tilespmem:s16+$0x60];
	[tilespmem:s16+$0x1C70] =	vst v9  }
0x1d7: {  	v9 =	vld [tilespmem:s15+$0x70];
	[tilespmem:s16+$0x1C00] =	vst v7;
	v59 =	vmin.u32 v8, $0x1880;
	v6 =	vadd.s32 $0xFFFFCF00, v6  }
0x1d8: {  	v60 =	vld [tilespmem:s15+$0x0];
	[tilespmem:s16+$0x1C10] =	vst v59;
	v6 =	vmin.u32 v6, $0x1880;
	v5 =	vadd.s32 $0xFFFFCF00, v5  }
0x1d9: {  	v7 =	vld [tilespmem:s15+$0x10];
	[tilespmem:s16+$0x1C20] =	vst v6;
	v5 =	vmin.u32 v5, $0x1880;
	v3 =	vadd.s32 $0xFFFFCF00, v3  }
0x1da: {  	v6 =	vld [tilespmem:s15+$0x20];
	[tilespmem:s16+$0x1C30] =	vst v5;
	v3 =	vmin.u32 v3, $0x1880;
	v2 =	vadd.s32 $0xFFFFCF00, v2  }
0x1db: {  	v5 =	vld [tilespmem:s15+$0x30];
	[tilespmem:s16+$0x1C40] =	vst v3;
	v2 =	vmin.u32 v2, $0x1880;
	v4 =	vadd.s32 $0xFFFFCF00, v4  }
0x1dc: {  	v3 =	vld [tilespmem:s15+$0x40];
	[tilespmem:s16+$0x1C50] =	vst v2;
	v2 =	vmin.u32 v4, $0x1880;
	v9 =	vadd.s32 $0xFFFFCF00, v9  }
0x1dd: {  	v61 =	vld [tilespmem:s15+$0x50];
	[tilespmem:s16+$0x1C60] =	vst v2;
	v2 =	vadd.s32 $0xFFFFCF00, v60;
	v62 =	vmin.u32 v9, $0x1880  }
0x1de: {  	v63 =	vld [tilespmem:s15+$0x60];
	v2 =	vmin.u32 v2, $0x1880;
	v7 =	vadd.s32 $0xFFFFCF00, v7;
	[tilespmem:s15+$0x1C70] =	vst v62  }
0x1df: {  	[tilespmem:s15+$0x1C00] =	vst v2;
	v2 =	vmin.u32 v7, $0x1880;
	v6 =	vadd.s32 $0xFFFFCF00, v6  }
0x1e0: {  	[tilespmem:s15+$0x1C10] =	vst v2;
	v2 =	vmin.u32 v6, $0x1880;
	v5 =	vadd.s32 $0xFFFFCF00, v5  }
0x1e1: {  	[tilespmem:s15+$0x1C20] =	vst v2;
	v2 =	vmin.u32 v5, $0x1880;
	v3 =	vadd.s32 $0xFFFFCF00, v3  }
0x1e2: {  	[tilespmem:s15+$0x1C30] =	vst v2;
	v2 =	vmin.u32 v3, $0x1880;
	v3 =	vadd.s32 $0xFFFFCF00, v61  }
0x1e3: {  	[tilespmem:s15+$0x1C40] =	vst v2;
	v2 =	vmin.u32 v3, $0x1880;
	v3 =	vadd.s32 $0xFFFFCF00, v63  }
0x1e4: {  	[tilespmem:s15+$0x1C50] =	vst v2;
	v2 =	vmin.u32 v3, $0x1880  }
0x1e5: {  	[tilespmem:s15+$0x1C60] =	vst v2  }
0x1e6: {  	[spmem:s5] =	stream.linear.scatter [tilespmem:s6], [sflag:$0x1], $0x1C00, $0x38;
	[tilespmem:$0x19840] =	vst v63  }
0x1e7: {  	_ =	swait.ge [sflag:s0], $0x1C00  }
0x1e8: {  	[sflag:s0] =	ssyncset.done $0x0  }
0x1e9: {  	[sflag:s0] =	ssyncadd.s32 $0xFFFFE400  }
0x1ea: {  	[spmem:s20] =	stream.linear.scatter [tilespmem:s6], [sflag:$0x1], $0x1C00, $0x38;
	[tilespmem:$0x19840] =	vst v63  }
0x1eb: {  	_ =	swait.ge [sflag:s0], $0x1C00  }
0x1ec: {  	[sflag:s0] =	ssyncset.done $0x0  }
0x1ed: {  	[sflag:s0] =	ssyncadd.s32 $0xFFFFE400  }
0x1ee: {  	[spmem:s26] =	stream.linear.scatter [tilespmem:s6], [sflag:$0x1], $0x1C00, $0x38;
	[tilespmem:$0x19840] =	vst v63  }
0x1ef: {  	_ =	swait.ge [sflag:s0], $0x1C00  }
0x1f0: {  	[sflag:s0] =	ssyncset.done $0x0  }
0x1f1: {  	[sflag:s0] =	ssyncadd.s32 $0xFFFFE400  }
0x1f2: {  	[spmem:s28] =	stream.linear.scatter [tilespmem:s6], [sflag:$0x1], $0x1C00, $0x38;
	[tilespmem:$0x19840] =	vst v63  }
0x1f3: {  	_ =	swait.ge [sflag:s0], $0x1C00  }
0x1f4: {  	[sflag:s0] =	ssyncset.done $0x0  }
0x1f5: {  	[sflag:s0] =	ssyncadd.s32 $0xFFFFE400  }
0x1f6: {  	[spmem:s29] =	stream.linear.scatter [tilespmem:s6], [sflag:$0x1], $0x1C00, $0x38;
	[tilespmem:$0x19840] =	vst v63  }
0x1f7: {  	_ =	swait.ge [sflag:s0], $0x1C00  }
0x1f8: {  	[sflag:s0] =	ssyncset.done $0x0  }
0x1f9: {  	[sflag:s0] =	ssyncadd.s32 $0xFFFFE400  }
0x1fa: {  	[spmem:s30] =	stream.linear.scatter [tilespmem:s6], [sflag:$0x1], $0x1C00, $0x38;
	[tilespmem:$0x19840] =	vst v63  }
0x1fb: {  	_ =	swait.ge [sflag:s0], $0x1C00  }
0x1fc: {  	[sflag:s0] =	ssyncset.done $0x0  }
0x1fd: {  	[sflag:s0] =	ssyncadd.s32 $0xFFFFE400  }
0x1fe: {  	[spmem:s31] =	stream.linear.scatter [tilespmem:s6], [sflag:$0x1], $0x1C00, $0x38;
	[tilespmem:$0x19840] =	vst v63  }
0x1ff: {  	_ =	swait.ge [sflag:s0], $0x1C00  }
0x200: {  	[sflag:s0] =	ssyncset.done $0x0  }
0x201: {  	[sflag:s0] =	ssyncadd.s32 $0xFFFFE400  }
0x202: {  	[bflag:$0x0] =	sbarrier.arrive $0xFFFF  }
0x203: {  	[tilespmem:s9], [sflag:$0x1] =	stream.strided.gather [hbm4b:s24+s7], $0x4000, s8, s7, $0x38;
	[tilespmem:$0x19840] =	vst v63  }
0x204: {  	_ =	swait.ge [sflag:s0], $0x4000  }
0x205: {  	[sflag:s0] =	ssyncset.done $0x0  }
0x206: {  	s21 =	simm.s32 $0x1C00;
	[sflag:s0] =	ssyncadd.s32 $0xFFFFC000  }
0x207: {  	[spmem:s2] =	stream.indirect.scatter.add.f32 [tilespmem:s9], [sflag:$0x1], $0x80, s21, s10, $0xb8;
	[tilespmem:$0x19840] =	vst v63  }
0x208: {  	_ =	swait.ge [sflag:s0], $0x4000  }
0x209: {  	s16 =	smov.u32 s24;
	s15 =	simm.s32 $0x200;
	[sflag:s0] =	ssyncset.done $0x0  }
.LBB2_28:
0x20a: {  	p2 =	sne.s32 s15, $0x6200;
	[sflag:s0] =	ssyncadd.s32 $0xFFFFC000;
	s16 =	sadd.s32 $0x2000, s16  }
0x20b: {  	[tilespmem:s9], [sflag:$0x1] =	stream.strided.gather [hbm4b:s16+s7], $0x4000, s8, s7, $0x38;
	[tilespmem:$0x19840] =	vst v63  }
0x20c: {  	s21 =	smov.u32 s15;
	s15 =	sadd.s32 $0x200, s15;
	_ =	swait.ge [sflag:s0], $0x4000  }
.Ltmp17:
0x20d: {  	s21 =	sshra.s32 s21, $0x2;
	[sflag:s0] =	ssyncset.done $0x0;
	(pc) =	sbr.rel @p2 .LBB2_28-.Ltmp17, $4  }
0x20e: {  	s21 =	sadd.s32 $0x1C00, s21;
	[sflag:s0] =	ssyncadd.s32 $0xFFFFC000  }
0x20f: {  	[spmem:s2] =	stream.indirect.scatter.add.f32 [tilespmem:s9], [sflag:$0x1], $0x80, s21, s10, $0xb8;
	[tilespmem:$0x19840] =	vst v63  }
0x210: {  	_ =	swait.ge [sflag:s0], $0x4000  }
0x211: {  	[sflag:s0] =	ssyncset.done $0x0  }
0x212: {  	[sflag:s0] =	ssyncadd.s32 $0xFFFFC000  }
0x213: {  	[bflag:$0x0] =	sbarrier.arrive $0xFFFF  }
0x214: {  	[hbm:s18], [sflag:s13] =	dma.local [spmem:s14], $0x1880  }
0x215: {  	_ =	swait.ge [sflag:s0], $0x1880  }
0x216: {  	[sflag:s0] =	ssyncset.done $0x0  }
0x217: {  	[sflag:s0] =	ssyncadd.s32 $0xFFFFE780  }
0x218: {  	[bflag:$0x0] =	sbarrier.arrive $0xFFFF  }
0x219: {  	[spmem:s5] =	stream.linear.scatter [tilespmem:s6], [sflag:$0x1], $0x1C00, $0x38;
	[tilespmem:$0x19840] =	vst v63  }
0x21a: {  	_ =	swait.ge [sflag:s0], $0x1C00  }
0x21b: {  	[sflag:s0] =	ssyncset.done $0x0  }
0x21c: {  	[sflag:s0] =	ssyncadd.s32 $0xFFFFE400  }
0x21d: {  	[spmem:s20] =	stream.linear.scatter [tilespmem:s6], [sflag:$0x1], $0x1C00, $0x38;
	[tilespmem:$0x19840] =	vst v63  }
0x21e: {  	_ =	swait.ge [sflag:s0], $0x1C00  }
0x21f: {  	[sflag:s0] =	ssyncset.done $0x0  }
0x220: {  	[sflag:s0] =	ssyncadd.s32 $0xFFFFE400  }
0x221: {  	[spmem:s26] =	stream.linear.scatter [tilespmem:s6], [sflag:$0x1], $0x1C00, $0x38;
	[tilespmem:$0x19840] =	vst v63  }
0x222: {  	_ =	swait.ge [sflag:s0], $0x1C00  }
0x223: {  	[sflag:s0] =	ssyncset.done $0x0  }
0x224: {  	[sflag:s0] =	ssyncadd.s32 $0xFFFFE400  }
0x225: {  	[spmem:s28] =	stream.linear.scatter [tilespmem:s6], [sflag:$0x1], $0x1C00, $0x38;
	[tilespmem:$0x19840] =	vst v63  }
0x226: {  	_ =	swait.ge [sflag:s0], $0x1C00  }
0x227: {  	[sflag:s0] =	ssyncset.done $0x0  }
0x228: {  	[sflag:s0] =	ssyncadd.s32 $0xFFFFE400  }
0x229: {  	[spmem:s29] =	stream.linear.scatter [tilespmem:s6], [sflag:$0x1], $0x1C00, $0x38;
	[tilespmem:$0x19840] =	vst v63  }
0x22a: {  	_ =	swait.ge [sflag:s0], $0x1C00  }
0x22b: {  	[sflag:s0] =	ssyncset.done $0x0  }
0x22c: {  	[sflag:s0] =	ssyncadd.s32 $0xFFFFE400  }
0x22d: {  	[spmem:s30] =	stream.linear.scatter [tilespmem:s6], [sflag:$0x1], $0x1C00, $0x38;
	[tilespmem:$0x19840] =	vst v63  }
0x22e: {  	_ =	swait.ge [sflag:s0], $0x1C00  }
0x22f: {  	[sflag:s0] =	ssyncset.done $0x0  }
0x230: {  	[sflag:s0] =	ssyncadd.s32 $0xFFFFE400  }
0x231: {  	[spmem:s31] =	stream.linear.scatter [tilespmem:s6], [sflag:$0x1], $0x1C00, $0x38;
	[tilespmem:$0x19840] =	vst v63  }
0x232: {  	_ =	swait.ge [sflag:s0], $0x1C00  }
0x233: {  	[sflag:s0] =	ssyncset.done $0x0  }
0x234: {  	[sflag:s0] =	ssyncadd.s32 $0xFFFFE400  }
0x235: {  	[bflag:$0x0] =	sbarrier.arrive $0xFFFF  }
0x236: {  	[tilespmem:s9], [sflag:$0x1] =	stream.strided.gather [hbm4b:s25+s7], $0x4000, s8, s7, $0x38;
	[tilespmem:$0x19840] =	vst v63  }
0x237: {  	_ =	swait.ge [sflag:s0], $0x4000  }
0x238: {  	[sflag:s0] =	ssyncset.done $0x0  }
0x239: {  	s15 =	simm.s32 $0x1C00;
	[sflag:s0] =	ssyncadd.s32 $0xFFFFC000  }
0x23a: {  	[spmem:s2] =	stream.indirect.scatter.add.f32 [tilespmem:s9], [sflag:$0x1], $0x80, s15, s10, $0xb8;
	[tilespmem:$0x19840] =	vst v63  }
0x23b: {  	_ =	swait.ge [sflag:s0], $0x4000  }
0x23c: {  	s16 =	smov.u32 s25;
	s15 =	simm.s32 $0x200;
	[sflag:s0] =	ssyncset.done $0x0  }
.LBB2_30:
0x23d: {  	p2 =	sne.s32 s15, $0x6200;
	[sflag:s0] =	ssyncadd.s32 $0xFFFFC000;
	s16 =	sadd.s32 $0x2000, s16  }
0x23e: {  	[tilespmem:s9], [sflag:$0x1] =	stream.strided.gather [hbm4b:s16+s7], $0x4000, s8, s7, $0x38;
	[tilespmem:$0x19840] =	vst v63  }
0x23f: {  	s21 =	smov.u32 s15;
	s15 =	sadd.s32 $0x200, s15;
	_ =	swait.ge [sflag:s0], $0x4000  }
.Ltmp18:
0x240: {  	s21 =	sshra.s32 s21, $0x2;
	[sflag:s0] =	ssyncset.done $0x0;
	(pc) =	sbr.rel @p2 .LBB2_30-.Ltmp18, $4  }
0x241: {  	s21 =	sadd.s32 $0x1C00, s21;
	[sflag:s0] =	ssyncadd.s32 $0xFFFFC000  }
0x242: {  	[spmem:s2] =	stream.indirect.scatter.add.f32 [tilespmem:s9], [sflag:$0x1], $0x80, s21, s10, $0xb8;
	[tilespmem:$0x19840] =	vst v63  }
0x243: {  	_ =	swait.ge [sflag:s0], $0x4000  }
0x244: {  	[sflag:s0] =	ssyncset.done $0x0  }
.Ltmp19:
0x245: {  	(pc) =	sbr.rel @!p0 .LBB2_32-.Ltmp19, $3  }
0x246: {  	_ = 	snop  }
0x247: {  	[sflag:s0] =	ssyncadd.s32 $0xFFFFC000  }
0x248: {  	[bflag:$0x0] =	sbarrier.arrive $0xFFFF;
	_ =	sdelay $0x1  }
0x249: {  	s15 =	rddreg [dreg:$0xa]  }
0x24a: {  	[hbm:s15], [sflag:s13] =	dma.local [spmem:s14], $0x1880  }
0x24b: {  	_ =	swait.ge [sflag:s0], $0x1880  }
0x24c: {  	[sflag:s0] =	ssyncset.done $0x0  }
.Ltmp20:
0x24d: {  	[sflag:s0] =	ssyncadd.s32 $0xFFFFE780;
	(pc) =	sbr.rel .LBB2_36-.Ltmp20, $3  }
0x24e: {  	[bflag:$0x0] =	sbarrier.arrive $0xFFFF  }
0x24f: {  	[bflag:$0x0] =	sbarrier.arrive $0xFFFF  }
0x250: {  	[bflag:$0x0] =	sbarrier.arrive $0xFFFF;
	_ =	sdelay $0x1  }
.LBB2_32:
0x251: {  	s15 =	rddreg [dreg:$0x8]  }
0x252: {  	[hbm:s15], [sflag:s13] =	dma.local [spmem:s14], $0x1880  }
0x253: {  	_ =	swait.ge [sflag:s0], $0x1880  }
0x254: {  	[sflag:s0] =	ssyncset.done $0x0  }
0x255: {  	[sflag:s0] =	ssyncadd.s32 $0xFFFFE780  }
0x256: {  	[bflag:$0x0] =	sbarrier.arrive $0xFFFF  }
0x257: {  	[spmem:s5] =	stream.linear.scatter [tilespmem:s6], [sflag:$0x1], $0x1C00, $0x38;
	[tilespmem:$0x19840] =	vst v63  }
0x258: {  	_ =	swait.ge [sflag:s0], $0x1C00  }
0x259: {  	[sflag:s0] =	ssyncset.done $0x0  }
0x25a: {  	[sflag:s0] =	ssyncadd.s32 $0xFFFFE400  }
0x25b: {  	[spmem:s20] =	stream.linear.scatter [tilespmem:s6], [sflag:$0x1], $0x1C00, $0x38;
	[tilespmem:$0x19840] =	vst v63  }
0x25c: {  	_ =	swait.ge [sflag:s0], $0x1C00  }
0x25d: {  	[sflag:s0] =	ssyncset.done $0x0  }
0x25e: {  	[sflag:s0] =	ssyncadd.s32 $0xFFFFE400  }
0x25f: {  	[spmem:s26] =	stream.linear.scatter [tilespmem:s6], [sflag:$0x1], $0x1C00, $0x38;
	[tilespmem:$0x19840] =	vst v63  }
0x260: {  	_ =	swait.ge [sflag:s0], $0x1C00  }
0x261: {  	[sflag:s0] =	ssyncset.done $0x0  }
0x262: {  	[sflag:s0] =	ssyncadd.s32 $0xFFFFE400  }
0x263: {  	[spmem:s28] =	stream.linear.scatter [tilespmem:s6], [sflag:$0x1], $0x1C00, $0x38;
	[tilespmem:$0x19840] =	vst v63  }
0x264: {  	_ =	swait.ge [sflag:s0], $0x1C00  }
0x265: {  	[sflag:s0] =	ssyncset.done $0x0  }
0x266: {  	[sflag:s0] =	ssyncadd.s32 $0xFFFFE400  }
0x267: {  	[spmem:s29] =	stream.linear.scatter [tilespmem:s6], [sflag:$0x1], $0x1C00, $0x38;
	[tilespmem:$0x19840] =	vst v63  }
0x268: {  	_ =	swait.ge [sflag:s0], $0x1C00  }
0x269: {  	[sflag:s0] =	ssyncset.done $0x0  }
0x26a: {  	[sflag:s0] =	ssyncadd.s32 $0xFFFFE400  }
0x26b: {  	[spmem:s30] =	stream.linear.scatter [tilespmem:s6], [sflag:$0x1], $0x1C00, $0x38;
	[tilespmem:$0x19840] =	vst v63  }
0x26c: {  	_ =	swait.ge [sflag:s0], $0x1C00  }
0x26d: {  	[sflag:s0] =	ssyncset.done $0x0  }
0x26e: {  	[sflag:s0] =	ssyncadd.s32 $0xFFFFE400  }
0x26f: {  	[spmem:s31] =	stream.linear.scatter [tilespmem:s6], [sflag:$0x1], $0x1C00, $0x38;
	[tilespmem:$0x19840] =	vst v63  }
0x270: {  	_ =	swait.ge [sflag:s0], $0x1C00  }
0x271: {  	[sflag:s0] =	ssyncset.done $0x0  }
0x272: {  	[sflag:s0] =	ssyncadd.s32 $0xFFFFE400  }
0x273: {  	s21 =	simm.s32 $0x1C00;
	[bflag:$0x0] =	sbarrier.arrive $0xFFFF  }
0x274: {  	[spmem:s2] =	stream.indirect.scatter.add.f32 [tilespmem:s11], [sflag:$0x1], $0x80, s21, s10, $0xb8;
	[tilespmem:$0x19840] =	vst v63  }
0x275: {  	s15 =	simm.s32 $0x200;
	_ =	swait.ge [sflag:s0], $0x4000  }
.LBB2_33:
0x276: {  	s16 =	sshra.s32 s15, $0x2;
	[sflag:s0] =	ssyncset.done $0x0;
	p2 =	sne.s32 s15, $0x6200  }
.Ltmp21:
0x277: {  	s16 =	sadd.s32 $0x1C00, s16;
	[sflag:s0] =	ssyncadd.s32 $0xFFFFC000;
	(pc) =	sbr.rel @p2 .LBB2_33-.Ltmp21, $3  }
0x278: {  	[spmem:s2] =	stream.indirect.scatter.add.f32 [tilespmem:s11], [sflag:$0x1], $0x80, s16, s10, $0xb8;
	[tilespmem:$0x19840] =	vst v63  }
0x279: {  	s15 =	sadd.s32 $0x200, s15;
	_ =	sdelay $0x1  }
0x27a: {  	_ =	swait.ge [sflag:s0], $0x4000  }
0x27b: {  	[sflag:s0] =	ssyncset.done $0x0  }
0x27c: {  	[sflag:s0] =	ssyncadd.s32 $0xFFFFC000  }
0x27d: {  	[bflag:$0x0] =	sbarrier.arrive $0xFFFF  }
0x27e: {  	s15 =	rddreg [dreg:$0x9]  }
0x27f: {  	[hbm:s15], [sflag:s13] =	dma.local [spmem:s14], $0x1880  }
0x280: {  	_ =	swait.ge [sflag:s0], $0x1880  }
0x281: {  	[sflag:s0] =	ssyncset.done $0x0  }
0x282: {  	[sflag:s0] =	ssyncadd.s32 $0xFFFFE780  }
.LBB2_36:
0x283: {  	[bflag:$0x0] =	sbarrier.arrive $0xFFFF;
	s16 =	simm.s32 $0x0  }
0x284: {  	v2 =	vld [tilespmem:s16+$0x70]  }
0x285: {  	v4 =	vld [tilespmem:s16+$0x0]  }
0x286: {  	v8 =	vld [tilespmem:s16+$0x10]  }
0x287: {  	v6 =	vld [tilespmem:s16+$0x20]  }
0x288: {  	v5 =	vld [tilespmem:s16+$0x30]  }
0x289: {  	v3 =	vld [tilespmem:s16+$0x40];
	v7 =	vadd.s32 $0xFFFFB680, v2  }
0x28a: {  	v2 =	vld [tilespmem:s16+$0x50];
	v9 =	vadd.s32 $0xFFFFB680, v4;
	v10 =	vmin.u32 v7, $0x1880  }
0x28b: {  	s15 =	simm.s32 $0x80;
	s21 =	simm.s32 $0x400;
	v4 =	vld [tilespmem:s16+$0x60];
	v8 =	vadd.s32 $0xFFFFB680, v8;
	v7 =	vmin.u32 v9, $0x1880;
	[tilespmem:s16+$0x1C70] =	vst v10  }
.LBB2_37:
0x28c: {  	p2 =	sne.s32 s21, $0x6200;
	v9 =	vld [tilespmem:s15+$0x70];
	[tilespmem:s16+$0x1C00] =	vst v7;
	v7 =	vmin.u32 v8, $0x1880;
	v6 =	vadd.s32 $0xFFFFB680, v6  }
0x28d: {  	v8 =	vld [tilespmem:s15+$0x0];
	[tilespmem:s16+$0x1C10] =	vst v7;
	v6 =	vmin.u32 v6, $0x1880;
	v5 =	vadd.s32 $0xFFFFB680, v5  }
0x28e: {  	v10 =	vld [tilespmem:s15+$0x10];
	[tilespmem:s16+$0x1C20] =	vst v6;
	v5 =	vmin.u32 v5, $0x1880;
	v3 =	vadd.s32 $0xFFFFB680, v3  }
.Ltmp22:
0x28f: {  	v6 =	vld [tilespmem:s15+$0x20];
	[tilespmem:s16+$0x1C30] =	vst v5;
	v3 =	vmin.u32 v3, $0x1880;
	v2 =	vadd.s32 $0xFFFFB680, v2;
	(pc) =	sbr.rel @p2 .LBB2_37-.Ltmp22, $4  }
0x290: {  	v5 =	vld [tilespmem:s15+$0x30];
	[tilespmem:s16+$0x1C40] =	vst v3;
	v2 =	vmin.u32 v2, $0x1880;
	v4 =	vadd.s32 $0xFFFFB680, v4  }
0x291: {  	v3 =	vld [tilespmem:s15+$0x40];
	v7 =	vadd.s32 $0xFFFFB680, v9;
	[tilespmem:s16+$0x1C50] =	vst v2;
	v4 =	vmin.u32 v4, $0x1880  }
0x292: {  	v8 =	vadd.s32 $0xFFFFB680, v8;
	v2 =	vld [tilespmem:s15+$0x50];
	v9 =	vmin.u32 v7, $0x1880;
	[tilespmem:s16+$0x1C60] =	vst v4;
	s16 =	smov.u32 s15  }
0x293: {  	s15 =	sshra.s32 s21, $0x2;
	s21 =	sadd.s32 $0x200, s21;
	v7 =	vmin.u32 v8, $0x1880;
	v8 =	vadd.s32 $0xFFFFB680, v10;
	v4 =	vld [tilespmem:s16+$0x60];
	[tilespmem:s16+$0x1C70] =	vst v9  }
0x294: {  	v9 =	vld [tilespmem:s15+$0x70];
	[tilespmem:s16+$0x1C00] =	vst v7;
	v59 =	vmin.u32 v8, $0x1880;
	v6 =	vadd.s32 $0xFFFFB680, v6  }
0x295: {  	v60 =	vld [tilespmem:s15+$0x0];
	[tilespmem:s16+$0x1C10] =	vst v59;
	v6 =	vmin.u32 v6, $0x1880;
	v5 =	vadd.s32 $0xFFFFB680, v5  }
0x296: {  	v7 =	vld [tilespmem:s15+$0x10];
	[tilespmem:s16+$0x1C20] =	vst v6;
	v5 =	vmin.u32 v5, $0x1880;
	v3 =	vadd.s32 $0xFFFFB680, v3  }
0x297: {  	v6 =	vld [tilespmem:s15+$0x20];
	[tilespmem:s16+$0x1C30] =	vst v5;
	v3 =	vmin.u32 v3, $0x1880;
	v2 =	vadd.s32 $0xFFFFB680, v2  }
0x298: {  	v5 =	vld [tilespmem:s15+$0x30];
	[tilespmem:s16+$0x1C40] =	vst v3;
	v2 =	vmin.u32 v2, $0x1880;
	v4 =	vadd.s32 $0xFFFFB680, v4  }
0x299: {  	v3 =	vld [tilespmem:s15+$0x40];
	[tilespmem:s16+$0x1C50] =	vst v2;
	v2 =	vmin.u32 v4, $0x1880;
	v9 =	vadd.s32 $0xFFFFB680, v9  }
0x29a: {  	v61 =	vld [tilespmem:s15+$0x50];
	[tilespmem:s16+$0x1C60] =	vst v2;
	v2 =	vadd.s32 $0xFFFFB680, v60;
	v62 =	vmin.u32 v9, $0x1880  }
0x29b: {  	v63 =	vld [tilespmem:s15+$0x60];
	v2 =	vmin.u32 v2, $0x1880;
	v7 =	vadd.s32 $0xFFFFB680, v7;
	[tilespmem:s15+$0x1C70] =	vst v62  }
0x29c: {  	[tilespmem:s15+$0x1C00] =	vst v2;
	v2 =	vmin.u32 v7, $0x1880;
	v6 =	vadd.s32 $0xFFFFB680, v6  }
0x29d: {  	[tilespmem:s15+$0x1C10] =	vst v2;
	v2 =	vmin.u32 v6, $0x1880;
	v5 =	vadd.s32 $0xFFFFB680, v5  }
0x29e: {  	[tilespmem:s15+$0x1C20] =	vst v2;
	v2 =	vmin.u32 v5, $0x1880;
	v3 =	vadd.s32 $0xFFFFB680, v3  }
0x29f: {  	[tilespmem:s15+$0x1C30] =	vst v2;
	v2 =	vmin.u32 v3, $0x1880;
	v3 =	vadd.s32 $0xFFFFB680, v61  }
0x2a0: {  	[tilespmem:s15+$0x1C40] =	vst v2;
	v2 =	vmin.u32 v3, $0x1880;
	v3 =	vadd.s32 $0xFFFFB680, v63  }
0x2a1: {  	[tilespmem:s15+$0x1C50] =	vst v2;
	v2 =	vmin.u32 v3, $0x1880  }
0x2a2: {  	[tilespmem:s15+$0x1C60] =	vst v2  }
0x2a3: {  	[spmem:s5] =	stream.linear.scatter [tilespmem:s6], [sflag:$0x1], $0x1C00, $0x38;
	[tilespmem:$0x19840] =	vst v63  }
0x2a4: {  	_ =	swait.ge [sflag:s0], $0x1C00  }
0x2a5: {  	[sflag:s0] =	ssyncset.done $0x0  }
0x2a6: {  	[sflag:s0] =	ssyncadd.s32 $0xFFFFE400  }
0x2a7: {  	[spmem:s20] =	stream.linear.scatter [tilespmem:s6], [sflag:$0x1], $0x1C00, $0x38;
	[tilespmem:$0x19840] =	vst v63  }
0x2a8: {  	_ =	swait.ge [sflag:s0], $0x1C00  }
0x2a9: {  	[sflag:s0] =	ssyncset.done $0x0  }
0x2aa: {  	[sflag:s0] =	ssyncadd.s32 $0xFFFFE400  }
0x2ab: {  	[spmem:s26] =	stream.linear.scatter [tilespmem:s6], [sflag:$0x1], $0x1C00, $0x38;
	[tilespmem:$0x19840] =	vst v63  }
0x2ac: {  	_ =	swait.ge [sflag:s0], $0x1C00  }
0x2ad: {  	[sflag:s0] =	ssyncset.done $0x0  }
0x2ae: {  	[sflag:s0] =	ssyncadd.s32 $0xFFFFE400  }
0x2af: {  	[spmem:s28] =	stream.linear.scatter [tilespmem:s6], [sflag:$0x1], $0x1C00, $0x38;
	[tilespmem:$0x19840] =	vst v63  }
0x2b0: {  	_ =	swait.ge [sflag:s0], $0x1C00  }
0x2b1: {  	[sflag:s0] =	ssyncset.done $0x0  }
0x2b2: {  	[sflag:s0] =	ssyncadd.s32 $0xFFFFE400  }
0x2b3: {  	[spmem:s29] =	stream.linear.scatter [tilespmem:s6], [sflag:$0x1], $0x1C00, $0x38;
	[tilespmem:$0x19840] =	vst v63  }
0x2b4: {  	_ =	swait.ge [sflag:s0], $0x1C00  }
0x2b5: {  	[sflag:s0] =	ssyncset.done $0x0  }
0x2b6: {  	[sflag:s0] =	ssyncadd.s32 $0xFFFFE400  }
0x2b7: {  	[spmem:s30] =	stream.linear.scatter [tilespmem:s6], [sflag:$0x1], $0x1C00, $0x38;
	[tilespmem:$0x19840] =	vst v63  }
0x2b8: {  	_ =	swait.ge [sflag:s0], $0x1C00  }
0x2b9: {  	[sflag:s0] =	ssyncset.done $0x0  }
0x2ba: {  	[sflag:s0] =	ssyncadd.s32 $0xFFFFE400  }
0x2bb: {  	[spmem:s31] =	stream.linear.scatter [tilespmem:s6], [sflag:$0x1], $0x1C00, $0x38;
	[tilespmem:$0x19840] =	vst v63  }
0x2bc: {  	_ =	swait.ge [sflag:s0], $0x1C00  }
0x2bd: {  	[sflag:s0] =	ssyncset.done $0x0  }
0x2be: {  	[sflag:s0] =	ssyncadd.s32 $0xFFFFE400  }
0x2bf: {  	[bflag:$0x0] =	sbarrier.arrive $0xFFFF  }
0x2c0: {  	[tilespmem:s9], [sflag:$0x1] =	stream.strided.gather [hbm4b:s24+s7], $0x4000, s8, s7, $0x38;
	[tilespmem:$0x19840] =	vst v63  }
0x2c1: {  	_ =	swait.ge [sflag:s0], $0x4000  }
0x2c2: {  	[sflag:s0] =	ssyncset.done $0x0  }
0x2c3: {  	s21 =	simm.s32 $0x1C00;
	[sflag:s0] =	ssyncadd.s32 $0xFFFFC000  }
0x2c4: {  	[spmem:s2] =	stream.indirect.scatter.add.f32 [tilespmem:s9], [sflag:$0x1], $0x80, s21, s10, $0xb8;
	[tilespmem:$0x19840] =	vst v63  }
0x2c5: {  	_ =	swait.ge [sflag:s0], $0x4000  }
0x2c6: {  	s16 =	smov.u32 s24;
	s15 =	simm.s32 $0x200;
	[sflag:s0] =	ssyncset.done $0x0  }
.LBB2_39:
0x2c7: {  	p2 =	sne.s32 s15, $0x6200;
	[sflag:s0] =	ssyncadd.s32 $0xFFFFC000;
	s16 =	sadd.s32 $0x2000, s16  }
0x2c8: {  	[tilespmem:s9], [sflag:$0x1] =	stream.strided.gather [hbm4b:s16+s7], $0x4000, s8, s7, $0x38;
	[tilespmem:$0x19840] =	vst v63  }
0x2c9: {  	s21 =	smov.u32 s15;
	s15 =	sadd.s32 $0x200, s15;
	_ =	swait.ge [sflag:s0], $0x4000  }
.Ltmp23:
0x2ca: {  	s21 =	sshra.s32 s21, $0x2;
	[sflag:s0] =	ssyncset.done $0x0;
	(pc) =	sbr.rel @p2 .LBB2_39-.Ltmp23, $4  }
0x2cb: {  	s21 =	sadd.s32 $0x1C00, s21;
	[sflag:s0] =	ssyncadd.s32 $0xFFFFC000  }
0x2cc: {  	[spmem:s2] =	stream.indirect.scatter.add.f32 [tilespmem:s9], [sflag:$0x1], $0x80, s21, s10, $0xb8;
	[tilespmem:$0x19840] =	vst v63  }
0x2cd: {  	_ =	swait.ge [sflag:s0], $0x4000  }
0x2ce: {  	[sflag:s0] =	ssyncset.done $0x0  }
0x2cf: {  	[sflag:s0] =	ssyncadd.s32 $0xFFFFC000  }
0x2d0: {  	[bflag:$0x0] =	sbarrier.arrive $0xFFFF  }
0x2d1: {  	[hbm:s19], [sflag:s13] =	dma.local [spmem:s14], $0x1880  }
0x2d2: {  	_ =	swait.ge [sflag:s0], $0x1880  }
0x2d3: {  	[sflag:s0] =	ssyncset.done $0x0  }
0x2d4: {  	[sflag:s0] =	ssyncadd.s32 $0xFFFFE780  }
0x2d5: {  	[bflag:$0x0] =	sbarrier.arrive $0xFFFF  }
0x2d6: {  	[spmem:s5] =	stream.linear.scatter [tilespmem:s6], [sflag:$0x1], $0x1C00, $0x38;
	[tilespmem:$0x19840] =	vst v63  }
0x2d7: {  	_ =	swait.ge [sflag:s0], $0x1C00  }
0x2d8: {  	[sflag:s0] =	ssyncset.done $0x0  }
0x2d9: {  	[sflag:s0] =	ssyncadd.s32 $0xFFFFE400  }
0x2da: {  	[spmem:s20] =	stream.linear.scatter [tilespmem:s6], [sflag:$0x1], $0x1C00, $0x38;
	[tilespmem:$0x19840] =	vst v63  }
0x2db: {  	_ =	swait.ge [sflag:s0], $0x1C00  }
0x2dc: {  	[sflag:s0] =	ssyncset.done $0x0  }
0x2dd: {  	[sflag:s0] =	ssyncadd.s32 $0xFFFFE400  }
0x2de: {  	[spmem:s26] =	stream.linear.scatter [tilespmem:s6], [sflag:$0x1], $0x1C00, $0x38;
	[tilespmem:$0x19840] =	vst v63  }
0x2df: {  	_ =	swait.ge [sflag:s0], $0x1C00  }
0x2e0: {  	[sflag:s0] =	ssyncset.done $0x0  }
0x2e1: {  	[sflag:s0] =	ssyncadd.s32 $0xFFFFE400  }
0x2e2: {  	[spmem:s28] =	stream.linear.scatter [tilespmem:s6], [sflag:$0x1], $0x1C00, $0x38;
	[tilespmem:$0x19840] =	vst v63  }
0x2e3: {  	_ =	swait.ge [sflag:s0], $0x1C00  }
0x2e4: {  	[sflag:s0] =	ssyncset.done $0x0  }
0x2e5: {  	[sflag:s0] =	ssyncadd.s32 $0xFFFFE400  }
0x2e6: {  	[spmem:s29] =	stream.linear.scatter [tilespmem:s6], [sflag:$0x1], $0x1C00, $0x38;
	[tilespmem:$0x19840] =	vst v63  }
0x2e7: {  	_ =	swait.ge [sflag:s0], $0x1C00  }
0x2e8: {  	[sflag:s0] =	ssyncset.done $0x0  }
0x2e9: {  	[sflag:s0] =	ssyncadd.s32 $0xFFFFE400  }
0x2ea: {  	[spmem:s30] =	stream.linear.scatter [tilespmem:s6], [sflag:$0x1], $0x1C00, $0x38;
	[tilespmem:$0x19840] =	vst v63  }
0x2eb: {  	_ =	swait.ge [sflag:s0], $0x1C00  }
0x2ec: {  	[sflag:s0] =	ssyncset.done $0x0  }
0x2ed: {  	[sflag:s0] =	ssyncadd.s32 $0xFFFFE400  }
0x2ee: {  	[spmem:s31] =	stream.linear.scatter [tilespmem:s6], [sflag:$0x1], $0x1C00, $0x38;
	[tilespmem:$0x19840] =	vst v63  }
0x2ef: {  	_ =	swait.ge [sflag:s0], $0x1C00  }
0x2f0: {  	[sflag:s0] =	ssyncset.done $0x0  }
0x2f1: {  	[sflag:s0] =	ssyncadd.s32 $0xFFFFE400  }
0x2f2: {  	[bflag:$0x0] =	sbarrier.arrive $0xFFFF  }
0x2f3: {  	[tilespmem:s9], [sflag:$0x1] =	stream.strided.gather [hbm4b:s25+s7], $0x4000, s8, s7, $0x38;
	[tilespmem:$0x19840] =	vst v63  }
0x2f4: {  	_ =	swait.ge [sflag:s0], $0x4000  }
0x2f5: {  	[sflag:s0] =	ssyncset.done $0x0  }
0x2f6: {  	s15 =	simm.s32 $0x1C00;
	[sflag:s0] =	ssyncadd.s32 $0xFFFFC000  }
0x2f7: {  	[spmem:s2] =	stream.indirect.scatter.add.f32 [tilespmem:s9], [sflag:$0x1], $0x80, s15, s10, $0xb8;
	[tilespmem:$0x19840] =	vst v63  }
0x2f8: {  	_ =	swait.ge [sflag:s0], $0x4000  }
0x2f9: {  	s16 =	smov.u32 s25;
	s15 =	simm.s32 $0x200;
	[sflag:s0] =	ssyncset.done $0x0  }
.LBB2_41:
0x2fa: {  	p2 =	sne.s32 s15, $0x6200;
	[sflag:s0] =	ssyncadd.s32 $0xFFFFC000;
	s16 =	sadd.s32 $0x2000, s16  }
0x2fb: {  	[tilespmem:s9], [sflag:$0x1] =	stream.strided.gather [hbm4b:s16+s7], $0x4000, s8, s7, $0x38;
	[tilespmem:$0x19840] =	vst v63  }
0x2fc: {  	s21 =	smov.u32 s15;
	s15 =	sadd.s32 $0x200, s15;
	_ =	swait.ge [sflag:s0], $0x4000  }
.Ltmp24:
0x2fd: {  	s21 =	sshra.s32 s21, $0x2;
	[sflag:s0] =	ssyncset.done $0x0;
	(pc) =	sbr.rel @p2 .LBB2_41-.Ltmp24, $4  }
0x2fe: {  	s21 =	sadd.s32 $0x1C00, s21;
	[sflag:s0] =	ssyncadd.s32 $0xFFFFC000  }
0x2ff: {  	[spmem:s2] =	stream.indirect.scatter.add.f32 [tilespmem:s9], [sflag:$0x1], $0x80, s21, s10, $0xb8;
	[tilespmem:$0x19840] =	vst v63  }
0x300: {  	_ =	swait.ge [sflag:s0], $0x4000  }
0x301: {  	[sflag:s0] =	ssyncset.done $0x0  }
.Ltmp25:
0x302: {  	(pc) =	sbr.rel @p0 .LBB2_46-.Ltmp25, $3  }
0x303: {  	_ = 	snop  }
0x304: {  	[sflag:s0] =	ssyncadd.s32 $0xFFFFC000  }
0x305: {  	[bflag:$0x0] =	sbarrier.arrive $0xFFFF;
	_ =	sdelay $0x1  }
0x306: {  	s15 =	rddreg [dreg:$0xb]  }
0x307: {  	[hbm:s15], [sflag:s13] =	dma.local [spmem:s14], $0x1880  }
0x308: {  	_ =	swait.ge [sflag:s0], $0x1880  }
0x309: {  	[sflag:s0] =	ssyncset.done $0x0  }
0x30a: {  	[sflag:s0] =	ssyncadd.s32 $0xFFFFE780  }
0x30b: {  	[bflag:$0x0] =	sbarrier.arrive $0xFFFF  }
0x30c: {  	[spmem:s5] =	stream.linear.scatter [tilespmem:s6], [sflag:$0x1], $0x1C00, $0x38;
	[tilespmem:$0x19840] =	vst v63  }
0x30d: {  	_ =	swait.ge [sflag:s0], $0x1C00  }
0x30e: {  	[sflag:s0] =	ssyncset.done $0x0  }
0x30f: {  	[sflag:s0] =	ssyncadd.s32 $0xFFFFE400  }
0x310: {  	[spmem:s20] =	stream.linear.scatter [tilespmem:s6], [sflag:$0x1], $0x1C00, $0x38;
	[tilespmem:$0x19840] =	vst v63  }
0x311: {  	_ =	swait.ge [sflag:s0], $0x1C00  }
0x312: {  	[sflag:s0] =	ssyncset.done $0x0  }
0x313: {  	[sflag:s0] =	ssyncadd.s32 $0xFFFFE400  }
0x314: {  	[spmem:s26] =	stream.linear.scatter [tilespmem:s6], [sflag:$0x1], $0x1C00, $0x38;
	[tilespmem:$0x19840] =	vst v63  }
0x315: {  	_ =	swait.ge [sflag:s0], $0x1C00  }
0x316: {  	[sflag:s0] =	ssyncset.done $0x0  }
0x317: {  	[sflag:s0] =	ssyncadd.s32 $0xFFFFE400  }
0x318: {  	[spmem:s28] =	stream.linear.scatter [tilespmem:s6], [sflag:$0x1], $0x1C00, $0x38;
	[tilespmem:$0x19840] =	vst v63  }
0x319: {  	_ =	swait.ge [sflag:s0], $0x1C00  }
0x31a: {  	[sflag:s0] =	ssyncset.done $0x0  }
0x31b: {  	[sflag:s0] =	ssyncadd.s32 $0xFFFFE400  }
0x31c: {  	[spmem:s29] =	stream.linear.scatter [tilespmem:s6], [sflag:$0x1], $0x1C00, $0x38;
	[tilespmem:$0x19840] =	vst v63  }
0x31d: {  	_ =	swait.ge [sflag:s0], $0x1C00  }
0x31e: {  	[sflag:s0] =	ssyncset.done $0x0  }
0x31f: {  	[sflag:s0] =	ssyncadd.s32 $0xFFFFE400  }
0x320: {  	[spmem:s30] =	stream.linear.scatter [tilespmem:s6], [sflag:$0x1], $0x1C00, $0x38;
	[tilespmem:$0x19840] =	vst v63  }
0x321: {  	_ =	swait.ge [sflag:s0], $0x1C00  }
0x322: {  	[sflag:s0] =	ssyncset.done $0x0  }
0x323: {  	[sflag:s0] =	ssyncadd.s32 $0xFFFFE400  }
0x324: {  	[spmem:s31] =	stream.linear.scatter [tilespmem:s6], [sflag:$0x1], $0x1C00, $0x38;
	[tilespmem:$0x19840] =	vst v63  }
0x325: {  	_ =	swait.ge [sflag:s0], $0x1C00  }
0x326: {  	[sflag:s0] =	ssyncset.done $0x0  }
0x327: {  	[sflag:s0] =	ssyncadd.s32 $0xFFFFE400  }
0x328: {  	s21 =	simm.s32 $0x1C00;
	[bflag:$0x0] =	sbarrier.arrive $0xFFFF  }
0x329: {  	[spmem:s2] =	stream.indirect.scatter.add.f32 [tilespmem:s11], [sflag:$0x1], $0x80, s21, s10, $0xb8;
	[tilespmem:$0x19840] =	vst v63  }
0x32a: {  	s15 =	simm.s32 $0x200;
	_ =	swait.ge [sflag:s0], $0x4000  }
.LBB2_44:
0x32b: {  	s16 =	sshra.s32 s15, $0x2;
	[sflag:s0] =	ssyncset.done $0x0;
	p2 =	sne.s32 s15, $0x6200  }
.Ltmp26:
0x32c: {  	s16 =	sadd.s32 $0x1C00, s16;
	[sflag:s0] =	ssyncadd.s32 $0xFFFFC000;
	(pc) =	sbr.rel @p2 .LBB2_44-.Ltmp26, $3  }
0x32d: {  	[spmem:s2] =	stream.indirect.scatter.add.f32 [tilespmem:s11], [sflag:$0x1], $0x80, s16, s10, $0xb8;
	[tilespmem:$0x19840] =	vst v63  }
0x32e: {  	s15 =	sadd.s32 $0x200, s15;
	_ =	sdelay $0x1  }
0x32f: {  	_ =	swait.ge [sflag:s0], $0x4000  }
0x330: {  	[sflag:s0] =	ssyncset.done $0x0  }
0x331: {  	[sflag:s0] =	ssyncadd.s32 $0xFFFFC000  }
0x332: {  	[bflag:$0x0] =	sbarrier.arrive $0xFFFF  }
.Ltmp27:
0x333: {  	s15 =	rddreg [dreg:$0xc];
	(pc) =	sbr.rel .LBB2_47-.Ltmp27, $4  }
0x334: {  	[hbm:s15], [sflag:s13] =	dma.local [spmem:s14], $0x1880  }
0x335: {  	_ =	swait.ge [sflag:s0], $0x1880  }
0x336: {  	[sflag:s0] =	ssyncset.done $0x0  }
0x337: {  	[sflag:s0] =	ssyncadd.s32 $0xFFFFE780  }
.LBB2_48:
0x338: {  	_ =	sfence.sel $0x180000  }
0x339: {  	[bflag:$0x0] =	sbarrier.arrive $0xFFFF  }
0x33a: {  	_ =	strace $0x90000047  }
0x33b: {  	[bflag:$0x2] =	sbarrier.arrive $0xFFFF  }
0x33c: {  	p0 =	sne.s32 s1, $0x0;
	s0 =	rddreg [dreg:$0x3]  }
0x33d: {  	s0 =	sadd.s32 @!p0 $0x100000, s0  }
0x33e: {  	[sflag:s0] =	ssyncadd.tile.s32 @!p0 $0x1;
	_ =	shalt  }
.Lfunc_end2:
_tile_overlayer_lowered:
.L_overlay_start_2:
0x33f: {  	(tag) =	ssettag $0x2  }
0x340: {  	s0 =	rddreg [dreg:$0x0];
	s2 =	stileid.u32  }
0x341: {  	s1 =	rddreg [dreg:$0x1];
	p0 =	sne.s32 s2, $0x0  }
0x342: {  	s3 =	rddreg [dreg:$0x2];
	[bflag:$0x3] =	sbarrier.arrive $0xFFFF;
	s2 =	simm.s32 @!p0 $0x1C01  }
0x343: {  	[timem:s3], [sflag:s2] =	dma.local @!p0 [hbm:s0], s1  }
0x344: {  	s0 =	simm.s32 @!p0 $0x1  }
0x345: {  	_ =	swait.ge @!p0 [sflag:s0], s1  }
0x346: {  	s1 =	ssub.s32 @!p0 $0x0, s1;
	[sflag:s0] =	ssyncset.done @!p0 $0x0  }
0x347: {  	[sflag:s0] =	ssyncadd.s32 @!p0 s1  }
0x348: {  	[bflag:$0x3] =	sbarrier.arrive $0xFFFF  }
0x349: {  	_ =	shalt  }

</sc_bundles>
